<compile_context>
chip_gen: v7x
topology: tpu7x:2x2x1
jax: 0.10.2.dev20260603
libtpu: 0.0.44.dev20260713+nightly
codegen_flags: <defaults>
</compile_context>

<pallas_src>
import functools

import jax
import jax.numpy as jnp
from jax import lax
from jax.experimental import pallas as pl
from jax.experimental.pallas import tpu as pltpu
from jax.experimental.pallas import tpu_sc as plsc

_N = 10000
_B = 100
_NPG = 100
_E = 160000
_D = 256
_K = 50
_NCLS = 2

_SC_CORES = 2
_SC_TILES = 16
_EPC = _E // _SC_CORES
_EPT = _EPC // _SC_TILES
_SEG = _B * _NPG * _NPG // _SC_CORES
_CH = 128
_NCH = (_EPT + _CH - 1) // _CH
_NG16 = _NCH * (_CH // 16)
_ZCH = 31248


def _build_adj(src, dst):
    mesh = plsc.VectorSubcoreMesh(core_axis_name="c", subcore_axis_name="s")

    @functools.partial(
        pl.kernel,
        out_type=jax.ShapeDtypeStruct((_B * _NPG * _NPG,), jnp.float32),
        mesh=mesh,
        scratch_types=[
            pltpu.VMEM((_NG16 * 16,), jnp.int32),
            pltpu.VMEM((_NG16 * 16,), jnp.int32),
            pltpu.VMEM((_NCH, _CH), jnp.int32),
            pltpu.VMEM((_NCH, _CH), jnp.float32),
            pltpu.VMEM((_ZCH,), jnp.float32),
            pltpu.VMEM_SHARED((_SEG,), jnp.float32),
            pltpu.SemaphoreType.DMA,
        ],
    )
    def adj_kernel(src_hbm, dst_hbm, out_hbm, src_v, dst_v, idx_v, val_v,
                   zero_v, acc_s, scat_sem):
        cid = lax.axis_index("c")
        tid = lax.axis_index("s")

        def zbody(i, _):
            zero_v[pl.ds(i * 16, 16)] = jnp.zeros((16,), jnp.float32)
            return 0

        lax.fori_loop(0, _ZCH // 16, zbody, 0)
        pltpu.sync_copy(zero_v, acc_s.at[pl.ds(tid * _ZCH, _ZCH)])

        @pl.when(tid == 0)
        def _():
            rem = _SEG - _SC_TILES * _ZCH
            pltpu.sync_copy(zero_v.at[pl.ds(0, rem)],
                            acc_s.at[pl.ds(_SC_TILES * _ZCH, rem)])

        base = cid * _EPC + tid * _EPT
        pltpu.sync_copy(src_hbm.at[pl.ds(base, _EPT)],
                        src_v.at[pl.ds(0, _EPT)])
        pltpu.sync_copy(dst_hbm.at[pl.ds(base, _EPT)],
                        dst_v.at[pl.ds(0, _EPT)])

        seg_base = cid * _SEG

        def cbody(g, _):
            sv = src_v[pl.ds(g * 16, 16)]
            dv = dst_v[pl.ds(g * 16, 16)]
            lane = g * 16 + lax.iota(jnp.int32, 16)
            valid = lane < _EPT
            idx = sv * _NPG + lax.rem(dv, _NPG) - seg_base
            idx = jnp.where(valid, idx, 0)
            val = jnp.where(valid, jnp.float32(1.0), jnp.float32(0.0))
            row = g // (_CH // 16)
            col = lax.rem(g, _CH // 16) * 16
            idx_v[row, pl.ds(col, 16)] = idx
            val_v[row, pl.ds(col, 16)] = val
            return 0

        lax.fori_loop(0, _NG16, cbody, 0)

        plsc.subcore_barrier()

        copies = [
            pltpu.async_copy(val_v.at[j], acc_s.at[idx_v.at[j]], scat_sem,
                             add=True)
            for j in range(_NCH)
        ]
        for c in copies:
            c.wait()

        plsc.subcore_barrier()

        out_base = cid * _SEG + tid * _ZCH
        pltpu.sync_copy(acc_s.at[pl.ds(tid * _ZCH, _ZCH)], zero_v)
        pltpu.sync_copy(zero_v, out_hbm.at[pl.ds(out_base, _ZCH)])

        @pl.when(tid == 0)
        def _():
            rem = _SEG - _SC_TILES * _ZCH
            pltpu.sync_copy(acc_s.at[pl.ds(_SC_TILES * _ZCH, rem)],
                            zero_v.at[pl.ds(0, rem)])
            pltpu.sync_copy(zero_v.at[pl.ds(0, rem)],
                            out_hbm.at[pl.ds(cid * _SEG + _SC_TILES * _ZCH,
                                             rem)])

    return adj_kernel(src, dst)


_GB = 20
_NSTEP = _B // _GB
_RB = _GB * _NPG


def _dot(a, b):
    return jnp.dot(a, b, preferred_element_type=jnp.float32)


def _dot_t(a, b):
    return lax.dot_general(a, b, (((0,), (0,)), ((), ())),
                           preferred_element_type=jnp.float32)


def _agg_block(adj_ref, hb, base):
    aggs = []
    for g in range(_GB):
        a = adj_ref[base + g]
        inv_indeg = 1.0 / jnp.maximum(jnp.sum(a, axis=0, keepdims=True), 1.0)
        aggs.append(_dot_t(a * inv_indeg, hb[g * _NPG:(g + 1) * _NPG]))
    return jnp.concatenate(aggs, axis=0)


def _net(h, adj, wemb, bemb, s_ws, s_wn, s_bs, s_bng, s_bnb,
         wa_n, wa_s, d_ws, d_wn, wp, bp):

    def body(h_ref, adj_ref, wemb_ref, bemb_ref, ws0_ref, ws1_ref, ws2_ref,
             wn0_ref, wn1_ref, wn2_ref, bs0_ref, bs1_ref, bs2_ref,
             bng0_ref, bng1_ref, bnb0_ref, bnb1_ref,
             wan_ref, was_ref, dws0_ref, dws1_ref, dws2_ref,
             dwn0_ref, dwn1_ref, dwn2_ref, wp_ref, bp_ref,
             o_ref, hc_ref, hn_ref, acc_ref, stats_ref):
        i = pl.program_id(0)
        phase = i // _NSTEP
        step = lax.rem(i, _NSTEP)
        rows = pl.ds(step * _RB, _RB)
        gbase = step * _GB

        @pl.when(i == 0)
        def _():
            acc_ref[...] = jnp.zeros_like(acc_ref)

        @pl.when((step == 0) & (phase > 0) & (phase < 3))
        def _():
            stats_ref[...] = acc_ref[...]
            acc_ref[...] = jnp.zeros_like(acc_ref)

        def accum(hn):
            acc_ref[0:1, :] += jnp.sum(hn, axis=0, keepdims=True)
            acc_ref[1:2, :] += jnp.sum(hn * hn, axis=0, keepdims=True)

        @pl.when(phase == 0)
        def _():
            h0 = _dot(h_ref[rows], wemb_ref[...]) + bemb_ref[...]
            agg = _agg_block(adj_ref, h0, gbase)
            hn = (_dot(h0, ws0_ref[...]) + _dot(agg, wn0_ref[...])
                  + bs0_ref[...])
            hc_ref[rows] = h0
            hn_ref[rows] = hn
            accum(hn)

        def sage_phase(ws_ref, wn_ref, bs_ref, bng_ref, bnb_ref, last):
            mu = stats_ref[0:1, :] * (1.0 / _N)
            var = stats_ref[1:2, :] * (1.0 / _N) - mu * mu
            scale = lax.rsqrt(var + 1e-5) * bng_ref[...]
            y = (hn_ref[rows] - mu) * scale + bnb_ref[...]
            hb = jnp.maximum(y, 0.0) + hc_ref[rows]
            agg = _agg_block(adj_ref, hb, gbase)
            hn = _dot(hb, ws_ref[...]) + _dot(agg, wn_ref[...]) + bs_ref[...]
            if last:
                hc_ref[rows] = hn + hb
            else:
                hc_ref[rows] = hb
                hn_ref[rows] = hn
                accum(hn)

        @pl.when(phase == 1)
        def _():
            sage_phase(ws1_ref, wn1_ref, bs1_ref, bng0_ref, bnb0_ref, False)

        @pl.when(phase == 2)
        def _():
            sage_phase(ws2_ref, wn2_ref, bs2_ref, bng1_ref, bnb1_ref, True)

        @pl.when(phase == 3)
        def _():
            hb = hc_ref[rows]
            was_term = _dot(hb, was_ref[...])
            t1s = []
            for g in range(_GB):
                a = adj_ref[gbase + g]
                adjn = a / jnp.maximum(jnp.sum(a, axis=1, keepdims=True), 1.0)
                t1s.append(_dot(adjn, hb[g * _NPG:(g + 1) * _NPG]))
            t1 = jnp.concatenate(t1s, axis=0)
            logits = _dot(t1, wan_ref[...]) + was_term
            m = jnp.max(logits, axis=1, keepdims=True)
            pexp = jnp.exp(logits - m)
            sm = pexp / jnp.sum(pexp, axis=1, keepdims=True)

            xs = []
            apgs = []
            for g in range(_GB):
                sg = sm[g * _NPG:(g + 1) * _NPG]
                hg = hb[g * _NPG:(g + 1) * _NPG]
                a = adj_ref[gbase + g]
                xs.append(_dot_t(sg, hg))
                adjp = _dot_t(sg, _dot(a, sg))
                apgs.append(adjp / jnp.maximum(
                    jnp.sum(adjp, axis=1, keepdims=True), 1.0))
            x = jnp.concatenate(xs, axis=0)

            for li, (dws_ref, dwn_ref) in enumerate(
                    [(dws0_ref, dwn0_ref), (dws1_ref, dwn1_ref),
                     (dws2_ref, dwn2_ref)]):
                xwn = _dot(x, dwn_ref[...])
                xws = _dot(x, dws_ref[...])
                xns = []
                for g in range(_GB):
                    xns.append(_dot(apgs[g], xwn[g * _K:(g + 1) * _K])
                               + xws[g * _K:(g + 1) * _K])
                xn = jnp.concatenate(xns, axis=0)
                if li < 2:
                    xn = jnp.maximum(xn, 0.0)
                x = xn + x

            r = jnp.sum(x.reshape(_GB, _K, _D), axis=1)
            o_ref[pl.ds(step * _GB, _GB)] = _dot(r, wp_ref[...]) + bp_ref[...]

    row = pl.BlockSpec((1, _D), lambda i: (0, 0))
    wsq = pl.BlockSpec((_D, _D), lambda i: (0, 0))
    wk = pl.BlockSpec((_D, _K), lambda i: (0, 0))
    return pl.pallas_call(
        body,
        grid=(4 * _NSTEP,),
        in_specs=[
            pl.BlockSpec((_N, _D), lambda i: (0, 0)),
            pl.BlockSpec((_B, _NPG, _NPG), lambda i: (0, 0, 0)),
            wsq, row,
            wsq, wsq, wsq, wsq, wsq, wsq, row, row, row,
            row, row, row, row,
            wk, wk, wsq, wsq, wsq, wsq, wsq, wsq,
            pl.BlockSpec((_D, _NCLS), lambda i: (0, 0)),
            pl.BlockSpec((1, _NCLS), lambda i: (0, 0)),
        ],
        out_specs=pl.BlockSpec((_B, _NCLS), lambda i: (0, 0)),
        out_shape=jax.ShapeDtypeStruct((_B, _NCLS), jnp.float32),
        scratch_shapes=[pltpu.VMEM((_N, _D), jnp.float32),
                        pltpu.VMEM((_N, _D), jnp.float32),
                        pltpu.VMEM((2, _D), jnp.float32),
                        pltpu.VMEM((2, _D), jnp.float32)],
    )(h, adj, wemb, bemb, *s_ws, *s_wn, *s_bs, *s_bng, *s_bnb,
      wa_n, wa_s, *d_ws, *d_wn, wp, bp)


def kernel(h, edge_index, e, params):
    src = edge_index[0]
    dst = edge_index[1]

    adj_flat = _build_adj(src, dst)
    adj = adj_flat.reshape(_B, _NPG, _NPG)

    sage = params['sage']
    d = params['dsage']
    return _net(
        h, adj, params['W_emb'], params['b_emb'].reshape(1, _D),
        [sage[i]['Ws'] for i in range(3)],
        [sage[i]['Wn'] for i in range(3)],
        [sage[i]['bs'].reshape(1, _D) for i in range(3)],
        [sage[i]['bn_g'].reshape(1, _D) for i in range(2)],
        [sage[i]['bn_b'].reshape(1, _D) for i in range(2)],
        params['Wa_n'], params['Wa_s'],
        [d[i]['Ws'] for i in range(3)],
        [d[i]['Wn'] for i in range(3)],
        params['W_pred'], params['b_pred'].reshape(1, _NCLS))

# --- scband reference (transcript-rebuilt; emitter-appended) ---
"""Pipeline reference for scband-contrast-pool-net-88450556494151 (READ-ONLY COPY).

The authoritative reference and input builder live on the scoring server;
editing this copy changes nothing except your own understanding.
"""

import jax, jax.numpy as jnp
import numpy as np

N = 10000
B = 100
NPG = 100
E = 160000
D = 256
K = 50
NC = 2

def _lin(key, fin, fout):
    return jax.random.normal(key, (fin, fout), dtype=jnp.float32) * (2.0 / (fin + fout)) ** 0.5

def setup_inputs(seed: int = 0):
    key = jax.random.key(seed)
    ks = jax.random.split(key, 24)
    h = jax.random.normal(ks[0], (N, D), dtype=jnp.float32)
    src_l = jax.random.randint(ks[1], (E,), 0, NPG, dtype=jnp.int32)
    dst_l = jax.random.randint(ks[2], (E,), 0, NPG, dtype=jnp.int32)
    offs = jnp.repeat(jnp.arange(B, dtype=jnp.int32) * NPG, E // B)
    edge_index = jnp.stack([src_l + offs, dst_l + offs]).astype(jnp.int32)
    e = jax.random.normal(ks[3], (E, 1), dtype=jnp.float32)
    params = {
        'W_emb': _lin(ks[4], D, D),
        'b_emb': jnp.zeros((D,), jnp.float32),
        'sage': [
            {'Ws': _lin(ks[5 + i], D, D), 'Wn': _lin(ks[8 + i], D, D),
             'bs': jnp.zeros((D,), jnp.float32),
             'bn_g': jnp.ones((D,), jnp.float32),
             'bn_b': jnp.zeros((D,), jnp.float32)}
            for i in range(3)
        ],
        'Wa_s': _lin(ks[11], D, K),
        'Wa_n': _lin(ks[12], D, K),
        'dsage': [
            {'Ws': _lin(ks[13 + i], D, D), 'Wn': _lin(ks[16 + i], D, D)}
            for i in range(3)
        ],
        'W_pred': _lin(ks[19], D, NC),
        'b_pred': jnp.zeros((NC,), jnp.float32),
    }
    return {'h': h, 'edge_index': edge_index, 'e': e, 'params': params}

def reference(h, edge_index, e, params):
    src = edge_index[0]
    dst = edge_index[1]
    h = h @ params['W_emb'] + params['b_emb']
    for i, lyr in enumerate(params['sage']):
        deg = jnp.clip(jnp.zeros((h.shape[0],), h.dtype).at[dst].add(1.0), 1.0, None)
        agg = jnp.zeros_like(h).at[dst].add(h[src]) / deg[:, None]
        hn = h @ lyr['Ws'] + agg @ lyr['Wn'] + lyr['bs']
        if i < len(params['sage']) - 1:
            mu = hn.mean(0)
            var = hn.var(0)
            hn = (hn - mu) / jnp.sqrt(var + 1e-5) * lyr['bn_g'] + lyr['bn_b']
            hn = jax.nn.relu(hn)
        h = hn + h
    hd = h.reshape(B, NPG, D)
    b_e = src // NPG
    adj = jnp.zeros((B, NPG, NPG), h.dtype).at[b_e, src % NPG, dst % NPG].add(1.0)
    degd = jnp.clip(adj.sum(-1, keepdims=True), 1.0, None)
    adjn = adj / degd
    S = jax.nn.softmax(jnp.einsum('bnm,bmd,dk->bnk', adjn, hd, params['Wa_n']) + hd @ params['Wa_s'], axis=-1)
    hp = jnp.einsum('bnk,bnd->bkd', S, hd)
    adjp = jnp.einsum('bnk,bnm,bml->bkl', S, adj, S)
    degp = jnp.clip(adjp.sum(-1, keepdims=True), 1.0, None)
    adjpn = adjp / degp
    x = hp
    for i, lyr in enumerate(params['dsage']):
        xn = adjpn @ (x @ lyr['Wn']) + x @ lyr['Ws']
        if i < len(params['dsage']) - 1:
            xn = jax.nn.relu(xn)
        x = xn + x
    readout = x.sum(axis=1)
    logits = readout @ params['W_pred'] + params['b_pred']
    return logits

if __name__ == "__main__":
    import jax
    _d = setup_inputs()
    print(jax.jit(kernel)(*tuple(_d.values())))

</pallas_src>

<mosaic_0001>
#map = affine_map<(d0, d1) -> (0)>
module attributes {stable_mosaic.version = 14 : i64} {
  func.func @adj_kernel(%arg0: i32, %arg1: i32, %arg2: memref<160000xi32, #tpu.memory_space<hbm>>, %arg3: memref<160000xi32, #tpu.memory_space<hbm>>, %arg4: memref<1000000xf32, #tpu.memory_space<hbm>>, %arg5: memref<5120xi32, #tpu.memory_space<vmem>>, %arg6: memref<5120xi32, #tpu.memory_space<vmem>>, %arg7: memref<40x128xi32, #tpu.memory_space<vmem>>, %arg8: memref<40x128xf32, #tpu.memory_space<vmem>>, %arg9: memref<31248xf32, #tpu.memory_space<vmem>>, %arg10: memref<500000xf32, #tpu.memory_space<vmem_shared>>, %arg11: memref<!tpu.dma_semaphore, #tpu.memory_space<semaphore_mem>>) attributes {dimension_semantics = [#tpu.dimension_semantics<core_parallel>, #tpu.dimension_semantics<subcore_parallel>], iteration_bounds = array<i64: 2, 16>, scalar_prefetch = 0 : i64, scratch_operands = 7 : i64, tpu.core_type = #tpu.core_type<sc_vector_subcore>, window_params = [{transform_indices = #map}, {transform_indices = #map}, {transform_indices = #map}]} {
    %scan3A = arith.constant 0 : i32
    %scan3A_0 = arith.constant 0 : i32
    %scan3A_1 = arith.constant 1953 : i32
    %scan3A_2 = arith.addi %scan3A_0, %scan3A_1 : i32
    %scan3A_3 = arith.constant 1 : i32
    %scan3A_4 = scf.for %scan3A_833 = %scan3A_0 to %scan3A_2 step %scan3A_3 iter_args(%scan3A_834 = %scan3A) -> (i32)  : i32 {
      %broadcast_in_dim3A = arith.constant 0.000000e+00 : f32
      %broadcast_in_dim3A_835 = vector.broadcast %broadcast_in_dim3A : f32 to vector<16xf32>
      %mul3A_836 = arith.constant 16 : i32
      %mul3A_837 = arith.muli %scan3A_833, %mul3A_836 : i32
      %swap3A = arith.index_cast %mul3A_837 : i32 to index
      %swap3A_838 = tpu.vector_load %arg9[%swap3A] {strides = array<i32>} : memref<31248xf32, #tpu.memory_space<vmem>>, vector<16xf32>,
      %swap3A_839 = vector.shape_cast %swap3A_838 : vector<16xf32> to vector<16xf32>
      %swap3A_840 = vector.shape_cast %broadcast_in_dim3A_835 : vector<16xf32> to vector<16xf32>
      tpu.vector_store %arg9[%swap3A], %swap3A_840 {strides = array<i32>} : memref<31248xf32, #tpu.memory_space<vmem>>, vector<16xf32>,
      %scan3A_841 = arith.constant 0 : i32
      scf.yield %scan3A_841 : i32
    }
    %scan3A_5 = arith.constant 1953 : i32
    %mul3A = arith.constant 31248 : i32
    %mul3A_6 = arith.muli %arg1, %mul3A : i32
    "tpu.region"() ({
      %run_scoped3A = tpu.sem_alloc : memref<!tpu.dma_semaphore, #tpu.memory_space<semaphore_mem>>
      %dma_start3A_833 = tpu.memref_slice %arg10[%mul3A_6] : memref<500000xf32, #tpu.memory_space<vmem_shared>> -> memref<31248xf32, #tpu.memory_space<vmem_shared>>
      %dma_start3A_834 = tpu.memref_slice %arg10[%mul3A_6] : memref<500000xf32, #tpu.memory_space<vmem_shared>> -> memref<31248xf32, #tpu.memory_space<vmem_shared>>
      tpu.enqueue_dma source(%arg9 : memref<31248xf32, #tpu.memory_space<vmem>>) target(%dma_start3A_834 : memref<31248xf32, #tpu.memory_space<vmem_shared>>) target_semaphore(%run_scoped3A : memref<!tpu.dma_semaphore, #tpu.memory_space<semaphore_mem>>)
      %dma_wait3A_835 = tpu.memref_slice %arg10[%mul3A_6] : memref<500000xf32, #tpu.memory_space<vmem_shared>> -> memref<31248xf32, #tpu.memory_space<vmem_shared>>
      %dma_wait3A_836 = tpu.memref_slice %arg10[%mul3A_6] : memref<500000xf32, #tpu.memory_space<vmem_shared>> -> memref<31248xf32, #tpu.memory_space<vmem_shared>>
      tpu.wait_dma2 semaphore(%run_scoped3A : memref<!tpu.dma_semaphore, #tpu.memory_space<semaphore_mem>>) src(%arg9 : memref<31248xf32, #tpu.memory_space<vmem>>) dst(%dma_wait3A_836 : memref<31248xf32, #tpu.memory_space<vmem_shared>>)
      tpu.yield
    }) : () -> ()
    %eq3A = arith.constant 0 : i32
    %eq3A_7 = arith.cmpi eq, %arg1, %eq3A : i32
    %convert_element_type3A = arith.extui %eq3A_7 : i1 to i32
    %cond3A = arith.constant 0 : i32
    %cond3A_8 = arith.cmpi ne, %convert_element_type3A, %cond3A : i32
    scf.if %cond3A_8 {
      "tpu.region"() ({
        %run_scoped3A = tpu.sem_alloc : memref<!tpu.dma_semaphore, #tpu.memory_space<semaphore_mem>>
        %dma_start3A_833 = arith.constant 0 : i32
        %dma_start3A_834 = tpu.memref_slice %arg9[%dma_start3A_833] : memref<31248xf32, #tpu.memory_space<vmem>> -> memref<32xf32, #tpu.memory_space<vmem>>
        %dma_start3A_835 = arith.constant 499968 : i32
        %dma_start3A_836 = tpu.memref_slice %arg10[%dma_start3A_835] : memref<500000xf32, #tpu.memory_space<vmem_shared>> -> memref<32xf32, #tpu.memory_space<vmem_shared>>
        %dma_start3A_837 = arith.constant 499968 : i32
        %dma_start3A_838 = tpu.memref_slice %arg10[%dma_start3A_837] : memref<500000xf32, #tpu.memory_space<vmem_shared>> -> memref<32xf32, #tpu.memory_space<vmem_shared>>
        %dma_start3A_839 = arith.constant 0 : i32
        %dma_start3A_840 = tpu.memref_slice %arg9[%dma_start3A_839] : memref<31248xf32, #tpu.memory_space<vmem>> -> memref<32xf32, #tpu.memory_space<vmem>>
        tpu.enqueue_dma source(%dma_start3A_840 : memref<32xf32, #tpu.memory_space<vmem>>) target(%dma_start3A_838 : memref<32xf32, #tpu.memory_space<vmem_shared>>) target_semaphore(%run_scoped3A : memref<!tpu.dma_semaphore, #tpu.memory_space<semaphore_mem>>)
        %dma_wait3A_841 = arith.constant 0 : i32
        %dma_wait3A_842 = tpu.memref_slice %arg9[%dma_wait3A_841] : memref<31248xf32, #tpu.memory_space<vmem>> -> memref<32xf32, #tpu.memory_space<vmem>>
        %dma_wait3A_843 = arith.constant 499968 : i32
        %dma_wait3A_844 = tpu.memref_slice %arg10[%dma_wait3A_843] : memref<500000xf32, #tpu.memory_space<vmem_shared>> -> memref<32xf32, #tpu.memory_space<vmem_shared>>
        %dma_wait3A_845 = arith.constant 499968 : i32
        %dma_wait3A_846 = tpu.memref_slice %arg10[%dma_wait3A_845] : memref<500000xf32, #tpu.memory_space<vmem_shared>> -> memref<32xf32, #tpu.memory_space<vmem_shared>>
        %dma_wait3A_847 = arith.constant 0 : i32
        %dma_wait3A_848 = tpu.memref_slice %arg9[%dma_wait3A_847] : memref<31248xf32, #tpu.memory_space<vmem>> -> memref<32xf32, #tpu.memory_space<vmem>>
        tpu.wait_dma2 semaphore(%run_scoped3A : memref<!tpu.dma_semaphore, #tpu.memory_space<semaphore_mem>>) src(%dma_wait3A_848 : memref<32xf32, #tpu.memory_space<vmem>>) dst(%dma_wait3A_846 : memref<32xf32, #tpu.memory_space<vmem_shared>>)
        tpu.yield
      }) : () -> ()
    } else {
    }
    %mul3A_9 = arith.constant 80000 : i32
    %mul3A_10 = arith.muli %arg0, %mul3A_9 : i32
    %mul3A_11 = arith.constant 5000 : i32
    %mul3A_12 = arith.muli %arg1, %mul3A_11 : i32
    %add3A = arith.addi %mul3A_10, %mul3A_12 : i32
    "tpu.region"() ({
      %run_scoped3A = tpu.sem_alloc : memref<!tpu.dma_semaphore, #tpu.memory_space<semaphore_mem>>
      %dma_start3A_833 = arith.constant 0 : i32
      %dma_start3A_834 = tpu.memref_slice %arg5[%dma_start3A_833] : memref<5120xi32, #tpu.memory_space<vmem>> -> memref<5000xi32, #tpu.memory_space<vmem>>
      %dma_start3A_835 = tpu.memref_slice %arg2[%add3A] : memref<160000xi32, #tpu.memory_space<hbm>> -> memref<5000xi32, #tpu.memory_space<hbm>>
      %dma_start3A_836 = arith.constant 0 : i32
      %dma_start3A_837 = tpu.memref_slice %arg5[%dma_start3A_836] : memref<5120xi32, #tpu.memory_space<vmem>> -> memref<5000xi32, #tpu.memory_space<vmem>>
      %dma_start3A_838 = tpu.memref_slice %arg2[%add3A] : memref<160000xi32, #tpu.memory_space<hbm>> -> memref<5000xi32, #tpu.memory_space<hbm>>
      tpu.enqueue_dma source(%dma_start3A_838 : memref<5000xi32, #tpu.memory_space<hbm>>) target(%dma_start3A_837 : memref<5000xi32, #tpu.memory_space<vmem>>) target_semaphore(%run_scoped3A : memref<!tpu.dma_semaphore, #tpu.memory_space<semaphore_mem>>)
      %dma_wait3A_839 = arith.constant 0 : i32
      %dma_wait3A_840 = tpu.memref_slice %arg5[%dma_wait3A_839] : memref<5120xi32, #tpu.memory_space<vmem>> -> memref<5000xi32, #tpu.memory_space<vmem>>
      %dma_wait3A_841 = tpu.memref_slice %arg2[%add3A] : memref<160000xi32, #tpu.memory_space<hbm>> -> memref<5000xi32, #tpu.memory_space<hbm>>
      %dma_wait3A_842 = arith.constant 0 : i32
      %dma_wait3A_843 = tpu.memref_slice %arg5[%dma_wait3A_842] : memref<5120xi32, #tpu.memory_space<vmem>> -> memref<5000xi32, #tpu.memory_space<vmem>>
      %dma_wait3A_844 = tpu.memref_slice %arg2[%add3A] : memref<160000xi32, #tpu.memory_space<hbm>> -> memref<5000xi32, #tpu.memory_space<hbm>>
      tpu.wait_dma2 semaphore(%run_scoped3A : memref<!tpu.dma_semaphore, #tpu.memory_space<semaphore_mem>>) src(%dma_wait3A_844 : memref<5000xi32, #tpu.memory_space<hbm>>) dst(%dma_wait3A_843 : memref<5000xi32, #tpu.memory_space<vmem>>)
      tpu.yield
    }) : () -> ()
    "tpu.region"() ({
      %run_scoped3A = tpu.sem_alloc : memref<!tpu.dma_semaphore, #tpu.memory_space<semaphore_mem>>
      %dma_start3A_833 = arith.constant 0 : i32
      %dma_start3A_834 = tpu.memref_slice %arg6[%dma_start3A_833] : memref<5120xi32, #tpu.memory_space<vmem>> -> memref<5000xi32, #tpu.memory_space<vmem>>
      %dma_start3A_835 = tpu.memref_slice %arg3[%add3A] : memref<160000xi32, #tpu.memory_space<hbm>> -> memref<5000xi32, #tpu.memory_space<hbm>>
      %dma_start3A_836 = arith.constant 0 : i32
      %dma_start3A_837 = tpu.memref_slice %arg6[%dma_start3A_836] : memref<5120xi32, #tpu.memory_space<vmem>> -> memref<5000xi32, #tpu.memory_space<vmem>>
      %dma_start3A_838 = tpu.memref_slice %arg3[%add3A] : memref<160000xi32, #tpu.memory_space<hbm>> -> memref<5000xi32, #tpu.memory_space<hbm>>
      tpu.enqueue_dma source(%dma_start3A_838 : memref<5000xi32, #tpu.memory_space<hbm>>) target(%dma_start3A_837 : memref<5000xi32, #tpu.memory_space<vmem>>) target_semaphore(%run_scoped3A : memref<!tpu.dma_semaphore, #tpu.memory_space<semaphore_mem>>)
      %dma_wait3A_839 = arith.constant 0 : i32
      %dma_wait3A_840 = tpu.memref_slice %arg6[%dma_wait3A_839] : memref<5120xi32, #tpu.memory_space<vmem>> -> memref<5000xi32, #tpu.memory_space<vmem>>
      %dma_wait3A_841 = tpu.memref_slice %arg3[%add3A] : memref<160000xi32, #tpu.memory_space<hbm>> -> memref<5000xi32, #tpu.memory_space<hbm>>
      %dma_wait3A_842 = arith.constant 0 : i32
      %dma_wait3A_843 = tpu.memref_slice %arg6[%dma_wait3A_842] : memref<5120xi32, #tpu.memory_space<vmem>> -> memref<5000xi32, #tpu.memory_space<vmem>>
      %dma_wait3A_844 = tpu.memref_slice %arg3[%add3A] : memref<160000xi32, #tpu.memory_space<hbm>> -> memref<5000xi32, #tpu.memory_space<hbm>>
      tpu.wait_dma2 semaphore(%run_scoped3A : memref<!tpu.dma_semaphore, #tpu.memory_space<semaphore_mem>>) src(%dma_wait3A_844 : memref<5000xi32, #tpu.memory_space<hbm>>) dst(%dma_wait3A_843 : memref<5000xi32, #tpu.memory_space<vmem>>)
      tpu.yield
    }) : () -> ()
    %mul3A_13 = arith.constant 500000 : i32
    %mul3A_14 = arith.muli %arg0, %mul3A_13 : i32
    %scan3A_15 = arith.constant 0 : i32
    %scan3A_16 = arith.constant 0 : i32
    %scan3A_17 = arith.constant 320 : i32
    %scan3A_18 = arith.addi %scan3A_16, %scan3A_17 : i32
    %scan3A_19 = arith.constant 1 : i32
    %scan3A_20 = scf.for %scan3A_833 = %scan3A_16 to %scan3A_18 step %scan3A_19 iter_args(%scan3A_834 = %scan3A_15) -> (i32)  : i32 {
      %mul3A_835 = arith.constant 16 : i32
      %mul3A_836 = arith.muli %scan3A_833, %mul3A_835 : i32
      %get3A = arith.index_cast %mul3A_836 : i32 to index
      %get3A_837 = tpu.vector_load %arg5[%get3A] {strides = array<i32>} : memref<5120xi32, #tpu.memory_space<vmem>>, vector<16xi32>,
      %get3A_838 = vector.shape_cast %get3A_837 : vector<16xi32> to vector<16xi32>
      %mul3A_839 = arith.constant 16 : i32
      %mul3A_840 = arith.muli %scan3A_833, %mul3A_839 : i32
      %get3A_841 = arith.index_cast %mul3A_840 : i32 to index
      %get3A_842 = tpu.vector_load %arg6[%get3A_841] {strides = array<i32>} : memref<5120xi32, #tpu.memory_space<vmem>>, vector<16xi32>,
      %get3A_843 = vector.shape_cast %get3A_842 : vector<16xi32> to vector<16xi32>
      %mul3A_844 = arith.constant 16 : i32
      %mul3A_845 = arith.muli %scan3A_833, %mul3A_844 : i32
      %iota3A = tpu.iota {dimensions = array<i32: 0>} : vector<16xi32>
      %add3A_846 = vector.broadcast %mul3A_845 : i32 to vector<16xi32>
      %add3A_847 = arith.addi %add3A_846, %iota3A : vector<16xi32>
      %lt3A = arith.constant 5000 : i32
      %lt3A_848 = vector.broadcast %lt3A : i32 to vector<16xi32>
      %lt3A_849 = arith.cmpi slt, %add3A_847, %lt3A_848 : vector<16xi32>
      %mul3A_850 = arith.constant 100 : i32
      %mul3A_851 = vector.broadcast %mul3A_850 : i32 to vector<16xi32>
      %mul3A_852 = arith.muli %get3A_838, %mul3A_851 : vector<16xi32>
      %rem3A = arith.constant 100 : i32
      %rem3A_853 = vector.broadcast %rem3A : i32 to vector<16xi32>
      %rem3A_854 = arith.remsi %get3A_843, %rem3A_853 : vector<16xi32>
      %add3A_855 = arith.addi %mul3A_852, %rem3A_854 : vector<16xi32>
      %sub3A = vector.broadcast %mul3A_14 : i32 to vector<16xi32>
      %sub3A_856 = arith.subi %add3A_855, %sub3A : vector<16xi32>
      %jit3A = arith.constant 0 : i32
      %broadcast_in_dim3A = vector.broadcast %jit3A : i32 to vector<16xi32>
      %select_n3A = arith.select %lt3A_849, %sub3A_856, %broadcast_in_dim3A : vector<16xi1>, vector<16xi32>
      %jit3A_857 = arith.constant 1.000000e+00 : f32
      %jit3A_858 = arith.constant 0.000000e+00 : f32
      %broadcast_in_dim3A_859 = vector.broadcast %jit3A_857 : f32 to vector<16xf32>
      %broadcast_in_dim3A_860 = vector.broadcast %jit3A_858 : f32 to vector<16xf32>
      %select_n3A_861 = arith.select %lt3A_849, %broadcast_in_dim3A_859, %broadcast_in_dim3A_860 : vector<16xi1>, vector<16xf32>
      %jit3A_862 = arith.constant 8 : i32
      %div3A = arith.divsi %scan3A_833, %jit3A_862 : i32
      %sign3A = arith.constant 0 : i32
      %sign3A_863 = arith.cmpi sgt, %scan3A_833, %sign3A : i32
      %sign3A_864 = arith.extui %sign3A_863 : i1 to i32
      %sign3A_865 = arith.constant 0 : i32
      %sign3A_866 = arith.cmpi slt, %scan3A_833, %sign3A_865 : i32
      %sign3A_867 = arith.extui %sign3A_866 : i1 to i32
      %sign3A_868 = arith.subi %sign3A_864, %sign3A_867 : i32
      %sign3A_869 = arith.constant 0 : i32
      %sign3A_870 = arith.cmpi sgt, %jit3A_862, %sign3A_869 : i32
      %sign3A_871 = arith.extui %sign3A_870 : i1 to i32
      %sign3A_872 = arith.constant 0 : i32
      %sign3A_873 = arith.cmpi slt, %jit3A_862, %sign3A_872 : i32
      %sign3A_874 = arith.extui %sign3A_873 : i1 to i32
      %sign3A_875 = arith.subi %sign3A_871, %sign3A_874 : i32
      %ne3A = arith.cmpi ne, %sign3A_868, %sign3A_875 : i32
      %rem3A_876 = arith.remsi %scan3A_833, %jit3A_862 : i32
      %ne3A_877 = arith.constant 0 : i32
      %ne3A_878 = arith.cmpi ne, %rem3A_876, %ne3A_877 : i32
      %and3A = arith.andi %ne3A, %ne3A_878 : i1
      %sub3A_879 = arith.constant 1 : i32
      %sub3A_880 = arith.subi %div3A, %sub3A_879 : i32
      %select_n3A_881 = arith.select %and3A, %sub3A_880, %div3A : i32
      %rem3A_882 = arith.constant 8 : i32
      %rem3A_883 = arith.remsi %scan3A_833, %rem3A_882 : i32
      %mul3A_884 = arith.constant 16 : i32
      %mul3A_885 = arith.muli %rem3A_883, %mul3A_884 : i32
      %swap3A = arith.index_cast %select_n3A_881 : i32 to index
      %swap3A_886 = arith.index_cast %mul3A_885 : i32 to index
      %swap3A_887 = tpu.vector_load %arg7[%swap3A, %swap3A_886] {strides = array<i32>} : memref<40x128xi32, #tpu.memory_space<vmem>>, vector<1x16xi32>,
      %swap3A_888 = vector.shape_cast %swap3A_887 : vector<1x16xi32> to vector<16xi32>
      %swap3A_889 = vector.shape_cast %select_n3A : vector<16xi32> to vector<1x16xi32>
      tpu.vector_store %arg7[%swap3A, %swap3A_886], %swap3A_889 {strides = array<i32>} : memref<40x128xi32, #tpu.memory_space<vmem>>, vector<1x16xi32>,
      %swap3A_890 = arith.index_cast %select_n3A_881 : i32 to index
      %swap3A_891 = arith.index_cast %mul3A_885 : i32 to index
      %swap3A_892 = tpu.vector_load %arg8[%swap3A_890, %swap3A_891] {strides = array<i32>} : memref<40x128xf32, #tpu.memory_space<vmem>>, vector<1x16xf32>,
      %swap3A_893 = vector.shape_cast %swap3A_892 : vector<1x16xf32> to vector<16xf32>
      %swap3A_894 = vector.shape_cast %select_n3A_861 : vector<16xf32> to vector<1x16xf32>
      tpu.vector_store %arg8[%swap3A_890, %swap3A_891], %swap3A_894 {strides = array<i32>} : memref<40x128xf32, #tpu.memory_space<vmem>>, vector<1x16xf32>,
      %scan3A_895 = arith.constant 0 : i32
      scf.yield %scan3A_895 : i32
    }
    %scan3A_21 = arith.constant 320 : i32
    %barrier3A = arith.constant 0 : index
    tpu.barrier barrier_id(%barrier3A)
    %dma_start3A = arith.constant 0 : i32
    %dma_start3A_22 = arith.constant 0 : i32
    %dma_start3A_23 = arith.constant 0 : i32
    %dma_start3A_24 = tpu.memref_slice %arg8[%dma_start3A, %dma_start3A_23] : memref<40x128xf32, #tpu.memory_space<vmem>> -> memref<1x128xf32, #tpu.memory_space<vmem>>
    %dma_start3A_25 = tpu.memref_squeeze %dma_start3A_24 : memref<1x128xf32, #tpu.memory_space<vmem>> -> memref<128xf32, #tpu.memory_space<vmem>>
    %dma_start3A_26 = arith.constant 0 : i32
    %dma_start3A_27 = tpu.memref_slice %arg7[%dma_start3A_22, %dma_start3A_26] : memref<40x128xi32, #tpu.memory_space<vmem>> -> memref<1x128xi32, #tpu.memory_space<vmem>>
    %dma_start3A_28 = tpu.memref_squeeze %dma_start3A_27 : memref<1x128xi32, #tpu.memory_space<vmem>> -> memref<128xi32, #tpu.memory_space<vmem>>
    %dma_start3A_29 = arith.constant 0 : i32
    %dma_start3A_30 = tpu.memref_slice %arg10[%dma_start3A_29] : memref<500000xf32, #tpu.memory_space<vmem_shared>> -> memref<500000xf32, #tpu.memory_space<vmem_shared>>
    tpu.enqueue_indirect_dma source(%dma_start3A_25 : memref<128xf32, #tpu.memory_space<vmem>>) target(%dma_start3A_30 : memref<500000xf32, #tpu.memory_space<vmem_shared>>) offsets(%dma_start3A_28 : memref<128xi32, #tpu.memory_space<vmem>>) semaphore(%arg11 : memref<!tpu.dma_semaphore, #tpu.memory_space<semaphore_mem>>) {add = true}
    %dma_start3A_31 = arith.constant 1 : i32
    %dma_start3A_32 = arith.constant 1 : i32
    %dma_start3A_33 = arith.constant 0 : i32
    %dma_start3A_34 = tpu.memref_slice %arg8[%dma_start3A_31, %dma_start3A_33] : memref<40x128xf32, #tpu.memory_space<vmem>> -> memref<1x128xf32, #tpu.memory_space<vmem>>
    %dma_start3A_35 = tpu.memref_squeeze %dma_start3A_34 : memref<1x128xf32, #tpu.memory_space<vmem>> -> memref<128xf32, #tpu.memory_space<vmem>>
    %dma_start3A_36 = arith.constant 0 : i32
    %dma_start3A_37 = tpu.memref_slice %arg7[%dma_start3A_32, %dma_start3A_36] : memref<40x128xi32, #tpu.memory_space<vmem>> -> memref<1x128xi32, #tpu.memory_space<vmem>>
    %dma_start3A_38 = tpu.memref_squeeze %dma_start3A_37 : memref<1x128xi32, #tpu.memory_space<vmem>> -> memref<128xi32, #tpu.memory_space<vmem>>
    %dma_start3A_39 = arith.constant 0 : i32
    %dma_start3A_40 = tpu.memref_slice %arg10[%dma_start3A_39] : memref<500000xf32, #tpu.memory_space<vmem_shared>> -> memref<500000xf32, #tpu.memory_space<vmem_shared>>
    tpu.enqueue_indirect_dma source(%dma_start3A_35 : memref<128xf32, #tpu.memory_space<vmem>>) target(%dma_start3A_40 : memref<500000xf32, #tpu.memory_space<vmem_shared>>) offsets(%dma_start3A_38 : memref<128xi32, #tpu.memory_space<vmem>>) semaphore(%arg11 : memref<!tpu.dma_semaphore, #tpu.memory_space<semaphore_mem>>) {add = true}
    %dma_start3A_41 = arith.constant 2 : i32
    %dma_start3A_42 = arith.constant 2 : i32
    %dma_start3A_43 = arith.constant 0 : i32
    %dma_start3A_44 = tpu.memref_slice %arg8[%dma_start3A_41, %dma_start3A_43] : memref<40x128xf32, #tpu.memory_space<vmem>> -> memref<1x128xf32, #tpu.memory_space<vmem>>
    %dma_start3A_45 = tpu.memref_squeeze %dma_start3A_44 : memref<1x128xf32, #tpu.memory_space<vmem>> -> memref<128xf32, #tpu.memory_space<vmem>>
    %dma_start3A_46 = arith.constant 0 : i32
    %dma_start3A_47 = tpu.memref_slice %arg7[%dma_start3A_42, %dma_start3A_46] : memref<40x128xi32, #tpu.memory_space<vmem>> -> memref<1x128xi32, #tpu.memory_space<vmem>>
    %dma_start3A_48 = tpu.memref_squeeze %dma_start3A_47 : memref<1x128xi32, #tpu.memory_space<vmem>> -> memref<128xi32, #tpu.memory_space<vmem>>
    %dma_start3A_49 = arith.constant 0 : i32
    %dma_start3A_50 = tpu.memref_slice %arg10[%dma_start3A_49] : memref<500000xf32, #tpu.memory_space<vmem_shared>> -> memref<500000xf32, #tpu.memory_space<vmem_shared>>
    tpu.enqueue_indirect_dma source(%dma_start3A_45 : memref<128xf32, #tpu.memory_space<vmem>>) target(%dma_start3A_50 : memref<500000xf32, #tpu.memory_space<vmem_shared>>) offsets(%dma_start3A_48 : memref<128xi32, #tpu.memory_space<vmem>>) semaphore(%arg11 : memref<!tpu.dma_semaphore, #tpu.memory_space<semaphore_mem>>) {add = true}
    %dma_start3A_51 = arith.constant 3 : i32
    %dma_start3A_52 = arith.constant 3 : i32
    %dma_start3A_53 = arith.constant 0 : i32
    %dma_start3A_54 = tpu.memref_slice %arg8[%dma_start3A_51, %dma_start3A_53] : memref<40x128xf32, #tpu.memory_space<vmem>> -> memref<1x128xf32, #tpu.memory_space<vmem>>
    %dma_start3A_55 = tpu.memref_squeeze %dma_start3A_54 : memref<1x128xf32, #tpu.memory_space<vmem>> -> memref<128xf32, #tpu.memory_space<vmem>>
    %dma_start3A_56 = arith.constant 0 : i32
    %dma_start3A_57 = tpu.memref_slice %arg7[%dma_start3A_52, %dma_start3A_56] : memref<40x128xi32, #tpu.memory_space<vmem>> -> memref<1x128xi32, #tpu.memory_space<vmem>>
    %dma_start3A_58 = tpu.memref_squeeze %dma_start3A_57 : memref<1x128xi32, #tpu.memory_space<vmem>> -> memref<128xi32, #tpu.memory_space<vmem>>
    %dma_start3A_59 = arith.constant 0 : i32
    %dma_start3A_60 = tpu.memref_slice %arg10[%dma_start3A_59] : memref<500000xf32, #tpu.memory_space<vmem_shared>> -> memref<500000xf32, #tpu.memory_space<vmem_shared>>
    tpu.enqueue_indirect_dma source(%dma_start3A_55 : memref<128xf32, #tpu.memory_space<vmem>>) target(%dma_start3A_60 : memref<500000xf32, #tpu.memory_space<vmem_shared>>) offsets(%dma_start3A_58 : memref<128xi32, #tpu.memory_space<vmem>>) semaphore(%arg11 : memref<!tpu.dma_semaphore, #tpu.memory_space<semaphore_mem>>) {add = true}
    %dma_start3A_61 = arith.constant 4 : i32
    %dma_start3A_62 = arith.constant 4 : i32
    %dma_start3A_63 = arith.constant 0 : i32
    %dma_start3A_64 = tpu.memref_slice %arg8[%dma_start3A_61, %dma_start3A_63] : memref<40x128xf32, #tpu.memory_space<vmem>> -> memref<1x128xf32, #tpu.memory_space<vmem>>
    %dma_start3A_65 = tpu.memref_squeeze %dma_start3A_64 : memref<1x128xf32, #tpu.memory_space<vmem>> -> memref<128xf32, #tpu.memory_space<vmem>>
    %dma_start3A_66 = arith.constant 0 : i32
    %dma_start3A_67 = tpu.memref_slice %arg7[%dma_start3A_62, %dma_start3A_66] : memref<40x128xi32, #tpu.memory_space<vmem>> -> memref<1x128xi32, #tpu.memory_space<vmem>>
    %dma_start3A_68 = tpu.memref_squeeze %dma_start3A_67 : memref<1x128xi32, #tpu.memory_space<vmem>> -> memref<128xi32, #tpu.memory_space<vmem>>
    %dma_start3A_69 = arith.constant 0 : i32
    %dma_start3A_70 = tpu.memref_slice %arg10[%dma_start3A_69] : memref<500000xf32, #tpu.memory_space<vmem_shared>> -> memref<500000xf32, #tpu.memory_space<vmem_shared>>
    tpu.enqueue_indirect_dma source(%dma_start3A_65 : memref<128xf32, #tpu.memory_space<vmem>>) target(%dma_start3A_70 : memref<500000xf32, #tpu.memory_space<vmem_shared>>) offsets(%dma_start3A_68 : memref<128xi32, #tpu.memory_space<vmem>>) semaphore(%arg11 : memref<!tpu.dma_semaphore, #tpu.memory_space<semaphore_mem>>) {add = true}
    %dma_start3A_71 = arith.constant 5 : i32
    %dma_start3A_72 = arith.constant 5 : i32
    %dma_start3A_73 = arith.constant 0 : i32
    %dma_start3A_74 = tpu.memref_slice %arg8[%dma_start3A_71, %dma_start3A_73] : memref<40x128xf32, #tpu.memory_space<vmem>> -> memref<1x128xf32, #tpu.memory_space<vmem>>
    %dma_start3A_75 = tpu.memref_squeeze %dma_start3A_74 : memref<1x128xf32, #tpu.memory_space<vmem>> -> memref<128xf32, #tpu.memory_space<vmem>>
    %dma_start3A_76 = arith.constant 0 : i32
    %dma_start3A_77 = tpu.memref_slice %arg7[%dma_start3A_72, %dma_start3A_76] : memref<40x128xi32, #tpu.memory_space<vmem>> -> memref<1x128xi32, #tpu.memory_space<vmem>>
    %dma_start3A_78 = tpu.memref_squeeze %dma_start3A_77 : memref<1x128xi32, #tpu.memory_space<vmem>> -> memref<128xi32, #tpu.memory_space<vmem>>
    %dma_start3A_79 = arith.constant 0 : i32
    %dma_start3A_80 = tpu.memref_slice %arg10[%dma_start3A_79] : memref<500000xf32, #tpu.memory_space<vmem_shared>> -> memref<500000xf32, #tpu.memory_space<vmem_shared>>
    tpu.enqueue_indirect_dma source(%dma_start3A_75 : memref<128xf32, #tpu.memory_space<vmem>>) target(%dma_start3A_80 : memref<500000xf32, #tpu.memory_space<vmem_shared>>) offsets(%dma_start3A_78 : memref<128xi32, #tpu.memory_space<vmem>>) semaphore(%arg11 : memref<!tpu.dma_semaphore, #tpu.memory_space<semaphore_mem>>) {add = true}
    %dma_start3A_81 = arith.constant 6 : i32
    %dma_start3A_82 = arith.constant 6 : i32
    %dma_start3A_83 = arith.constant 0 : i32
    %dma_start3A_84 = tpu.memref_slice %arg8[%dma_start3A_81, %dma_start3A_83] : memref<40x128xf32, #tpu.memory_space<vmem>> -> memref<1x128xf32, #tpu.memory_space<vmem>>
    %dma_start3A_85 = tpu.memref_squeeze %dma_start3A_84 : memref<1x128xf32, #tpu.memory_space<vmem>> -> memref<128xf32, #tpu.memory_space<vmem>>
    %dma_start3A_86 = arith.constant 0 : i32
    %dma_start3A_87 = tpu.memref_slice %arg7[%dma_start3A_82, %dma_start3A_86] : memref<40x128xi32, #tpu.memory_space<vmem>> -> memref<1x128xi32, #tpu.memory_space<vmem>>
    %dma_start3A_88 = tpu.memref_squeeze %dma_start3A_87 : memref<1x128xi32, #tpu.memory_space<vmem>> -> memref<128xi32, #tpu.memory_space<vmem>>
    %dma_start3A_89 = arith.constant 0 : i32
    %dma_start3A_90 = tpu.memref_slice %arg10[%dma_start3A_89] : memref<500000xf32, #tpu.memory_space<vmem_shared>> -> memref<500000xf32, #tpu.memory_space<vmem_shared>>
    tpu.enqueue_indirect_dma source(%dma_start3A_85 : memref<128xf32, #tpu.memory_space<vmem>>) target(%dma_start3A_90 : memref<500000xf32, #tpu.memory_space<vmem_shared>>) offsets(%dma_start3A_88 : memref<128xi32, #tpu.memory_space<vmem>>) semaphore(%arg11 : memref<!tpu.dma_semaphore, #tpu.memory_space<semaphore_mem>>) {add = true}
    %dma_start3A_91 = arith.constant 7 : i32
    %dma_start3A_92 = arith.constant 7 : i32
    %dma_start3A_93 = arith.constant 0 : i32
    %dma_start3A_94 = tpu.memref_slice %arg8[%dma_start3A_91, %dma_start3A_93] : memref<40x128xf32, #tpu.memory_space<vmem>> -> memref<1x128xf32, #tpu.memory_space<vmem>>
    %dma_start3A_95 = tpu.memref_squeeze %dma_start3A_94 : memref<1x128xf32, #tpu.memory_space<vmem>> -> memref<128xf32, #tpu.memory_space<vmem>>
    %dma_start3A_96 = arith.constant 0 : i32
    %dma_start3A_97 = tpu.memref_slice %arg7[%dma_start3A_92, %dma_start3A_96] : memref<40x128xi32, #tpu.memory_space<vmem>> -> memref<1x128xi32, #tpu.memory_space<vmem>>
    %dma_start3A_98 = tpu.memref_squeeze %dma_start3A_97 : memref<1x128xi32, #tpu.memory_space<vmem>> -> memref<128xi32, #tpu.memory_space<vmem>>
    %dma_start3A_99 = arith.constant 0 : i32
    %dma_start3A_100 = tpu.memref_slice %arg10[%dma_start3A_99] : memref<500000xf32, #tpu.memory_space<vmem_shared>> -> memref<500000xf32, #tpu.memory_space<vmem_shared>>
    tpu.enqueue_indirect_dma source(%dma_start3A_95 : memref<128xf32, #tpu.memory_space<vmem>>) target(%dma_start3A_100 : memref<500000xf32, #tpu.memory_space<vmem_shared>>) offsets(%dma_start3A_98 : memref<128xi32, #tpu.memory_space<vmem>>) semaphore(%arg11 : memref<!tpu.dma_semaphore, #tpu.memory_space<semaphore_mem>>) {add = true}
    %dma_start3A_101 = arith.constant 8 : i32
    %dma_start3A_102 = arith.constant 8 : i32
    %dma_start3A_103 = arith.constant 0 : i32
    %dma_start3A_104 = tpu.memref_slice %arg8[%dma_start3A_101, %dma_start3A_103] : memref<40x128xf32, #tpu.memory_space<vmem>> -> memref<1x128xf32, #tpu.memory_space<vmem>>
    %dma_start3A_105 = tpu.memref_squeeze %dma_start3A_104 : memref<1x128xf32, #tpu.memory_space<vmem>> -> memref<128xf32, #tpu.memory_space<vmem>>
    %dma_start3A_106 = arith.constant 0 : i32
    %dma_start3A_107 = tpu.memref_slice %arg7[%dma_start3A_102, %dma_start3A_106] : memref<40x128xi32, #tpu.memory_space<vmem>> -> memref<1x128xi32, #tpu.memory_space<vmem>>
    %dma_start3A_108 = tpu.memref_squeeze %dma_start3A_107 : memref<1x128xi32, #tpu.memory_space<vmem>> -> memref<128xi32, #tpu.memory_space<vmem>>
    %dma_start3A_109 = arith.constant 0 : i32
    %dma_start3A_110 = tpu.memref_slice %arg10[%dma_start3A_109] : memref<500000xf32, #tpu.memory_space<vmem_shared>> -> memref<500000xf32, #tpu.memory_space<vmem_shared>>
    tpu.enqueue_indirect_dma source(%dma_start3A_105 : memref<128xf32, #tpu.memory_space<vmem>>) target(%dma_start3A_110 : memref<500000xf32, #tpu.memory_space<vmem_shared>>) offsets(%dma_start3A_108 : memref<128xi32, #tpu.memory_space<vmem>>) semaphore(%arg11 : memref<!tpu.dma_semaphore, #tpu.memory_space<semaphore_mem>>) {add = true}
    %dma_start3A_111 = arith.constant 9 : i32
    %dma_start3A_112 = arith.constant 9 : i32
    %dma_start3A_113 = arith.constant 0 : i32
    %dma_start3A_114 = tpu.memref_slice %arg8[%dma_start3A_111, %dma_start3A_113] : memref<40x128xf32, #tpu.memory_space<vmem>> -> memref<1x128xf32, #tpu.memory_space<vmem>>
    %dma_start3A_115 = tpu.memref_squeeze %dma_start3A_114 : memref<1x128xf32, #tpu.memory_space<vmem>> -> memref<128xf32, #tpu.memory_space<vmem>>
    %dma_start3A_116 = arith.constant 0 : i32
    %dma_start3A_117 = tpu.memref_slice %arg7[%dma_start3A_112, %dma_start3A_116] : memref<40x128xi32, #tpu.memory_space<vmem>> -> memref<1x128xi32, #tpu.memory_space<vmem>>
    %dma_start3A_118 = tpu.memref_squeeze %dma_start3A_117 : memref<1x128xi32, #tpu.memory_space<vmem>> -> memref<128xi32, #tpu.memory_space<vmem>>
    %dma_start3A_119 = arith.constant 0 : i32
    %dma_start3A_120 = tpu.memref_slice %arg10[%dma_start3A_119] : memref<500000xf32, #tpu.memory_space<vmem_shared>> -> memref<500000xf32, #tpu.memory_space<vmem_shared>>
    tpu.enqueue_indirect_dma source(%dma_start3A_115 : memref<128xf32, #tpu.memory_space<vmem>>) target(%dma_start3A_120 : memref<500000xf32, #tpu.memory_space<vmem_shared>>) offsets(%dma_start3A_118 : memref<128xi32, #tpu.memory_space<vmem>>) semaphore(%arg11 : memref<!tpu.dma_semaphore, #tpu.memory_space<semaphore_mem>>) {add = true}
    %dma_start3A_121 = arith.constant 10 : i32
    %dma_start3A_122 = arith.constant 10 : i32
    %dma_start3A_123 = arith.constant 0 : i32
    %dma_start3A_124 = tpu.memref_slice %arg8[%dma_start3A_121, %dma_start3A_123] : memref<40x128xf32, #tpu.memory_space<vmem>> -> memref<1x128xf32, #tpu.memory_space<vmem>>
    %dma_start3A_125 = tpu.memref_squeeze %dma_start3A_124 : memref<1x128xf32, #tpu.memory_space<vmem>> -> memref<128xf32, #tpu.memory_space<vmem>>
    %dma_start3A_126 = arith.constant 0 : i32
    %dma_start3A_127 = tpu.memref_slice %arg7[%dma_start3A_122, %dma_start3A_126] : memref<40x128xi32, #tpu.memory_space<vmem>> -> memref<1x128xi32, #tpu.memory_space<vmem>>
    %dma_start3A_128 = tpu.memref_squeeze %dma_start3A_127 : memref<1x128xi32, #tpu.memory_space<vmem>> -> memref<128xi32, #tpu.memory_space<vmem>>
    %dma_start3A_129 = arith.constant 0 : i32
    %dma_start3A_130 = tpu.memref_slice %arg10[%dma_start3A_129] : memref<500000xf32, #tpu.memory_space<vmem_shared>> -> memref<500000xf32, #tpu.memory_space<vmem_shared>>
    tpu.enqueue_indirect_dma source(%dma_start3A_125 : memref<128xf32, #tpu.memory_space<vmem>>) target(%dma_start3A_130 : memref<500000xf32, #tpu.memory_space<vmem_shared>>) offsets(%dma_start3A_128 : memref<128xi32, #tpu.memory_space<vmem>>) semaphore(%arg11 : memref<!tpu.dma_semaphore, #tpu.memory_space<semaphore_mem>>) {add = true}
    %dma_start3A_131 = arith.constant 11 : i32
    %dma_start3A_132 = arith.constant 11 : i32
    %dma_start3A_133 = arith.constant 0 : i32
    %dma_start3A_134 = tpu.memref_slice %arg8[%dma_start3A_131, %dma_start3A_133] : memref<40x128xf32, #tpu.memory_space<vmem>> -> memref<1x128xf32, #tpu.memory_space<vmem>>
    %dma_start3A_135 = tpu.memref_squeeze %dma_start3A_134 : memref<1x128xf32, #tpu.memory_space<vmem>> -> memref<128xf32, #tpu.memory_space<vmem>>
    %dma_start3A_136 = arith.constant 0 : i32
    %dma_start3A_137 = tpu.memref_slice %arg7[%dma_start3A_132, %dma_start3A_136] : memref<40x128xi32, #tpu.memory_space<vmem>> -> memref<1x128xi32, #tpu.memory_space<vmem>>
    %dma_start3A_138 = tpu.memref_squeeze %dma_start3A_137 : memref<1x128xi32, #tpu.memory_space<vmem>> -> memref<128xi32, #tpu.memory_space<vmem>>
    %dma_start3A_139 = arith.constant 0 : i32
    %dma_start3A_140 = tpu.memref_slice %arg10[%dma_start3A_139] : memref<500000xf32, #tpu.memory_space<vmem_shared>> -> memref<500000xf32, #tpu.memory_space<vmem_shared>>
    tpu.enqueue_indirect_dma source(%dma_start3A_135 : memref<128xf32, #tpu.memory_space<vmem>>) target(%dma_start3A_140 : memref<500000xf32, #tpu.memory_space<vmem_shared>>) offsets(%dma_start3A_138 : memref<128xi32, #tpu.memory_space<vmem>>) semaphore(%arg11 : memref<!tpu.dma_semaphore, #tpu.memory_space<semaphore_mem>>) {add = true}
    %dma_start3A_141 = arith.constant 12 : i32
    %dma_start3A_142 = arith.constant 12 : i32
    %dma_start3A_143 = arith.constant 0 : i32
    %dma_start3A_144 = tpu.memref_slice %arg8[%dma_start3A_141, %dma_start3A_143] : memref<40x128xf32, #tpu.memory_space<vmem>> -> memref<1x128xf32, #tpu.memory_space<vmem>>
    %dma_start3A_145 = tpu.memref_squeeze %dma_start3A_144 : memref<1x128xf32, #tpu.memory_space<vmem>> -> memref<128xf32, #tpu.memory_space<vmem>>
    %dma_start3A_146 = arith.constant 0 : i32
    %dma_start3A_147 = tpu.memref_slice %arg7[%dma_start3A_142, %dma_start3A_146] : memref<40x128xi32, #tpu.memory_space<vmem>> -> memref<1x128xi32, #tpu.memory_space<vmem>>
    %dma_start3A_148 = tpu.memref_squeeze %dma_start3A_147 : memref<1x128xi32, #tpu.memory_space<vmem>> -> memref<128xi32, #tpu.memory_space<vmem>>
    %dma_start3A_149 = arith.constant 0 : i32
    %dma_start3A_150 = tpu.memref_slice %arg10[%dma_start3A_149] : memref<500000xf32, #tpu.memory_space<vmem_shared>> -> memref<500000xf32, #tpu.memory_space<vmem_shared>>
    tpu.enqueue_indirect_dma source(%dma_start3A_145 : memref<128xf32, #tpu.memory_space<vmem>>) target(%dma_start3A_150 : memref<500000xf32, #tpu.memory_space<vmem_shared>>) offsets(%dma_start3A_148 : memref<128xi32, #tpu.memory_space<vmem>>) semaphore(%arg11 : memref<!tpu.dma_semaphore, #tpu.memory_space<semaphore_mem>>) {add = true}
    %dma_start3A_151 = arith.constant 13 : i32
    %dma_start3A_152 = arith.constant 13 : i32
    %dma_start3A_153 = arith.constant 0 : i32
    %dma_start3A_154 = tpu.memref_slice %arg8[%dma_start3A_151, %dma_start3A_153] : memref<40x128xf32, #tpu.memory_space<vmem>> -> memref<1x128xf32, #tpu.memory_space<vmem>>
    %dma_start3A_155 = tpu.memref_squeeze %dma_start3A_154 : memref<1x128xf32, #tpu.memory_space<vmem>> -> memref<128xf32, #tpu.memory_space<vmem>>
    %dma_start3A_156 = arith.constant 0 : i32
    %dma_start3A_157 = tpu.memref_slice %arg7[%dma_start3A_152, %dma_start3A_156] : memref<40x128xi32, #tpu.memory_space<vmem>> -> memref<1x128xi32, #tpu.memory_space<vmem>>
    %dma_start3A_158 = tpu.memref_squeeze %dma_start3A_157 : memref<1x128xi32, #tpu.memory_space<vmem>> -> memref<128xi32, #tpu.memory_space<vmem>>
    %dma_start3A_159 = arith.constant 0 : i32
    %dma_start3A_160 = tpu.memref_slice %arg10[%dma_start3A_159] : memref<500000xf32, #tpu.memory_space<vmem_shared>> -> memref<500000xf32, #tpu.memory_space<vmem_shared>>
    tpu.enqueue_indirect_dma source(%dma_start3A_155 : memref<128xf32, #tpu.memory_space<vmem>>) target(%dma_start3A_160 : memref<500000xf32, #tpu.memory_space<vmem_shared>>) offsets(%dma_start3A_158 : memref<128xi32, #tpu.memory_space<vmem>>) semaphore(%arg11 : memref<!tpu.dma_semaphore, #tpu.memory_space<semaphore_mem>>) {add = true}
    %dma_start3A_161 = arith.constant 14 : i32
    %dma_start3A_162 = arith.constant 14 : i32
    %dma_start3A_163 = arith.constant 0 : i32
    %dma_start3A_164 = tpu.memref_slice %arg8[%dma_start3A_161, %dma_start3A_163] : memref<40x128xf32, #tpu.memory_space<vmem>> -> memref<1x128xf32, #tpu.memory_space<vmem>>
    %dma_start3A_165 = tpu.memref_squeeze %dma_start3A_164 : memref<1x128xf32, #tpu.memory_space<vmem>> -> memref<128xf32, #tpu.memory_space<vmem>>
    %dma_start3A_166 = arith.constant 0 : i32
    %dma_start3A_167 = tpu.memref_slice %arg7[%dma_start3A_162, %dma_start3A_166] : memref<40x128xi32, #tpu.memory_space<vmem>> -> memref<1x128xi32, #tpu.memory_space<vmem>>
    %dma_start3A_168 = tpu.memref_squeeze %dma_start3A_167 : memref<1x128xi32, #tpu.memory_space<vmem>> -> memref<128xi32, #tpu.memory_space<vmem>>
    %dma_start3A_169 = arith.constant 0 : i32
    %dma_start3A_170 = tpu.memref_slice %arg10[%dma_start3A_169] : memref<500000xf32, #tpu.memory_space<vmem_shared>> -> memref<500000xf32, #tpu.memory_space<vmem_shared>>
    tpu.enqueue_indirect_dma source(%dma_start3A_165 : memref<128xf32, #tpu.memory_space<vmem>>) target(%dma_start3A_170 : memref<500000xf32, #tpu.memory_space<vmem_shared>>) offsets(%dma_start3A_168 : memref<128xi32, #tpu.memory_space<vmem>>) semaphore(%arg11 : memref<!tpu.dma_semaphore, #tpu.memory_space<semaphore_mem>>) {add = true}
    %dma_start3A_171 = arith.constant 15 : i32
    %dma_start3A_172 = arith.constant 15 : i32
    %dma_start3A_173 = arith.constant 0 : i32
    %dma_start3A_174 = tpu.memref_slice %arg8[%dma_start3A_171, %dma_start3A_173] : memref<40x128xf32, #tpu.memory_space<vmem>> -> memref<1x128xf32, #tpu.memory_space<vmem>>
    %dma_start3A_175 = tpu.memref_squeeze %dma_start3A_174 : memref<1x128xf32, #tpu.memory_space<vmem>> -> memref<128xf32, #tpu.memory_space<vmem>>
    %dma_start3A_176 = arith.constant 0 : i32
    %dma_start3A_177 = tpu.memref_slice %arg7[%dma_start3A_172, %dma_start3A_176] : memref<40x128xi32, #tpu.memory_space<vmem>> -> memref<1x128xi32, #tpu.memory_space<vmem>>
    %dma_start3A_178 = tpu.memref_squeeze %dma_start3A_177 : memref<1x128xi32, #tpu.memory_space<vmem>> -> memref<128xi32, #tpu.memory_space<vmem>>
    %dma_start3A_179 = arith.constant 0 : i32
    %dma_start3A_180 = tpu.memref_slice %arg10[%dma_start3A_179] : memref<500000xf32, #tpu.memory_space<vmem_shared>> -> memref<500000xf32, #tpu.memory_space<vmem_shared>>
    tpu.enqueue_indirect_dma source(%dma_start3A_175 : memref<128xf32, #tpu.memory_space<vmem>>) target(%dma_start3A_180 : memref<500000xf32, #tpu.memory_space<vmem_shared>>) offsets(%dma_start3A_178 : memref<128xi32, #tpu.memory_space<vmem>>) semaphore(%arg11 : memref<!tpu.dma_semaphore, #tpu.memory_space<semaphore_mem>>) {add = true}
    %dma_start3A_181 = arith.constant 16 : i32
    %dma_start3A_182 = arith.constant 16 : i32
    %dma_start3A_183 = arith.constant 0 : i32
    %dma_start3A_184 = tpu.memref_slice %arg8[%dma_start3A_181, %dma_start3A_183] : memref<40x128xf32, #tpu.memory_space<vmem>> -> memref<1x128xf32, #tpu.memory_space<vmem>>
    %dma_start3A_185 = tpu.memref_squeeze %dma_start3A_184 : memref<1x128xf32, #tpu.memory_space<vmem>> -> memref<128xf32, #tpu.memory_space<vmem>>
    %dma_start3A_186 = arith.constant 0 : i32
    %dma_start3A_187 = tpu.memref_slice %arg7[%dma_start3A_182, %dma_start3A_186] : memref<40x128xi32, #tpu.memory_space<vmem>> -> memref<1x128xi32, #tpu.memory_space<vmem>>
    %dma_start3A_188 = tpu.memref_squeeze %dma_start3A_187 : memref<1x128xi32, #tpu.memory_space<vmem>> -> memref<128xi32, #tpu.memory_space<vmem>>
    %dma_start3A_189 = arith.constant 0 : i32
    %dma_start3A_190 = tpu.memref_slice %arg10[%dma_start3A_189] : memref<500000xf32, #tpu.memory_space<vmem_shared>> -> memref<500000xf32, #tpu.memory_space<vmem_shared>>
    tpu.enqueue_indirect_dma source(%dma_start3A_185 : memref<128xf32, #tpu.memory_space<vmem>>) target(%dma_start3A_190 : memref<500000xf32, #tpu.memory_space<vmem_shared>>) offsets(%dma_start3A_188 : memref<128xi32, #tpu.memory_space<vmem>>) semaphore(%arg11 : memref<!tpu.dma_semaphore, #tpu.memory_space<semaphore_mem>>) {add = true}
    %dma_start3A_191 = arith.constant 17 : i32
    %dma_start3A_192 = arith.constant 17 : i32
    %dma_start3A_193 = arith.constant 0 : i32
    %dma_start3A_194 = tpu.memref_slice %arg8[%dma_start3A_191, %dma_start3A_193] : memref<40x128xf32, #tpu.memory_space<vmem>> -> memref<1x128xf32, #tpu.memory_space<vmem>>
    %dma_start3A_195 = tpu.memref_squeeze %dma_start3A_194 : memref<1x128xf32, #tpu.memory_space<vmem>> -> memref<128xf32, #tpu.memory_space<vmem>>
    %dma_start3A_196 = arith.constant 0 : i32
    %dma_start3A_197 = tpu.memref_slice %arg7[%dma_start3A_192, %dma_start3A_196] : memref<40x128xi32, #tpu.memory_space<vmem>> -> memref<1x128xi32, #tpu.memory_space<vmem>>
    %dma_start3A_198 = tpu.memref_squeeze %dma_start3A_197 : memref<1x128xi32, #tpu.memory_space<vmem>> -> memref<128xi32, #tpu.memory_space<vmem>>
    %dma_start3A_199 = arith.constant 0 : i32
    %dma_start3A_200 = tpu.memref_slice %arg10[%dma_start3A_199] : memref<500000xf32, #tpu.memory_space<vmem_shared>> -> memref<500000xf32, #tpu.memory_space<vmem_shared>>
    tpu.enqueue_indirect_dma source(%dma_start3A_195 : memref<128xf32, #tpu.memory_space<vmem>>) target(%dma_start3A_200 : memref<500000xf32, #tpu.memory_space<vmem_shared>>) offsets(%dma_start3A_198 : memref<128xi32, #tpu.memory_space<vmem>>) semaphore(%arg11 : memref<!tpu.dma_semaphore, #tpu.memory_space<semaphore_mem>>) {add = true}
    %dma_start3A_201 = arith.constant 18 : i32
    %dma_start3A_202 = arith.constant 18 : i32
    %dma_start3A_203 = arith.constant 0 : i32
    %dma_start3A_204 = tpu.memref_slice %arg8[%dma_start3A_201, %dma_start3A_203] : memref<40x128xf32, #tpu.memory_space<vmem>> -> memref<1x128xf32, #tpu.memory_space<vmem>>
    %dma_start3A_205 = tpu.memref_squeeze %dma_start3A_204 : memref<1x128xf32, #tpu.memory_space<vmem>> -> memref<128xf32, #tpu.memory_space<vmem>>
    %dma_start3A_206 = arith.constant 0 : i32
    %dma_start3A_207 = tpu.memref_slice %arg7[%dma_start3A_202, %dma_start3A_206] : memref<40x128xi32, #tpu.memory_space<vmem>> -> memref<1x128xi32, #tpu.memory_space<vmem>>
    %dma_start3A_208 = tpu.memref_squeeze %dma_start3A_207 : memref<1x128xi32, #tpu.memory_space<vmem>> -> memref<128xi32, #tpu.memory_space<vmem>>
    %dma_start3A_209 = arith.constant 0 : i32
    %dma_start3A_210 = tpu.memref_slice %arg10[%dma_start3A_209] : memref<500000xf32, #tpu.memory_space<vmem_shared>> -> memref<500000xf32, #tpu.memory_space<vmem_shared>>
    tpu.enqueue_indirect_dma source(%dma_start3A_205 : memref<128xf32, #tpu.memory_space<vmem>>) target(%dma_start3A_210 : memref<500000xf32, #tpu.memory_space<vmem_shared>>) offsets(%dma_start3A_208 : memref<128xi32, #tpu.memory_space<vmem>>) semaphore(%arg11 : memref<!tpu.dma_semaphore, #tpu.memory_space<semaphore_mem>>) {add = true}
    %dma_start3A_211 = arith.constant 19 : i32
    %dma_start3A_212 = arith.constant 19 : i32
    %dma_start3A_213 = arith.constant 0 : i32
    %dma_start3A_214 = tpu.memref_slice %arg8[%dma_start3A_211, %dma_start3A_213] : memref<40x128xf32, #tpu.memory_space<vmem>> -> memref<1x128xf32, #tpu.memory_space<vmem>>
    %dma_start3A_215 = tpu.memref_squeeze %dma_start3A_214 : memref<1x128xf32, #tpu.memory_space<vmem>> -> memref<128xf32, #tpu.memory_space<vmem>>
    %dma_start3A_216 = arith.constant 0 : i32
    %dma_start3A_217 = tpu.memref_slice %arg7[%dma_start3A_212, %dma_start3A_216] : memref<40x128xi32, #tpu.memory_space<vmem>> -> memref<1x128xi32, #tpu.memory_space<vmem>>
    %dma_start3A_218 = tpu.memref_squeeze %dma_start3A_217 : memref<1x128xi32, #tpu.memory_space<vmem>> -> memref<128xi32, #tpu.memory_space<vmem>>
    %dma_start3A_219 = arith.constant 0 : i32
    %dma_start3A_220 = tpu.memref_slice %arg10[%dma_start3A_219] : memref<500000xf32, #tpu.memory_space<vmem_shared>> -> memref<500000xf32, #tpu.memory_space<vmem_shared>>
    tpu.enqueue_indirect_dma source(%dma_start3A_215 : memref<128xf32, #tpu.memory_space<vmem>>) target(%dma_start3A_220 : memref<500000xf32, #tpu.memory_space<vmem_shared>>) offsets(%dma_start3A_218 : memref<128xi32, #tpu.memory_space<vmem>>) semaphore(%arg11 : memref<!tpu.dma_semaphore, #tpu.memory_space<semaphore_mem>>) {add = true}
    %dma_start3A_221 = arith.constant 20 : i32
    %dma_start3A_222 = arith.constant 20 : i32
    %dma_start3A_223 = arith.constant 0 : i32
    %dma_start3A_224 = tpu.memref_slice %arg8[%dma_start3A_221, %dma_start3A_223] : memref<40x128xf32, #tpu.memory_space<vmem>> -> memref<1x128xf32, #tpu.memory_space<vmem>>
    %dma_start3A_225 = tpu.memref_squeeze %dma_start3A_224 : memref<1x128xf32, #tpu.memory_space<vmem>> -> memref<128xf32, #tpu.memory_space<vmem>>
    %dma_start3A_226 = arith.constant 0 : i32
    %dma_start3A_227 = tpu.memref_slice %arg7[%dma_start3A_222, %dma_start3A_226] : memref<40x128xi32, #tpu.memory_space<vmem>> -> memref<1x128xi32, #tpu.memory_space<vmem>>
    %dma_start3A_228 = tpu.memref_squeeze %dma_start3A_227 : memref<1x128xi32, #tpu.memory_space<vmem>> -> memref<128xi32, #tpu.memory_space<vmem>>
    %dma_start3A_229 = arith.constant 0 : i32
    %dma_start3A_230 = tpu.memref_slice %arg10[%dma_start3A_229] : memref<500000xf32, #tpu.memory_space<vmem_shared>> -> memref<500000xf32, #tpu.memory_space<vmem_shared>>
    tpu.enqueue_indirect_dma source(%dma_start3A_225 : memref<128xf32, #tpu.memory_space<vmem>>) target(%dma_start3A_230 : memref<500000xf32, #tpu.memory_space<vmem_shared>>) offsets(%dma_start3A_228 : memref<128xi32, #tpu.memory_space<vmem>>) semaphore(%arg11 : memref<!tpu.dma_semaphore, #tpu.memory_space<semaphore_mem>>) {add = true}
    %dma_start3A_231 = arith.constant 21 : i32
    %dma_start3A_232 = arith.constant 21 : i32
    %dma_start3A_233 = arith.constant 0 : i32
    %dma_start3A_234 = tpu.memref_slice %arg8[%dma_start3A_231, %dma_start3A_233] : memref<40x128xf32, #tpu.memory_space<vmem>> -> memref<1x128xf32, #tpu.memory_space<vmem>>
    %dma_start3A_235 = tpu.memref_squeeze %dma_start3A_234 : memref<1x128xf32, #tpu.memory_space<vmem>> -> memref<128xf32, #tpu.memory_space<vmem>>
    %dma_start3A_236 = arith.constant 0 : i32
    %dma_start3A_237 = tpu.memref_slice %arg7[%dma_start3A_232, %dma_start3A_236] : memref<40x128xi32, #tpu.memory_space<vmem>> -> memref<1x128xi32, #tpu.memory_space<vmem>>
    %dma_start3A_238 = tpu.memref_squeeze %dma_start3A_237 : memref<1x128xi32, #tpu.memory_space<vmem>> -> memref<128xi32, #tpu.memory_space<vmem>>
    %dma_start3A_239 = arith.constant 0 : i32
    %dma_start3A_240 = tpu.memref_slice %arg10[%dma_start3A_239] : memref<500000xf32, #tpu.memory_space<vmem_shared>> -> memref<500000xf32, #tpu.memory_space<vmem_shared>>
    tpu.enqueue_indirect_dma source(%dma_start3A_235 : memref<128xf32, #tpu.memory_space<vmem>>) target(%dma_start3A_240 : memref<500000xf32, #tpu.memory_space<vmem_shared>>) offsets(%dma_start3A_238 : memref<128xi32, #tpu.memory_space<vmem>>) semaphore(%arg11 : memref<!tpu.dma_semaphore, #tpu.memory_space<semaphore_mem>>) {add = true}
    %dma_start3A_241 = arith.constant 22 : i32
    %dma_start3A_242 = arith.constant 22 : i32
    %dma_start3A_243 = arith.constant 0 : i32
    %dma_start3A_244 = tpu.memref_slice %arg8[%dma_start3A_241, %dma_start3A_243] : memref<40x128xf32, #tpu.memory_space<vmem>> -> memref<1x128xf32, #tpu.memory_space<vmem>>
    %dma_start3A_245 = tpu.memref_squeeze %dma_start3A_244 : memref<1x128xf32, #tpu.memory_space<vmem>> -> memref<128xf32, #tpu.memory_space<vmem>>
    %dma_start3A_246 = arith.constant 0 : i32
    %dma_start3A_247 = tpu.memref_slice %arg7[%dma_start3A_242, %dma_start3A_246] : memref<40x128xi32, #tpu.memory_space<vmem>> -> memref<1x128xi32, #tpu.memory_space<vmem>>
    %dma_start3A_248 = tpu.memref_squeeze %dma_start3A_247 : memref<1x128xi32, #tpu.memory_space<vmem>> -> memref<128xi32, #tpu.memory_space<vmem>>
    %dma_start3A_249 = arith.constant 0 : i32
    %dma_start3A_250 = tpu.memref_slice %arg10[%dma_start3A_249] : memref<500000xf32, #tpu.memory_space<vmem_shared>> -> memref<500000xf32, #tpu.memory_space<vmem_shared>>
    tpu.enqueue_indirect_dma source(%dma_start3A_245 : memref<128xf32, #tpu.memory_space<vmem>>) target(%dma_start3A_250 : memref<500000xf32, #tpu.memory_space<vmem_shared>>) offsets(%dma_start3A_248 : memref<128xi32, #tpu.memory_space<vmem>>) semaphore(%arg11 : memref<!tpu.dma_semaphore, #tpu.memory_space<semaphore_mem>>) {add = true}
    %dma_start3A_251 = arith.constant 23 : i32
    %dma_start3A_252 = arith.constant 23 : i32
    %dma_start3A_253 = arith.constant 0 : i32
    %dma_start3A_254 = tpu.memref_slice %arg8[%dma_start3A_251, %dma_start3A_253] : memref<40x128xf32, #tpu.memory_space<vmem>> -> memref<1x128xf32, #tpu.memory_space<vmem>>
    %dma_start3A_255 = tpu.memref_squeeze %dma_start3A_254 : memref<1x128xf32, #tpu.memory_space<vmem>> -> memref<128xf32, #tpu.memory_space<vmem>>
    %dma_start3A_256 = arith.constant 0 : i32
    %dma_start3A_257 = tpu.memref_slice %arg7[%dma_start3A_252, %dma_start3A_256] : memref<40x128xi32, #tpu.memory_space<vmem>> -> memref<1x128xi32, #tpu.memory_space<vmem>>
    %dma_start3A_258 = tpu.memref_squeeze %dma_start3A_257 : memref<1x128xi32, #tpu.memory_space<vmem>> -> memref<128xi32, #tpu.memory_space<vmem>>
    %dma_start3A_259 = arith.constant 0 : i32
    %dma_start3A_260 = tpu.memref_slice %arg10[%dma_start3A_259] : memref<500000xf32, #tpu.memory_space<vmem_shared>> -> memref<500000xf32, #tpu.memory_space<vmem_shared>>
    tpu.enqueue_indirect_dma source(%dma_start3A_255 : memref<128xf32, #tpu.memory_space<vmem>>) target(%dma_start3A_260 : memref<500000xf32, #tpu.memory_space<vmem_shared>>) offsets(%dma_start3A_258 : memref<128xi32, #tpu.memory_space<vmem>>) semaphore(%arg11 : memref<!tpu.dma_semaphore, #tpu.memory_space<semaphore_mem>>) {add = true}
    %dma_start3A_261 = arith.constant 24 : i32
    %dma_start3A_262 = arith.constant 24 : i32
    %dma_start3A_263 = arith.constant 0 : i32
    %dma_start3A_264 = tpu.memref_slice %arg8[%dma_start3A_261, %dma_start3A_263] : memref<40x128xf32, #tpu.memory_space<vmem>> -> memref<1x128xf32, #tpu.memory_space<vmem>>
    %dma_start3A_265 = tpu.memref_squeeze %dma_start3A_264 : memref<1x128xf32, #tpu.memory_space<vmem>> -> memref<128xf32, #tpu.memory_space<vmem>>
    %dma_start3A_266 = arith.constant 0 : i32
    %dma_start3A_267 = tpu.memref_slice %arg7[%dma_start3A_262, %dma_start3A_266] : memref<40x128xi32, #tpu.memory_space<vmem>> -> memref<1x128xi32, #tpu.memory_space<vmem>>
    %dma_start3A_268 = tpu.memref_squeeze %dma_start3A_267 : memref<1x128xi32, #tpu.memory_space<vmem>> -> memref<128xi32, #tpu.memory_space<vmem>>
    %dma_start3A_269 = arith.constant 0 : i32
    %dma_start3A_270 = tpu.memref_slice %arg10[%dma_start3A_269] : memref<500000xf32, #tpu.memory_space<vmem_shared>> -> memref<500000xf32, #tpu.memory_space<vmem_shared>>
    tpu.enqueue_indirect_dma source(%dma_start3A_265 : memref<128xf32, #tpu.memory_space<vmem>>) target(%dma_start3A_270 : memref<500000xf32, #tpu.memory_space<vmem_shared>>) offsets(%dma_start3A_268 : memref<128xi32, #tpu.memory_space<vmem>>) semaphore(%arg11 : memref<!tpu.dma_semaphore, #tpu.memory_space<semaphore_mem>>) {add = true}
    %dma_start3A_271 = arith.constant 25 : i32
    %dma_start3A_272 = arith.constant 25 : i32
    %dma_start3A_273 = arith.constant 0 : i32
    %dma_start3A_274 = tpu.memref_slice %arg8[%dma_start3A_271, %dma_start3A_273] : memref<40x128xf32, #tpu.memory_space<vmem>> -> memref<1x128xf32, #tpu.memory_space<vmem>>
    %dma_start3A_275 = tpu.memref_squeeze %dma_start3A_274 : memref<1x128xf32, #tpu.memory_space<vmem>> -> memref<128xf32, #tpu.memory_space<vmem>>
    %dma_start3A_276 = arith.constant 0 : i32
    %dma_start3A_277 = tpu.memref_slice %arg7[%dma_start3A_272, %dma_start3A_276] : memref<40x128xi32, #tpu.memory_space<vmem>> -> memref<1x128xi32, #tpu.memory_space<vmem>>
    %dma_start3A_278 = tpu.memref_squeeze %dma_start3A_277 : memref<1x128xi32, #tpu.memory_space<vmem>> -> memref<128xi32, #tpu.memory_space<vmem>>
    %dma_start3A_279 = arith.constant 0 : i32
    %dma_start3A_280 = tpu.memref_slice %arg10[%dma_start3A_279] : memref<500000xf32, #tpu.memory_space<vmem_shared>> -> memref<500000xf32, #tpu.memory_space<vmem_shared>>
    tpu.enqueue_indirect_dma source(%dma_start3A_275 : memref<128xf32, #tpu.memory_space<vmem>>) target(%dma_start3A_280 : memref<500000xf32, #tpu.memory_space<vmem_shared>>) offsets(%dma_start3A_278 : memref<128xi32, #tpu.memory_space<vmem>>) semaphore(%arg11 : memref<!tpu.dma_semaphore, #tpu.memory_space<semaphore_mem>>) {add = true}
    %dma_start3A_281 = arith.constant 26 : i32
    %dma_start3A_282 = arith.constant 26 : i32
    %dma_start3A_283 = arith.constant 0 : i32
    %dma_start3A_284 = tpu.memref_slice %arg8[%dma_start3A_281, %dma_start3A_283] : memref<40x128xf32, #tpu.memory_space<vmem>> -> memref<1x128xf32, #tpu.memory_space<vmem>>
    %dma_start3A_285 = tpu.memref_squeeze %dma_start3A_284 : memref<1x128xf32, #tpu.memory_space<vmem>> -> memref<128xf32, #tpu.memory_space<vmem>>
    %dma_start3A_286 = arith.constant 0 : i32
    %dma_start3A_287 = tpu.memref_slice %arg7[%dma_start3A_282, %dma_start3A_286] : memref<40x128xi32, #tpu.memory_space<vmem>> -> memref<1x128xi32, #tpu.memory_space<vmem>>
    %dma_start3A_288 = tpu.memref_squeeze %dma_start3A_287 : memref<1x128xi32, #tpu.memory_space<vmem>> -> memref<128xi32, #tpu.memory_space<vmem>>
    %dma_start3A_289 = arith.constant 0 : i32
    %dma_start3A_290 = tpu.memref_slice %arg10[%dma_start3A_289] : memref<500000xf32, #tpu.memory_space<vmem_shared>> -> memref<500000xf32, #tpu.memory_space<vmem_shared>>
    tpu.enqueue_indirect_dma source(%dma_start3A_285 : memref<128xf32, #tpu.memory_space<vmem>>) target(%dma_start3A_290 : memref<500000xf32, #tpu.memory_space<vmem_shared>>) offsets(%dma_start3A_288 : memref<128xi32, #tpu.memory_space<vmem>>) semaphore(%arg11 : memref<!tpu.dma_semaphore, #tpu.memory_space<semaphore_mem>>) {add = true}
    %dma_start3A_291 = arith.constant 27 : i32
    %dma_start3A_292 = arith.constant 27 : i32
    %dma_start3A_293 = arith.constant 0 : i32
    %dma_start3A_294 = tpu.memref_slice %arg8[%dma_start3A_291, %dma_start3A_293] : memref<40x128xf32, #tpu.memory_space<vmem>> -> memref<1x128xf32, #tpu.memory_space<vmem>>
    %dma_start3A_295 = tpu.memref_squeeze %dma_start3A_294 : memref<1x128xf32, #tpu.memory_space<vmem>> -> memref<128xf32, #tpu.memory_space<vmem>>
    %dma_start3A_296 = arith.constant 0 : i32
    %dma_start3A_297 = tpu.memref_slice %arg7[%dma_start3A_292, %dma_start3A_296] : memref<40x128xi32, #tpu.memory_space<vmem>> -> memref<1x128xi32, #tpu.memory_space<vmem>>
    %dma_start3A_298 = tpu.memref_squeeze %dma_start3A_297 : memref<1x128xi32, #tpu.memory_space<vmem>> -> memref<128xi32, #tpu.memory_space<vmem>>
    %dma_start3A_299 = arith.constant 0 : i32
    %dma_start3A_300 = tpu.memref_slice %arg10[%dma_start3A_299] : memref<500000xf32, #tpu.memory_space<vmem_shared>> -> memref<500000xf32, #tpu.memory_space<vmem_shared>>
    tpu.enqueue_indirect_dma source(%dma_start3A_295 : memref<128xf32, #tpu.memory_space<vmem>>) target(%dma_start3A_300 : memref<500000xf32, #tpu.memory_space<vmem_shared>>) offsets(%dma_start3A_298 : memref<128xi32, #tpu.memory_space<vmem>>) semaphore(%arg11 : memref<!tpu.dma_semaphore, #tpu.memory_space<semaphore_mem>>) {add = true}
    %dma_start3A_301 = arith.constant 28 : i32
    %dma_start3A_302 = arith.constant 28 : i32
    %dma_start3A_303 = arith.constant 0 : i32
    %dma_start3A_304 = tpu.memref_slice %arg8[%dma_start3A_301, %dma_start3A_303] : memref<40x128xf32, #tpu.memory_space<vmem>> -> memref<1x128xf32, #tpu.memory_space<vmem>>
    %dma_start3A_305 = tpu.memref_squeeze %dma_start3A_304 : memref<1x128xf32, #tpu.memory_space<vmem>> -> memref<128xf32, #tpu.memory_space<vmem>>
    %dma_start3A_306 = arith.constant 0 : i32
    %dma_start3A_307 = tpu.memref_slice %arg7[%dma_start3A_302, %dma_start3A_306] : memref<40x128xi32, #tpu.memory_space<vmem>> -> memref<1x128xi32, #tpu.memory_space<vmem>>
    %dma_start3A_308 = tpu.memref_squeeze %dma_start3A_307 : memref<1x128xi32, #tpu.memory_space<vmem>> -> memref<128xi32, #tpu.memory_space<vmem>>
    %dma_start3A_309 = arith.constant 0 : i32
    %dma_start3A_310 = tpu.memref_slice %arg10[%dma_start3A_309] : memref<500000xf32, #tpu.memory_space<vmem_shared>> -> memref<500000xf32, #tpu.memory_space<vmem_shared>>
    tpu.enqueue_indirect_dma source(%dma_start3A_305 : memref<128xf32, #tpu.memory_space<vmem>>) target(%dma_start3A_310 : memref<500000xf32, #tpu.memory_space<vmem_shared>>) offsets(%dma_start3A_308 : memref<128xi32, #tpu.memory_space<vmem>>) semaphore(%arg11 : memref<!tpu.dma_semaphore, #tpu.memory_space<semaphore_mem>>) {add = true}
    %dma_start3A_311 = arith.constant 29 : i32
    %dma_start3A_312 = arith.constant 29 : i32
    %dma_start3A_313 = arith.constant 0 : i32
    %dma_start3A_314 = tpu.memref_slice %arg8[%dma_start3A_311, %dma_start3A_313] : memref<40x128xf32, #tpu.memory_space<vmem>> -> memref<1x128xf32, #tpu.memory_space<vmem>>
    %dma_start3A_315 = tpu.memref_squeeze %dma_start3A_314 : memref<1x128xf32, #tpu.memory_space<vmem>> -> memref<128xf32, #tpu.memory_space<vmem>>
    %dma_start3A_316 = arith.constant 0 : i32
    %dma_start3A_317 = tpu.memref_slice %arg7[%dma_start3A_312, %dma_start3A_316] : memref<40x128xi32, #tpu.memory_space<vmem>> -> memref<1x128xi32, #tpu.memory_space<vmem>>
    %dma_start3A_318 = tpu.memref_squeeze %dma_start3A_317 : memref<1x128xi32, #tpu.memory_space<vmem>> -> memref<128xi32, #tpu.memory_space<vmem>>
    %dma_start3A_319 = arith.constant 0 : i32
    %dma_start3A_320 = tpu.memref_slice %arg10[%dma_start3A_319] : memref<500000xf32, #tpu.memory_space<vmem_shared>> -> memref<500000xf32, #tpu.memory_space<vmem_shared>>
    tpu.enqueue_indirect_dma source(%dma_start3A_315 : memref<128xf32, #tpu.memory_space<vmem>>) target(%dma_start3A_320 : memref<500000xf32, #tpu.memory_space<vmem_shared>>) offsets(%dma_start3A_318 : memref<128xi32, #tpu.memory_space<vmem>>) semaphore(%arg11 : memref<!tpu.dma_semaphore, #tpu.memory_space<semaphore_mem>>) {add = true}
    %dma_start3A_321 = arith.constant 30 : i32
    %dma_start3A_322 = arith.constant 30 : i32
    %dma_start3A_323 = arith.constant 0 : i32
    %dma_start3A_324 = tpu.memref_slice %arg8[%dma_start3A_321, %dma_start3A_323] : memref<40x128xf32, #tpu.memory_space<vmem>> -> memref<1x128xf32, #tpu.memory_space<vmem>>
    %dma_start3A_325 = tpu.memref_squeeze %dma_start3A_324 : memref<1x128xf32, #tpu.memory_space<vmem>> -> memref<128xf32, #tpu.memory_space<vmem>>
    %dma_start3A_326 = arith.constant 0 : i32
    %dma_start3A_327 = tpu.memref_slice %arg7[%dma_start3A_322, %dma_start3A_326] : memref<40x128xi32, #tpu.memory_space<vmem>> -> memref<1x128xi32, #tpu.memory_space<vmem>>
    %dma_start3A_328 = tpu.memref_squeeze %dma_start3A_327 : memref<1x128xi32, #tpu.memory_space<vmem>> -> memref<128xi32, #tpu.memory_space<vmem>>
    %dma_start3A_329 = arith.constant 0 : i32
    %dma_start3A_330 = tpu.memref_slice %arg10[%dma_start3A_329] : memref<500000xf32, #tpu.memory_space<vmem_shared>> -> memref<500000xf32, #tpu.memory_space<vmem_shared>>
    tpu.enqueue_indirect_dma source(%dma_start3A_325 : memref<128xf32, #tpu.memory_space<vmem>>) target(%dma_start3A_330 : memref<500000xf32, #tpu.memory_space<vmem_shared>>) offsets(%dma_start3A_328 : memref<128xi32, #tpu.memory_space<vmem>>) semaphore(%arg11 : memref<!tpu.dma_semaphore, #tpu.memory_space<semaphore_mem>>) {add = true}
    %dma_start3A_331 = arith.constant 31 : i32
    %dma_start3A_332 = arith.constant 31 : i32
    %dma_start3A_333 = arith.constant 0 : i32
    %dma_start3A_334 = tpu.memref_slice %arg8[%dma_start3A_331, %dma_start3A_333] : memref<40x128xf32, #tpu.memory_space<vmem>> -> memref<1x128xf32, #tpu.memory_space<vmem>>
    %dma_start3A_335 = tpu.memref_squeeze %dma_start3A_334 : memref<1x128xf32, #tpu.memory_space<vmem>> -> memref<128xf32, #tpu.memory_space<vmem>>
    %dma_start3A_336 = arith.constant 0 : i32
    %dma_start3A_337 = tpu.memref_slice %arg7[%dma_start3A_332, %dma_start3A_336] : memref<40x128xi32, #tpu.memory_space<vmem>> -> memref<1x128xi32, #tpu.memory_space<vmem>>
    %dma_start3A_338 = tpu.memref_squeeze %dma_start3A_337 : memref<1x128xi32, #tpu.memory_space<vmem>> -> memref<128xi32, #tpu.memory_space<vmem>>
    %dma_start3A_339 = arith.constant 0 : i32
    %dma_start3A_340 = tpu.memref_slice %arg10[%dma_start3A_339] : memref<500000xf32, #tpu.memory_space<vmem_shared>> -> memref<500000xf32, #tpu.memory_space<vmem_shared>>
    tpu.enqueue_indirect_dma source(%dma_start3A_335 : memref<128xf32, #tpu.memory_space<vmem>>) target(%dma_start3A_340 : memref<500000xf32, #tpu.memory_space<vmem_shared>>) offsets(%dma_start3A_338 : memref<128xi32, #tpu.memory_space<vmem>>) semaphore(%arg11 : memref<!tpu.dma_semaphore, #tpu.memory_space<semaphore_mem>>) {add = true}
    %dma_start3A_341 = arith.constant 32 : i32
    %dma_start3A_342 = arith.constant 32 : i32
    %dma_start3A_343 = arith.constant 0 : i32
    %dma_start3A_344 = tpu.memref_slice %arg8[%dma_start3A_341, %dma_start3A_343] : memref<40x128xf32, #tpu.memory_space<vmem>> -> memref<1x128xf32, #tpu.memory_space<vmem>>
    %dma_start3A_345 = tpu.memref_squeeze %dma_start3A_344 : memref<1x128xf32, #tpu.memory_space<vmem>> -> memref<128xf32, #tpu.memory_space<vmem>>
    %dma_start3A_346 = arith.constant 0 : i32
    %dma_start3A_347 = tpu.memref_slice %arg7[%dma_start3A_342, %dma_start3A_346] : memref<40x128xi32, #tpu.memory_space<vmem>> -> memref<1x128xi32, #tpu.memory_space<vmem>>
    %dma_start3A_348 = tpu.memref_squeeze %dma_start3A_347 : memref<1x128xi32, #tpu.memory_space<vmem>> -> memref<128xi32, #tpu.memory_space<vmem>>
    %dma_start3A_349 = arith.constant 0 : i32
    %dma_start3A_350 = tpu.memref_slice %arg10[%dma_start3A_349] : memref<500000xf32, #tpu.memory_space<vmem_shared>> -> memref<500000xf32, #tpu.memory_space<vmem_shared>>
    tpu.enqueue_indirect_dma source(%dma_start3A_345 : memref<128xf32, #tpu.memory_space<vmem>>) target(%dma_start3A_350 : memref<500000xf32, #tpu.memory_space<vmem_shared>>) offsets(%dma_start3A_348 : memref<128xi32, #tpu.memory_space<vmem>>) semaphore(%arg11 : memref<!tpu.dma_semaphore, #tpu.memory_space<semaphore_mem>>) {add = true}
    %dma_start3A_351 = arith.constant 33 : i32
    %dma_start3A_352 = arith.constant 33 : i32
    %dma_start3A_353 = arith.constant 0 : i32
    %dma_start3A_354 = tpu.memref_slice %arg8[%dma_start3A_351, %dma_start3A_353] : memref<40x128xf32, #tpu.memory_space<vmem>> -> memref<1x128xf32, #tpu.memory_space<vmem>>
    %dma_start3A_355 = tpu.memref_squeeze %dma_start3A_354 : memref<1x128xf32, #tpu.memory_space<vmem>> -> memref<128xf32, #tpu.memory_space<vmem>>
    %dma_start3A_356 = arith.constant 0 : i32
    %dma_start3A_357 = tpu.memref_slice %arg7[%dma_start3A_352, %dma_start3A_356] : memref<40x128xi32, #tpu.memory_space<vmem>> -> memref<1x128xi32, #tpu.memory_space<vmem>>
    %dma_start3A_358 = tpu.memref_squeeze %dma_start3A_357 : memref<1x128xi32, #tpu.memory_space<vmem>> -> memref<128xi32, #tpu.memory_space<vmem>>
    %dma_start3A_359 = arith.constant 0 : i32
    %dma_start3A_360 = tpu.memref_slice %arg10[%dma_start3A_359] : memref<500000xf32, #tpu.memory_space<vmem_shared>> -> memref<500000xf32, #tpu.memory_space<vmem_shared>>
    tpu.enqueue_indirect_dma source(%dma_start3A_355 : memref<128xf32, #tpu.memory_space<vmem>>) target(%dma_start3A_360 : memref<500000xf32, #tpu.memory_space<vmem_shared>>) offsets(%dma_start3A_358 : memref<128xi32, #tpu.memory_space<vmem>>) semaphore(%arg11 : memref<!tpu.dma_semaphore, #tpu.memory_space<semaphore_mem>>) {add = true}
    %dma_start3A_361 = arith.constant 34 : i32
    %dma_start3A_362 = arith.constant 34 : i32
    %dma_start3A_363 = arith.constant 0 : i32
    %dma_start3A_364 = tpu.memref_slice %arg8[%dma_start3A_361, %dma_start3A_363] : memref<40x128xf32, #tpu.memory_space<vmem>> -> memref<1x128xf32, #tpu.memory_space<vmem>>
    %dma_start3A_365 = tpu.memref_squeeze %dma_start3A_364 : memref<1x128xf32, #tpu.memory_space<vmem>> -> memref<128xf32, #tpu.memory_space<vmem>>
    %dma_start3A_366 = arith.constant 0 : i32
    %dma_start3A_367 = tpu.memref_slice %arg7[%dma_start3A_362, %dma_start3A_366] : memref<40x128xi32, #tpu.memory_space<vmem>> -> memref<1x128xi32, #tpu.memory_space<vmem>>
    %dma_start3A_368 = tpu.memref_squeeze %dma_start3A_367 : memref<1x128xi32, #tpu.memory_space<vmem>> -> memref<128xi32, #tpu.memory_space<vmem>>
    %dma_start3A_369 = arith.constant 0 : i32
    %dma_start3A_370 = tpu.memref_slice %arg10[%dma_start3A_369] : memref<500000xf32, #tpu.memory_space<vmem_shared>> -> memref<500000xf32, #tpu.memory_space<vmem_shared>>
    tpu.enqueue_indirect_dma source(%dma_start3A_365 : memref<128xf32, #tpu.memory_space<vmem>>) target(%dma_start3A_370 : memref<500000xf32, #tpu.memory_space<vmem_shared>>) offsets(%dma_start3A_368 : memref<128xi32, #tpu.memory_space<vmem>>) semaphore(%arg11 : memref<!tpu.dma_semaphore, #tpu.memory_space<semaphore_mem>>) {add = true}
    %dma_start3A_371 = arith.constant 35 : i32
    %dma_start3A_372 = arith.constant 35 : i32
    %dma_start3A_373 = arith.constant 0 : i32
    %dma_start3A_374 = tpu.memref_slice %arg8[%dma_start3A_371, %dma_start3A_373] : memref<40x128xf32, #tpu.memory_space<vmem>> -> memref<1x128xf32, #tpu.memory_space<vmem>>
    %dma_start3A_375 = tpu.memref_squeeze %dma_start3A_374 : memref<1x128xf32, #tpu.memory_space<vmem>> -> memref<128xf32, #tpu.memory_space<vmem>>
    %dma_start3A_376 = arith.constant 0 : i32
    %dma_start3A_377 = tpu.memref_slice %arg7[%dma_start3A_372, %dma_start3A_376] : memref<40x128xi32, #tpu.memory_space<vmem>> -> memref<1x128xi32, #tpu.memory_space<vmem>>
    %dma_start3A_378 = tpu.memref_squeeze %dma_start3A_377 : memref<1x128xi32, #tpu.memory_space<vmem>> -> memref<128xi32, #tpu.memory_space<vmem>>
    %dma_start3A_379 = arith.constant 0 : i32
    %dma_start3A_380 = tpu.memref_slice %arg10[%dma_start3A_379] : memref<500000xf32, #tpu.memory_space<vmem_shared>> -> memref<500000xf32, #tpu.memory_space<vmem_shared>>
    tpu.enqueue_indirect_dma source(%dma_start3A_375 : memref<128xf32, #tpu.memory_space<vmem>>) target(%dma_start3A_380 : memref<500000xf32, #tpu.memory_space<vmem_shared>>) offsets(%dma_start3A_378 : memref<128xi32, #tpu.memory_space<vmem>>) semaphore(%arg11 : memref<!tpu.dma_semaphore, #tpu.memory_space<semaphore_mem>>) {add = true}
    %dma_start3A_381 = arith.constant 36 : i32
    %dma_start3A_382 = arith.constant 36 : i32
    %dma_start3A_383 = arith.constant 0 : i32
    %dma_start3A_384 = tpu.memref_slice %arg8[%dma_start3A_381, %dma_start3A_383] : memref<40x128xf32, #tpu.memory_space<vmem>> -> memref<1x128xf32, #tpu.memory_space<vmem>>
    %dma_start3A_385 = tpu.memref_squeeze %dma_start3A_384 : memref<1x128xf32, #tpu.memory_space<vmem>> -> memref<128xf32, #tpu.memory_space<vmem>>
    %dma_start3A_386 = arith.constant 0 : i32
    %dma_start3A_387 = tpu.memref_slice %arg7[%dma_start3A_382, %dma_start3A_386] : memref<40x128xi32, #tpu.memory_space<vmem>> -> memref<1x128xi32, #tpu.memory_space<vmem>>
    %dma_start3A_388 = tpu.memref_squeeze %dma_start3A_387 : memref<1x128xi32, #tpu.memory_space<vmem>> -> memref<128xi32, #tpu.memory_space<vmem>>
    %dma_start3A_389 = arith.constant 0 : i32
    %dma_start3A_390 = tpu.memref_slice %arg10[%dma_start3A_389] : memref<500000xf32, #tpu.memory_space<vmem_shared>> -> memref<500000xf32, #tpu.memory_space<vmem_shared>>
    tpu.enqueue_indirect_dma source(%dma_start3A_385 : memref<128xf32, #tpu.memory_space<vmem>>) target(%dma_start3A_390 : memref<500000xf32, #tpu.memory_space<vmem_shared>>) offsets(%dma_start3A_388 : memref<128xi32, #tpu.memory_space<vmem>>) semaphore(%arg11 : memref<!tpu.dma_semaphore, #tpu.memory_space<semaphore_mem>>) {add = true}
    %dma_start3A_391 = arith.constant 37 : i32
    %dma_start3A_392 = arith.constant 37 : i32
    %dma_start3A_393 = arith.constant 0 : i32
    %dma_start3A_394 = tpu.memref_slice %arg8[%dma_start3A_391, %dma_start3A_393] : memref<40x128xf32, #tpu.memory_space<vmem>> -> memref<1x128xf32, #tpu.memory_space<vmem>>
    %dma_start3A_395 = tpu.memref_squeeze %dma_start3A_394 : memref<1x128xf32, #tpu.memory_space<vmem>> -> memref<128xf32, #tpu.memory_space<vmem>>
    %dma_start3A_396 = arith.constant 0 : i32
    %dma_start3A_397 = tpu.memref_slice %arg7[%dma_start3A_392, %dma_start3A_396] : memref<40x128xi32, #tpu.memory_space<vmem>> -> memref<1x128xi32, #tpu.memory_space<vmem>>
    %dma_start3A_398 = tpu.memref_squeeze %dma_start3A_397 : memref<1x128xi32, #tpu.memory_space<vmem>> -> memref<128xi32, #tpu.memory_space<vmem>>
    %dma_start3A_399 = arith.constant 0 : i32
    %dma_start3A_400 = tpu.memref_slice %arg10[%dma_start3A_399] : memref<500000xf32, #tpu.memory_space<vmem_shared>> -> memref<500000xf32, #tpu.memory_space<vmem_shared>>
    tpu.enqueue_indirect_dma source(%dma_start3A_395 : memref<128xf32, #tpu.memory_space<vmem>>) target(%dma_start3A_400 : memref<500000xf32, #tpu.memory_space<vmem_shared>>) offsets(%dma_start3A_398 : memref<128xi32, #tpu.memory_space<vmem>>) semaphore(%arg11 : memref<!tpu.dma_semaphore, #tpu.memory_space<semaphore_mem>>) {add = true}
    %dma_start3A_401 = arith.constant 38 : i32
    %dma_start3A_402 = arith.constant 38 : i32
    %dma_start3A_403 = arith.constant 0 : i32
    %dma_start3A_404 = tpu.memref_slice %arg8[%dma_start3A_401, %dma_start3A_403] : memref<40x128xf32, #tpu.memory_space<vmem>> -> memref<1x128xf32, #tpu.memory_space<vmem>>
    %dma_start3A_405 = tpu.memref_squeeze %dma_start3A_404 : memref<1x128xf32, #tpu.memory_space<vmem>> -> memref<128xf32, #tpu.memory_space<vmem>>
    %dma_start3A_406 = arith.constant 0 : i32
    %dma_start3A_407 = tpu.memref_slice %arg7[%dma_start3A_402, %dma_start3A_406] : memref<40x128xi32, #tpu.memory_space<vmem>> -> memref<1x128xi32, #tpu.memory_space<vmem>>
    %dma_start3A_408 = tpu.memref_squeeze %dma_start3A_407 : memref<1x128xi32, #tpu.memory_space<vmem>> -> memref<128xi32, #tpu.memory_space<vmem>>
    %dma_start3A_409 = arith.constant 0 : i32
    %dma_start3A_410 = tpu.memref_slice %arg10[%dma_start3A_409] : memref<500000xf32, #tpu.memory_space<vmem_shared>> -> memref<500000xf32, #tpu.memory_space<vmem_shared>>
    tpu.enqueue_indirect_dma source(%dma_start3A_405 : memref<128xf32, #tpu.memory_space<vmem>>) target(%dma_start3A_410 : memref<500000xf32, #tpu.memory_space<vmem_shared>>) offsets(%dma_start3A_408 : memref<128xi32, #tpu.memory_space<vmem>>) semaphore(%arg11 : memref<!tpu.dma_semaphore, #tpu.memory_space<semaphore_mem>>) {add = true}
    %dma_start3A_411 = arith.constant 39 : i32
    %dma_start3A_412 = arith.constant 39 : i32
    %dma_start3A_413 = arith.constant 0 : i32
    %dma_start3A_414 = tpu.memref_slice %arg8[%dma_start3A_411, %dma_start3A_413] : memref<40x128xf32, #tpu.memory_space<vmem>> -> memref<1x128xf32, #tpu.memory_space<vmem>>
    %dma_start3A_415 = tpu.memref_squeeze %dma_start3A_414 : memref<1x128xf32, #tpu.memory_space<vmem>> -> memref<128xf32, #tpu.memory_space<vmem>>
    %dma_start3A_416 = arith.constant 0 : i32
    %dma_start3A_417 = tpu.memref_slice %arg7[%dma_start3A_412, %dma_start3A_416] : memref<40x128xi32, #tpu.memory_space<vmem>> -> memref<1x128xi32, #tpu.memory_space<vmem>>
    %dma_start3A_418 = tpu.memref_squeeze %dma_start3A_417 : memref<1x128xi32, #tpu.memory_space<vmem>> -> memref<128xi32, #tpu.memory_space<vmem>>
    %dma_start3A_419 = arith.constant 0 : i32
    %dma_start3A_420 = tpu.memref_slice %arg10[%dma_start3A_419] : memref<500000xf32, #tpu.memory_space<vmem_shared>> -> memref<500000xf32, #tpu.memory_space<vmem_shared>>
    tpu.enqueue_indirect_dma source(%dma_start3A_415 : memref<128xf32, #tpu.memory_space<vmem>>) target(%dma_start3A_420 : memref<500000xf32, #tpu.memory_space<vmem_shared>>) offsets(%dma_start3A_418 : memref<128xi32, #tpu.memory_space<vmem>>) semaphore(%arg11 : memref<!tpu.dma_semaphore, #tpu.memory_space<semaphore_mem>>) {add = true}
    %dma_wait3A = arith.constant 0 : i32
    %dma_wait3A_421 = arith.constant 0 : i32
    %dma_wait3A_422 = arith.constant 0 : i32
    %dma_wait3A_423 = tpu.memref_slice %arg8[%dma_wait3A, %dma_wait3A_422] : memref<40x128xf32, #tpu.memory_space<vmem>> -> memref<1x128xf32, #tpu.memory_space<vmem>>
    %dma_wait3A_424 = tpu.memref_squeeze %dma_wait3A_423 : memref<1x128xf32, #tpu.memory_space<vmem>> -> memref<128xf32, #tpu.memory_space<vmem>>
    %dma_wait3A_425 = arith.constant 0 : i32
    %dma_wait3A_426 = tpu.memref_slice %arg7[%dma_wait3A_421, %dma_wait3A_425] : memref<40x128xi32, #tpu.memory_space<vmem>> -> memref<1x128xi32, #tpu.memory_space<vmem>>
    %dma_wait3A_427 = tpu.memref_squeeze %dma_wait3A_426 : memref<1x128xi32, #tpu.memory_space<vmem>> -> memref<128xi32, #tpu.memory_space<vmem>>
    %dma_wait3A_428 = arith.constant 0 : i32
    %dma_wait3A_429 = tpu.memref_slice %arg10[%dma_wait3A_428] : memref<500000xf32, #tpu.memory_space<vmem_shared>> -> memref<500000xf32, #tpu.memory_space<vmem_shared>>
    tpu.wait_indirect_dma semaphore(%arg11 : memref<!tpu.dma_semaphore, #tpu.memory_space<semaphore_mem>>) src(%dma_wait3A_424 : memref<128xf32, #tpu.memory_space<vmem>>) dst(%dma_wait3A_429 : memref<500000xf32, #tpu.memory_space<vmem_shared>>)
    %dma_wait3A_430 = arith.constant 1 : i32
    %dma_wait3A_431 = arith.constant 1 : i32
    %dma_wait3A_432 = arith.constant 0 : i32
    %dma_wait3A_433 = tpu.memref_slice %arg8[%dma_wait3A_430, %dma_wait3A_432] : memref<40x128xf32, #tpu.memory_space<vmem>> -> memref<1x128xf32, #tpu.memory_space<vmem>>
    %dma_wait3A_434 = tpu.memref_squeeze %dma_wait3A_433 : memref<1x128xf32, #tpu.memory_space<vmem>> -> memref<128xf32, #tpu.memory_space<vmem>>
    %dma_wait3A_435 = arith.constant 0 : i32
    %dma_wait3A_436 = tpu.memref_slice %arg7[%dma_wait3A_431, %dma_wait3A_435] : memref<40x128xi32, #tpu.memory_space<vmem>> -> memref<1x128xi32, #tpu.memory_space<vmem>>
    %dma_wait3A_437 = tpu.memref_squeeze %dma_wait3A_436 : memref<1x128xi32, #tpu.memory_space<vmem>> -> memref<128xi32, #tpu.memory_space<vmem>>
    %dma_wait3A_438 = arith.constant 0 : i32
    %dma_wait3A_439 = tpu.memref_slice %arg10[%dma_wait3A_438] : memref<500000xf32, #tpu.memory_space<vmem_shared>> -> memref<500000xf32, #tpu.memory_space<vmem_shared>>
    tpu.wait_indirect_dma semaphore(%arg11 : memref<!tpu.dma_semaphore, #tpu.memory_space<semaphore_mem>>) src(%dma_wait3A_434 : memref<128xf32, #tpu.memory_space<vmem>>) dst(%dma_wait3A_439 : memref<500000xf32, #tpu.memory_space<vmem_shared>>)
    %dma_wait3A_440 = arith.constant 2 : i32
    %dma_wait3A_441 = arith.constant 2 : i32
    %dma_wait3A_442 = arith.constant 0 : i32
    %dma_wait3A_443 = tpu.memref_slice %arg8[%dma_wait3A_440, %dma_wait3A_442] : memref<40x128xf32, #tpu.memory_space<vmem>> -> memref<1x128xf32, #tpu.memory_space<vmem>>
    %dma_wait3A_444 = tpu.memref_squeeze %dma_wait3A_443 : memref<1x128xf32, #tpu.memory_space<vmem>> -> memref<128xf32, #tpu.memory_space<vmem>>
    %dma_wait3A_445 = arith.constant 0 : i32
    %dma_wait3A_446 = tpu.memref_slice %arg7[%dma_wait3A_441, %dma_wait3A_445] : memref<40x128xi32, #tpu.memory_space<vmem>> -> memref<1x128xi32, #tpu.memory_space<vmem>>
    %dma_wait3A_447 = tpu.memref_squeeze %dma_wait3A_446 : memref<1x128xi32, #tpu.memory_space<vmem>> -> memref<128xi32, #tpu.memory_space<vmem>>
    %dma_wait3A_448 = arith.constant 0 : i32
    %dma_wait3A_449 = tpu.memref_slice %arg10[%dma_wait3A_448] : memref<500000xf32, #tpu.memory_space<vmem_shared>> -> memref<500000xf32, #tpu.memory_space<vmem_shared>>
    tpu.wait_indirect_dma semaphore(%arg11 : memref<!tpu.dma_semaphore, #tpu.memory_space<semaphore_mem>>) src(%dma_wait3A_444 : memref<128xf32, #tpu.memory_space<vmem>>) dst(%dma_wait3A_449 : memref<500000xf32, #tpu.memory_space<vmem_shared>>)
    %dma_wait3A_450 = arith.constant 3 : i32
    %dma_wait3A_451 = arith.constant 3 : i32
    %dma_wait3A_452 = arith.constant 0 : i32
    %dma_wait3A_453 = tpu.memref_slice %arg8[%dma_wait3A_450, %dma_wait3A_452] : memref<40x128xf32, #tpu.memory_space<vmem>> -> memref<1x128xf32, #tpu.memory_space<vmem>>
    %dma_wait3A_454 = tpu.memref_squeeze %dma_wait3A_453 : memref<1x128xf32, #tpu.memory_space<vmem>> -> memref<128xf32, #tpu.memory_space<vmem>>
    %dma_wait3A_455 = arith.constant 0 : i32
    %dma_wait3A_456 = tpu.memref_slice %arg7[%dma_wait3A_451, %dma_wait3A_455] : memref<40x128xi32, #tpu.memory_space<vmem>> -> memref<1x128xi32, #tpu.memory_space<vmem>>
    %dma_wait3A_457 = tpu.memref_squeeze %dma_wait3A_456 : memref<1x128xi32, #tpu.memory_space<vmem>> -> memref<128xi32, #tpu.memory_space<vmem>>
    %dma_wait3A_458 = arith.constant 0 : i32
    %dma_wait3A_459 = tpu.memref_slice %arg10[%dma_wait3A_458] : memref<500000xf32, #tpu.memory_space<vmem_shared>> -> memref<500000xf32, #tpu.memory_space<vmem_shared>>
    tpu.wait_indirect_dma semaphore(%arg11 : memref<!tpu.dma_semaphore, #tpu.memory_space<semaphore_mem>>) src(%dma_wait3A_454 : memref<128xf32, #tpu.memory_space<vmem>>) dst(%dma_wait3A_459 : memref<500000xf32, #tpu.memory_space<vmem_shared>>)
    %dma_wait3A_460 = arith.constant 4 : i32
    %dma_wait3A_461 = arith.constant 4 : i32
    %dma_wait3A_462 = arith.constant 0 : i32
    %dma_wait3A_463 = tpu.memref_slice %arg8[%dma_wait3A_460, %dma_wait3A_462] : memref<40x128xf32, #tpu.memory_space<vmem>> -> memref<1x128xf32, #tpu.memory_space<vmem>>
    %dma_wait3A_464 = tpu.memref_squeeze %dma_wait3A_463 : memref<1x128xf32, #tpu.memory_space<vmem>> -> memref<128xf32, #tpu.memory_space<vmem>>
    %dma_wait3A_465 = arith.constant 0 : i32
    %dma_wait3A_466 = tpu.memref_slice %arg7[%dma_wait3A_461, %dma_wait3A_465] : memref<40x128xi32, #tpu.memory_space<vmem>> -> memref<1x128xi32, #tpu.memory_space<vmem>>
    %dma_wait3A_467 = tpu.memref_squeeze %dma_wait3A_466 : memref<1x128xi32, #tpu.memory_space<vmem>> -> memref<128xi32, #tpu.memory_space<vmem>>
    %dma_wait3A_468 = arith.constant 0 : i32
    %dma_wait3A_469 = tpu.memref_slice %arg10[%dma_wait3A_468] : memref<500000xf32, #tpu.memory_space<vmem_shared>> -> memref<500000xf32, #tpu.memory_space<vmem_shared>>
    tpu.wait_indirect_dma semaphore(%arg11 : memref<!tpu.dma_semaphore, #tpu.memory_space<semaphore_mem>>) src(%dma_wait3A_464 : memref<128xf32, #tpu.memory_space<vmem>>) dst(%dma_wait3A_469 : memref<500000xf32, #tpu.memory_space<vmem_shared>>)
    %dma_wait3A_470 = arith.constant 5 : i32
    %dma_wait3A_471 = arith.constant 5 : i32
    %dma_wait3A_472 = arith.constant 0 : i32
    %dma_wait3A_473 = tpu.memref_slice %arg8[%dma_wait3A_470, %dma_wait3A_472] : memref<40x128xf32, #tpu.memory_space<vmem>> -> memref<1x128xf32, #tpu.memory_space<vmem>>
    %dma_wait3A_474 = tpu.memref_squeeze %dma_wait3A_473 : memref<1x128xf32, #tpu.memory_space<vmem>> -> memref<128xf32, #tpu.memory_space<vmem>>
    %dma_wait3A_475 = arith.constant 0 : i32
    %dma_wait3A_476 = tpu.memref_slice %arg7[%dma_wait3A_471, %dma_wait3A_475] : memref<40x128xi32, #tpu.memory_space<vmem>> -> memref<1x128xi32, #tpu.memory_space<vmem>>
    %dma_wait3A_477 = tpu.memref_squeeze %dma_wait3A_476 : memref<1x128xi32, #tpu.memory_space<vmem>> -> memref<128xi32, #tpu.memory_space<vmem>>
    %dma_wait3A_478 = arith.constant 0 : i32
    %dma_wait3A_479 = tpu.memref_slice %arg10[%dma_wait3A_478] : memref<500000xf32, #tpu.memory_space<vmem_shared>> -> memref<500000xf32, #tpu.memory_space<vmem_shared>>
    tpu.wait_indirect_dma semaphore(%arg11 : memref<!tpu.dma_semaphore, #tpu.memory_space<semaphore_mem>>) src(%dma_wait3A_474 : memref<128xf32, #tpu.memory_space<vmem>>) dst(%dma_wait3A_479 : memref<500000xf32, #tpu.memory_space<vmem_shared>>)
    %dma_wait3A_480 = arith.constant 6 : i32
    %dma_wait3A_481 = arith.constant 6 : i32
    %dma_wait3A_482 = arith.constant 0 : i32
    %dma_wait3A_483 = tpu.memref_slice %arg8[%dma_wait3A_480, %dma_wait3A_482] : memref<40x128xf32, #tpu.memory_space<vmem>> -> memref<1x128xf32, #tpu.memory_space<vmem>>
    %dma_wait3A_484 = tpu.memref_squeeze %dma_wait3A_483 : memref<1x128xf32, #tpu.memory_space<vmem>> -> memref<128xf32, #tpu.memory_space<vmem>>
    %dma_wait3A_485 = arith.constant 0 : i32
    %dma_wait3A_486 = tpu.memref_slice %arg7[%dma_wait3A_481, %dma_wait3A_485] : memref<40x128xi32, #tpu.memory_space<vmem>> -> memref<1x128xi32, #tpu.memory_space<vmem>>
    %dma_wait3A_487 = tpu.memref_squeeze %dma_wait3A_486 : memref<1x128xi32, #tpu.memory_space<vmem>> -> memref<128xi32, #tpu.memory_space<vmem>>
    %dma_wait3A_488 = arith.constant 0 : i32
    %dma_wait3A_489 = tpu.memref_slice %arg10[%dma_wait3A_488] : memref<500000xf32, #tpu.memory_space<vmem_shared>> -> memref<500000xf32, #tpu.memory_space<vmem_shared>>
    tpu.wait_indirect_dma semaphore(%arg11 : memref<!tpu.dma_semaphore, #tpu.memory_space<semaphore_mem>>) src(%dma_wait3A_484 : memref<128xf32, #tpu.memory_space<vmem>>) dst(%dma_wait3A_489 : memref<500000xf32, #tpu.memory_space<vmem_shared>>)
    %dma_wait3A_490 = arith.constant 7 : i32
    %dma_wait3A_491 = arith.constant 7 : i32
    %dma_wait3A_492 = arith.constant 0 : i32
    %dma_wait3A_493 = tpu.memref_slice %arg8[%dma_wait3A_490, %dma_wait3A_492] : memref<40x128xf32, #tpu.memory_space<vmem>> -> memref<1x128xf32, #tpu.memory_space<vmem>>
    %dma_wait3A_494 = tpu.memref_squeeze %dma_wait3A_493 : memref<1x128xf32, #tpu.memory_space<vmem>> -> memref<128xf32, #tpu.memory_space<vmem>>
    %dma_wait3A_495 = arith.constant 0 : i32
    %dma_wait3A_496 = tpu.memref_slice %arg7[%dma_wait3A_491, %dma_wait3A_495] : memref<40x128xi32, #tpu.memory_space<vmem>> -> memref<1x128xi32, #tpu.memory_space<vmem>>
    %dma_wait3A_497 = tpu.memref_squeeze %dma_wait3A_496 : memref<1x128xi32, #tpu.memory_space<vmem>> -> memref<128xi32, #tpu.memory_space<vmem>>
    %dma_wait3A_498 = arith.constant 0 : i32
    %dma_wait3A_499 = tpu.memref_slice %arg10[%dma_wait3A_498] : memref<500000xf32, #tpu.memory_space<vmem_shared>> -> memref<500000xf32, #tpu.memory_space<vmem_shared>>
    tpu.wait_indirect_dma semaphore(%arg11 : memref<!tpu.dma_semaphore, #tpu.memory_space<semaphore_mem>>) src(%dma_wait3A_494 : memref<128xf32, #tpu.memory_space<vmem>>) dst(%dma_wait3A_499 : memref<500000xf32, #tpu.memory_space<vmem_shared>>)
    %dma_wait3A_500 = arith.constant 8 : i32
    %dma_wait3A_501 = arith.constant 8 : i32
    %dma_wait3A_502 = arith.constant 0 : i32
    %dma_wait3A_503 = tpu.memref_slice %arg8[%dma_wait3A_500, %dma_wait3A_502] : memref<40x128xf32, #tpu.memory_space<vmem>> -> memref<1x128xf32, #tpu.memory_space<vmem>>
    %dma_wait3A_504 = tpu.memref_squeeze %dma_wait3A_503 : memref<1x128xf32, #tpu.memory_space<vmem>> -> memref<128xf32, #tpu.memory_space<vmem>>
    %dma_wait3A_505 = arith.constant 0 : i32
    %dma_wait3A_506 = tpu.memref_slice %arg7[%dma_wait3A_501, %dma_wait3A_505] : memref<40x128xi32, #tpu.memory_space<vmem>> -> memref<1x128xi32, #tpu.memory_space<vmem>>
    %dma_wait3A_507 = tpu.memref_squeeze %dma_wait3A_506 : memref<1x128xi32, #tpu.memory_space<vmem>> -> memref<128xi32, #tpu.memory_space<vmem>>
    %dma_wait3A_508 = arith.constant 0 : i32
    %dma_wait3A_509 = tpu.memref_slice %arg10[%dma_wait3A_508] : memref<500000xf32, #tpu.memory_space<vmem_shared>> -> memref<500000xf32, #tpu.memory_space<vmem_shared>>
    tpu.wait_indirect_dma semaphore(%arg11 : memref<!tpu.dma_semaphore, #tpu.memory_space<semaphore_mem>>) src(%dma_wait3A_504 : memref<128xf32, #tpu.memory_space<vmem>>) dst(%dma_wait3A_509 : memref<500000xf32, #tpu.memory_space<vmem_shared>>)
    %dma_wait3A_510 = arith.constant 9 : i32
    %dma_wait3A_511 = arith.constant 9 : i32
    %dma_wait3A_512 = arith.constant 0 : i32
    %dma_wait3A_513 = tpu.memref_slice %arg8[%dma_wait3A_510, %dma_wait3A_512] : memref<40x128xf32, #tpu.memory_space<vmem>> -> memref<1x128xf32, #tpu.memory_space<vmem>>
    %dma_wait3A_514 = tpu.memref_squeeze %dma_wait3A_513 : memref<1x128xf32, #tpu.memory_space<vmem>> -> memref<128xf32, #tpu.memory_space<vmem>>
    %dma_wait3A_515 = arith.constant 0 : i32
    %dma_wait3A_516 = tpu.memref_slice %arg7[%dma_wait3A_511, %dma_wait3A_515] : memref<40x128xi32, #tpu.memory_space<vmem>> -> memref<1x128xi32, #tpu.memory_space<vmem>>
    %dma_wait3A_517 = tpu.memref_squeeze %dma_wait3A_516 : memref<1x128xi32, #tpu.memory_space<vmem>> -> memref<128xi32, #tpu.memory_space<vmem>>
    %dma_wait3A_518 = arith.constant 0 : i32
    %dma_wait3A_519 = tpu.memref_slice %arg10[%dma_wait3A_518] : memref<500000xf32, #tpu.memory_space<vmem_shared>> -> memref<500000xf32, #tpu.memory_space<vmem_shared>>
    tpu.wait_indirect_dma semaphore(%arg11 : memref<!tpu.dma_semaphore, #tpu.memory_space<semaphore_mem>>) src(%dma_wait3A_514 : memref<128xf32, #tpu.memory_space<vmem>>) dst(%dma_wait3A_519 : memref<500000xf32, #tpu.memory_space<vmem_shared>>)
    %dma_wait3A_520 = arith.constant 10 : i32
    %dma_wait3A_521 = arith.constant 10 : i32
    %dma_wait3A_522 = arith.constant 0 : i32
    %dma_wait3A_523 = tpu.memref_slice %arg8[%dma_wait3A_520, %dma_wait3A_522] : memref<40x128xf32, #tpu.memory_space<vmem>> -> memref<1x128xf32, #tpu.memory_space<vmem>>
    %dma_wait3A_524 = tpu.memref_squeeze %dma_wait3A_523 : memref<1x128xf32, #tpu.memory_space<vmem>> -> memref<128xf32, #tpu.memory_space<vmem>>
    %dma_wait3A_525 = arith.constant 0 : i32
    %dma_wait3A_526 = tpu.memref_slice %arg7[%dma_wait3A_521, %dma_wait3A_525] : memref<40x128xi32, #tpu.memory_space<vmem>> -> memref<1x128xi32, #tpu.memory_space<vmem>>
    %dma_wait3A_527 = tpu.memref_squeeze %dma_wait3A_526 : memref<1x128xi32, #tpu.memory_space<vmem>> -> memref<128xi32, #tpu.memory_space<vmem>>
    %dma_wait3A_528 = arith.constant 0 : i32
    %dma_wait3A_529 = tpu.memref_slice %arg10[%dma_wait3A_528] : memref<500000xf32, #tpu.memory_space<vmem_shared>> -> memref<500000xf32, #tpu.memory_space<vmem_shared>>
    tpu.wait_indirect_dma semaphore(%arg11 : memref<!tpu.dma_semaphore, #tpu.memory_space<semaphore_mem>>) src(%dma_wait3A_524 : memref<128xf32, #tpu.memory_space<vmem>>) dst(%dma_wait3A_529 : memref<500000xf32, #tpu.memory_space<vmem_shared>>)
    %dma_wait3A_530 = arith.constant 11 : i32
    %dma_wait3A_531 = arith.constant 11 : i32
    %dma_wait3A_532 = arith.constant 0 : i32
    %dma_wait3A_533 = tpu.memref_slice %arg8[%dma_wait3A_530, %dma_wait3A_532] : memref<40x128xf32, #tpu.memory_space<vmem>> -> memref<1x128xf32, #tpu.memory_space<vmem>>
    %dma_wait3A_534 = tpu.memref_squeeze %dma_wait3A_533 : memref<1x128xf32, #tpu.memory_space<vmem>> -> memref<128xf32, #tpu.memory_space<vmem>>
    %dma_wait3A_535 = arith.constant 0 : i32
    %dma_wait3A_536 = tpu.memref_slice %arg7[%dma_wait3A_531, %dma_wait3A_535] : memref<40x128xi32, #tpu.memory_space<vmem>> -> memref<1x128xi32, #tpu.memory_space<vmem>>
    %dma_wait3A_537 = tpu.memref_squeeze %dma_wait3A_536 : memref<1x128xi32, #tpu.memory_space<vmem>> -> memref<128xi32, #tpu.memory_space<vmem>>
    %dma_wait3A_538 = arith.constant 0 : i32
    %dma_wait3A_539 = tpu.memref_slice %arg10[%dma_wait3A_538] : memref<500000xf32, #tpu.memory_space<vmem_shared>> -> memref<500000xf32, #tpu.memory_space<vmem_shared>>
    tpu.wait_indirect_dma semaphore(%arg11 : memref<!tpu.dma_semaphore, #tpu.memory_space<semaphore_mem>>) src(%dma_wait3A_534 : memref<128xf32, #tpu.memory_space<vmem>>) dst(%dma_wait3A_539 : memref<500000xf32, #tpu.memory_space<vmem_shared>>)
    %dma_wait3A_540 = arith.constant 12 : i32
    %dma_wait3A_541 = arith.constant 12 : i32
    %dma_wait3A_542 = arith.constant 0 : i32
    %dma_wait3A_543 = tpu.memref_slice %arg8[%dma_wait3A_540, %dma_wait3A_542] : memref<40x128xf32, #tpu.memory_space<vmem>> -> memref<1x128xf32, #tpu.memory_space<vmem>>
    %dma_wait3A_544 = tpu.memref_squeeze %dma_wait3A_543 : memref<1x128xf32, #tpu.memory_space<vmem>> -> memref<128xf32, #tpu.memory_space<vmem>>
    %dma_wait3A_545 = arith.constant 0 : i32
    %dma_wait3A_546 = tpu.memref_slice %arg7[%dma_wait3A_541, %dma_wait3A_545] : memref<40x128xi32, #tpu.memory_space<vmem>> -> memref<1x128xi32, #tpu.memory_space<vmem>>
    %dma_wait3A_547 = tpu.memref_squeeze %dma_wait3A_546 : memref<1x128xi32, #tpu.memory_space<vmem>> -> memref<128xi32, #tpu.memory_space<vmem>>
    %dma_wait3A_548 = arith.constant 0 : i32
    %dma_wait3A_549 = tpu.memref_slice %arg10[%dma_wait3A_548] : memref<500000xf32, #tpu.memory_space<vmem_shared>> -> memref<500000xf32, #tpu.memory_space<vmem_shared>>
    tpu.wait_indirect_dma semaphore(%arg11 : memref<!tpu.dma_semaphore, #tpu.memory_space<semaphore_mem>>) src(%dma_wait3A_544 : memref<128xf32, #tpu.memory_space<vmem>>) dst(%dma_wait3A_549 : memref<500000xf32, #tpu.memory_space<vmem_shared>>)
    %dma_wait3A_550 = arith.constant 13 : i32
    %dma_wait3A_551 = arith.constant 13 : i32
    %dma_wait3A_552 = arith.constant 0 : i32
    %dma_wait3A_553 = tpu.memref_slice %arg8[%dma_wait3A_550, %dma_wait3A_552] : memref<40x128xf32, #tpu.memory_space<vmem>> -> memref<1x128xf32, #tpu.memory_space<vmem>>
    %dma_wait3A_554 = tpu.memref_squeeze %dma_wait3A_553 : memref<1x128xf32, #tpu.memory_space<vmem>> -> memref<128xf32, #tpu.memory_space<vmem>>
    %dma_wait3A_555 = arith.constant 0 : i32
    %dma_wait3A_556 = tpu.memref_slice %arg7[%dma_wait3A_551, %dma_wait3A_555] : memref<40x128xi32, #tpu.memory_space<vmem>> -> memref<1x128xi32, #tpu.memory_space<vmem>>
    %dma_wait3A_557 = tpu.memref_squeeze %dma_wait3A_556 : memref<1x128xi32, #tpu.memory_space<vmem>> -> memref<128xi32, #tpu.memory_space<vmem>>
    %dma_wait3A_558 = arith.constant 0 : i32
    %dma_wait3A_559 = tpu.memref_slice %arg10[%dma_wait3A_558] : memref<500000xf32, #tpu.memory_space<vmem_shared>> -> memref<500000xf32, #tpu.memory_space<vmem_shared>>
    tpu.wait_indirect_dma semaphore(%arg11 : memref<!tpu.dma_semaphore, #tpu.memory_space<semaphore_mem>>) src(%dma_wait3A_554 : memref<128xf32, #tpu.memory_space<vmem>>) dst(%dma_wait3A_559 : memref<500000xf32, #tpu.memory_space<vmem_shared>>)
    %dma_wait3A_560 = arith.constant 14 : i32
    %dma_wait3A_561 = arith.constant 14 : i32
    %dma_wait3A_562 = arith.constant 0 : i32
    %dma_wait3A_563 = tpu.memref_slice %arg8[%dma_wait3A_560, %dma_wait3A_562] : memref<40x128xf32, #tpu.memory_space<vmem>> -> memref<1x128xf32, #tpu.memory_space<vmem>>
    %dma_wait3A_564 = tpu.memref_squeeze %dma_wait3A_563 : memref<1x128xf32, #tpu.memory_space<vmem>> -> memref<128xf32, #tpu.memory_space<vmem>>
    %dma_wait3A_565 = arith.constant 0 : i32
    %dma_wait3A_566 = tpu.memref_slice %arg7[%dma_wait3A_561, %dma_wait3A_565] : memref<40x128xi32, #tpu.memory_space<vmem>> -> memref<1x128xi32, #tpu.memory_space<vmem>>
    %dma_wait3A_567 = tpu.memref_squeeze %dma_wait3A_566 : memref<1x128xi32, #tpu.memory_space<vmem>> -> memref<128xi32, #tpu.memory_space<vmem>>
    %dma_wait3A_568 = arith.constant 0 : i32
    %dma_wait3A_569 = tpu.memref_slice %arg10[%dma_wait3A_568] : memref<500000xf32, #tpu.memory_space<vmem_shared>> -> memref<500000xf32, #tpu.memory_space<vmem_shared>>
    tpu.wait_indirect_dma semaphore(%arg11 : memref<!tpu.dma_semaphore, #tpu.memory_space<semaphore_mem>>) src(%dma_wait3A_564 : memref<128xf32, #tpu.memory_space<vmem>>) dst(%dma_wait3A_569 : memref<500000xf32, #tpu.memory_space<vmem_shared>>)
    %dma_wait3A_570 = arith.constant 15 : i32
    %dma_wait3A_571 = arith.constant 15 : i32
    %dma_wait3A_572 = arith.constant 0 : i32
    %dma_wait3A_573 = tpu.memref_slice %arg8[%dma_wait3A_570, %dma_wait3A_572] : memref<40x128xf32, #tpu.memory_space<vmem>> -> memref<1x128xf32, #tpu.memory_space<vmem>>
    %dma_wait3A_574 = tpu.memref_squeeze %dma_wait3A_573 : memref<1x128xf32, #tpu.memory_space<vmem>> -> memref<128xf32, #tpu.memory_space<vmem>>
    %dma_wait3A_575 = arith.constant 0 : i32
    %dma_wait3A_576 = tpu.memref_slice %arg7[%dma_wait3A_571, %dma_wait3A_575] : memref<40x128xi32, #tpu.memory_space<vmem>> -> memref<1x128xi32, #tpu.memory_space<vmem>>
    %dma_wait3A_577 = tpu.memref_squeeze %dma_wait3A_576 : memref<1x128xi32, #tpu.memory_space<vmem>> -> memref<128xi32, #tpu.memory_space<vmem>>
    %dma_wait3A_578 = arith.constant 0 : i32
    %dma_wait3A_579 = tpu.memref_slice %arg10[%dma_wait3A_578] : memref<500000xf32, #tpu.memory_space<vmem_shared>> -> memref<500000xf32, #tpu.memory_space<vmem_shared>>
    tpu.wait_indirect_dma semaphore(%arg11 : memref<!tpu.dma_semaphore, #tpu.memory_space<semaphore_mem>>) src(%dma_wait3A_574 : memref<128xf32, #tpu.memory_space<vmem>>) dst(%dma_wait3A_579 : memref<500000xf32, #tpu.memory_space<vmem_shared>>)
    %dma_wait3A_580 = arith.constant 16 : i32
    %dma_wait3A_581 = arith.constant 16 : i32
    %dma_wait3A_582 = arith.constant 0 : i32
    %dma_wait3A_583 = tpu.memref_slice %arg8[%dma_wait3A_580, %dma_wait3A_582] : memref<40x128xf32, #tpu.memory_space<vmem>> -> memref<1x128xf32, #tpu.memory_space<vmem>>
    %dma_wait3A_584 = tpu.memref_squeeze %dma_wait3A_583 : memref<1x128xf32, #tpu.memory_space<vmem>> -> memref<128xf32, #tpu.memory_space<vmem>>
    %dma_wait3A_585 = arith.constant 0 : i32
    %dma_wait3A_586 = tpu.memref_slice %arg7[%dma_wait3A_581, %dma_wait3A_585] : memref<40x128xi32, #tpu.memory_space<vmem>> -> memref<1x128xi32, #tpu.memory_space<vmem>>
    %dma_wait3A_587 = tpu.memref_squeeze %dma_wait3A_586 : memref<1x128xi32, #tpu.memory_space<vmem>> -> memref<128xi32, #tpu.memory_space<vmem>>
    %dma_wait3A_588 = arith.constant 0 : i32
    %dma_wait3A_589 = tpu.memref_slice %arg10[%dma_wait3A_588] : memref<500000xf32, #tpu.memory_space<vmem_shared>> -> memref<500000xf32, #tpu.memory_space<vmem_shared>>
    tpu.wait_indirect_dma semaphore(%arg11 : memref<!tpu.dma_semaphore, #tpu.memory_space<semaphore_mem>>) src(%dma_wait3A_584 : memref<128xf32, #tpu.memory_space<vmem>>) dst(%dma_wait3A_589 : memref<500000xf32, #tpu.memory_space<vmem_shared>>)
    %dma_wait3A_590 = arith.constant 17 : i32
    %dma_wait3A_591 = arith.constant 17 : i32
    %dma_wait3A_592 = arith.constant 0 : i32
    %dma_wait3A_593 = tpu.memref_slice %arg8[%dma_wait3A_590, %dma_wait3A_592] : memref<40x128xf32, #tpu.memory_space<vmem>> -> memref<1x128xf32, #tpu.memory_space<vmem>>
    %dma_wait3A_594 = tpu.memref_squeeze %dma_wait3A_593 : memref<1x128xf32, #tpu.memory_space<vmem>> -> memref<128xf32, #tpu.memory_space<vmem>>
    %dma_wait3A_595 = arith.constant 0 : i32
    %dma_wait3A_596 = tpu.memref_slice %arg7[%dma_wait3A_591, %dma_wait3A_595] : memref<40x128xi32, #tpu.memory_space<vmem>> -> memref<1x128xi32, #tpu.memory_space<vmem>>
    %dma_wait3A_597 = tpu.memref_squeeze %dma_wait3A_596 : memref<1x128xi32, #tpu.memory_space<vmem>> -> memref<128xi32, #tpu.memory_space<vmem>>
    %dma_wait3A_598 = arith.constant 0 : i32
    %dma_wait3A_599 = tpu.memref_slice %arg10[%dma_wait3A_598] : memref<500000xf32, #tpu.memory_space<vmem_shared>> -> memref<500000xf32, #tpu.memory_space<vmem_shared>>
    tpu.wait_indirect_dma semaphore(%arg11 : memref<!tpu.dma_semaphore, #tpu.memory_space<semaphore_mem>>) src(%dma_wait3A_594 : memref<128xf32, #tpu.memory_space<vmem>>) dst(%dma_wait3A_599 : memref<500000xf32, #tpu.memory_space<vmem_shared>>)
    %dma_wait3A_600 = arith.constant 18 : i32
    %dma_wait3A_601 = arith.constant 18 : i32
    %dma_wait3A_602 = arith.constant 0 : i32
    %dma_wait3A_603 = tpu.memref_slice %arg8[%dma_wait3A_600, %dma_wait3A_602] : memref<40x128xf32, #tpu.memory_space<vmem>> -> memref<1x128xf32, #tpu.memory_space<vmem>>
    %dma_wait3A_604 = tpu.memref_squeeze %dma_wait3A_603 : memref<1x128xf32, #tpu.memory_space<vmem>> -> memref<128xf32, #tpu.memory_space<vmem>>
    %dma_wait3A_605 = arith.constant 0 : i32
    %dma_wait3A_606 = tpu.memref_slice %arg7[%dma_wait3A_601, %dma_wait3A_605] : memref<40x128xi32, #tpu.memory_space<vmem>> -> memref<1x128xi32, #tpu.memory_space<vmem>>
    %dma_wait3A_607 = tpu.memref_squeeze %dma_wait3A_606 : memref<1x128xi32, #tpu.memory_space<vmem>> -> memref<128xi32, #tpu.memory_space<vmem>>
    %dma_wait3A_608 = arith.constant 0 : i32
    %dma_wait3A_609 = tpu.memref_slice %arg10[%dma_wait3A_608] : memref<500000xf32, #tpu.memory_space<vmem_shared>> -> memref<500000xf32, #tpu.memory_space<vmem_shared>>
    tpu.wait_indirect_dma semaphore(%arg11 : memref<!tpu.dma_semaphore, #tpu.memory_space<semaphore_mem>>) src(%dma_wait3A_604 : memref<128xf32, #tpu.memory_space<vmem>>) dst(%dma_wait3A_609 : memref<500000xf32, #tpu.memory_space<vmem_shared>>)
    %dma_wait3A_610 = arith.constant 19 : i32
    %dma_wait3A_611 = arith.constant 19 : i32
    %dma_wait3A_612 = arith.constant 0 : i32
    %dma_wait3A_613 = tpu.memref_slice %arg8[%dma_wait3A_610, %dma_wait3A_612] : memref<40x128xf32, #tpu.memory_space<vmem>> -> memref<1x128xf32, #tpu.memory_space<vmem>>
    %dma_wait3A_614 = tpu.memref_squeeze %dma_wait3A_613 : memref<1x128xf32, #tpu.memory_space<vmem>> -> memref<128xf32, #tpu.memory_space<vmem>>
    %dma_wait3A_615 = arith.constant 0 : i32
    %dma_wait3A_616 = tpu.memref_slice %arg7[%dma_wait3A_611, %dma_wait3A_615] : memref<40x128xi32, #tpu.memory_space<vmem>> -> memref<1x128xi32, #tpu.memory_space<vmem>>
    %dma_wait3A_617 = tpu.memref_squeeze %dma_wait3A_616 : memref<1x128xi32, #tpu.memory_space<vmem>> -> memref<128xi32, #tpu.memory_space<vmem>>
    %dma_wait3A_618 = arith.constant 0 : i32
    %dma_wait3A_619 = tpu.memref_slice %arg10[%dma_wait3A_618] : memref<500000xf32, #tpu.memory_space<vmem_shared>> -> memref<500000xf32, #tpu.memory_space<vmem_shared>>
    tpu.wait_indirect_dma semaphore(%arg11 : memref<!tpu.dma_semaphore, #tpu.memory_space<semaphore_mem>>) src(%dma_wait3A_614 : memref<128xf32, #tpu.memory_space<vmem>>) dst(%dma_wait3A_619 : memref<500000xf32, #tpu.memory_space<vmem_shared>>)
    %dma_wait3A_620 = arith.constant 20 : i32
    %dma_wait3A_621 = arith.constant 20 : i32
    %dma_wait3A_622 = arith.constant 0 : i32
    %dma_wait3A_623 = tpu.memref_slice %arg8[%dma_wait3A_620, %dma_wait3A_622] : memref<40x128xf32, #tpu.memory_space<vmem>> -> memref<1x128xf32, #tpu.memory_space<vmem>>
    %dma_wait3A_624 = tpu.memref_squeeze %dma_wait3A_623 : memref<1x128xf32, #tpu.memory_space<vmem>> -> memref<128xf32, #tpu.memory_space<vmem>>
    %dma_wait3A_625 = arith.constant 0 : i32
    %dma_wait3A_626 = tpu.memref_slice %arg7[%dma_wait3A_621, %dma_wait3A_625] : memref<40x128xi32, #tpu.memory_space<vmem>> -> memref<1x128xi32, #tpu.memory_space<vmem>>
    %dma_wait3A_627 = tpu.memref_squeeze %dma_wait3A_626 : memref<1x128xi32, #tpu.memory_space<vmem>> -> memref<128xi32, #tpu.memory_space<vmem>>
    %dma_wait3A_628 = arith.constant 0 : i32
    %dma_wait3A_629 = tpu.memref_slice %arg10[%dma_wait3A_628] : memref<500000xf32, #tpu.memory_space<vmem_shared>> -> memref<500000xf32, #tpu.memory_space<vmem_shared>>
    tpu.wait_indirect_dma semaphore(%arg11 : memref<!tpu.dma_semaphore, #tpu.memory_space<semaphore_mem>>) src(%dma_wait3A_624 : memref<128xf32, #tpu.memory_space<vmem>>) dst(%dma_wait3A_629 : memref<500000xf32, #tpu.memory_space<vmem_shared>>)
    %dma_wait3A_630 = arith.constant 21 : i32
    %dma_wait3A_631 = arith.constant 21 : i32
    %dma_wait3A_632 = arith.constant 0 : i32
    %dma_wait3A_633 = tpu.memref_slice %arg8[%dma_wait3A_630, %dma_wait3A_632] : memref<40x128xf32, #tpu.memory_space<vmem>> -> memref<1x128xf32, #tpu.memory_space<vmem>>
    %dma_wait3A_634 = tpu.memref_squeeze %dma_wait3A_633 : memref<1x128xf32, #tpu.memory_space<vmem>> -> memref<128xf32, #tpu.memory_space<vmem>>
    %dma_wait3A_635 = arith.constant 0 : i32
    %dma_wait3A_636 = tpu.memref_slice %arg7[%dma_wait3A_631, %dma_wait3A_635] : memref<40x128xi32, #tpu.memory_space<vmem>> -> memref<1x128xi32, #tpu.memory_space<vmem>>
    %dma_wait3A_637 = tpu.memref_squeeze %dma_wait3A_636 : memref<1x128xi32, #tpu.memory_space<vmem>> -> memref<128xi32, #tpu.memory_space<vmem>>
    %dma_wait3A_638 = arith.constant 0 : i32
    %dma_wait3A_639 = tpu.memref_slice %arg10[%dma_wait3A_638] : memref<500000xf32, #tpu.memory_space<vmem_shared>> -> memref<500000xf32, #tpu.memory_space<vmem_shared>>
    tpu.wait_indirect_dma semaphore(%arg11 : memref<!tpu.dma_semaphore, #tpu.memory_space<semaphore_mem>>) src(%dma_wait3A_634 : memref<128xf32, #tpu.memory_space<vmem>>) dst(%dma_wait3A_639 : memref<500000xf32, #tpu.memory_space<vmem_shared>>)
    %dma_wait3A_640 = arith.constant 22 : i32
    %dma_wait3A_641 = arith.constant 22 : i32
    %dma_wait3A_642 = arith.constant 0 : i32
    %dma_wait3A_643 = tpu.memref_slice %arg8[%dma_wait3A_640, %dma_wait3A_642] : memref<40x128xf32, #tpu.memory_space<vmem>> -> memref<1x128xf32, #tpu.memory_space<vmem>>
    %dma_wait3A_644 = tpu.memref_squeeze %dma_wait3A_643 : memref<1x128xf32, #tpu.memory_space<vmem>> -> memref<128xf32, #tpu.memory_space<vmem>>
    %dma_wait3A_645 = arith.constant 0 : i32
    %dma_wait3A_646 = tpu.memref_slice %arg7[%dma_wait3A_641, %dma_wait3A_645] : memref<40x128xi32, #tpu.memory_space<vmem>> -> memref<1x128xi32, #tpu.memory_space<vmem>>
    %dma_wait3A_647 = tpu.memref_squeeze %dma_wait3A_646 : memref<1x128xi32, #tpu.memory_space<vmem>> -> memref<128xi32, #tpu.memory_space<vmem>>
    %dma_wait3A_648 = arith.constant 0 : i32
    %dma_wait3A_649 = tpu.memref_slice %arg10[%dma_wait3A_648] : memref<500000xf32, #tpu.memory_space<vmem_shared>> -> memref<500000xf32, #tpu.memory_space<vmem_shared>>
    tpu.wait_indirect_dma semaphore(%arg11 : memref<!tpu.dma_semaphore, #tpu.memory_space<semaphore_mem>>) src(%dma_wait3A_644 : memref<128xf32, #tpu.memory_space<vmem>>) dst(%dma_wait3A_649 : memref<500000xf32, #tpu.memory_space<vmem_shared>>)
    %dma_wait3A_650 = arith.constant 23 : i32
    %dma_wait3A_651 = arith.constant 23 : i32
    %dma_wait3A_652 = arith.constant 0 : i32
    %dma_wait3A_653 = tpu.memref_slice %arg8[%dma_wait3A_650, %dma_wait3A_652] : memref<40x128xf32, #tpu.memory_space<vmem>> -> memref<1x128xf32, #tpu.memory_space<vmem>>
    %dma_wait3A_654 = tpu.memref_squeeze %dma_wait3A_653 : memref<1x128xf32, #tpu.memory_space<vmem>> -> memref<128xf32, #tpu.memory_space<vmem>>
    %dma_wait3A_655 = arith.constant 0 : i32
    %dma_wait3A_656 = tpu.memref_slice %arg7[%dma_wait3A_651, %dma_wait3A_655] : memref<40x128xi32, #tpu.memory_space<vmem>> -> memref<1x128xi32, #tpu.memory_space<vmem>>
    %dma_wait3A_657 = tpu.memref_squeeze %dma_wait3A_656 : memref<1x128xi32, #tpu.memory_space<vmem>> -> memref<128xi32, #tpu.memory_space<vmem>>
    %dma_wait3A_658 = arith.constant 0 : i32
    %dma_wait3A_659 = tpu.memref_slice %arg10[%dma_wait3A_658] : memref<500000xf32, #tpu.memory_space<vmem_shared>> -> memref<500000xf32, #tpu.memory_space<vmem_shared>>
    tpu.wait_indirect_dma semaphore(%arg11 : memref<!tpu.dma_semaphore, #tpu.memory_space<semaphore_mem>>) src(%dma_wait3A_654 : memref<128xf32, #tpu.memory_space<vmem>>) dst(%dma_wait3A_659 : memref<500000xf32, #tpu.memory_space<vmem_shared>>)
    %dma_wait3A_660 = arith.constant 24 : i32
    %dma_wait3A_661 = arith.constant 24 : i32
    %dma_wait3A_662 = arith.constant 0 : i32
    %dma_wait3A_663 = tpu.memref_slice %arg8[%dma_wait3A_660, %dma_wait3A_662] : memref<40x128xf32, #tpu.memory_space<vmem>> -> memref<1x128xf32, #tpu.memory_space<vmem>>
    %dma_wait3A_664 = tpu.memref_squeeze %dma_wait3A_663 : memref<1x128xf32, #tpu.memory_space<vmem>> -> memref<128xf32, #tpu.memory_space<vmem>>
    %dma_wait3A_665 = arith.constant 0 : i32
    %dma_wait3A_666 = tpu.memref_slice %arg7[%dma_wait3A_661, %dma_wait3A_665] : memref<40x128xi32, #tpu.memory_space<vmem>> -> memref<1x128xi32, #tpu.memory_space<vmem>>
    %dma_wait3A_667 = tpu.memref_squeeze %dma_wait3A_666 : memref<1x128xi32, #tpu.memory_space<vmem>> -> memref<128xi32, #tpu.memory_space<vmem>>
    %dma_wait3A_668 = arith.constant 0 : i32
    %dma_wait3A_669 = tpu.memref_slice %arg10[%dma_wait3A_668] : memref<500000xf32, #tpu.memory_space<vmem_shared>> -> memref<500000xf32, #tpu.memory_space<vmem_shared>>
    tpu.wait_indirect_dma semaphore(%arg11 : memref<!tpu.dma_semaphore, #tpu.memory_space<semaphore_mem>>) src(%dma_wait3A_664 : memref<128xf32, #tpu.memory_space<vmem>>) dst(%dma_wait3A_669 : memref<500000xf32, #tpu.memory_space<vmem_shared>>)
    %dma_wait3A_670 = arith.constant 25 : i32
    %dma_wait3A_671 = arith.constant 25 : i32
    %dma_wait3A_672 = arith.constant 0 : i32
    %dma_wait3A_673 = tpu.memref_slice %arg8[%dma_wait3A_670, %dma_wait3A_672] : memref<40x128xf32, #tpu.memory_space<vmem>> -> memref<1x128xf32, #tpu.memory_space<vmem>>
    %dma_wait3A_674 = tpu.memref_squeeze %dma_wait3A_673 : memref<1x128xf32, #tpu.memory_space<vmem>> -> memref<128xf32, #tpu.memory_space<vmem>>
    %dma_wait3A_675 = arith.constant 0 : i32
    %dma_wait3A_676 = tpu.memref_slice %arg7[%dma_wait3A_671, %dma_wait3A_675] : memref<40x128xi32, #tpu.memory_space<vmem>> -> memref<1x128xi32, #tpu.memory_space<vmem>>
    %dma_wait3A_677 = tpu.memref_squeeze %dma_wait3A_676 : memref<1x128xi32, #tpu.memory_space<vmem>> -> memref<128xi32, #tpu.memory_space<vmem>>
    %dma_wait3A_678 = arith.constant 0 : i32
    %dma_wait3A_679 = tpu.memref_slice %arg10[%dma_wait3A_678] : memref<500000xf32, #tpu.memory_space<vmem_shared>> -> memref<500000xf32, #tpu.memory_space<vmem_shared>>
    tpu.wait_indirect_dma semaphore(%arg11 : memref<!tpu.dma_semaphore, #tpu.memory_space<semaphore_mem>>) src(%dma_wait3A_674 : memref<128xf32, #tpu.memory_space<vmem>>) dst(%dma_wait3A_679 : memref<500000xf32, #tpu.memory_space<vmem_shared>>)
    %dma_wait3A_680 = arith.constant 26 : i32
    %dma_wait3A_681 = arith.constant 26 : i32
    %dma_wait3A_682 = arith.constant 0 : i32
    %dma_wait3A_683 = tpu.memref_slice %arg8[%dma_wait3A_680, %dma_wait3A_682] : memref<40x128xf32, #tpu.memory_space<vmem>> -> memref<1x128xf32, #tpu.memory_space<vmem>>
    %dma_wait3A_684 = tpu.memref_squeeze %dma_wait3A_683 : memref<1x128xf32, #tpu.memory_space<vmem>> -> memref<128xf32, #tpu.memory_space<vmem>>
    %dma_wait3A_685 = arith.constant 0 : i32
    %dma_wait3A_686 = tpu.memref_slice %arg7[%dma_wait3A_681, %dma_wait3A_685] : memref<40x128xi32, #tpu.memory_space<vmem>> -> memref<1x128xi32, #tpu.memory_space<vmem>>
    %dma_wait3A_687 = tpu.memref_squeeze %dma_wait3A_686 : memref<1x128xi32, #tpu.memory_space<vmem>> -> memref<128xi32, #tpu.memory_space<vmem>>
    %dma_wait3A_688 = arith.constant 0 : i32
    %dma_wait3A_689 = tpu.memref_slice %arg10[%dma_wait3A_688] : memref<500000xf32, #tpu.memory_space<vmem_shared>> -> memref<500000xf32, #tpu.memory_space<vmem_shared>>
    tpu.wait_indirect_dma semaphore(%arg11 : memref<!tpu.dma_semaphore, #tpu.memory_space<semaphore_mem>>) src(%dma_wait3A_684 : memref<128xf32, #tpu.memory_space<vmem>>) dst(%dma_wait3A_689 : memref<500000xf32, #tpu.memory_space<vmem_shared>>)
    %dma_wait3A_690 = arith.constant 27 : i32
    %dma_wait3A_691 = arith.constant 27 : i32
    %dma_wait3A_692 = arith.constant 0 : i32
    %dma_wait3A_693 = tpu.memref_slice %arg8[%dma_wait3A_690, %dma_wait3A_692] : memref<40x128xf32, #tpu.memory_space<vmem>> -> memref<1x128xf32, #tpu.memory_space<vmem>>
    %dma_wait3A_694 = tpu.memref_squeeze %dma_wait3A_693 : memref<1x128xf32, #tpu.memory_space<vmem>> -> memref<128xf32, #tpu.memory_space<vmem>>
    %dma_wait3A_695 = arith.constant 0 : i32
    %dma_wait3A_696 = tpu.memref_slice %arg7[%dma_wait3A_691, %dma_wait3A_695] : memref<40x128xi32, #tpu.memory_space<vmem>> -> memref<1x128xi32, #tpu.memory_space<vmem>>
    %dma_wait3A_697 = tpu.memref_squeeze %dma_wait3A_696 : memref<1x128xi32, #tpu.memory_space<vmem>> -> memref<128xi32, #tpu.memory_space<vmem>>
    %dma_wait3A_698 = arith.constant 0 : i32
    %dma_wait3A_699 = tpu.memref_slice %arg10[%dma_wait3A_698] : memref<500000xf32, #tpu.memory_space<vmem_shared>> -> memref<500000xf32, #tpu.memory_space<vmem_shared>>
    tpu.wait_indirect_dma semaphore(%arg11 : memref<!tpu.dma_semaphore, #tpu.memory_space<semaphore_mem>>) src(%dma_wait3A_694 : memref<128xf32, #tpu.memory_space<vmem>>) dst(%dma_wait3A_699 : memref<500000xf32, #tpu.memory_space<vmem_shared>>)
    %dma_wait3A_700 = arith.constant 28 : i32
    %dma_wait3A_701 = arith.constant 28 : i32
    %dma_wait3A_702 = arith.constant 0 : i32
    %dma_wait3A_703 = tpu.memref_slice %arg8[%dma_wait3A_700, %dma_wait3A_702] : memref<40x128xf32, #tpu.memory_space<vmem>> -> memref<1x128xf32, #tpu.memory_space<vmem>>
    %dma_wait3A_704 = tpu.memref_squeeze %dma_wait3A_703 : memref<1x128xf32, #tpu.memory_space<vmem>> -> memref<128xf32, #tpu.memory_space<vmem>>
    %dma_wait3A_705 = arith.constant 0 : i32
    %dma_wait3A_706 = tpu.memref_slice %arg7[%dma_wait3A_701, %dma_wait3A_705] : memref<40x128xi32, #tpu.memory_space<vmem>> -> memref<1x128xi32, #tpu.memory_space<vmem>>
    %dma_wait3A_707 = tpu.memref_squeeze %dma_wait3A_706 : memref<1x128xi32, #tpu.memory_space<vmem>> -> memref<128xi32, #tpu.memory_space<vmem>>
    %dma_wait3A_708 = arith.constant 0 : i32
    %dma_wait3A_709 = tpu.memref_slice %arg10[%dma_wait3A_708] : memref<500000xf32, #tpu.memory_space<vmem_shared>> -> memref<500000xf32, #tpu.memory_space<vmem_shared>>
    tpu.wait_indirect_dma semaphore(%arg11 : memref<!tpu.dma_semaphore, #tpu.memory_space<semaphore_mem>>) src(%dma_wait3A_704 : memref<128xf32, #tpu.memory_space<vmem>>) dst(%dma_wait3A_709 : memref<500000xf32, #tpu.memory_space<vmem_shared>>)
    %dma_wait3A_710 = arith.constant 29 : i32
    %dma_wait3A_711 = arith.constant 29 : i32
    %dma_wait3A_712 = arith.constant 0 : i32
    %dma_wait3A_713 = tpu.memref_slice %arg8[%dma_wait3A_710, %dma_wait3A_712] : memref<40x128xf32, #tpu.memory_space<vmem>> -> memref<1x128xf32, #tpu.memory_space<vmem>>
    %dma_wait3A_714 = tpu.memref_squeeze %dma_wait3A_713 : memref<1x128xf32, #tpu.memory_space<vmem>> -> memref<128xf32, #tpu.memory_space<vmem>>
    %dma_wait3A_715 = arith.constant 0 : i32
    %dma_wait3A_716 = tpu.memref_slice %arg7[%dma_wait3A_711, %dma_wait3A_715] : memref<40x128xi32, #tpu.memory_space<vmem>> -> memref<1x128xi32, #tpu.memory_space<vmem>>
    %dma_wait3A_717 = tpu.memref_squeeze %dma_wait3A_716 : memref<1x128xi32, #tpu.memory_space<vmem>> -> memref<128xi32, #tpu.memory_space<vmem>>
    %dma_wait3A_718 = arith.constant 0 : i32
    %dma_wait3A_719 = tpu.memref_slice %arg10[%dma_wait3A_718] : memref<500000xf32, #tpu.memory_space<vmem_shared>> -> memref<500000xf32, #tpu.memory_space<vmem_shared>>
    tpu.wait_indirect_dma semaphore(%arg11 : memref<!tpu.dma_semaphore, #tpu.memory_space<semaphore_mem>>) src(%dma_wait3A_714 : memref<128xf32, #tpu.memory_space<vmem>>) dst(%dma_wait3A_719 : memref<500000xf32, #tpu.memory_space<vmem_shared>>)
    %dma_wait3A_720 = arith.constant 30 : i32
    %dma_wait3A_721 = arith.constant 30 : i32
    %dma_wait3A_722 = arith.constant 0 : i32
    %dma_wait3A_723 = tpu.memref_slice %arg8[%dma_wait3A_720, %dma_wait3A_722] : memref<40x128xf32, #tpu.memory_space<vmem>> -> memref<1x128xf32, #tpu.memory_space<vmem>>
    %dma_wait3A_724 = tpu.memref_squeeze %dma_wait3A_723 : memref<1x128xf32, #tpu.memory_space<vmem>> -> memref<128xf32, #tpu.memory_space<vmem>>
    %dma_wait3A_725 = arith.constant 0 : i32
    %dma_wait3A_726 = tpu.memref_slice %arg7[%dma_wait3A_721, %dma_wait3A_725] : memref<40x128xi32, #tpu.memory_space<vmem>> -> memref<1x128xi32, #tpu.memory_space<vmem>>
    %dma_wait3A_727 = tpu.memref_squeeze %dma_wait3A_726 : memref<1x128xi32, #tpu.memory_space<vmem>> -> memref<128xi32, #tpu.memory_space<vmem>>
    %dma_wait3A_728 = arith.constant 0 : i32
    %dma_wait3A_729 = tpu.memref_slice %arg10[%dma_wait3A_728] : memref<500000xf32, #tpu.memory_space<vmem_shared>> -> memref<500000xf32, #tpu.memory_space<vmem_shared>>
    tpu.wait_indirect_dma semaphore(%arg11 : memref<!tpu.dma_semaphore, #tpu.memory_space<semaphore_mem>>) src(%dma_wait3A_724 : memref<128xf32, #tpu.memory_space<vmem>>) dst(%dma_wait3A_729 : memref<500000xf32, #tpu.memory_space<vmem_shared>>)
    %dma_wait3A_730 = arith.constant 31 : i32
    %dma_wait3A_731 = arith.constant 31 : i32
    %dma_wait3A_732 = arith.constant 0 : i32
    %dma_wait3A_733 = tpu.memref_slice %arg8[%dma_wait3A_730, %dma_wait3A_732] : memref<40x128xf32, #tpu.memory_space<vmem>> -> memref<1x128xf32, #tpu.memory_space<vmem>>
    %dma_wait3A_734 = tpu.memref_squeeze %dma_wait3A_733 : memref<1x128xf32, #tpu.memory_space<vmem>> -> memref<128xf32, #tpu.memory_space<vmem>>
    %dma_wait3A_735 = arith.constant 0 : i32
    %dma_wait3A_736 = tpu.memref_slice %arg7[%dma_wait3A_731, %dma_wait3A_735] : memref<40x128xi32, #tpu.memory_space<vmem>> -> memref<1x128xi32, #tpu.memory_space<vmem>>
    %dma_wait3A_737 = tpu.memref_squeeze %dma_wait3A_736 : memref<1x128xi32, #tpu.memory_space<vmem>> -> memref<128xi32, #tpu.memory_space<vmem>>
    %dma_wait3A_738 = arith.constant 0 : i32
    %dma_wait3A_739 = tpu.memref_slice %arg10[%dma_wait3A_738] : memref<500000xf32, #tpu.memory_space<vmem_shared>> -> memref<500000xf32, #tpu.memory_space<vmem_shared>>
    tpu.wait_indirect_dma semaphore(%arg11 : memref<!tpu.dma_semaphore, #tpu.memory_space<semaphore_mem>>) src(%dma_wait3A_734 : memref<128xf32, #tpu.memory_space<vmem>>) dst(%dma_wait3A_739 : memref<500000xf32, #tpu.memory_space<vmem_shared>>)
    %dma_wait3A_740 = arith.constant 32 : i32
    %dma_wait3A_741 = arith.constant 32 : i32
    %dma_wait3A_742 = arith.constant 0 : i32
    %dma_wait3A_743 = tpu.memref_slice %arg8[%dma_wait3A_740, %dma_wait3A_742] : memref<40x128xf32, #tpu.memory_space<vmem>> -> memref<1x128xf32, #tpu.memory_space<vmem>>
    %dma_wait3A_744 = tpu.memref_squeeze %dma_wait3A_743 : memref<1x128xf32, #tpu.memory_space<vmem>> -> memref<128xf32, #tpu.memory_space<vmem>>
    %dma_wait3A_745 = arith.constant 0 : i32
    %dma_wait3A_746 = tpu.memref_slice %arg7[%dma_wait3A_741, %dma_wait3A_745] : memref<40x128xi32, #tpu.memory_space<vmem>> -> memref<1x128xi32, #tpu.memory_space<vmem>>
    %dma_wait3A_747 = tpu.memref_squeeze %dma_wait3A_746 : memref<1x128xi32, #tpu.memory_space<vmem>> -> memref<128xi32, #tpu.memory_space<vmem>>
    %dma_wait3A_748 = arith.constant 0 : i32
    %dma_wait3A_749 = tpu.memref_slice %arg10[%dma_wait3A_748] : memref<500000xf32, #tpu.memory_space<vmem_shared>> -> memref<500000xf32, #tpu.memory_space<vmem_shared>>
    tpu.wait_indirect_dma semaphore(%arg11 : memref<!tpu.dma_semaphore, #tpu.memory_space<semaphore_mem>>) src(%dma_wait3A_744 : memref<128xf32, #tpu.memory_space<vmem>>) dst(%dma_wait3A_749 : memref<500000xf32, #tpu.memory_space<vmem_shared>>)
    %dma_wait3A_750 = arith.constant 33 : i32
    %dma_wait3A_751 = arith.constant 33 : i32
    %dma_wait3A_752 = arith.constant 0 : i32
    %dma_wait3A_753 = tpu.memref_slice %arg8[%dma_wait3A_750, %dma_wait3A_752] : memref<40x128xf32, #tpu.memory_space<vmem>> -> memref<1x128xf32, #tpu.memory_space<vmem>>
    %dma_wait3A_754 = tpu.memref_squeeze %dma_wait3A_753 : memref<1x128xf32, #tpu.memory_space<vmem>> -> memref<128xf32, #tpu.memory_space<vmem>>
    %dma_wait3A_755 = arith.constant 0 : i32
    %dma_wait3A_756 = tpu.memref_slice %arg7[%dma_wait3A_751, %dma_wait3A_755] : memref<40x128xi32, #tpu.memory_space<vmem>> -> memref<1x128xi32, #tpu.memory_space<vmem>>
    %dma_wait3A_757 = tpu.memref_squeeze %dma_wait3A_756 : memref<1x128xi32, #tpu.memory_space<vmem>> -> memref<128xi32, #tpu.memory_space<vmem>>
    %dma_wait3A_758 = arith.constant 0 : i32
    %dma_wait3A_759 = tpu.memref_slice %arg10[%dma_wait3A_758] : memref<500000xf32, #tpu.memory_space<vmem_shared>> -> memref<500000xf32, #tpu.memory_space<vmem_shared>>
    tpu.wait_indirect_dma semaphore(%arg11 : memref<!tpu.dma_semaphore, #tpu.memory_space<semaphore_mem>>) src(%dma_wait3A_754 : memref<128xf32, #tpu.memory_space<vmem>>) dst(%dma_wait3A_759 : memref<500000xf32, #tpu.memory_space<vmem_shared>>)
    %dma_wait3A_760 = arith.constant 34 : i32
    %dma_wait3A_761 = arith.constant 34 : i32
    %dma_wait3A_762 = arith.constant 0 : i32
    %dma_wait3A_763 = tpu.memref_slice %arg8[%dma_wait3A_760, %dma_wait3A_762] : memref<40x128xf32, #tpu.memory_space<vmem>> -> memref<1x128xf32, #tpu.memory_space<vmem>>
    %dma_wait3A_764 = tpu.memref_squeeze %dma_wait3A_763 : memref<1x128xf32, #tpu.memory_space<vmem>> -> memref<128xf32, #tpu.memory_space<vmem>>
    %dma_wait3A_765 = arith.constant 0 : i32
    %dma_wait3A_766 = tpu.memref_slice %arg7[%dma_wait3A_761, %dma_wait3A_765] : memref<40x128xi32, #tpu.memory_space<vmem>> -> memref<1x128xi32, #tpu.memory_space<vmem>>
    %dma_wait3A_767 = tpu.memref_squeeze %dma_wait3A_766 : memref<1x128xi32, #tpu.memory_space<vmem>> -> memref<128xi32, #tpu.memory_space<vmem>>
    %dma_wait3A_768 = arith.constant 0 : i32
    %dma_wait3A_769 = tpu.memref_slice %arg10[%dma_wait3A_768] : memref<500000xf32, #tpu.memory_space<vmem_shared>> -> memref<500000xf32, #tpu.memory_space<vmem_shared>>
    tpu.wait_indirect_dma semaphore(%arg11 : memref<!tpu.dma_semaphore, #tpu.memory_space<semaphore_mem>>) src(%dma_wait3A_764 : memref<128xf32, #tpu.memory_space<vmem>>) dst(%dma_wait3A_769 : memref<500000xf32, #tpu.memory_space<vmem_shared>>)
    %dma_wait3A_770 = arith.constant 35 : i32
    %dma_wait3A_771 = arith.constant 35 : i32
    %dma_wait3A_772 = arith.constant 0 : i32
    %dma_wait3A_773 = tpu.memref_slice %arg8[%dma_wait3A_770, %dma_wait3A_772] : memref<40x128xf32, #tpu.memory_space<vmem>> -> memref<1x128xf32, #tpu.memory_space<vmem>>
    %dma_wait3A_774 = tpu.memref_squeeze %dma_wait3A_773 : memref<1x128xf32, #tpu.memory_space<vmem>> -> memref<128xf32, #tpu.memory_space<vmem>>
    %dma_wait3A_775 = arith.constant 0 : i32
    %dma_wait3A_776 = tpu.memref_slice %arg7[%dma_wait3A_771, %dma_wait3A_775] : memref<40x128xi32, #tpu.memory_space<vmem>> -> memref<1x128xi32, #tpu.memory_space<vmem>>
    %dma_wait3A_777 = tpu.memref_squeeze %dma_wait3A_776 : memref<1x128xi32, #tpu.memory_space<vmem>> -> memref<128xi32, #tpu.memory_space<vmem>>
    %dma_wait3A_778 = arith.constant 0 : i32
    %dma_wait3A_779 = tpu.memref_slice %arg10[%dma_wait3A_778] : memref<500000xf32, #tpu.memory_space<vmem_shared>> -> memref<500000xf32, #tpu.memory_space<vmem_shared>>
    tpu.wait_indirect_dma semaphore(%arg11 : memref<!tpu.dma_semaphore, #tpu.memory_space<semaphore_mem>>) src(%dma_wait3A_774 : memref<128xf32, #tpu.memory_space<vmem>>) dst(%dma_wait3A_779 : memref<500000xf32, #tpu.memory_space<vmem_shared>>)
    %dma_wait3A_780 = arith.constant 36 : i32
    %dma_wait3A_781 = arith.constant 36 : i32
    %dma_wait3A_782 = arith.constant 0 : i32
    %dma_wait3A_783 = tpu.memref_slice %arg8[%dma_wait3A_780, %dma_wait3A_782] : memref<40x128xf32, #tpu.memory_space<vmem>> -> memref<1x128xf32, #tpu.memory_space<vmem>>
    %dma_wait3A_784 = tpu.memref_squeeze %dma_wait3A_783 : memref<1x128xf32, #tpu.memory_space<vmem>> -> memref<128xf32, #tpu.memory_space<vmem>>
    %dma_wait3A_785 = arith.constant 0 : i32
    %dma_wait3A_786 = tpu.memref_slice %arg7[%dma_wait3A_781, %dma_wait3A_785] : memref<40x128xi32, #tpu.memory_space<vmem>> -> memref<1x128xi32, #tpu.memory_space<vmem>>
    %dma_wait3A_787 = tpu.memref_squeeze %dma_wait3A_786 : memref<1x128xi32, #tpu.memory_space<vmem>> -> memref<128xi32, #tpu.memory_space<vmem>>
    %dma_wait3A_788 = arith.constant 0 : i32
    %dma_wait3A_789 = tpu.memref_slice %arg10[%dma_wait3A_788] : memref<500000xf32, #tpu.memory_space<vmem_shared>> -> memref<500000xf32, #tpu.memory_space<vmem_shared>>
    tpu.wait_indirect_dma semaphore(%arg11 : memref<!tpu.dma_semaphore, #tpu.memory_space<semaphore_mem>>) src(%dma_wait3A_784 : memref<128xf32, #tpu.memory_space<vmem>>) dst(%dma_wait3A_789 : memref<500000xf32, #tpu.memory_space<vmem_shared>>)
    %dma_wait3A_790 = arith.constant 37 : i32
    %dma_wait3A_791 = arith.constant 37 : i32
    %dma_wait3A_792 = arith.constant 0 : i32
    %dma_wait3A_793 = tpu.memref_slice %arg8[%dma_wait3A_790, %dma_wait3A_792] : memref<40x128xf32, #tpu.memory_space<vmem>> -> memref<1x128xf32, #tpu.memory_space<vmem>>
    %dma_wait3A_794 = tpu.memref_squeeze %dma_wait3A_793 : memref<1x128xf32, #tpu.memory_space<vmem>> -> memref<128xf32, #tpu.memory_space<vmem>>
    %dma_wait3A_795 = arith.constant 0 : i32
    %dma_wait3A_796 = tpu.memref_slice %arg7[%dma_wait3A_791, %dma_wait3A_795] : memref<40x128xi32, #tpu.memory_space<vmem>> -> memref<1x128xi32, #tpu.memory_space<vmem>>
    %dma_wait3A_797 = tpu.memref_squeeze %dma_wait3A_796 : memref<1x128xi32, #tpu.memory_space<vmem>> -> memref<128xi32, #tpu.memory_space<vmem>>
    %dma_wait3A_798 = arith.constant 0 : i32
    %dma_wait3A_799 = tpu.memref_slice %arg10[%dma_wait3A_798] : memref<500000xf32, #tpu.memory_space<vmem_shared>> -> memref<500000xf32, #tpu.memory_space<vmem_shared>>
    tpu.wait_indirect_dma semaphore(%arg11 : memref<!tpu.dma_semaphore, #tpu.memory_space<semaphore_mem>>) src(%dma_wait3A_794 : memref<128xf32, #tpu.memory_space<vmem>>) dst(%dma_wait3A_799 : memref<500000xf32, #tpu.memory_space<vmem_shared>>)
    %dma_wait3A_800 = arith.constant 38 : i32
    %dma_wait3A_801 = arith.constant 38 : i32
    %dma_wait3A_802 = arith.constant 0 : i32
    %dma_wait3A_803 = tpu.memref_slice %arg8[%dma_wait3A_800, %dma_wait3A_802] : memref<40x128xf32, #tpu.memory_space<vmem>> -> memref<1x128xf32, #tpu.memory_space<vmem>>
    %dma_wait3A_804 = tpu.memref_squeeze %dma_wait3A_803 : memref<1x128xf32, #tpu.memory_space<vmem>> -> memref<128xf32, #tpu.memory_space<vmem>>
    %dma_wait3A_805 = arith.constant 0 : i32
    %dma_wait3A_806 = tpu.memref_slice %arg7[%dma_wait3A_801, %dma_wait3A_805] : memref<40x128xi32, #tpu.memory_space<vmem>> -> memref<1x128xi32, #tpu.memory_space<vmem>>
    %dma_wait3A_807 = tpu.memref_squeeze %dma_wait3A_806 : memref<1x128xi32, #tpu.memory_space<vmem>> -> memref<128xi32, #tpu.memory_space<vmem>>
    %dma_wait3A_808 = arith.constant 0 : i32
    %dma_wait3A_809 = tpu.memref_slice %arg10[%dma_wait3A_808] : memref<500000xf32, #tpu.memory_space<vmem_shared>> -> memref<500000xf32, #tpu.memory_space<vmem_shared>>
    tpu.wait_indirect_dma semaphore(%arg11 : memref<!tpu.dma_semaphore, #tpu.memory_space<semaphore_mem>>) src(%dma_wait3A_804 : memref<128xf32, #tpu.memory_space<vmem>>) dst(%dma_wait3A_809 : memref<500000xf32, #tpu.memory_space<vmem_shared>>)
    %dma_wait3A_810 = arith.constant 39 : i32
    %dma_wait3A_811 = arith.constant 39 : i32
    %dma_wait3A_812 = arith.constant 0 : i32
    %dma_wait3A_813 = tpu.memref_slice %arg8[%dma_wait3A_810, %dma_wait3A_812] : memref<40x128xf32, #tpu.memory_space<vmem>> -> memref<1x128xf32, #tpu.memory_space<vmem>>
    %dma_wait3A_814 = tpu.memref_squeeze %dma_wait3A_813 : memref<1x128xf32, #tpu.memory_space<vmem>> -> memref<128xf32, #tpu.memory_space<vmem>>
    %dma_wait3A_815 = arith.constant 0 : i32
    %dma_wait3A_816 = tpu.memref_slice %arg7[%dma_wait3A_811, %dma_wait3A_815] : memref<40x128xi32, #tpu.memory_space<vmem>> -> memref<1x128xi32, #tpu.memory_space<vmem>>
    %dma_wait3A_817 = tpu.memref_squeeze %dma_wait3A_816 : memref<1x128xi32, #tpu.memory_space<vmem>> -> memref<128xi32, #tpu.memory_space<vmem>>
    %dma_wait3A_818 = arith.constant 0 : i32
    %dma_wait3A_819 = tpu.memref_slice %arg10[%dma_wait3A_818] : memref<500000xf32, #tpu.memory_space<vmem_shared>> -> memref<500000xf32, #tpu.memory_space<vmem_shared>>
    tpu.wait_indirect_dma semaphore(%arg11 : memref<!tpu.dma_semaphore, #tpu.memory_space<semaphore_mem>>) src(%dma_wait3A_814 : memref<128xf32, #tpu.memory_space<vmem>>) dst(%dma_wait3A_819 : memref<500000xf32, #tpu.memory_space<vmem_shared>>)
    %barrier3A_820 = arith.constant 0 : index
    tpu.barrier barrier_id(%barrier3A_820)
    %mul3A_821 = arith.constant 500000 : i32
    %mul3A_822 = arith.muli %arg0, %mul3A_821 : i32
    %mul3A_823 = arith.constant 31248 : i32
    %mul3A_824 = arith.muli %arg1, %mul3A_823 : i32
    %add3A_825 = arith.addi %mul3A_822, %mul3A_824 : i32
    %mul3A_826 = arith.constant 31248 : i32
    %mul3A_827 = arith.muli %arg1, %mul3A_826 : i32
    "tpu.region"() ({
      %run_scoped3A = tpu.sem_alloc : memref<!tpu.dma_semaphore, #tpu.memory_space<semaphore_mem>>
      %dma_start3A_833 = tpu.memref_slice %arg10[%mul3A_827] : memref<500000xf32, #tpu.memory_space<vmem_shared>> -> memref<31248xf32, #tpu.memory_space<vmem_shared>>
      %dma_start3A_834 = tpu.memref_slice %arg10[%mul3A_827] : memref<500000xf32, #tpu.memory_space<vmem_shared>> -> memref<31248xf32, #tpu.memory_space<vmem_shared>>
      tpu.enqueue_dma source(%dma_start3A_834 : memref<31248xf32, #tpu.memory_space<vmem_shared>>) target(%arg9 : memref<31248xf32, #tpu.memory_space<vmem>>) target_semaphore(%run_scoped3A : memref<!tpu.dma_semaphore, #tpu.memory_space<semaphore_mem>>)
      %dma_wait3A_835 = tpu.memref_slice %arg10[%mul3A_827] : memref<500000xf32, #tpu.memory_space<vmem_shared>> -> memref<31248xf32, #tpu.memory_space<vmem_shared>>
      %dma_wait3A_836 = tpu.memref_slice %arg10[%mul3A_827] : memref<500000xf32, #tpu.memory_space<vmem_shared>> -> memref<31248xf32, #tpu.memory_space<vmem_shared>>
      tpu.wait_dma2 semaphore(%run_scoped3A : memref<!tpu.dma_semaphore, #tpu.memory_space<semaphore_mem>>) src(%dma_wait3A_836 : memref<31248xf32, #tpu.memory_space<vmem_shared>>) dst(%arg9 : memref<31248xf32, #tpu.memory_space<vmem>>)
      tpu.yield
    }) : () -> ()
    "tpu.region"() ({
      %run_scoped3A = tpu.sem_alloc : memref<!tpu.dma_semaphore, #tpu.memory_space<semaphore_mem>>
      %dma_start3A_833 = tpu.memref_slice %arg4[%add3A_825] : memref<1000000xf32, #tpu.memory_space<hbm>> -> memref<31248xf32, #tpu.memory_space<hbm>>
      %dma_start3A_834 = tpu.memref_slice %arg4[%add3A_825] : memref<1000000xf32, #tpu.memory_space<hbm>> -> memref<31248xf32, #tpu.memory_space<hbm>>
      tpu.enqueue_dma source(%arg9 : memref<31248xf32, #tpu.memory_space<vmem>>) target(%dma_start3A_834 : memref<31248xf32, #tpu.memory_space<hbm>>) target_semaphore(%run_scoped3A : memref<!tpu.dma_semaphore, #tpu.memory_space<semaphore_mem>>)
      %dma_wait3A_835 = tpu.memref_slice %arg4[%add3A_825] : memref<1000000xf32, #tpu.memory_space<hbm>> -> memref<31248xf32, #tpu.memory_space<hbm>>
      %dma_wait3A_836 = tpu.memref_slice %arg4[%add3A_825] : memref<1000000xf32, #tpu.memory_space<hbm>> -> memref<31248xf32, #tpu.memory_space<hbm>>
      tpu.wait_dma2 semaphore(%run_scoped3A : memref<!tpu.dma_semaphore, #tpu.memory_space<semaphore_mem>>) src(%arg9 : memref<31248xf32, #tpu.memory_space<vmem>>) dst(%dma_wait3A_836 : memref<31248xf32, #tpu.memory_space<hbm>>)
      tpu.yield
    }) : () -> ()
    %eq3A_828 = arith.constant 0 : i32
    %eq3A_829 = arith.cmpi eq, %arg1, %eq3A_828 : i32
    %convert_element_type3A_830 = arith.extui %eq3A_829 : i1 to i32
    %cond3A_831 = arith.constant 0 : i32
    %cond3A_832 = arith.cmpi ne, %convert_element_type3A_830, %cond3A_831 : i32
    scf.if %cond3A_832 {
      "tpu.region"() ({
        %run_scoped3A = tpu.sem_alloc : memref<!tpu.dma_semaphore, #tpu.memory_space<semaphore_mem>>
        %dma_start3A_837 = arith.constant 0 : i32
        %dma_start3A_838 = tpu.memref_slice %arg9[%dma_start3A_837] : memref<31248xf32, #tpu.memory_space<vmem>> -> memref<32xf32, #tpu.memory_space<vmem>>
        %dma_start3A_839 = arith.constant 499968 : i32
        %dma_start3A_840 = tpu.memref_slice %arg10[%dma_start3A_839] : memref<500000xf32, #tpu.memory_space<vmem_shared>> -> memref<32xf32, #tpu.memory_space<vmem_shared>>
        %dma_start3A_841 = arith.constant 0 : i32
        %dma_start3A_842 = tpu.memref_slice %arg9[%dma_start3A_841] : memref<31248xf32, #tpu.memory_space<vmem>> -> memref<32xf32, #tpu.memory_space<vmem>>
        %dma_start3A_843 = arith.constant 499968 : i32
        %dma_start3A_844 = tpu.memref_slice %arg10[%dma_start3A_843] : memref<500000xf32, #tpu.memory_space<vmem_shared>> -> memref<32xf32, #tpu.memory_space<vmem_shared>>
        tpu.enqueue_dma source(%dma_start3A_844 : memref<32xf32, #tpu.memory_space<vmem_shared>>) target(%dma_start3A_842 : memref<32xf32, #tpu.memory_space<vmem>>) target_semaphore(%run_scoped3A : memref<!tpu.dma_semaphore, #tpu.memory_space<semaphore_mem>>)
        %dma_wait3A_845 = arith.constant 0 : i32
        %dma_wait3A_846 = tpu.memref_slice %arg9[%dma_wait3A_845] : memref<31248xf32, #tpu.memory_space<vmem>> -> memref<32xf32, #tpu.memory_space<vmem>>
        %dma_wait3A_847 = arith.constant 499968 : i32
        %dma_wait3A_848 = tpu.memref_slice %arg10[%dma_wait3A_847] : memref<500000xf32, #tpu.memory_space<vmem_shared>> -> memref<32xf32, #tpu.memory_space<vmem_shared>>
        %dma_wait3A_849 = arith.constant 0 : i32
        %dma_wait3A_850 = tpu.memref_slice %arg9[%dma_wait3A_849] : memref<31248xf32, #tpu.memory_space<vmem>> -> memref<32xf32, #tpu.memory_space<vmem>>
        %dma_wait3A_851 = arith.constant 499968 : i32
        %dma_wait3A_852 = tpu.memref_slice %arg10[%dma_wait3A_851] : memref<500000xf32, #tpu.memory_space<vmem_shared>> -> memref<32xf32, #tpu.memory_space<vmem_shared>>
        tpu.wait_dma2 semaphore(%run_scoped3A : memref<!tpu.dma_semaphore, #tpu.memory_space<semaphore_mem>>) src(%dma_wait3A_852 : memref<32xf32, #tpu.memory_space<vmem_shared>>) dst(%dma_wait3A_850 : memref<32xf32, #tpu.memory_space<vmem>>)
        tpu.yield
      }) : () -> ()
      %mul3A_833 = arith.constant 500000 : i32
      %mul3A_834 = arith.muli %arg0, %mul3A_833 : i32
      %add3A_835 = arith.constant 499968 : i32
      %add3A_836 = arith.addi %mul3A_834, %add3A_835 : i32
      "tpu.region"() ({
        %run_scoped3A = tpu.sem_alloc : memref<!tpu.dma_semaphore, #tpu.memory_space<semaphore_mem>>
        %dma_start3A_837 = arith.constant 0 : i32
        %dma_start3A_838 = tpu.memref_slice %arg9[%dma_start3A_837] : memref<31248xf32, #tpu.memory_space<vmem>> -> memref<32xf32, #tpu.memory_space<vmem>>
        %dma_start3A_839 = tpu.memref_slice %arg4[%add3A_836] : memref<1000000xf32, #tpu.memory_space<hbm>> -> memref<32xf32, #tpu.memory_space<hbm>>
        %dma_start3A_840 = tpu.memref_slice %arg4[%add3A_836] : memref<1000000xf32, #tpu.memory_space<hbm>> -> memref<32xf32, #tpu.memory_space<hbm>>
        %dma_start3A_841 = arith.constant 0 : i32
        %dma_start3A_842 = tpu.memref_slice %arg9[%dma_start3A_841] : memref<31248xf32, #tpu.memory_space<vmem>> -> memref<32xf32, #tpu.memory_space<vmem>>
        tpu.enqueue_dma source(%dma_start3A_842 : memref<32xf32, #tpu.memory_space<vmem>>) target(%dma_start3A_840 : memref<32xf32, #tpu.memory_space<hbm>>) target_semaphore(%run_scoped3A : memref<!tpu.dma_semaphore, #tpu.memory_space<semaphore_mem>>)
        %dma_wait3A_843 = arith.constant 0 : i32
        %dma_wait3A_844 = tpu.memref_slice %arg9[%dma_wait3A_843] : memref<31248xf32, #tpu.memory_space<vmem>> -> memref<32xf32, #tpu.memory_space<vmem>>
        %dma_wait3A_845 = tpu.memref_slice %arg4[%add3A_836] : memref<1000000xf32, #tpu.memory_space<hbm>> -> memref<32xf32, #tpu.memory_space<hbm>>
        %dma_wait3A_846 = tpu.memref_slice %arg4[%add3A_836] : memref<1000000xf32, #tpu.memory_space<hbm>> -> memref<32xf32, #tpu.memory_space<hbm>>
        %dma_wait3A_847 = arith.constant 0 : i32
        %dma_wait3A_848 = tpu.memref_slice %arg9[%dma_wait3A_847] : memref<31248xf32, #tpu.memory_space<vmem>> -> memref<32xf32, #tpu.memory_space<vmem>>
        tpu.wait_dma2 semaphore(%run_scoped3A : memref<!tpu.dma_semaphore, #tpu.memory_space<semaphore_mem>>) src(%dma_wait3A_848 : memref<32xf32, #tpu.memory_space<vmem>>) dst(%dma_wait3A_846 : memref<32xf32, #tpu.memory_space<hbm>>)
        tpu.yield
      }) : () -> ()
    } else {
    }
    return
  }
}

module attributes {stable_mosaic.version = 14 : i64} {
  func.func @body(%arg0: i32, %arg1: memref<10000x256xf32, #tpu.memory_space<vmem>>, %arg2: memref<100x100x100xf32, #tpu.memory_space<vmem>>, %arg3: memref<256x256xf32, #tpu.memory_space<vmem>>, %arg4: memref<1x256xf32, #tpu.memory_space<vmem>>, %arg5: memref<256x256xf32, #tpu.memory_space<vmem>>, %arg6: memref<256x256xf32, #tpu.memory_space<vmem>>, %arg7: memref<256x256xf32, #tpu.memory_space<vmem>>, %arg8: memref<256x256xf32, #tpu.memory_space<vmem>>, %arg9: memref<256x256xf32, #tpu.memory_space<vmem>>, %arg10: memref<256x256xf32, #tpu.memory_space<vmem>>, %arg11: memref<1x256xf32, #tpu.memory_space<vmem>>, %arg12: memref<1x256xf32, #tpu.memory_space<vmem>>, %arg13: memref<1x256xf32, #tpu.memory_space<vmem>>, %arg14: memref<1x256xf32, #tpu.memory_space<vmem>>, %arg15: memref<1x256xf32, #tpu.memory_space<vmem>>, %arg16: memref<1x256xf32, #tpu.memory_space<vmem>>, %arg17: memref<1x256xf32, #tpu.memory_space<vmem>>, %arg18: memref<256x50xf32, #tpu.memory_space<vmem>>, %arg19: memref<256x50xf32, #tpu.memory_space<vmem>>, %arg20: memref<256x256xf32, #tpu.memory_space<vmem>>, %arg21: memref<256x256xf32, #tpu.memory_space<vmem>>, %arg22: memref<256x256xf32, #tpu.memory_space<vmem>>, %arg23: memref<256x256xf32, #tpu.memory_space<vmem>>, %arg24: memref<256x256xf32, #tpu.memory_space<vmem>>, %arg25: memref<256x256xf32, #tpu.memory_space<vmem>>, %arg26: memref<256x2xf32, #tpu.memory_space<vmem>>, %arg27: memref<1x2xf32, #tpu.memory_space<vmem>>, %arg28: memref<100x2xf32, #tpu.memory_space<vmem>>, %arg29: memref<10000x256xf32, #tpu.memory_space<vmem>>, %arg30: memref<10000x256xf32, #tpu.memory_space<vmem>>, %arg31: memref<2x256xf32, #tpu.memory_space<vmem>>, %arg32: memref<2x256xf32, #tpu.memory_space<vmem>>) attributes {dimension_semantics = [#tpu.dimension_semantics<arbitrary>], iteration_bounds = array<i64: 20>, scalar_prefetch = 0 : i64, scratch_operands = 4 : i64, tpu.core_type = #tpu.core_type<tc>, window_params = [{pipeline_mode = #tpu.pipeline_mode<synchronous>, transform_indices = @transform_0, window_bounds = array<i64: 10000, 256>}, {pipeline_mode = #tpu.pipeline_mode<synchronous>, transform_indices = @transform_1, window_bounds = array<i64: 100, 100, 100>}, {pipeline_mode = #tpu.pipeline_mode<synchronous>, transform_indices = @transform_2, window_bounds = array<i64: 256, 256>}, {pipeline_mode = #tpu.pipeline_mode<synchronous>, transform_indices = @transform_3, window_bounds = array<i64: 1, 256>}, {pipeline_mode = #tpu.pipeline_mode<synchronous>, transform_indices = @transform_4, window_bounds = array<i64: 256, 256>}, {pipeline_mode = #tpu.pipeline_mode<synchronous>, transform_indices = @transform_5, window_bounds = array<i64: 256, 256>}, {pipeline_mode = #tpu.pipeline_mode<synchronous>, transform_indices = @transform_6, window_bounds = array<i64: 256, 256>}, {pipeline_mode = #tpu.pipeline_mode<synchronous>, transform_indices = @transform_7, window_bounds = array<i64: 256, 256>}, {pipeline_mode = #tpu.pipeline_mode<synchronous>, transform_indices = @transform_8, window_bounds = array<i64: 256, 256>}, {pipeline_mode = #tpu.pipeline_mode<synchronous>, transform_indices = @transform_9, window_bounds = array<i64: 256, 256>}, {pipeline_mode = #tpu.pipeline_mode<synchronous>, transform_indices = @transform_10, window_bounds = array<i64: 1, 256>}, {pipeline_mode = #tpu.pipeline_mode<synchronous>, transform_indices = @transform_11, window_bounds = array<i64: 1, 256>}, {pipeline_mode = #tpu.pipeline_mode<synchronous>, transform_indices = @transform_12, window_bounds = array<i64: 1, 256>}, {pipeline_mode = #tpu.pipeline_mode<synchronous>, transform_indices = @transform_13, window_bounds = array<i64: 1, 256>}, {pipeline_mode = #tpu.pipeline_mode<synchronous>, transform_indices = @transform_14, window_bounds = array<i64: 1, 256>}, {pipeline_mode = #tpu.pipeline_mode<synchronous>, transform_indices = @transform_15, window_bounds = array<i64: 1, 256>}, {pipeline_mode = #tpu.pipeline_mode<synchronous>, transform_indices = @transform_16, window_bounds = array<i64: 1, 256>}, {pipeline_mode = #tpu.pipeline_mode<synchronous>, transform_indices = @transform_17, window_bounds = array<i64: 256, 50>}, {pipeline_mode = #tpu.pipeline_mode<synchronous>, transform_indices = @transform_18, window_bounds = array<i64: 256, 50>}, {pipeline_mode = #tpu.pipeline_mode<synchronous>, transform_indices = @transform_19, window_bounds = array<i64: 256, 256>}, {pipeline_mode = #tpu.pipeline_mode<synchronous>, transform_indices = @transform_20, window_bounds = array<i64: 256, 256>}, {pipeline_mode = #tpu.pipeline_mode<synchronous>, transform_indices = @transform_21, window_bounds = array<i64: 256, 256>}, {pipeline_mode = #tpu.pipeline_mode<synchronous>, transform_indices = @transform_22, window_bounds = array<i64: 256, 256>}, {pipeline_mode = #tpu.pipeline_mode<synchronous>, transform_indices = @transform_23, window_bounds = array<i64: 256, 256>}, {pipeline_mode = #tpu.pipeline_mode<synchronous>, transform_indices = @transform_24, window_bounds = array<i64: 256, 256>}, {pipeline_mode = #tpu.pipeline_mode<synchronous>, transform_indices = @transform_25, window_bounds = array<i64: 256, 2>}, {pipeline_mode = #tpu.pipeline_mode<synchronous>, transform_indices = @transform_26, window_bounds = array<i64: 1, 2>}, {pipeline_mode = #tpu.pipeline_mode<synchronous>, transform_indices = @transform_27, window_bounds = array<i64: 100, 2>}]} {
    %jit3A = arith.constant 5 : i32
    %div3A = arith.divsi %arg0, %jit3A : i32
    %sign3A = arith.constant 0 : i32
    %sign3A_0 = arith.cmpi sgt, %arg0, %sign3A : i32
    %sign3A_1 = arith.extui %sign3A_0 : i1 to i32
    %sign3A_2 = arith.constant 0 : i32
    %sign3A_3 = arith.cmpi slt, %arg0, %sign3A_2 : i32
    %sign3A_4 = arith.extui %sign3A_3 : i1 to i32
    %sign3A_5 = arith.subi %sign3A_1, %sign3A_4 : i32
    %sign3A_6 = arith.constant 0 : i32
    %sign3A_7 = arith.cmpi sgt, %jit3A, %sign3A_6 : i32
    %sign3A_8 = arith.extui %sign3A_7 : i1 to i32
    %sign3A_9 = arith.constant 0 : i32
    %sign3A_10 = arith.cmpi slt, %jit3A, %sign3A_9 : i32
    %sign3A_11 = arith.extui %sign3A_10 : i1 to i32
    %sign3A_12 = arith.subi %sign3A_8, %sign3A_11 : i32
    %ne3A = arith.cmpi ne, %sign3A_5, %sign3A_12 : i32
    %rem3A = arith.remsi %arg0, %jit3A : i32
    %ne3A_13 = arith.constant 0 : i32
    %ne3A_14 = arith.cmpi ne, %rem3A, %ne3A_13 : i32
    %and3A = arith.andi %ne3A, %ne3A_14 : i1
    %sub3A = arith.constant 1 : i32
    %sub3A_15 = arith.subi %div3A, %sub3A : i32
    %select_n3A = arith.select %and3A, %sub3A_15, %div3A : i32
    %rem3A_16 = arith.constant 5 : i32
    %rem3A_17 = arith.remsi %arg0, %rem3A_16 : i32
    %mul3A = arith.constant 2000 : i32
    %mul3A_18 = arith.muli %rem3A_17, %mul3A : i32
    %mul3A_19 = arith.constant 20 : i32
    %mul3A_20 = arith.muli %rem3A_17, %mul3A_19 : i32
    %eq3A = arith.constant 0 : i32
    %eq3A_21 = arith.cmpi eq, %arg0, %eq3A : i32
    %convert_element_type3A = arith.extui %eq3A_21 : i1 to i32
    %cond3A = arith.constant 0 : i32
    %cond3A_22 = arith.cmpi ne, %convert_element_type3A, %cond3A : i32
    scf.if %cond3A_22 {
      %broadcast_in_dim3A = arith.constant 0.000000e+00 : f32
      %broadcast_in_dim3A_52 = vector.broadcast %broadcast_in_dim3A : f32 to vector<2x256xf32>
      %swap3A = arith.constant 0 : index
      %swap3A_53 = arith.constant 0 : index
      %swap3A_54 = vector.load %arg31[%swap3A, %swap3A_53] : memref<2x256xf32, #tpu.memory_space<vmem>>, vector<2x256xf32>
      tpu.vector_store %arg31[%swap3A, %swap3A_53], %broadcast_in_dim3A_52 {strides = array<i32>} : memref<2x256xf32, #tpu.memory_space<vmem>>, vector<2x256xf32>,
    } else {
    }
    %eq3A_23 = arith.constant 0 : i32
    %eq3A_24 = arith.cmpi eq, %rem3A_17, %eq3A_23 : i32
    %gt3A = arith.constant 0 : i32
    %gt3A_25 = arith.cmpi sgt, %select_n3A, %gt3A : i32
    %and3A_26 = arith.andi %eq3A_24, %gt3A_25 : i1
    %lt3A = arith.constant 3 : i32
    %lt3A_27 = arith.cmpi slt, %select_n3A, %lt3A : i32
    %and3A_28 = arith.andi %and3A_26, %lt3A_27 : i1
    %convert_element_type3A_29 = arith.extui %and3A_28 : i1 to i32
    %cond3A_30 = arith.constant 0 : i32
    %cond3A_31 = arith.cmpi ne, %convert_element_type3A_29, %cond3A_30 : i32
    scf.if %cond3A_31 {
      %get3A = arith.constant 0 : index
      %get3A_52 = arith.constant 0 : index
      %get3A_53 = vector.load %arg31[%get3A, %get3A_52] : memref<2x256xf32, #tpu.memory_space<vmem>>, vector<2x256xf32>
      %swap3A = arith.constant 0 : index
      %swap3A_54 = arith.constant 0 : index
      %swap3A_55 = vector.load %arg32[%swap3A, %swap3A_54] : memref<2x256xf32, #tpu.memory_space<vmem>>, vector<2x256xf32>
      tpu.vector_store %arg32[%swap3A, %swap3A_54], %get3A_53 {strides = array<i32>} : memref<2x256xf32, #tpu.memory_space<vmem>>, vector<2x256xf32>,
      %broadcast_in_dim3A = arith.constant 0.000000e+00 : f32
      %broadcast_in_dim3A_56 = vector.broadcast %broadcast_in_dim3A : f32 to vector<2x256xf32>
      %swap3A_57 = arith.constant 0 : index
      %swap3A_58 = arith.constant 0 : index
      %swap3A_59 = vector.load %arg31[%swap3A_57, %swap3A_58] : memref<2x256xf32, #tpu.memory_space<vmem>>, vector<2x256xf32>
      tpu.vector_store %arg31[%swap3A_57, %swap3A_58], %broadcast_in_dim3A_56 {strides = array<i32>} : memref<2x256xf32, #tpu.memory_space<vmem>>, vector<2x256xf32>,
    } else {
    }
    %eq3A_32 = arith.constant 0 : i32
    %eq3A_33 = arith.cmpi eq, %select_n3A, %eq3A_32 : i32
    %convert_element_type3A_34 = arith.extui %eq3A_33 : i1 to i32
    %cond3A_35 = arith.constant 0 : i32
    %cond3A_36 = arith.cmpi ne, %convert_element_type3A_34, %cond3A_35 : i32
    scf.if %cond3A_36 {
      %get3A = arith.index_cast %mul3A_18 : i32 to index
      %get3A_52 = arith.constant 0 : index
      %get3A_53 = vector.load %arg1[%get3A, %get3A_52] : memref<10000x256xf32, #tpu.memory_space<vmem>>, vector<2000x256xf32>
      %get3A_54 = arith.constant 0 : index
      %get3A_55 = arith.constant 0 : index
      %get3A_56 = vector.load %arg3[%get3A_54, %get3A_55] : memref<256x256xf32, #tpu.memory_space<vmem>>, vector<256x256xf32>
      %dot_general3A = arith.constant dense<0.000000e+00> : vector<2000x256xf32>
      %dot_general3A_57 = tpu.matmul %get3A_53, %get3A_56, %dot_general3A {dimension_numbers = #tpu.dot_dimension_numbers<[1], [0], [0], [1], [0, 0, 1, 1], [], []>, transpose_lhs_hint = false} : vector<2000x256xf32>, vector<256x256xf32>, vector<2000x256xf32> -> vector<2000x256xf32>
      %get3A_58 = arith.constant 0 : index
      %get3A_59 = arith.constant 0 : index
      %get3A_60 = vector.load %arg4[%get3A_58, %get3A_59] : memref<1x256xf32, #tpu.memory_space<vmem>>, vector<1x256xf32>
      %add3A = vector.broadcast %get3A_60 : vector<1x256xf32> to vector<2000x256xf32>
      %add3A_61 = arith.addf %dot_general3A_57, %add3A : vector<2000x256xf32>
      %add3A_62 = arith.constant 0 : i32
      %add3A_63 = arith.addi %mul3A_20, %add3A_62 : i32
      %get3A_64 = arith.index_cast %add3A_63 : i32 to index
      %get3A_65 = arith.constant 0 : index
      %get3A_66 = arith.constant 0 : index
      %get3A_67 = vector.load %arg2[%get3A_64, %get3A_65, %get3A_66] : memref<100x100x100xf32, #tpu.memory_space<vmem>>, vector<1x100x100xf32>
      %get3A_68 = vector.shape_cast %get3A_67 : vector<1x100x100xf32> to vector<100x100xf32>
      %reduce_sum3A = arith.constant dense<0.000000e+00> : vector<100xf32>
      %reduce_sum3A_69 = vector.multi_reduction <add>, %get3A_68, %reduce_sum3A [0] : vector<100x100xf32> to vector<100xf32>
      %broadcast_in_dim3A = vector.shape_cast %reduce_sum3A_69 : vector<100xf32> to vector<1x100xf32>
      %max3A = arith.constant 1.000000e+00 : f32
      %max3A_70 = vector.broadcast %max3A : f32 to vector<1x100xf32>
      %max3A_71 = arith.maximumf %broadcast_in_dim3A, %max3A_70 : vector<1x100xf32>
      %div3A_72 = arith.constant 1.000000e+00 : f32
      %div3A_73 = vector.broadcast %div3A_72 : f32 to vector<1x100xf32>
      %div3A_74 = arith.divf %div3A_73, %max3A_71 : vector<1x100xf32>
      %mul3A_75 = vector.broadcast %div3A_74 : vector<1x100xf32> to vector<100x100xf32>
      %mul3A_76 = arith.mulf %get3A_68, %mul3A_75 : vector<100x100xf32>
      %slice3A = vector.extract_strided_slice %add3A_61 {offsets = [0, 0], sizes = [100, 256], strides = [1, 1]} : vector<2000x256xf32> to vector<100x256xf32>
      %dot_general3A_77 = arith.constant dense<0.000000e+00> : vector<100x256xf32>
      %dot_general3A_78 = tpu.matmul %mul3A_76, %slice3A, %dot_general3A_77 {dimension_numbers = #tpu.dot_dimension_numbers<[0], [0], [1], [1], [0, 1, 1, 1], [], []>, transpose_lhs_hint = false} : vector<100x100xf32>, vector<100x256xf32>, vector<100x256xf32> -> vector<100x256xf32>
      %add3A_79 = arith.constant 1 : i32
      %add3A_80 = arith.addi %mul3A_20, %add3A_79 : i32
      %get3A_81 = arith.index_cast %add3A_80 : i32 to index
      %get3A_82 = arith.constant 0 : index
      %get3A_83 = arith.constant 0 : index
      %get3A_84 = vector.load %arg2[%get3A_81, %get3A_82, %get3A_83] : memref<100x100x100xf32, #tpu.memory_space<vmem>>, vector<1x100x100xf32>
      %get3A_85 = vector.shape_cast %get3A_84 : vector<1x100x100xf32> to vector<100x100xf32>
      %reduce_sum3A_86 = arith.constant dense<0.000000e+00> : vector<100xf32>
      %reduce_sum3A_87 = vector.multi_reduction <add>, %get3A_85, %reduce_sum3A_86 [0] : vector<100x100xf32> to vector<100xf32>
      %broadcast_in_dim3A_88 = vector.shape_cast %reduce_sum3A_87 : vector<100xf32> to vector<1x100xf32>
      %max3A_89 = arith.constant 1.000000e+00 : f32
      %max3A_90 = vector.broadcast %max3A_89 : f32 to vector<1x100xf32>
      %max3A_91 = arith.maximumf %broadcast_in_dim3A_88, %max3A_90 : vector<1x100xf32>
      %div3A_92 = arith.constant 1.000000e+00 : f32
      %div3A_93 = vector.broadcast %div3A_92 : f32 to vector<1x100xf32>
      %div3A_94 = arith.divf %div3A_93, %max3A_91 : vector<1x100xf32>
      %mul3A_95 = vector.broadcast %div3A_94 : vector<1x100xf32> to vector<100x100xf32>
      %mul3A_96 = arith.mulf %get3A_85, %mul3A_95 : vector<100x100xf32>
      %slice3A_97 = vector.extract_strided_slice %add3A_61 {offsets = [100, 0], sizes = [100, 256], strides = [1, 1]} : vector<2000x256xf32> to vector<100x256xf32>
      %dot_general3A_98 = arith.constant dense<0.000000e+00> : vector<100x256xf32>
      %dot_general3A_99 = tpu.matmul %mul3A_96, %slice3A_97, %dot_general3A_98 {dimension_numbers = #tpu.dot_dimension_numbers<[0], [0], [1], [1], [0, 1, 1, 1], [], []>, transpose_lhs_hint = false} : vector<100x100xf32>, vector<100x256xf32>, vector<100x256xf32> -> vector<100x256xf32>
      %add3A_100 = arith.constant 2 : i32
      %add3A_101 = arith.addi %mul3A_20, %add3A_100 : i32
      %get3A_102 = arith.index_cast %add3A_101 : i32 to index
      %get3A_103 = arith.constant 0 : index
      %get3A_104 = arith.constant 0 : index
      %get3A_105 = vector.load %arg2[%get3A_102, %get3A_103, %get3A_104] : memref<100x100x100xf32, #tpu.memory_space<vmem>>, vector<1x100x100xf32>
      %get3A_106 = vector.shape_cast %get3A_105 : vector<1x100x100xf32> to vector<100x100xf32>
      %reduce_sum3A_107 = arith.constant dense<0.000000e+00> : vector<100xf32>
      %reduce_sum3A_108 = vector.multi_reduction <add>, %get3A_106, %reduce_sum3A_107 [0] : vector<100x100xf32> to vector<100xf32>
      %broadcast_in_dim3A_109 = vector.shape_cast %reduce_sum3A_108 : vector<100xf32> to vector<1x100xf32>
      %max3A_110 = arith.constant 1.000000e+00 : f32
      %max3A_111 = vector.broadcast %max3A_110 : f32 to vector<1x100xf32>
      %max3A_112 = arith.maximumf %broadcast_in_dim3A_109, %max3A_111 : vector<1x100xf32>
      %div3A_113 = arith.constant 1.000000e+00 : f32
      %div3A_114 = vector.broadcast %div3A_113 : f32 to vector<1x100xf32>
      %div3A_115 = arith.divf %div3A_114, %max3A_112 : vector<1x100xf32>
      %mul3A_116 = vector.broadcast %div3A_115 : vector<1x100xf32> to vector<100x100xf32>
      %mul3A_117 = arith.mulf %get3A_106, %mul3A_116 : vector<100x100xf32>
      %slice3A_118 = vector.extract_strided_slice %add3A_61 {offsets = [200, 0], sizes = [100, 256], strides = [1, 1]} : vector<2000x256xf32> to vector<100x256xf32>
      %dot_general3A_119 = arith.constant dense<0.000000e+00> : vector<100x256xf32>
      %dot_general3A_120 = tpu.matmul %mul3A_117, %slice3A_118, %dot_general3A_119 {dimension_numbers = #tpu.dot_dimension_numbers<[0], [0], [1], [1], [0, 1, 1, 1], [], []>, transpose_lhs_hint = false} : vector<100x100xf32>, vector<100x256xf32>, vector<100x256xf32> -> vector<100x256xf32>
      %add3A_121 = arith.constant 3 : i32
      %add3A_122 = arith.addi %mul3A_20, %add3A_121 : i32
      %get3A_123 = arith.index_cast %add3A_122 : i32 to index
      %get3A_124 = arith.constant 0 : index
      %get3A_125 = arith.constant 0 : index
      %get3A_126 = vector.load %arg2[%get3A_123, %get3A_124, %get3A_125] : memref<100x100x100xf32, #tpu.memory_space<vmem>>, vector<1x100x100xf32>
      %get3A_127 = vector.shape_cast %get3A_126 : vector<1x100x100xf32> to vector<100x100xf32>
      %reduce_sum3A_128 = arith.constant dense<0.000000e+00> : vector<100xf32>
      %reduce_sum3A_129 = vector.multi_reduction <add>, %get3A_127, %reduce_sum3A_128 [0] : vector<100x100xf32> to vector<100xf32>
      %broadcast_in_dim3A_130 = vector.shape_cast %reduce_sum3A_129 : vector<100xf32> to vector<1x100xf32>
      %max3A_131 = arith.constant 1.000000e+00 : f32
      %max3A_132 = vector.broadcast %max3A_131 : f32 to vector<1x100xf32>
      %max3A_133 = arith.maximumf %broadcast_in_dim3A_130, %max3A_132 : vector<1x100xf32>
      %div3A_134 = arith.constant 1.000000e+00 : f32
      %div3A_135 = vector.broadcast %div3A_134 : f32 to vector<1x100xf32>
      %div3A_136 = arith.divf %div3A_135, %max3A_133 : vector<1x100xf32>
      %mul3A_137 = vector.broadcast %div3A_136 : vector<1x100xf32> to vector<100x100xf32>
      %mul3A_138 = arith.mulf %get3A_127, %mul3A_137 : vector<100x100xf32>
      %slice3A_139 = vector.extract_strided_slice %add3A_61 {offsets = [300, 0], sizes = [100, 256], strides = [1, 1]} : vector<2000x256xf32> to vector<100x256xf32>
      %dot_general3A_140 = arith.constant dense<0.000000e+00> : vector<100x256xf32>
      %dot_general3A_141 = tpu.matmul %mul3A_138, %slice3A_139, %dot_general3A_140 {dimension_numbers = #tpu.dot_dimension_numbers<[0], [0], [1], [1], [0, 1, 1, 1], [], []>, transpose_lhs_hint = false} : vector<100x100xf32>, vector<100x256xf32>, vector<100x256xf32> -> vector<100x256xf32>
      %add3A_142 = arith.constant 4 : i32
      %add3A_143 = arith.addi %mul3A_20, %add3A_142 : i32
      %get3A_144 = arith.index_cast %add3A_143 : i32 to index
      %get3A_145 = arith.constant 0 : index
      %get3A_146 = arith.constant 0 : index
      %get3A_147 = vector.load %arg2[%get3A_144, %get3A_145, %get3A_146] : memref<100x100x100xf32, #tpu.memory_space<vmem>>, vector<1x100x100xf32>
      %get3A_148 = vector.shape_cast %get3A_147 : vector<1x100x100xf32> to vector<100x100xf32>
      %reduce_sum3A_149 = arith.constant dense<0.000000e+00> : vector<100xf32>
      %reduce_sum3A_150 = vector.multi_reduction <add>, %get3A_148, %reduce_sum3A_149 [0] : vector<100x100xf32> to vector<100xf32>
      %broadcast_in_dim3A_151 = vector.shape_cast %reduce_sum3A_150 : vector<100xf32> to vector<1x100xf32>
      %max3A_152 = arith.constant 1.000000e+00 : f32
      %max3A_153 = vector.broadcast %max3A_152 : f32 to vector<1x100xf32>
      %max3A_154 = arith.maximumf %broadcast_in_dim3A_151, %max3A_153 : vector<1x100xf32>
      %div3A_155 = arith.constant 1.000000e+00 : f32
      %div3A_156 = vector.broadcast %div3A_155 : f32 to vector<1x100xf32>
      %div3A_157 = arith.divf %div3A_156, %max3A_154 : vector<1x100xf32>
      %mul3A_158 = vector.broadcast %div3A_157 : vector<1x100xf32> to vector<100x100xf32>
      %mul3A_159 = arith.mulf %get3A_148, %mul3A_158 : vector<100x100xf32>
      %slice3A_160 = vector.extract_strided_slice %add3A_61 {offsets = [400, 0], sizes = [100, 256], strides = [1, 1]} : vector<2000x256xf32> to vector<100x256xf32>
      %dot_general3A_161 = arith.constant dense<0.000000e+00> : vector<100x256xf32>
      %dot_general3A_162 = tpu.matmul %mul3A_159, %slice3A_160, %dot_general3A_161 {dimension_numbers = #tpu.dot_dimension_numbers<[0], [0], [1], [1], [0, 1, 1, 1], [], []>, transpose_lhs_hint = false} : vector<100x100xf32>, vector<100x256xf32>, vector<100x256xf32> -> vector<100x256xf32>
      %add3A_163 = arith.constant 5 : i32
      %add3A_164 = arith.addi %mul3A_20, %add3A_163 : i32
      %get3A_165 = arith.index_cast %add3A_164 : i32 to index
      %get3A_166 = arith.constant 0 : index
      %get3A_167 = arith.constant 0 : index
      %get3A_168 = vector.load %arg2[%get3A_165, %get3A_166, %get3A_167] : memref<100x100x100xf32, #tpu.memory_space<vmem>>, vector<1x100x100xf32>
      %get3A_169 = vector.shape_cast %get3A_168 : vector<1x100x100xf32> to vector<100x100xf32>
      %reduce_sum3A_170 = arith.constant dense<0.000000e+00> : vector<100xf32>
      %reduce_sum3A_171 = vector.multi_reduction <add>, %get3A_169, %reduce_sum3A_170 [0] : vector<100x100xf32> to vector<100xf32>
      %broadcast_in_dim3A_172 = vector.shape_cast %reduce_sum3A_171 : vector<100xf32> to vector<1x100xf32>
      %max3A_173 = arith.constant 1.000000e+00 : f32
      %max3A_174 = vector.broadcast %max3A_173 : f32 to vector<1x100xf32>
      %max3A_175 = arith.maximumf %broadcast_in_dim3A_172, %max3A_174 : vector<1x100xf32>
      %div3A_176 = arith.constant 1.000000e+00 : f32
      %div3A_177 = vector.broadcast %div3A_176 : f32 to vector<1x100xf32>
      %div3A_178 = arith.divf %div3A_177, %max3A_175 : vector<1x100xf32>
      %mul3A_179 = vector.broadcast %div3A_178 : vector<1x100xf32> to vector<100x100xf32>
      %mul3A_180 = arith.mulf %get3A_169, %mul3A_179 : vector<100x100xf32>
      %slice3A_181 = vector.extract_strided_slice %add3A_61 {offsets = [500, 0], sizes = [100, 256], strides = [1, 1]} : vector<2000x256xf32> to vector<100x256xf32>
      %dot_general3A_182 = arith.constant dense<0.000000e+00> : vector<100x256xf32>
      %dot_general3A_183 = tpu.matmul %mul3A_180, %slice3A_181, %dot_general3A_182 {dimension_numbers = #tpu.dot_dimension_numbers<[0], [0], [1], [1], [0, 1, 1, 1], [], []>, transpose_lhs_hint = false} : vector<100x100xf32>, vector<100x256xf32>, vector<100x256xf32> -> vector<100x256xf32>
      %add3A_184 = arith.constant 6 : i32
      %add3A_185 = arith.addi %mul3A_20, %add3A_184 : i32
      %get3A_186 = arith.index_cast %add3A_185 : i32 to index
      %get3A_187 = arith.constant 0 : index
      %get3A_188 = arith.constant 0 : index
      %get3A_189 = vector.load %arg2[%get3A_186, %get3A_187, %get3A_188] : memref<100x100x100xf32, #tpu.memory_space<vmem>>, vector<1x100x100xf32>
      %get3A_190 = vector.shape_cast %get3A_189 : vector<1x100x100xf32> to vector<100x100xf32>
      %reduce_sum3A_191 = arith.constant dense<0.000000e+00> : vector<100xf32>
      %reduce_sum3A_192 = vector.multi_reduction <add>, %get3A_190, %reduce_sum3A_191 [0] : vector<100x100xf32> to vector<100xf32>
      %broadcast_in_dim3A_193 = vector.shape_cast %reduce_sum3A_192 : vector<100xf32> to vector<1x100xf32>
      %max3A_194 = arith.constant 1.000000e+00 : f32
      %max3A_195 = vector.broadcast %max3A_194 : f32 to vector<1x100xf32>
      %max3A_196 = arith.maximumf %broadcast_in_dim3A_193, %max3A_195 : vector<1x100xf32>
      %div3A_197 = arith.constant 1.000000e+00 : f32
      %div3A_198 = vector.broadcast %div3A_197 : f32 to vector<1x100xf32>
      %div3A_199 = arith.divf %div3A_198, %max3A_196 : vector<1x100xf32>
      %mul3A_200 = vector.broadcast %div3A_199 : vector<1x100xf32> to vector<100x100xf32>
      %mul3A_201 = arith.mulf %get3A_190, %mul3A_200 : vector<100x100xf32>
      %slice3A_202 = vector.extract_strided_slice %add3A_61 {offsets = [600, 0], sizes = [100, 256], strides = [1, 1]} : vector<2000x256xf32> to vector<100x256xf32>
      %dot_general3A_203 = arith.constant dense<0.000000e+00> : vector<100x256xf32>
      %dot_general3A_204 = tpu.matmul %mul3A_201, %slice3A_202, %dot_general3A_203 {dimension_numbers = #tpu.dot_dimension_numbers<[0], [0], [1], [1], [0, 1, 1, 1], [], []>, transpose_lhs_hint = false} : vector<100x100xf32>, vector<100x256xf32>, vector<100x256xf32> -> vector<100x256xf32>
      %add3A_205 = arith.constant 7 : i32
      %add3A_206 = arith.addi %mul3A_20, %add3A_205 : i32
      %get3A_207 = arith.index_cast %add3A_206 : i32 to index
      %get3A_208 = arith.constant 0 : index
      %get3A_209 = arith.constant 0 : index
      %get3A_210 = vector.load %arg2[%get3A_207, %get3A_208, %get3A_209] : memref<100x100x100xf32, #tpu.memory_space<vmem>>, vector<1x100x100xf32>
      %get3A_211 = vector.shape_cast %get3A_210 : vector<1x100x100xf32> to vector<100x100xf32>
      %reduce_sum3A_212 = arith.constant dense<0.000000e+00> : vector<100xf32>
      %reduce_sum3A_213 = vector.multi_reduction <add>, %get3A_211, %reduce_sum3A_212 [0] : vector<100x100xf32> to vector<100xf32>
      %broadcast_in_dim3A_214 = vector.shape_cast %reduce_sum3A_213 : vector<100xf32> to vector<1x100xf32>
      %max3A_215 = arith.constant 1.000000e+00 : f32
      %max3A_216 = vector.broadcast %max3A_215 : f32 to vector<1x100xf32>
      %max3A_217 = arith.maximumf %broadcast_in_dim3A_214, %max3A_216 : vector<1x100xf32>
      %div3A_218 = arith.constant 1.000000e+00 : f32
      %div3A_219 = vector.broadcast %div3A_218 : f32 to vector<1x100xf32>
      %div3A_220 = arith.divf %div3A_219, %max3A_217 : vector<1x100xf32>
      %mul3A_221 = vector.broadcast %div3A_220 : vector<1x100xf32> to vector<100x100xf32>
      %mul3A_222 = arith.mulf %get3A_211, %mul3A_221 : vector<100x100xf32>
      %slice3A_223 = vector.extract_strided_slice %add3A_61 {offsets = [700, 0], sizes = [100, 256], strides = [1, 1]} : vector<2000x256xf32> to vector<100x256xf32>
      %dot_general3A_224 = arith.constant dense<0.000000e+00> : vector<100x256xf32>
      %dot_general3A_225 = tpu.matmul %mul3A_222, %slice3A_223, %dot_general3A_224 {dimension_numbers = #tpu.dot_dimension_numbers<[0], [0], [1], [1], [0, 1, 1, 1], [], []>, transpose_lhs_hint = false} : vector<100x100xf32>, vector<100x256xf32>, vector<100x256xf32> -> vector<100x256xf32>
      %add3A_226 = arith.constant 8 : i32
      %add3A_227 = arith.addi %mul3A_20, %add3A_226 : i32
      %get3A_228 = arith.index_cast %add3A_227 : i32 to index
      %get3A_229 = arith.constant 0 : index
      %get3A_230 = arith.constant 0 : index
      %get3A_231 = vector.load %arg2[%get3A_228, %get3A_229, %get3A_230] : memref<100x100x100xf32, #tpu.memory_space<vmem>>, vector<1x100x100xf32>
      %get3A_232 = vector.shape_cast %get3A_231 : vector<1x100x100xf32> to vector<100x100xf32>
      %reduce_sum3A_233 = arith.constant dense<0.000000e+00> : vector<100xf32>
      %reduce_sum3A_234 = vector.multi_reduction <add>, %get3A_232, %reduce_sum3A_233 [0] : vector<100x100xf32> to vector<100xf32>
      %broadcast_in_dim3A_235 = vector.shape_cast %reduce_sum3A_234 : vector<100xf32> to vector<1x100xf32>
      %max3A_236 = arith.constant 1.000000e+00 : f32
      %max3A_237 = vector.broadcast %max3A_236 : f32 to vector<1x100xf32>
      %max3A_238 = arith.maximumf %broadcast_in_dim3A_235, %max3A_237 : vector<1x100xf32>
      %div3A_239 = arith.constant 1.000000e+00 : f32
      %div3A_240 = vector.broadcast %div3A_239 : f32 to vector<1x100xf32>
      %div3A_241 = arith.divf %div3A_240, %max3A_238 : vector<1x100xf32>
      %mul3A_242 = vector.broadcast %div3A_241 : vector<1x100xf32> to vector<100x100xf32>
      %mul3A_243 = arith.mulf %get3A_232, %mul3A_242 : vector<100x100xf32>
      %slice3A_244 = vector.extract_strided_slice %add3A_61 {offsets = [800, 0], sizes = [100, 256], strides = [1, 1]} : vector<2000x256xf32> to vector<100x256xf32>
      %dot_general3A_245 = arith.constant dense<0.000000e+00> : vector<100x256xf32>
      %dot_general3A_246 = tpu.matmul %mul3A_243, %slice3A_244, %dot_general3A_245 {dimension_numbers = #tpu.dot_dimension_numbers<[0], [0], [1], [1], [0, 1, 1, 1], [], []>, transpose_lhs_hint = false} : vector<100x100xf32>, vector<100x256xf32>, vector<100x256xf32> -> vector<100x256xf32>
      %add3A_247 = arith.constant 9 : i32
      %add3A_248 = arith.addi %mul3A_20, %add3A_247 : i32
      %get3A_249 = arith.index_cast %add3A_248 : i32 to index
      %get3A_250 = arith.constant 0 : index
      %get3A_251 = arith.constant 0 : index
      %get3A_252 = vector.load %arg2[%get3A_249, %get3A_250, %get3A_251] : memref<100x100x100xf32, #tpu.memory_space<vmem>>, vector<1x100x100xf32>
      %get3A_253 = vector.shape_cast %get3A_252 : vector<1x100x100xf32> to vector<100x100xf32>
      %reduce_sum3A_254 = arith.constant dense<0.000000e+00> : vector<100xf32>
      %reduce_sum3A_255 = vector.multi_reduction <add>, %get3A_253, %reduce_sum3A_254 [0] : vector<100x100xf32> to vector<100xf32>
      %broadcast_in_dim3A_256 = vector.shape_cast %reduce_sum3A_255 : vector<100xf32> to vector<1x100xf32>
      %max3A_257 = arith.constant 1.000000e+00 : f32
      %max3A_258 = vector.broadcast %max3A_257 : f32 to vector<1x100xf32>
      %max3A_259 = arith.maximumf %broadcast_in_dim3A_256, %max3A_258 : vector<1x100xf32>
      %div3A_260 = arith.constant 1.000000e+00 : f32
      %div3A_261 = vector.broadcast %div3A_260 : f32 to vector<1x100xf32>
      %div3A_262 = arith.divf %div3A_261, %max3A_259 : vector<1x100xf32>
      %mul3A_263 = vector.broadcast %div3A_262 : vector<1x100xf32> to vector<100x100xf32>
      %mul3A_264 = arith.mulf %get3A_253, %mul3A_263 : vector<100x100xf32>
      %slice3A_265 = vector.extract_strided_slice %add3A_61 {offsets = [900, 0], sizes = [100, 256], strides = [1, 1]} : vector<2000x256xf32> to vector<100x256xf32>
      %dot_general3A_266 = arith.constant dense<0.000000e+00> : vector<100x256xf32>
      %dot_general3A_267 = tpu.matmul %mul3A_264, %slice3A_265, %dot_general3A_266 {dimension_numbers = #tpu.dot_dimension_numbers<[0], [0], [1], [1], [0, 1, 1, 1], [], []>, transpose_lhs_hint = false} : vector<100x100xf32>, vector<100x256xf32>, vector<100x256xf32> -> vector<100x256xf32>
      %add3A_268 = arith.constant 10 : i32
      %add3A_269 = arith.addi %mul3A_20, %add3A_268 : i32
      %get3A_270 = arith.index_cast %add3A_269 : i32 to index
      %get3A_271 = arith.constant 0 : index
      %get3A_272 = arith.constant 0 : index
      %get3A_273 = vector.load %arg2[%get3A_270, %get3A_271, %get3A_272] : memref<100x100x100xf32, #tpu.memory_space<vmem>>, vector<1x100x100xf32>
      %get3A_274 = vector.shape_cast %get3A_273 : vector<1x100x100xf32> to vector<100x100xf32>
      %reduce_sum3A_275 = arith.constant dense<0.000000e+00> : vector<100xf32>
      %reduce_sum3A_276 = vector.multi_reduction <add>, %get3A_274, %reduce_sum3A_275 [0] : vector<100x100xf32> to vector<100xf32>
      %broadcast_in_dim3A_277 = vector.shape_cast %reduce_sum3A_276 : vector<100xf32> to vector<1x100xf32>
      %max3A_278 = arith.constant 1.000000e+00 : f32
      %max3A_279 = vector.broadcast %max3A_278 : f32 to vector<1x100xf32>
      %max3A_280 = arith.maximumf %broadcast_in_dim3A_277, %max3A_279 : vector<1x100xf32>
      %div3A_281 = arith.constant 1.000000e+00 : f32
      %div3A_282 = vector.broadcast %div3A_281 : f32 to vector<1x100xf32>
      %div3A_283 = arith.divf %div3A_282, %max3A_280 : vector<1x100xf32>
      %mul3A_284 = vector.broadcast %div3A_283 : vector<1x100xf32> to vector<100x100xf32>
      %mul3A_285 = arith.mulf %get3A_274, %mul3A_284 : vector<100x100xf32>
      %slice3A_286 = vector.extract_strided_slice %add3A_61 {offsets = [1000, 0], sizes = [100, 256], strides = [1, 1]} : vector<2000x256xf32> to vector<100x256xf32>
      %dot_general3A_287 = arith.constant dense<0.000000e+00> : vector<100x256xf32>
      %dot_general3A_288 = tpu.matmul %mul3A_285, %slice3A_286, %dot_general3A_287 {dimension_numbers = #tpu.dot_dimension_numbers<[0], [0], [1], [1], [0, 1, 1, 1], [], []>, transpose_lhs_hint = false} : vector<100x100xf32>, vector<100x256xf32>, vector<100x256xf32> -> vector<100x256xf32>
      %add3A_289 = arith.constant 11 : i32
      %add3A_290 = arith.addi %mul3A_20, %add3A_289 : i32
      %get3A_291 = arith.index_cast %add3A_290 : i32 to index
      %get3A_292 = arith.constant 0 : index
      %get3A_293 = arith.constant 0 : index
      %get3A_294 = vector.load %arg2[%get3A_291, %get3A_292, %get3A_293] : memref<100x100x100xf32, #tpu.memory_space<vmem>>, vector<1x100x100xf32>
      %get3A_295 = vector.shape_cast %get3A_294 : vector<1x100x100xf32> to vector<100x100xf32>
      %reduce_sum3A_296 = arith.constant dense<0.000000e+00> : vector<100xf32>
      %reduce_sum3A_297 = vector.multi_reduction <add>, %get3A_295, %reduce_sum3A_296 [0] : vector<100x100xf32> to vector<100xf32>
      %broadcast_in_dim3A_298 = vector.shape_cast %reduce_sum3A_297 : vector<100xf32> to vector<1x100xf32>
      %max3A_299 = arith.constant 1.000000e+00 : f32
      %max3A_300 = vector.broadcast %max3A_299 : f32 to vector<1x100xf32>
      %max3A_301 = arith.maximumf %broadcast_in_dim3A_298, %max3A_300 : vector<1x100xf32>
      %div3A_302 = arith.constant 1.000000e+00 : f32
      %div3A_303 = vector.broadcast %div3A_302 : f32 to vector<1x100xf32>
      %div3A_304 = arith.divf %div3A_303, %max3A_301 : vector<1x100xf32>
      %mul3A_305 = vector.broadcast %div3A_304 : vector<1x100xf32> to vector<100x100xf32>
      %mul3A_306 = arith.mulf %get3A_295, %mul3A_305 : vector<100x100xf32>
      %slice3A_307 = vector.extract_strided_slice %add3A_61 {offsets = [1100, 0], sizes = [100, 256], strides = [1, 1]} : vector<2000x256xf32> to vector<100x256xf32>
      %dot_general3A_308 = arith.constant dense<0.000000e+00> : vector<100x256xf32>
      %dot_general3A_309 = tpu.matmul %mul3A_306, %slice3A_307, %dot_general3A_308 {dimension_numbers = #tpu.dot_dimension_numbers<[0], [0], [1], [1], [0, 1, 1, 1], [], []>, transpose_lhs_hint = false} : vector<100x100xf32>, vector<100x256xf32>, vector<100x256xf32> -> vector<100x256xf32>
      %add3A_310 = arith.constant 12 : i32
      %add3A_311 = arith.addi %mul3A_20, %add3A_310 : i32
      %get3A_312 = arith.index_cast %add3A_311 : i32 to index
      %get3A_313 = arith.constant 0 : index
      %get3A_314 = arith.constant 0 : index
      %get3A_315 = vector.load %arg2[%get3A_312, %get3A_313, %get3A_314] : memref<100x100x100xf32, #tpu.memory_space<vmem>>, vector<1x100x100xf32>
      %get3A_316 = vector.shape_cast %get3A_315 : vector<1x100x100xf32> to vector<100x100xf32>
      %reduce_sum3A_317 = arith.constant dense<0.000000e+00> : vector<100xf32>
      %reduce_sum3A_318 = vector.multi_reduction <add>, %get3A_316, %reduce_sum3A_317 [0] : vector<100x100xf32> to vector<100xf32>
      %broadcast_in_dim3A_319 = vector.shape_cast %reduce_sum3A_318 : vector<100xf32> to vector<1x100xf32>
      %max3A_320 = arith.constant 1.000000e+00 : f32
      %max3A_321 = vector.broadcast %max3A_320 : f32 to vector<1x100xf32>
      %max3A_322 = arith.maximumf %broadcast_in_dim3A_319, %max3A_321 : vector<1x100xf32>
      %div3A_323 = arith.constant 1.000000e+00 : f32
      %div3A_324 = vector.broadcast %div3A_323 : f32 to vector<1x100xf32>
      %div3A_325 = arith.divf %div3A_324, %max3A_322 : vector<1x100xf32>
      %mul3A_326 = vector.broadcast %div3A_325 : vector<1x100xf32> to vector<100x100xf32>
      %mul3A_327 = arith.mulf %get3A_316, %mul3A_326 : vector<100x100xf32>
      %slice3A_328 = vector.extract_strided_slice %add3A_61 {offsets = [1200, 0], sizes = [100, 256], strides = [1, 1]} : vector<2000x256xf32> to vector<100x256xf32>
      %dot_general3A_329 = arith.constant dense<0.000000e+00> : vector<100x256xf32>
      %dot_general3A_330 = tpu.matmul %mul3A_327, %slice3A_328, %dot_general3A_329 {dimension_numbers = #tpu.dot_dimension_numbers<[0], [0], [1], [1], [0, 1, 1, 1], [], []>, transpose_lhs_hint = false} : vector<100x100xf32>, vector<100x256xf32>, vector<100x256xf32> -> vector<100x256xf32>
      %add3A_331 = arith.constant 13 : i32
      %add3A_332 = arith.addi %mul3A_20, %add3A_331 : i32
      %get3A_333 = arith.index_cast %add3A_332 : i32 to index
      %get3A_334 = arith.constant 0 : index
      %get3A_335 = arith.constant 0 : index
      %get3A_336 = vector.load %arg2[%get3A_333, %get3A_334, %get3A_335] : memref<100x100x100xf32, #tpu.memory_space<vmem>>, vector<1x100x100xf32>
      %get3A_337 = vector.shape_cast %get3A_336 : vector<1x100x100xf32> to vector<100x100xf32>
      %reduce_sum3A_338 = arith.constant dense<0.000000e+00> : vector<100xf32>
      %reduce_sum3A_339 = vector.multi_reduction <add>, %get3A_337, %reduce_sum3A_338 [0] : vector<100x100xf32> to vector<100xf32>
      %broadcast_in_dim3A_340 = vector.shape_cast %reduce_sum3A_339 : vector<100xf32> to vector<1x100xf32>
      %max3A_341 = arith.constant 1.000000e+00 : f32
      %max3A_342 = vector.broadcast %max3A_341 : f32 to vector<1x100xf32>
      %max3A_343 = arith.maximumf %broadcast_in_dim3A_340, %max3A_342 : vector<1x100xf32>
      %div3A_344 = arith.constant 1.000000e+00 : f32
      %div3A_345 = vector.broadcast %div3A_344 : f32 to vector<1x100xf32>
      %div3A_346 = arith.divf %div3A_345, %max3A_343 : vector<1x100xf32>
      %mul3A_347 = vector.broadcast %div3A_346 : vector<1x100xf32> to vector<100x100xf32>
      %mul3A_348 = arith.mulf %get3A_337, %mul3A_347 : vector<100x100xf32>
      %slice3A_349 = vector.extract_strided_slice %add3A_61 {offsets = [1300, 0], sizes = [100, 256], strides = [1, 1]} : vector<2000x256xf32> to vector<100x256xf32>
      %dot_general3A_350 = arith.constant dense<0.000000e+00> : vector<100x256xf32>
      %dot_general3A_351 = tpu.matmul %mul3A_348, %slice3A_349, %dot_general3A_350 {dimension_numbers = #tpu.dot_dimension_numbers<[0], [0], [1], [1], [0, 1, 1, 1], [], []>, transpose_lhs_hint = false} : vector<100x100xf32>, vector<100x256xf32>, vector<100x256xf32> -> vector<100x256xf32>
      %add3A_352 = arith.constant 14 : i32
      %add3A_353 = arith.addi %mul3A_20, %add3A_352 : i32
      %get3A_354 = arith.index_cast %add3A_353 : i32 to index
      %get3A_355 = arith.constant 0 : index
      %get3A_356 = arith.constant 0 : index
      %get3A_357 = vector.load %arg2[%get3A_354, %get3A_355, %get3A_356] : memref<100x100x100xf32, #tpu.memory_space<vmem>>, vector<1x100x100xf32>
      %get3A_358 = vector.shape_cast %get3A_357 : vector<1x100x100xf32> to vector<100x100xf32>
      %reduce_sum3A_359 = arith.constant dense<0.000000e+00> : vector<100xf32>
      %reduce_sum3A_360 = vector.multi_reduction <add>, %get3A_358, %reduce_sum3A_359 [0] : vector<100x100xf32> to vector<100xf32>
      %broadcast_in_dim3A_361 = vector.shape_cast %reduce_sum3A_360 : vector<100xf32> to vector<1x100xf32>
      %max3A_362 = arith.constant 1.000000e+00 : f32
      %max3A_363 = vector.broadcast %max3A_362 : f32 to vector<1x100xf32>
      %max3A_364 = arith.maximumf %broadcast_in_dim3A_361, %max3A_363 : vector<1x100xf32>
      %div3A_365 = arith.constant 1.000000e+00 : f32
      %div3A_366 = vector.broadcast %div3A_365 : f32 to vector<1x100xf32>
      %div3A_367 = arith.divf %div3A_366, %max3A_364 : vector<1x100xf32>
      %mul3A_368 = vector.broadcast %div3A_367 : vector<1x100xf32> to vector<100x100xf32>
      %mul3A_369 = arith.mulf %get3A_358, %mul3A_368 : vector<100x100xf32>
      %slice3A_370 = vector.extract_strided_slice %add3A_61 {offsets = [1400, 0], sizes = [100, 256], strides = [1, 1]} : vector<2000x256xf32> to vector<100x256xf32>
      %dot_general3A_371 = arith.constant dense<0.000000e+00> : vector<100x256xf32>
      %dot_general3A_372 = tpu.matmul %mul3A_369, %slice3A_370, %dot_general3A_371 {dimension_numbers = #tpu.dot_dimension_numbers<[0], [0], [1], [1], [0, 1, 1, 1], [], []>, transpose_lhs_hint = false} : vector<100x100xf32>, vector<100x256xf32>, vector<100x256xf32> -> vector<100x256xf32>
      %add3A_373 = arith.constant 15 : i32
      %add3A_374 = arith.addi %mul3A_20, %add3A_373 : i32
      %get3A_375 = arith.index_cast %add3A_374 : i32 to index
      %get3A_376 = arith.constant 0 : index
      %get3A_377 = arith.constant 0 : index
      %get3A_378 = vector.load %arg2[%get3A_375, %get3A_376, %get3A_377] : memref<100x100x100xf32, #tpu.memory_space<vmem>>, vector<1x100x100xf32>
      %get3A_379 = vector.shape_cast %get3A_378 : vector<1x100x100xf32> to vector<100x100xf32>
      %reduce_sum3A_380 = arith.constant dense<0.000000e+00> : vector<100xf32>
      %reduce_sum3A_381 = vector.multi_reduction <add>, %get3A_379, %reduce_sum3A_380 [0] : vector<100x100xf32> to vector<100xf32>
      %broadcast_in_dim3A_382 = vector.shape_cast %reduce_sum3A_381 : vector<100xf32> to vector<1x100xf32>
      %max3A_383 = arith.constant 1.000000e+00 : f32
      %max3A_384 = vector.broadcast %max3A_383 : f32 to vector<1x100xf32>
      %max3A_385 = arith.maximumf %broadcast_in_dim3A_382, %max3A_384 : vector<1x100xf32>
      %div3A_386 = arith.constant 1.000000e+00 : f32
      %div3A_387 = vector.broadcast %div3A_386 : f32 to vector<1x100xf32>
      %div3A_388 = arith.divf %div3A_387, %max3A_385 : vector<1x100xf32>
      %mul3A_389 = vector.broadcast %div3A_388 : vector<1x100xf32> to vector<100x100xf32>
      %mul3A_390 = arith.mulf %get3A_379, %mul3A_389 : vector<100x100xf32>
      %slice3A_391 = vector.extract_strided_slice %add3A_61 {offsets = [1500, 0], sizes = [100, 256], strides = [1, 1]} : vector<2000x256xf32> to vector<100x256xf32>
      %dot_general3A_392 = arith.constant dense<0.000000e+00> : vector<100x256xf32>
      %dot_general3A_393 = tpu.matmul %mul3A_390, %slice3A_391, %dot_general3A_392 {dimension_numbers = #tpu.dot_dimension_numbers<[0], [0], [1], [1], [0, 1, 1, 1], [], []>, transpose_lhs_hint = false} : vector<100x100xf32>, vector<100x256xf32>, vector<100x256xf32> -> vector<100x256xf32>
      %add3A_394 = arith.constant 16 : i32
      %add3A_395 = arith.addi %mul3A_20, %add3A_394 : i32
      %get3A_396 = arith.index_cast %add3A_395 : i32 to index
      %get3A_397 = arith.constant 0 : index
      %get3A_398 = arith.constant 0 : index
      %get3A_399 = vector.load %arg2[%get3A_396, %get3A_397, %get3A_398] : memref<100x100x100xf32, #tpu.memory_space<vmem>>, vector<1x100x100xf32>
      %get3A_400 = vector.shape_cast %get3A_399 : vector<1x100x100xf32> to vector<100x100xf32>
      %reduce_sum3A_401 = arith.constant dense<0.000000e+00> : vector<100xf32>
      %reduce_sum3A_402 = vector.multi_reduction <add>, %get3A_400, %reduce_sum3A_401 [0] : vector<100x100xf32> to vector<100xf32>
      %broadcast_in_dim3A_403 = vector.shape_cast %reduce_sum3A_402 : vector<100xf32> to vector<1x100xf32>
      %max3A_404 = arith.constant 1.000000e+00 : f32
      %max3A_405 = vector.broadcast %max3A_404 : f32 to vector<1x100xf32>
      %max3A_406 = arith.maximumf %broadcast_in_dim3A_403, %max3A_405 : vector<1x100xf32>
      %div3A_407 = arith.constant 1.000000e+00 : f32
      %div3A_408 = vector.broadcast %div3A_407 : f32 to vector<1x100xf32>
      %div3A_409 = arith.divf %div3A_408, %max3A_406 : vector<1x100xf32>
      %mul3A_410 = vector.broadcast %div3A_409 : vector<1x100xf32> to vector<100x100xf32>
      %mul3A_411 = arith.mulf %get3A_400, %mul3A_410 : vector<100x100xf32>
      %slice3A_412 = vector.extract_strided_slice %add3A_61 {offsets = [1600, 0], sizes = [100, 256], strides = [1, 1]} : vector<2000x256xf32> to vector<100x256xf32>
      %dot_general3A_413 = arith.constant dense<0.000000e+00> : vector<100x256xf32>
      %dot_general3A_414 = tpu.matmul %mul3A_411, %slice3A_412, %dot_general3A_413 {dimension_numbers = #tpu.dot_dimension_numbers<[0], [0], [1], [1], [0, 1, 1, 1], [], []>, transpose_lhs_hint = false} : vector<100x100xf32>, vector<100x256xf32>, vector<100x256xf32> -> vector<100x256xf32>
      %add3A_415 = arith.constant 17 : i32
      %add3A_416 = arith.addi %mul3A_20, %add3A_415 : i32
      %get3A_417 = arith.index_cast %add3A_416 : i32 to index
      %get3A_418 = arith.constant 0 : index
      %get3A_419 = arith.constant 0 : index
      %get3A_420 = vector.load %arg2[%get3A_417, %get3A_418, %get3A_419] : memref<100x100x100xf32, #tpu.memory_space<vmem>>, vector<1x100x100xf32>
      %get3A_421 = vector.shape_cast %get3A_420 : vector<1x100x100xf32> to vector<100x100xf32>
      %reduce_sum3A_422 = arith.constant dense<0.000000e+00> : vector<100xf32>
      %reduce_sum3A_423 = vector.multi_reduction <add>, %get3A_421, %reduce_sum3A_422 [0] : vector<100x100xf32> to vector<100xf32>
      %broadcast_in_dim3A_424 = vector.shape_cast %reduce_sum3A_423 : vector<100xf32> to vector<1x100xf32>
      %max3A_425 = arith.constant 1.000000e+00 : f32
      %max3A_426 = vector.broadcast %max3A_425 : f32 to vector<1x100xf32>
      %max3A_427 = arith.maximumf %broadcast_in_dim3A_424, %max3A_426 : vector<1x100xf32>
      %div3A_428 = arith.constant 1.000000e+00 : f32
      %div3A_429 = vector.broadcast %div3A_428 : f32 to vector<1x100xf32>
      %div3A_430 = arith.divf %div3A_429, %max3A_427 : vector<1x100xf32>
      %mul3A_431 = vector.broadcast %div3A_430 : vector<1x100xf32> to vector<100x100xf32>
      %mul3A_432 = arith.mulf %get3A_421, %mul3A_431 : vector<100x100xf32>
      %slice3A_433 = vector.extract_strided_slice %add3A_61 {offsets = [1700, 0], sizes = [100, 256], strides = [1, 1]} : vector<2000x256xf32> to vector<100x256xf32>
      %dot_general3A_434 = arith.constant dense<0.000000e+00> : vector<100x256xf32>
      %dot_general3A_435 = tpu.matmul %mul3A_432, %slice3A_433, %dot_general3A_434 {dimension_numbers = #tpu.dot_dimension_numbers<[0], [0], [1], [1], [0, 1, 1, 1], [], []>, transpose_lhs_hint = false} : vector<100x100xf32>, vector<100x256xf32>, vector<100x256xf32> -> vector<100x256xf32>
      %add3A_436 = arith.constant 18 : i32
      %add3A_437 = arith.addi %mul3A_20, %add3A_436 : i32
      %get3A_438 = arith.index_cast %add3A_437 : i32 to index
      %get3A_439 = arith.constant 0 : index
      %get3A_440 = arith.constant 0 : index
      %get3A_441 = vector.load %arg2[%get3A_438, %get3A_439, %get3A_440] : memref<100x100x100xf32, #tpu.memory_space<vmem>>, vector<1x100x100xf32>
      %get3A_442 = vector.shape_cast %get3A_441 : vector<1x100x100xf32> to vector<100x100xf32>
      %reduce_sum3A_443 = arith.constant dense<0.000000e+00> : vector<100xf32>
      %reduce_sum3A_444 = vector.multi_reduction <add>, %get3A_442, %reduce_sum3A_443 [0] : vector<100x100xf32> to vector<100xf32>
      %broadcast_in_dim3A_445 = vector.shape_cast %reduce_sum3A_444 : vector<100xf32> to vector<1x100xf32>
      %max3A_446 = arith.constant 1.000000e+00 : f32
      %max3A_447 = vector.broadcast %max3A_446 : f32 to vector<1x100xf32>
      %max3A_448 = arith.maximumf %broadcast_in_dim3A_445, %max3A_447 : vector<1x100xf32>
      %div3A_449 = arith.constant 1.000000e+00 : f32
      %div3A_450 = vector.broadcast %div3A_449 : f32 to vector<1x100xf32>
      %div3A_451 = arith.divf %div3A_450, %max3A_448 : vector<1x100xf32>
      %mul3A_452 = vector.broadcast %div3A_451 : vector<1x100xf32> to vector<100x100xf32>
      %mul3A_453 = arith.mulf %get3A_442, %mul3A_452 : vector<100x100xf32>
      %slice3A_454 = vector.extract_strided_slice %add3A_61 {offsets = [1800, 0], sizes = [100, 256], strides = [1, 1]} : vector<2000x256xf32> to vector<100x256xf32>
      %dot_general3A_455 = arith.constant dense<0.000000e+00> : vector<100x256xf32>
      %dot_general3A_456 = tpu.matmul %mul3A_453, %slice3A_454, %dot_general3A_455 {dimension_numbers = #tpu.dot_dimension_numbers<[0], [0], [1], [1], [0, 1, 1, 1], [], []>, transpose_lhs_hint = false} : vector<100x100xf32>, vector<100x256xf32>, vector<100x256xf32> -> vector<100x256xf32>
      %add3A_457 = arith.constant 19 : i32
      %add3A_458 = arith.addi %mul3A_20, %add3A_457 : i32
      %get3A_459 = arith.index_cast %add3A_458 : i32 to index
      %get3A_460 = arith.constant 0 : index
      %get3A_461 = arith.constant 0 : index
      %get3A_462 = vector.load %arg2[%get3A_459, %get3A_460, %get3A_461] : memref<100x100x100xf32, #tpu.memory_space<vmem>>, vector<1x100x100xf32>
      %get3A_463 = vector.shape_cast %get3A_462 : vector<1x100x100xf32> to vector<100x100xf32>
      %reduce_sum3A_464 = arith.constant dense<0.000000e+00> : vector<100xf32>
      %reduce_sum3A_465 = vector.multi_reduction <add>, %get3A_463, %reduce_sum3A_464 [0] : vector<100x100xf32> to vector<100xf32>
      %broadcast_in_dim3A_466 = vector.shape_cast %reduce_sum3A_465 : vector<100xf32> to vector<1x100xf32>
      %max3A_467 = arith.constant 1.000000e+00 : f32
      %max3A_468 = vector.broadcast %max3A_467 : f32 to vector<1x100xf32>
      %max3A_469 = arith.maximumf %broadcast_in_dim3A_466, %max3A_468 : vector<1x100xf32>
      %div3A_470 = arith.constant 1.000000e+00 : f32
      %div3A_471 = vector.broadcast %div3A_470 : f32 to vector<1x100xf32>
      %div3A_472 = arith.divf %div3A_471, %max3A_469 : vector<1x100xf32>
      %mul3A_473 = vector.broadcast %div3A_472 : vector<1x100xf32> to vector<100x100xf32>
      %mul3A_474 = arith.mulf %get3A_463, %mul3A_473 : vector<100x100xf32>
      %slice3A_475 = vector.extract_strided_slice %add3A_61 {offsets = [1900, 0], sizes = [100, 256], strides = [1, 1]} : vector<2000x256xf32> to vector<100x256xf32>
      %dot_general3A_476 = arith.constant dense<0.000000e+00> : vector<100x256xf32>
      %dot_general3A_477 = tpu.matmul %mul3A_474, %slice3A_475, %dot_general3A_476 {dimension_numbers = #tpu.dot_dimension_numbers<[0], [0], [1], [1], [0, 1, 1, 1], [], []>, transpose_lhs_hint = false} : vector<100x100xf32>, vector<100x256xf32>, vector<100x256xf32> -> vector<100x256xf32>
      %concatenate3A = tpu.concatenate %dot_general3A_78, %dot_general3A_99, %dot_general3A_120, %dot_general3A_141, %dot_general3A_162, %dot_general3A_183, %dot_general3A_204, %dot_general3A_225, %dot_general3A_246, %dot_general3A_267, %dot_general3A_288, %dot_general3A_309, %dot_general3A_330, %dot_general3A_351, %dot_general3A_372, %dot_general3A_393, %dot_general3A_414, %dot_general3A_435, %dot_general3A_456, %dot_general3A_477 in 0 : vector<100x256xf32>, vector<100x256xf32>, vector<100x256xf32>, vector<100x256xf32>, vector<100x256xf32>, vector<100x256xf32>, vector<100x256xf32>, vector<100x256xf32>, vector<100x256xf32>, vector<100x256xf32>, vector<100x256xf32>, vector<100x256xf32>, vector<100x256xf32>, vector<100x256xf32>, vector<100x256xf32>, vector<100x256xf32>, vector<100x256xf32>, vector<100x256xf32>, vector<100x256xf32>, vector<100x256xf32> -> vector<2000x256xf32>
      %get3A_478 = arith.constant 0 : index
      %get3A_479 = arith.constant 0 : index
      %get3A_480 = vector.load %arg5[%get3A_478, %get3A_479] : memref<256x256xf32, #tpu.memory_space<vmem>>, vector<256x256xf32>
      %dot_general3A_481 = arith.constant dense<0.000000e+00> : vector<2000x256xf32>
      %dot_general3A_482 = tpu.matmul %add3A_61, %get3A_480, %dot_general3A_481 {dimension_numbers = #tpu.dot_dimension_numbers<[1], [0], [0], [1], [0, 0, 1, 1], [], []>, transpose_lhs_hint = false} : vector<2000x256xf32>, vector<256x256xf32>, vector<2000x256xf32> -> vector<2000x256xf32>
      %get3A_483 = arith.constant 0 : index
      %get3A_484 = arith.constant 0 : index
      %get3A_485 = vector.load %arg8[%get3A_483, %get3A_484] : memref<256x256xf32, #tpu.memory_space<vmem>>, vector<256x256xf32>
      %dot_general3A_486 = arith.constant dense<0.000000e+00> : vector<2000x256xf32>
      %dot_general3A_487 = tpu.matmul %concatenate3A, %get3A_485, %dot_general3A_486 {dimension_numbers = #tpu.dot_dimension_numbers<[1], [0], [0], [1], [0, 0, 1, 1], [], []>, transpose_lhs_hint = false} : vector<2000x256xf32>, vector<256x256xf32>, vector<2000x256xf32> -> vector<2000x256xf32>
      %add3A_488 = arith.addf %dot_general3A_482, %dot_general3A_487 : vector<2000x256xf32>
      %get3A_489 = arith.constant 0 : index
      %get3A_490 = arith.constant 0 : index
      %get3A_491 = vector.load %arg11[%get3A_489, %get3A_490] : memref<1x256xf32, #tpu.memory_space<vmem>>, vector<1x256xf32>
      %add3A_492 = vector.broadcast %get3A_491 : vector<1x256xf32> to vector<2000x256xf32>
      %add3A_493 = arith.addf %add3A_488, %add3A_492 : vector<2000x256xf32>
      %swap3A = arith.index_cast %mul3A_18 : i32 to index
      %swap3A_494 = arith.constant 0 : index
      %swap3A_495 = vector.load %arg29[%swap3A, %swap3A_494] : memref<10000x256xf32, #tpu.memory_space<vmem>>, vector<2000x256xf32>
      tpu.vector_store %arg29[%swap3A, %swap3A_494], %add3A_61 {strides = array<i32>} : memref<10000x256xf32, #tpu.memory_space<vmem>>, vector<2000x256xf32>,
      %swap3A_496 = arith.index_cast %mul3A_18 : i32 to index
      %swap3A_497 = arith.constant 0 : index
      %swap3A_498 = vector.load %arg30[%swap3A_496, %swap3A_497] : memref<10000x256xf32, #tpu.memory_space<vmem>>, vector<2000x256xf32>
      tpu.vector_store %arg30[%swap3A_496, %swap3A_497], %add3A_493 {strides = array<i32>} : memref<10000x256xf32, #tpu.memory_space<vmem>>, vector<2000x256xf32>,
      %get3A_499 = arith.constant 0 : index
      %get3A_500 = arith.constant 0 : index
      %get3A_501 = vector.load %arg31[%get3A_499, %get3A_500] : memref<2x256xf32, #tpu.memory_space<vmem>>, vector<1x256xf32>
      %reduce_sum3A_502 = arith.constant dense<0.000000e+00> : vector<256xf32>
      %reduce_sum3A_503 = vector.multi_reduction <add>, %add3A_493, %reduce_sum3A_502 [0] : vector<2000x256xf32> to vector<256xf32>
      %broadcast_in_dim3A_504 = vector.shape_cast %reduce_sum3A_503 : vector<256xf32> to vector<1x256xf32>
      %add3A_505 = arith.addf %get3A_501, %broadcast_in_dim3A_504 : vector<1x256xf32>
      %swap3A_506 = arith.constant 0 : index
      %swap3A_507 = arith.constant 0 : index
      %swap3A_508 = vector.load %arg31[%swap3A_506, %swap3A_507] : memref<2x256xf32, #tpu.memory_space<vmem>>, vector<1x256xf32>
      tpu.vector_store %arg31[%swap3A_506, %swap3A_507], %add3A_505 {strides = array<i32>} : memref<2x256xf32, #tpu.memory_space<vmem>>, vector<1x256xf32>,
      %get3A_509 = arith.constant 1 : index
      %get3A_510 = arith.constant 0 : index
      %get3A_511 = vector.load %arg31[%get3A_509, %get3A_510] : memref<2x256xf32, #tpu.memory_space<vmem>>, vector<1x256xf32>
      %mul3A_512 = arith.mulf %add3A_493, %add3A_493 : vector<2000x256xf32>
      %reduce_sum3A_513 = arith.constant dense<0.000000e+00> : vector<256xf32>
      %reduce_sum3A_514 = vector.multi_reduction <add>, %mul3A_512, %reduce_sum3A_513 [0] : vector<2000x256xf32> to vector<256xf32>
      %broadcast_in_dim3A_515 = vector.shape_cast %reduce_sum3A_514 : vector<256xf32> to vector<1x256xf32>
      %add3A_516 = arith.addf %get3A_511, %broadcast_in_dim3A_515 : vector<1x256xf32>
      %swap3A_517 = arith.constant 1 : index
      %swap3A_518 = arith.constant 0 : index
      %swap3A_519 = vector.load %arg31[%swap3A_517, %swap3A_518] : memref<2x256xf32, #tpu.memory_space<vmem>>, vector<1x256xf32>
      tpu.vector_store %arg31[%swap3A_517, %swap3A_518], %add3A_516 {strides = array<i32>} : memref<2x256xf32, #tpu.memory_space<vmem>>, vector<1x256xf32>,
    } else {
    }
    %eq3A_37 = arith.constant 1 : i32
    %eq3A_38 = arith.cmpi eq, %select_n3A, %eq3A_37 : i32
    %convert_element_type3A_39 = arith.extui %eq3A_38 : i1 to i32
    %cond3A_40 = arith.constant 0 : i32
    %cond3A_41 = arith.cmpi ne, %convert_element_type3A_39, %cond3A_40 : i32
    scf.if %cond3A_41 {
      %get3A = arith.constant 0 : index
      %get3A_52 = arith.constant 0 : index
      %get3A_53 = vector.load %arg32[%get3A, %get3A_52] : memref<2x256xf32, #tpu.memory_space<vmem>>, vector<1x256xf32>
      %mul3A_54 = arith.constant 9.99999974E-5 : f32
      %mul3A_55 = vector.broadcast %mul3A_54 : f32 to vector<1x256xf32>
      %mul3A_56 = arith.mulf %get3A_53, %mul3A_55 : vector<1x256xf32>
      %get3A_57 = arith.constant 1 : index
      %get3A_58 = arith.constant 0 : index
      %get3A_59 = vector.load %arg32[%get3A_57, %get3A_58] : memref<2x256xf32, #tpu.memory_space<vmem>>, vector<1x256xf32>
      %mul3A_60 = arith.constant 9.99999974E-5 : f32
      %mul3A_61 = vector.broadcast %mul3A_60 : f32 to vector<1x256xf32>
      %mul3A_62 = arith.mulf %get3A_59, %mul3A_61 : vector<1x256xf32>
      %mul3A_63 = arith.mulf %mul3A_56, %mul3A_56 : vector<1x256xf32>
      %sub3A_64 = arith.subf %mul3A_62, %mul3A_63 : vector<1x256xf32>
      %add3A = arith.constant 9.99999974E-6 : f32
      %add3A_65 = vector.broadcast %add3A : f32 to vector<1x256xf32>
      %add3A_66 = arith.addf %sub3A_64, %add3A_65 : vector<1x256xf32>
      %rsqrt3A = math.rsqrt %add3A_66 : vector<1x256xf32>
      %get3A_67 = arith.constant 0 : index
      %get3A_68 = arith.constant 0 : index
      %get3A_69 = vector.load %arg14[%get3A_67, %get3A_68] : memref<1x256xf32, #tpu.memory_space<vmem>>, vector<1x256xf32>
      %mul3A_70 = arith.mulf %rsqrt3A, %get3A_69 : vector<1x256xf32>
      %get3A_71 = arith.index_cast %mul3A_18 : i32 to index
      %get3A_72 = arith.constant 0 : index
      %get3A_73 = vector.load %arg30[%get3A_71, %get3A_72] : memref<10000x256xf32, #tpu.memory_space<vmem>>, vector<2000x256xf32>
      %sub3A_74 = vector.broadcast %mul3A_56 : vector<1x256xf32> to vector<2000x256xf32>
      %sub3A_75 = arith.subf %get3A_73, %sub3A_74 : vector<2000x256xf32>
      %mul3A_76 = vector.broadcast %mul3A_70 : vector<1x256xf32> to vector<2000x256xf32>
      %mul3A_77 = arith.mulf %sub3A_75, %mul3A_76 : vector<2000x256xf32>
      %get3A_78 = arith.constant 0 : index
      %get3A_79 = arith.constant 0 : index
      %get3A_80 = vector.load %arg16[%get3A_78, %get3A_79] : memref<1x256xf32, #tpu.memory_space<vmem>>, vector<1x256xf32>
      %add3A_81 = vector.broadcast %get3A_80 : vector<1x256xf32> to vector<2000x256xf32>
      %add3A_82 = arith.addf %mul3A_77, %add3A_81 : vector<2000x256xf32>
      %max3A = arith.constant 0.000000e+00 : f32
      %max3A_83 = vector.broadcast %max3A : f32 to vector<2000x256xf32>
      %max3A_84 = arith.maximumf %add3A_82, %max3A_83 : vector<2000x256xf32>
      %get3A_85 = arith.index_cast %mul3A_18 : i32 to index
      %get3A_86 = arith.constant 0 : index
      %get3A_87 = vector.load %arg29[%get3A_85, %get3A_86] : memref<10000x256xf32, #tpu.memory_space<vmem>>, vector<2000x256xf32>
      %add3A_88 = arith.addf %max3A_84, %get3A_87 : vector<2000x256xf32>
      %add3A_89 = arith.constant 0 : i32
      %add3A_90 = arith.addi %mul3A_20, %add3A_89 : i32
      %get3A_91 = arith.index_cast %add3A_90 : i32 to index
      %get3A_92 = arith.constant 0 : index
      %get3A_93 = arith.constant 0 : index
      %get3A_94 = vector.load %arg2[%get3A_91, %get3A_92, %get3A_93] : memref<100x100x100xf32, #tpu.memory_space<vmem>>, vector<1x100x100xf32>
      %get3A_95 = vector.shape_cast %get3A_94 : vector<1x100x100xf32> to vector<100x100xf32>
      %reduce_sum3A = arith.constant dense<0.000000e+00> : vector<100xf32>
      %reduce_sum3A_96 = vector.multi_reduction <add>, %get3A_95, %reduce_sum3A [0] : vector<100x100xf32> to vector<100xf32>
      %broadcast_in_dim3A = vector.shape_cast %reduce_sum3A_96 : vector<100xf32> to vector<1x100xf32>
      %max3A_97 = arith.constant 1.000000e+00 : f32
      %max3A_98 = vector.broadcast %max3A_97 : f32 to vector<1x100xf32>
      %max3A_99 = arith.maximumf %broadcast_in_dim3A, %max3A_98 : vector<1x100xf32>
      %div3A_100 = arith.constant 1.000000e+00 : f32
      %div3A_101 = vector.broadcast %div3A_100 : f32 to vector<1x100xf32>
      %div3A_102 = arith.divf %div3A_101, %max3A_99 : vector<1x100xf32>
      %mul3A_103 = vector.broadcast %div3A_102 : vector<1x100xf32> to vector<100x100xf32>
      %mul3A_104 = arith.mulf %get3A_95, %mul3A_103 : vector<100x100xf32>
      %slice3A = vector.extract_strided_slice %add3A_88 {offsets = [0, 0], sizes = [100, 256], strides = [1, 1]} : vector<2000x256xf32> to vector<100x256xf32>
      %dot_general3A = arith.constant dense<0.000000e+00> : vector<100x256xf32>
      %dot_general3A_105 = tpu.matmul %mul3A_104, %slice3A, %dot_general3A {dimension_numbers = #tpu.dot_dimension_numbers<[0], [0], [1], [1], [0, 1, 1, 1], [], []>, transpose_lhs_hint = false} : vector<100x100xf32>, vector<100x256xf32>, vector<100x256xf32> -> vector<100x256xf32>
      %add3A_106 = arith.constant 1 : i32
      %add3A_107 = arith.addi %mul3A_20, %add3A_106 : i32
      %get3A_108 = arith.index_cast %add3A_107 : i32 to index
      %get3A_109 = arith.constant 0 : index
      %get3A_110 = arith.constant 0 : index
      %get3A_111 = vector.load %arg2[%get3A_108, %get3A_109, %get3A_110] : memref<100x100x100xf32, #tpu.memory_space<vmem>>, vector<1x100x100xf32>
      %get3A_112 = vector.shape_cast %get3A_111 : vector<1x100x100xf32> to vector<100x100xf32>
      %reduce_sum3A_113 = arith.constant dense<0.000000e+00> : vector<100xf32>
      %reduce_sum3A_114 = vector.multi_reduction <add>, %get3A_112, %reduce_sum3A_113 [0] : vector<100x100xf32> to vector<100xf32>
      %broadcast_in_dim3A_115 = vector.shape_cast %reduce_sum3A_114 : vector<100xf32> to vector<1x100xf32>
      %max3A_116 = arith.constant 1.000000e+00 : f32
      %max3A_117 = vector.broadcast %max3A_116 : f32 to vector<1x100xf32>
      %max3A_118 = arith.maximumf %broadcast_in_dim3A_115, %max3A_117 : vector<1x100xf32>
      %div3A_119 = arith.constant 1.000000e+00 : f32
      %div3A_120 = vector.broadcast %div3A_119 : f32 to vector<1x100xf32>
      %div3A_121 = arith.divf %div3A_120, %max3A_118 : vector<1x100xf32>
      %mul3A_122 = vector.broadcast %div3A_121 : vector<1x100xf32> to vector<100x100xf32>
      %mul3A_123 = arith.mulf %get3A_112, %mul3A_122 : vector<100x100xf32>
      %slice3A_124 = vector.extract_strided_slice %add3A_88 {offsets = [100, 0], sizes = [100, 256], strides = [1, 1]} : vector<2000x256xf32> to vector<100x256xf32>
      %dot_general3A_125 = arith.constant dense<0.000000e+00> : vector<100x256xf32>
      %dot_general3A_126 = tpu.matmul %mul3A_123, %slice3A_124, %dot_general3A_125 {dimension_numbers = #tpu.dot_dimension_numbers<[0], [0], [1], [1], [0, 1, 1, 1], [], []>, transpose_lhs_hint = false} : vector<100x100xf32>, vector<100x256xf32>, vector<100x256xf32> -> vector<100x256xf32>
      %add3A_127 = arith.constant 2 : i32
      %add3A_128 = arith.addi %mul3A_20, %add3A_127 : i32
      %get3A_129 = arith.index_cast %add3A_128 : i32 to index
      %get3A_130 = arith.constant 0 : index
      %get3A_131 = arith.constant 0 : index
      %get3A_132 = vector.load %arg2[%get3A_129, %get3A_130, %get3A_131] : memref<100x100x100xf32, #tpu.memory_space<vmem>>, vector<1x100x100xf32>
      %get3A_133 = vector.shape_cast %get3A_132 : vector<1x100x100xf32> to vector<100x100xf32>
      %reduce_sum3A_134 = arith.constant dense<0.000000e+00> : vector<100xf32>
      %reduce_sum3A_135 = vector.multi_reduction <add>, %get3A_133, %reduce_sum3A_134 [0] : vector<100x100xf32> to vector<100xf32>
      %broadcast_in_dim3A_136 = vector.shape_cast %reduce_sum3A_135 : vector<100xf32> to vector<1x100xf32>
      %max3A_137 = arith.constant 1.000000e+00 : f32
      %max3A_138 = vector.broadcast %max3A_137 : f32 to vector<1x100xf32>
      %max3A_139 = arith.maximumf %broadcast_in_dim3A_136, %max3A_138 : vector<1x100xf32>
      %div3A_140 = arith.constant 1.000000e+00 : f32
      %div3A_141 = vector.broadcast %div3A_140 : f32 to vector<1x100xf32>
      %div3A_142 = arith.divf %div3A_141, %max3A_139 : vector<1x100xf32>
      %mul3A_143 = vector.broadcast %div3A_142 : vector<1x100xf32> to vector<100x100xf32>
      %mul3A_144 = arith.mulf %get3A_133, %mul3A_143 : vector<100x100xf32>
      %slice3A_145 = vector.extract_strided_slice %add3A_88 {offsets = [200, 0], sizes = [100, 256], strides = [1, 1]} : vector<2000x256xf32> to vector<100x256xf32>
      %dot_general3A_146 = arith.constant dense<0.000000e+00> : vector<100x256xf32>
      %dot_general3A_147 = tpu.matmul %mul3A_144, %slice3A_145, %dot_general3A_146 {dimension_numbers = #tpu.dot_dimension_numbers<[0], [0], [1], [1], [0, 1, 1, 1], [], []>, transpose_lhs_hint = false} : vector<100x100xf32>, vector<100x256xf32>, vector<100x256xf32> -> vector<100x256xf32>
      %add3A_148 = arith.constant 3 : i32
      %add3A_149 = arith.addi %mul3A_20, %add3A_148 : i32
      %get3A_150 = arith.index_cast %add3A_149 : i32 to index
      %get3A_151 = arith.constant 0 : index
      %get3A_152 = arith.constant 0 : index
      %get3A_153 = vector.load %arg2[%get3A_150, %get3A_151, %get3A_152] : memref<100x100x100xf32, #tpu.memory_space<vmem>>, vector<1x100x100xf32>
      %get3A_154 = vector.shape_cast %get3A_153 : vector<1x100x100xf32> to vector<100x100xf32>
      %reduce_sum3A_155 = arith.constant dense<0.000000e+00> : vector<100xf32>
      %reduce_sum3A_156 = vector.multi_reduction <add>, %get3A_154, %reduce_sum3A_155 [0] : vector<100x100xf32> to vector<100xf32>
      %broadcast_in_dim3A_157 = vector.shape_cast %reduce_sum3A_156 : vector<100xf32> to vector<1x100xf32>
      %max3A_158 = arith.constant 1.000000e+00 : f32
      %max3A_159 = vector.broadcast %max3A_158 : f32 to vector<1x100xf32>
      %max3A_160 = arith.maximumf %broadcast_in_dim3A_157, %max3A_159 : vector<1x100xf32>
      %div3A_161 = arith.constant 1.000000e+00 : f32
      %div3A_162 = vector.broadcast %div3A_161 : f32 to vector<1x100xf32>
      %div3A_163 = arith.divf %div3A_162, %max3A_160 : vector<1x100xf32>
      %mul3A_164 = vector.broadcast %div3A_163 : vector<1x100xf32> to vector<100x100xf32>
      %mul3A_165 = arith.mulf %get3A_154, %mul3A_164 : vector<100x100xf32>
      %slice3A_166 = vector.extract_strided_slice %add3A_88 {offsets = [300, 0], sizes = [100, 256], strides = [1, 1]} : vector<2000x256xf32> to vector<100x256xf32>
      %dot_general3A_167 = arith.constant dense<0.000000e+00> : vector<100x256xf32>
      %dot_general3A_168 = tpu.matmul %mul3A_165, %slice3A_166, %dot_general3A_167 {dimension_numbers = #tpu.dot_dimension_numbers<[0], [0], [1], [1], [0, 1, 1, 1], [], []>, transpose_lhs_hint = false} : vector<100x100xf32>, vector<100x256xf32>, vector<100x256xf32> -> vector<100x256xf32>
      %add3A_169 = arith.constant 4 : i32
      %add3A_170 = arith.addi %mul3A_20, %add3A_169 : i32
      %get3A_171 = arith.index_cast %add3A_170 : i32 to index
      %get3A_172 = arith.constant 0 : index
      %get3A_173 = arith.constant 0 : index
      %get3A_174 = vector.load %arg2[%get3A_171, %get3A_172, %get3A_173] : memref<100x100x100xf32, #tpu.memory_space<vmem>>, vector<1x100x100xf32>
      %get3A_175 = vector.shape_cast %get3A_174 : vector<1x100x100xf32> to vector<100x100xf32>
      %reduce_sum3A_176 = arith.constant dense<0.000000e+00> : vector<100xf32>
      %reduce_sum3A_177 = vector.multi_reduction <add>, %get3A_175, %reduce_sum3A_176 [0] : vector<100x100xf32> to vector<100xf32>
      %broadcast_in_dim3A_178 = vector.shape_cast %reduce_sum3A_177 : vector<100xf32> to vector<1x100xf32>
      %max3A_179 = arith.constant 1.000000e+00 : f32
      %max3A_180 = vector.broadcast %max3A_179 : f32 to vector<1x100xf32>
      %max3A_181 = arith.maximumf %broadcast_in_dim3A_178, %max3A_180 : vector<1x100xf32>
      %div3A_182 = arith.constant 1.000000e+00 : f32
      %div3A_183 = vector.broadcast %div3A_182 : f32 to vector<1x100xf32>
      %div3A_184 = arith.divf %div3A_183, %max3A_181 : vector<1x100xf32>
      %mul3A_185 = vector.broadcast %div3A_184 : vector<1x100xf32> to vector<100x100xf32>
      %mul3A_186 = arith.mulf %get3A_175, %mul3A_185 : vector<100x100xf32>
      %slice3A_187 = vector.extract_strided_slice %add3A_88 {offsets = [400, 0], sizes = [100, 256], strides = [1, 1]} : vector<2000x256xf32> to vector<100x256xf32>
      %dot_general3A_188 = arith.constant dense<0.000000e+00> : vector<100x256xf32>
      %dot_general3A_189 = tpu.matmul %mul3A_186, %slice3A_187, %dot_general3A_188 {dimension_numbers = #tpu.dot_dimension_numbers<[0], [0], [1], [1], [0, 1, 1, 1], [], []>, transpose_lhs_hint = false} : vector<100x100xf32>, vector<100x256xf32>, vector<100x256xf32> -> vector<100x256xf32>
      %add3A_190 = arith.constant 5 : i32
      %add3A_191 = arith.addi %mul3A_20, %add3A_190 : i32
      %get3A_192 = arith.index_cast %add3A_191 : i32 to index
      %get3A_193 = arith.constant 0 : index
      %get3A_194 = arith.constant 0 : index
      %get3A_195 = vector.load %arg2[%get3A_192, %get3A_193, %get3A_194] : memref<100x100x100xf32, #tpu.memory_space<vmem>>, vector<1x100x100xf32>
      %get3A_196 = vector.shape_cast %get3A_195 : vector<1x100x100xf32> to vector<100x100xf32>
      %reduce_sum3A_197 = arith.constant dense<0.000000e+00> : vector<100xf32>
      %reduce_sum3A_198 = vector.multi_reduction <add>, %get3A_196, %reduce_sum3A_197 [0] : vector<100x100xf32> to vector<100xf32>
      %broadcast_in_dim3A_199 = vector.shape_cast %reduce_sum3A_198 : vector<100xf32> to vector<1x100xf32>
      %max3A_200 = arith.constant 1.000000e+00 : f32
      %max3A_201 = vector.broadcast %max3A_200 : f32 to vector<1x100xf32>
      %max3A_202 = arith.maximumf %broadcast_in_dim3A_199, %max3A_201 : vector<1x100xf32>
      %div3A_203 = arith.constant 1.000000e+00 : f32
      %div3A_204 = vector.broadcast %div3A_203 : f32 to vector<1x100xf32>
      %div3A_205 = arith.divf %div3A_204, %max3A_202 : vector<1x100xf32>
      %mul3A_206 = vector.broadcast %div3A_205 : vector<1x100xf32> to vector<100x100xf32>
      %mul3A_207 = arith.mulf %get3A_196, %mul3A_206 : vector<100x100xf32>
      %slice3A_208 = vector.extract_strided_slice %add3A_88 {offsets = [500, 0], sizes = [100, 256], strides = [1, 1]} : vector<2000x256xf32> to vector<100x256xf32>
      %dot_general3A_209 = arith.constant dense<0.000000e+00> : vector<100x256xf32>
      %dot_general3A_210 = tpu.matmul %mul3A_207, %slice3A_208, %dot_general3A_209 {dimension_numbers = #tpu.dot_dimension_numbers<[0], [0], [1], [1], [0, 1, 1, 1], [], []>, transpose_lhs_hint = false} : vector<100x100xf32>, vector<100x256xf32>, vector<100x256xf32> -> vector<100x256xf32>
      %add3A_211 = arith.constant 6 : i32
      %add3A_212 = arith.addi %mul3A_20, %add3A_211 : i32
      %get3A_213 = arith.index_cast %add3A_212 : i32 to index
      %get3A_214 = arith.constant 0 : index
      %get3A_215 = arith.constant 0 : index
      %get3A_216 = vector.load %arg2[%get3A_213, %get3A_214, %get3A_215] : memref<100x100x100xf32, #tpu.memory_space<vmem>>, vector<1x100x100xf32>
      %get3A_217 = vector.shape_cast %get3A_216 : vector<1x100x100xf32> to vector<100x100xf32>
      %reduce_sum3A_218 = arith.constant dense<0.000000e+00> : vector<100xf32>
      %reduce_sum3A_219 = vector.multi_reduction <add>, %get3A_217, %reduce_sum3A_218 [0] : vector<100x100xf32> to vector<100xf32>
      %broadcast_in_dim3A_220 = vector.shape_cast %reduce_sum3A_219 : vector<100xf32> to vector<1x100xf32>
      %max3A_221 = arith.constant 1.000000e+00 : f32
      %max3A_222 = vector.broadcast %max3A_221 : f32 to vector<1x100xf32>
      %max3A_223 = arith.maximumf %broadcast_in_dim3A_220, %max3A_222 : vector<1x100xf32>
      %div3A_224 = arith.constant 1.000000e+00 : f32
      %div3A_225 = vector.broadcast %div3A_224 : f32 to vector<1x100xf32>
      %div3A_226 = arith.divf %div3A_225, %max3A_223 : vector<1x100xf32>
      %mul3A_227 = vector.broadcast %div3A_226 : vector<1x100xf32> to vector<100x100xf32>
      %mul3A_228 = arith.mulf %get3A_217, %mul3A_227 : vector<100x100xf32>
      %slice3A_229 = vector.extract_strided_slice %add3A_88 {offsets = [600, 0], sizes = [100, 256], strides = [1, 1]} : vector<2000x256xf32> to vector<100x256xf32>
      %dot_general3A_230 = arith.constant dense<0.000000e+00> : vector<100x256xf32>
      %dot_general3A_231 = tpu.matmul %mul3A_228, %slice3A_229, %dot_general3A_230 {dimension_numbers = #tpu.dot_dimension_numbers<[0], [0], [1], [1], [0, 1, 1, 1], [], []>, transpose_lhs_hint = false} : vector<100x100xf32>, vector<100x256xf32>, vector<100x256xf32> -> vector<100x256xf32>
      %add3A_232 = arith.constant 7 : i32
      %add3A_233 = arith.addi %mul3A_20, %add3A_232 : i32
      %get3A_234 = arith.index_cast %add3A_233 : i32 to index
      %get3A_235 = arith.constant 0 : index
      %get3A_236 = arith.constant 0 : index
      %get3A_237 = vector.load %arg2[%get3A_234, %get3A_235, %get3A_236] : memref<100x100x100xf32, #tpu.memory_space<vmem>>, vector<1x100x100xf32>
      %get3A_238 = vector.shape_cast %get3A_237 : vector<1x100x100xf32> to vector<100x100xf32>
      %reduce_sum3A_239 = arith.constant dense<0.000000e+00> : vector<100xf32>
      %reduce_sum3A_240 = vector.multi_reduction <add>, %get3A_238, %reduce_sum3A_239 [0] : vector<100x100xf32> to vector<100xf32>
      %broadcast_in_dim3A_241 = vector.shape_cast %reduce_sum3A_240 : vector<100xf32> to vector<1x100xf32>
      %max3A_242 = arith.constant 1.000000e+00 : f32
      %max3A_243 = vector.broadcast %max3A_242 : f32 to vector<1x100xf32>
      %max3A_244 = arith.maximumf %broadcast_in_dim3A_241, %max3A_243 : vector<1x100xf32>
      %div3A_245 = arith.constant 1.000000e+00 : f32
      %div3A_246 = vector.broadcast %div3A_245 : f32 to vector<1x100xf32>
      %div3A_247 = arith.divf %div3A_246, %max3A_244 : vector<1x100xf32>
      %mul3A_248 = vector.broadcast %div3A_247 : vector<1x100xf32> to vector<100x100xf32>
      %mul3A_249 = arith.mulf %get3A_238, %mul3A_248 : vector<100x100xf32>
      %slice3A_250 = vector.extract_strided_slice %add3A_88 {offsets = [700, 0], sizes = [100, 256], strides = [1, 1]} : vector<2000x256xf32> to vector<100x256xf32>
      %dot_general3A_251 = arith.constant dense<0.000000e+00> : vector<100x256xf32>
      %dot_general3A_252 = tpu.matmul %mul3A_249, %slice3A_250, %dot_general3A_251 {dimension_numbers = #tpu.dot_dimension_numbers<[0], [0], [1], [1], [0, 1, 1, 1], [], []>, transpose_lhs_hint = false} : vector<100x100xf32>, vector<100x256xf32>, vector<100x256xf32> -> vector<100x256xf32>
      %add3A_253 = arith.constant 8 : i32
      %add3A_254 = arith.addi %mul3A_20, %add3A_253 : i32
      %get3A_255 = arith.index_cast %add3A_254 : i32 to index
      %get3A_256 = arith.constant 0 : index
      %get3A_257 = arith.constant 0 : index
      %get3A_258 = vector.load %arg2[%get3A_255, %get3A_256, %get3A_257] : memref<100x100x100xf32, #tpu.memory_space<vmem>>, vector<1x100x100xf32>
      %get3A_259 = vector.shape_cast %get3A_258 : vector<1x100x100xf32> to vector<100x100xf32>
      %reduce_sum3A_260 = arith.constant dense<0.000000e+00> : vector<100xf32>
      %reduce_sum3A_261 = vector.multi_reduction <add>, %get3A_259, %reduce_sum3A_260 [0] : vector<100x100xf32> to vector<100xf32>
      %broadcast_in_dim3A_262 = vector.shape_cast %reduce_sum3A_261 : vector<100xf32> to vector<1x100xf32>
      %max3A_263 = arith.constant 1.000000e+00 : f32
      %max3A_264 = vector.broadcast %max3A_263 : f32 to vector<1x100xf32>
      %max3A_265 = arith.maximumf %broadcast_in_dim3A_262, %max3A_264 : vector<1x100xf32>
      %div3A_266 = arith.constant 1.000000e+00 : f32
      %div3A_267 = vector.broadcast %div3A_266 : f32 to vector<1x100xf32>
      %div3A_268 = arith.divf %div3A_267, %max3A_265 : vector<1x100xf32>
      %mul3A_269 = vector.broadcast %div3A_268 : vector<1x100xf32> to vector<100x100xf32>
      %mul3A_270 = arith.mulf %get3A_259, %mul3A_269 : vector<100x100xf32>
      %slice3A_271 = vector.extract_strided_slice %add3A_88 {offsets = [800, 0], sizes = [100, 256], strides = [1, 1]} : vector<2000x256xf32> to vector<100x256xf32>
      %dot_general3A_272 = arith.constant dense<0.000000e+00> : vector<100x256xf32>
      %dot_general3A_273 = tpu.matmul %mul3A_270, %slice3A_271, %dot_general3A_272 {dimension_numbers = #tpu.dot_dimension_numbers<[0], [0], [1], [1], [0, 1, 1, 1], [], []>, transpose_lhs_hint = false} : vector<100x100xf32>, vector<100x256xf32>, vector<100x256xf32> -> vector<100x256xf32>
      %add3A_274 = arith.constant 9 : i32
      %add3A_275 = arith.addi %mul3A_20, %add3A_274 : i32
      %get3A_276 = arith.index_cast %add3A_275 : i32 to index
      %get3A_277 = arith.constant 0 : index
      %get3A_278 = arith.constant 0 : index
      %get3A_279 = vector.load %arg2[%get3A_276, %get3A_277, %get3A_278] : memref<100x100x100xf32, #tpu.memory_space<vmem>>, vector<1x100x100xf32>
      %get3A_280 = vector.shape_cast %get3A_279 : vector<1x100x100xf32> to vector<100x100xf32>
      %reduce_sum3A_281 = arith.constant dense<0.000000e+00> : vector<100xf32>
      %reduce_sum3A_282 = vector.multi_reduction <add>, %get3A_280, %reduce_sum3A_281 [0] : vector<100x100xf32> to vector<100xf32>
      %broadcast_in_dim3A_283 = vector.shape_cast %reduce_sum3A_282 : vector<100xf32> to vector<1x100xf32>
      %max3A_284 = arith.constant 1.000000e+00 : f32
      %max3A_285 = vector.broadcast %max3A_284 : f32 to vector<1x100xf32>
      %max3A_286 = arith.maximumf %broadcast_in_dim3A_283, %max3A_285 : vector<1x100xf32>
      %div3A_287 = arith.constant 1.000000e+00 : f32
      %div3A_288 = vector.broadcast %div3A_287 : f32 to vector<1x100xf32>
      %div3A_289 = arith.divf %div3A_288, %max3A_286 : vector<1x100xf32>
      %mul3A_290 = vector.broadcast %div3A_289 : vector<1x100xf32> to vector<100x100xf32>
      %mul3A_291 = arith.mulf %get3A_280, %mul3A_290 : vector<100x100xf32>
      %slice3A_292 = vector.extract_strided_slice %add3A_88 {offsets = [900, 0], sizes = [100, 256], strides = [1, 1]} : vector<2000x256xf32> to vector<100x256xf32>
      %dot_general3A_293 = arith.constant dense<0.000000e+00> : vector<100x256xf32>
      %dot_general3A_294 = tpu.matmul %mul3A_291, %slice3A_292, %dot_general3A_293 {dimension_numbers = #tpu.dot_dimension_numbers<[0], [0], [1], [1], [0, 1, 1, 1], [], []>, transpose_lhs_hint = false} : vector<100x100xf32>, vector<100x256xf32>, vector<100x256xf32> -> vector<100x256xf32>
      %add3A_295 = arith.constant 10 : i32
      %add3A_296 = arith.addi %mul3A_20, %add3A_295 : i32
      %get3A_297 = arith.index_cast %add3A_296 : i32 to index
      %get3A_298 = arith.constant 0 : index
      %get3A_299 = arith.constant 0 : index
      %get3A_300 = vector.load %arg2[%get3A_297, %get3A_298, %get3A_299] : memref<100x100x100xf32, #tpu.memory_space<vmem>>, vector<1x100x100xf32>
      %get3A_301 = vector.shape_cast %get3A_300 : vector<1x100x100xf32> to vector<100x100xf32>
      %reduce_sum3A_302 = arith.constant dense<0.000000e+00> : vector<100xf32>
      %reduce_sum3A_303 = vector.multi_reduction <add>, %get3A_301, %reduce_sum3A_302 [0] : vector<100x100xf32> to vector<100xf32>
      %broadcast_in_dim3A_304 = vector.shape_cast %reduce_sum3A_303 : vector<100xf32> to vector<1x100xf32>
      %max3A_305 = arith.constant 1.000000e+00 : f32
      %max3A_306 = vector.broadcast %max3A_305 : f32 to vector<1x100xf32>
      %max3A_307 = arith.maximumf %broadcast_in_dim3A_304, %max3A_306 : vector<1x100xf32>
      %div3A_308 = arith.constant 1.000000e+00 : f32
      %div3A_309 = vector.broadcast %div3A_308 : f32 to vector<1x100xf32>
      %div3A_310 = arith.divf %div3A_309, %max3A_307 : vector<1x100xf32>
      %mul3A_311 = vector.broadcast %div3A_310 : vector<1x100xf32> to vector<100x100xf32>
      %mul3A_312 = arith.mulf %get3A_301, %mul3A_311 : vector<100x100xf32>
      %slice3A_313 = vector.extract_strided_slice %add3A_88 {offsets = [1000, 0], sizes = [100, 256], strides = [1, 1]} : vector<2000x256xf32> to vector<100x256xf32>
      %dot_general3A_314 = arith.constant dense<0.000000e+00> : vector<100x256xf32>
      %dot_general3A_315 = tpu.matmul %mul3A_312, %slice3A_313, %dot_general3A_314 {dimension_numbers = #tpu.dot_dimension_numbers<[0], [0], [1], [1], [0, 1, 1, 1], [], []>, transpose_lhs_hint = false} : vector<100x100xf32>, vector<100x256xf32>, vector<100x256xf32> -> vector<100x256xf32>
      %add3A_316 = arith.constant 11 : i32
      %add3A_317 = arith.addi %mul3A_20, %add3A_316 : i32
      %get3A_318 = arith.index_cast %add3A_317 : i32 to index
      %get3A_319 = arith.constant 0 : index
      %get3A_320 = arith.constant 0 : index
      %get3A_321 = vector.load %arg2[%get3A_318, %get3A_319, %get3A_320] : memref<100x100x100xf32, #tpu.memory_space<vmem>>, vector<1x100x100xf32>
      %get3A_322 = vector.shape_cast %get3A_321 : vector<1x100x100xf32> to vector<100x100xf32>
      %reduce_sum3A_323 = arith.constant dense<0.000000e+00> : vector<100xf32>
      %reduce_sum3A_324 = vector.multi_reduction <add>, %get3A_322, %reduce_sum3A_323 [0] : vector<100x100xf32> to vector<100xf32>
      %broadcast_in_dim3A_325 = vector.shape_cast %reduce_sum3A_324 : vector<100xf32> to vector<1x100xf32>
      %max3A_326 = arith.constant 1.000000e+00 : f32
      %max3A_327 = vector.broadcast %max3A_326 : f32 to vector<1x100xf32>
      %max3A_328 = arith.maximumf %broadcast_in_dim3A_325, %max3A_327 : vector<1x100xf32>
      %div3A_329 = arith.constant 1.000000e+00 : f32
      %div3A_330 = vector.broadcast %div3A_329 : f32 to vector<1x100xf32>
      %div3A_331 = arith.divf %div3A_330, %max3A_328 : vector<1x100xf32>
      %mul3A_332 = vector.broadcast %div3A_331 : vector<1x100xf32> to vector<100x100xf32>
      %mul3A_333 = arith.mulf %get3A_322, %mul3A_332 : vector<100x100xf32>
      %slice3A_334 = vector.extract_strided_slice %add3A_88 {offsets = [1100, 0], sizes = [100, 256], strides = [1, 1]} : vector<2000x256xf32> to vector<100x256xf32>
      %dot_general3A_335 = arith.constant dense<0.000000e+00> : vector<100x256xf32>
      %dot_general3A_336 = tpu.matmul %mul3A_333, %slice3A_334, %dot_general3A_335 {dimension_numbers = #tpu.dot_dimension_numbers<[0], [0], [1], [1], [0, 1, 1, 1], [], []>, transpose_lhs_hint = false} : vector<100x100xf32>, vector<100x256xf32>, vector<100x256xf32> -> vector<100x256xf32>
      %add3A_337 = arith.constant 12 : i32
      %add3A_338 = arith.addi %mul3A_20, %add3A_337 : i32
      %get3A_339 = arith.index_cast %add3A_338 : i32 to index
      %get3A_340 = arith.constant 0 : index
      %get3A_341 = arith.constant 0 : index
      %get3A_342 = vector.load %arg2[%get3A_339, %get3A_340, %get3A_341] : memref<100x100x100xf32, #tpu.memory_space<vmem>>, vector<1x100x100xf32>
      %get3A_343 = vector.shape_cast %get3A_342 : vector<1x100x100xf32> to vector<100x100xf32>
      %reduce_sum3A_344 = arith.constant dense<0.000000e+00> : vector<100xf32>
      %reduce_sum3A_345 = vector.multi_reduction <add>, %get3A_343, %reduce_sum3A_344 [0] : vector<100x100xf32> to vector<100xf32>
      %broadcast_in_dim3A_346 = vector.shape_cast %reduce_sum3A_345 : vector<100xf32> to vector<1x100xf32>
      %max3A_347 = arith.constant 1.000000e+00 : f32
      %max3A_348 = vector.broadcast %max3A_347 : f32 to vector<1x100xf32>
      %max3A_349 = arith.maximumf %broadcast_in_dim3A_346, %max3A_348 : vector<1x100xf32>
      %div3A_350 = arith.constant 1.000000e+00 : f32
      %div3A_351 = vector.broadcast %div3A_350 : f32 to vector<1x100xf32>
      %div3A_352 = arith.divf %div3A_351, %max3A_349 : vector<1x100xf32>
      %mul3A_353 = vector.broadcast %div3A_352 : vector<1x100xf32> to vector<100x100xf32>
      %mul3A_354 = arith.mulf %get3A_343, %mul3A_353 : vector<100x100xf32>
      %slice3A_355 = vector.extract_strided_slice %add3A_88 {offsets = [1200, 0], sizes = [100, 256], strides = [1, 1]} : vector<2000x256xf32> to vector<100x256xf32>
      %dot_general3A_356 = arith.constant dense<0.000000e+00> : vector<100x256xf32>
      %dot_general3A_357 = tpu.matmul %mul3A_354, %slice3A_355, %dot_general3A_356 {dimension_numbers = #tpu.dot_dimension_numbers<[0], [0], [1], [1], [0, 1, 1, 1], [], []>, transpose_lhs_hint = false} : vector<100x100xf32>, vector<100x256xf32>, vector<100x256xf32> -> vector<100x256xf32>
      %add3A_358 = arith.constant 13 : i32
      %add3A_359 = arith.addi %mul3A_20, %add3A_358 : i32
      %get3A_360 = arith.index_cast %add3A_359 : i32 to index
      %get3A_361 = arith.constant 0 : index
      %get3A_362 = arith.constant 0 : index
      %get3A_363 = vector.load %arg2[%get3A_360, %get3A_361, %get3A_362] : memref<100x100x100xf32, #tpu.memory_space<vmem>>, vector<1x100x100xf32>
      %get3A_364 = vector.shape_cast %get3A_363 : vector<1x100x100xf32> to vector<100x100xf32>
      %reduce_sum3A_365 = arith.constant dense<0.000000e+00> : vector<100xf32>
      %reduce_sum3A_366 = vector.multi_reduction <add>, %get3A_364, %reduce_sum3A_365 [0] : vector<100x100xf32> to vector<100xf32>
      %broadcast_in_dim3A_367 = vector.shape_cast %reduce_sum3A_366 : vector<100xf32> to vector<1x100xf32>
      %max3A_368 = arith.constant 1.000000e+00 : f32
      %max3A_369 = vector.broadcast %max3A_368 : f32 to vector<1x100xf32>
      %max3A_370 = arith.maximumf %broadcast_in_dim3A_367, %max3A_369 : vector<1x100xf32>
      %div3A_371 = arith.constant 1.000000e+00 : f32
      %div3A_372 = vector.broadcast %div3A_371 : f32 to vector<1x100xf32>
      %div3A_373 = arith.divf %div3A_372, %max3A_370 : vector<1x100xf32>
      %mul3A_374 = vector.broadcast %div3A_373 : vector<1x100xf32> to vector<100x100xf32>
      %mul3A_375 = arith.mulf %get3A_364, %mul3A_374 : vector<100x100xf32>
      %slice3A_376 = vector.extract_strided_slice %add3A_88 {offsets = [1300, 0], sizes = [100, 256], strides = [1, 1]} : vector<2000x256xf32> to vector<100x256xf32>
      %dot_general3A_377 = arith.constant dense<0.000000e+00> : vector<100x256xf32>
      %dot_general3A_378 = tpu.matmul %mul3A_375, %slice3A_376, %dot_general3A_377 {dimension_numbers = #tpu.dot_dimension_numbers<[0], [0], [1], [1], [0, 1, 1, 1], [], []>, transpose_lhs_hint = false} : vector<100x100xf32>, vector<100x256xf32>, vector<100x256xf32> -> vector<100x256xf32>
      %add3A_379 = arith.constant 14 : i32
      %add3A_380 = arith.addi %mul3A_20, %add3A_379 : i32
      %get3A_381 = arith.index_cast %add3A_380 : i32 to index
      %get3A_382 = arith.constant 0 : index
      %get3A_383 = arith.constant 0 : index
      %get3A_384 = vector.load %arg2[%get3A_381, %get3A_382, %get3A_383] : memref<100x100x100xf32, #tpu.memory_space<vmem>>, vector<1x100x100xf32>
      %get3A_385 = vector.shape_cast %get3A_384 : vector<1x100x100xf32> to vector<100x100xf32>
      %reduce_sum3A_386 = arith.constant dense<0.000000e+00> : vector<100xf32>
      %reduce_sum3A_387 = vector.multi_reduction <add>, %get3A_385, %reduce_sum3A_386 [0] : vector<100x100xf32> to vector<100xf32>
      %broadcast_in_dim3A_388 = vector.shape_cast %reduce_sum3A_387 : vector<100xf32> to vector<1x100xf32>
      %max3A_389 = arith.constant 1.000000e+00 : f32
      %max3A_390 = vector.broadcast %max3A_389 : f32 to vector<1x100xf32>
      %max3A_391 = arith.maximumf %broadcast_in_dim3A_388, %max3A_390 : vector<1x100xf32>
      %div3A_392 = arith.constant 1.000000e+00 : f32
      %div3A_393 = vector.broadcast %div3A_392 : f32 to vector<1x100xf32>
      %div3A_394 = arith.divf %div3A_393, %max3A_391 : vector<1x100xf32>
      %mul3A_395 = vector.broadcast %div3A_394 : vector<1x100xf32> to vector<100x100xf32>
      %mul3A_396 = arith.mulf %get3A_385, %mul3A_395 : vector<100x100xf32>
      %slice3A_397 = vector.extract_strided_slice %add3A_88 {offsets = [1400, 0], sizes = [100, 256], strides = [1, 1]} : vector<2000x256xf32> to vector<100x256xf32>
      %dot_general3A_398 = arith.constant dense<0.000000e+00> : vector<100x256xf32>
      %dot_general3A_399 = tpu.matmul %mul3A_396, %slice3A_397, %dot_general3A_398 {dimension_numbers = #tpu.dot_dimension_numbers<[0], [0], [1], [1], [0, 1, 1, 1], [], []>, transpose_lhs_hint = false} : vector<100x100xf32>, vector<100x256xf32>, vector<100x256xf32> -> vector<100x256xf32>
      %add3A_400 = arith.constant 15 : i32
      %add3A_401 = arith.addi %mul3A_20, %add3A_400 : i32
      %get3A_402 = arith.index_cast %add3A_401 : i32 to index
      %get3A_403 = arith.constant 0 : index
      %get3A_404 = arith.constant 0 : index
      %get3A_405 = vector.load %arg2[%get3A_402, %get3A_403, %get3A_404] : memref<100x100x100xf32, #tpu.memory_space<vmem>>, vector<1x100x100xf32>
      %get3A_406 = vector.shape_cast %get3A_405 : vector<1x100x100xf32> to vector<100x100xf32>
      %reduce_sum3A_407 = arith.constant dense<0.000000e+00> : vector<100xf32>
      %reduce_sum3A_408 = vector.multi_reduction <add>, %get3A_406, %reduce_sum3A_407 [0] : vector<100x100xf32> to vector<100xf32>
      %broadcast_in_dim3A_409 = vector.shape_cast %reduce_sum3A_408 : vector<100xf32> to vector<1x100xf32>
      %max3A_410 = arith.constant 1.000000e+00 : f32
      %max3A_411 = vector.broadcast %max3A_410 : f32 to vector<1x100xf32>
      %max3A_412 = arith.maximumf %broadcast_in_dim3A_409, %max3A_411 : vector<1x100xf32>
      %div3A_413 = arith.constant 1.000000e+00 : f32
      %div3A_414 = vector.broadcast %div3A_413 : f32 to vector<1x100xf32>
      %div3A_415 = arith.divf %div3A_414, %max3A_412 : vector<1x100xf32>
      %mul3A_416 = vector.broadcast %div3A_415 : vector<1x100xf32> to vector<100x100xf32>
      %mul3A_417 = arith.mulf %get3A_406, %mul3A_416 : vector<100x100xf32>
      %slice3A_418 = vector.extract_strided_slice %add3A_88 {offsets = [1500, 0], sizes = [100, 256], strides = [1, 1]} : vector<2000x256xf32> to vector<100x256xf32>
      %dot_general3A_419 = arith.constant dense<0.000000e+00> : vector<100x256xf32>
      %dot_general3A_420 = tpu.matmul %mul3A_417, %slice3A_418, %dot_general3A_419 {dimension_numbers = #tpu.dot_dimension_numbers<[0], [0], [1], [1], [0, 1, 1, 1], [], []>, transpose_lhs_hint = false} : vector<100x100xf32>, vector<100x256xf32>, vector<100x256xf32> -> vector<100x256xf32>
      %add3A_421 = arith.constant 16 : i32
      %add3A_422 = arith.addi %mul3A_20, %add3A_421 : i32
      %get3A_423 = arith.index_cast %add3A_422 : i32 to index
      %get3A_424 = arith.constant 0 : index
      %get3A_425 = arith.constant 0 : index
      %get3A_426 = vector.load %arg2[%get3A_423, %get3A_424, %get3A_425] : memref<100x100x100xf32, #tpu.memory_space<vmem>>, vector<1x100x100xf32>
      %get3A_427 = vector.shape_cast %get3A_426 : vector<1x100x100xf32> to vector<100x100xf32>
      %reduce_sum3A_428 = arith.constant dense<0.000000e+00> : vector<100xf32>
      %reduce_sum3A_429 = vector.multi_reduction <add>, %get3A_427, %reduce_sum3A_428 [0] : vector<100x100xf32> to vector<100xf32>
      %broadcast_in_dim3A_430 = vector.shape_cast %reduce_sum3A_429 : vector<100xf32> to vector<1x100xf32>
      %max3A_431 = arith.constant 1.000000e+00 : f32
      %max3A_432 = vector.broadcast %max3A_431 : f32 to vector<1x100xf32>
      %max3A_433 = arith.maximumf %broadcast_in_dim3A_430, %max3A_432 : vector<1x100xf32>
      %div3A_434 = arith.constant 1.000000e+00 : f32
      %div3A_435 = vector.broadcast %div3A_434 : f32 to vector<1x100xf32>
      %div3A_436 = arith.divf %div3A_435, %max3A_433 : vector<1x100xf32>
      %mul3A_437 = vector.broadcast %div3A_436 : vector<1x100xf32> to vector<100x100xf32>
      %mul3A_438 = arith.mulf %get3A_427, %mul3A_437 : vector<100x100xf32>
      %slice3A_439 = vector.extract_strided_slice %add3A_88 {offsets = [1600, 0], sizes = [100, 256], strides = [1, 1]} : vector<2000x256xf32> to vector<100x256xf32>
      %dot_general3A_440 = arith.constant dense<0.000000e+00> : vector<100x256xf32>
      %dot_general3A_441 = tpu.matmul %mul3A_438, %slice3A_439, %dot_general3A_440 {dimension_numbers = #tpu.dot_dimension_numbers<[0], [0], [1], [1], [0, 1, 1, 1], [], []>, transpose_lhs_hint = false} : vector<100x100xf32>, vector<100x256xf32>, vector<100x256xf32> -> vector<100x256xf32>
      %add3A_442 = arith.constant 17 : i32
      %add3A_443 = arith.addi %mul3A_20, %add3A_442 : i32
      %get3A_444 = arith.index_cast %add3A_443 : i32 to index
      %get3A_445 = arith.constant 0 : index
      %get3A_446 = arith.constant 0 : index
      %get3A_447 = vector.load %arg2[%get3A_444, %get3A_445, %get3A_446] : memref<100x100x100xf32, #tpu.memory_space<vmem>>, vector<1x100x100xf32>
      %get3A_448 = vector.shape_cast %get3A_447 : vector<1x100x100xf32> to vector<100x100xf32>
      %reduce_sum3A_449 = arith.constant dense<0.000000e+00> : vector<100xf32>
      %reduce_sum3A_450 = vector.multi_reduction <add>, %get3A_448, %reduce_sum3A_449 [0] : vector<100x100xf32> to vector<100xf32>
      %broadcast_in_dim3A_451 = vector.shape_cast %reduce_sum3A_450 : vector<100xf32> to vector<1x100xf32>
      %max3A_452 = arith.constant 1.000000e+00 : f32
      %max3A_453 = vector.broadcast %max3A_452 : f32 to vector<1x100xf32>
      %max3A_454 = arith.maximumf %broadcast_in_dim3A_451, %max3A_453 : vector<1x100xf32>
      %div3A_455 = arith.constant 1.000000e+00 : f32
      %div3A_456 = vector.broadcast %div3A_455 : f32 to vector<1x100xf32>
      %div3A_457 = arith.divf %div3A_456, %max3A_454 : vector<1x100xf32>
      %mul3A_458 = vector.broadcast %div3A_457 : vector<1x100xf32> to vector<100x100xf32>
      %mul3A_459 = arith.mulf %get3A_448, %mul3A_458 : vector<100x100xf32>
      %slice3A_460 = vector.extract_strided_slice %add3A_88 {offsets = [1700, 0], sizes = [100, 256], strides = [1, 1]} : vector<2000x256xf32> to vector<100x256xf32>
      %dot_general3A_461 = arith.constant dense<0.000000e+00> : vector<100x256xf32>
      %dot_general3A_462 = tpu.matmul %mul3A_459, %slice3A_460, %dot_general3A_461 {dimension_numbers = #tpu.dot_dimension_numbers<[0], [0], [1], [1], [0, 1, 1, 1], [], []>, transpose_lhs_hint = false} : vector<100x100xf32>, vector<100x256xf32>, vector<100x256xf32> -> vector<100x256xf32>
      %add3A_463 = arith.constant 18 : i32
      %add3A_464 = arith.addi %mul3A_20, %add3A_463 : i32
      %get3A_465 = arith.index_cast %add3A_464 : i32 to index
      %get3A_466 = arith.constant 0 : index
      %get3A_467 = arith.constant 0 : index
      %get3A_468 = vector.load %arg2[%get3A_465, %get3A_466, %get3A_467] : memref<100x100x100xf32, #tpu.memory_space<vmem>>, vector<1x100x100xf32>
      %get3A_469 = vector.shape_cast %get3A_468 : vector<1x100x100xf32> to vector<100x100xf32>
      %reduce_sum3A_470 = arith.constant dense<0.000000e+00> : vector<100xf32>
      %reduce_sum3A_471 = vector.multi_reduction <add>, %get3A_469, %reduce_sum3A_470 [0] : vector<100x100xf32> to vector<100xf32>
      %broadcast_in_dim3A_472 = vector.shape_cast %reduce_sum3A_471 : vector<100xf32> to vector<1x100xf32>
      %max3A_473 = arith.constant 1.000000e+00 : f32
      %max3A_474 = vector.broadcast %max3A_473 : f32 to vector<1x100xf32>
      %max3A_475 = arith.maximumf %broadcast_in_dim3A_472, %max3A_474 : vector<1x100xf32>
      %div3A_476 = arith.constant 1.000000e+00 : f32
      %div3A_477 = vector.broadcast %div3A_476 : f32 to vector<1x100xf32>
      %div3A_478 = arith.divf %div3A_477, %max3A_475 : vector<1x100xf32>
      %mul3A_479 = vector.broadcast %div3A_478 : vector<1x100xf32> to vector<100x100xf32>
      %mul3A_480 = arith.mulf %get3A_469, %mul3A_479 : vector<100x100xf32>
      %slice3A_481 = vector.extract_strided_slice %add3A_88 {offsets = [1800, 0], sizes = [100, 256], strides = [1, 1]} : vector<2000x256xf32> to vector<100x256xf32>
      %dot_general3A_482 = arith.constant dense<0.000000e+00> : vector<100x256xf32>
      %dot_general3A_483 = tpu.matmul %mul3A_480, %slice3A_481, %dot_general3A_482 {dimension_numbers = #tpu.dot_dimension_numbers<[0], [0], [1], [1], [0, 1, 1, 1], [], []>, transpose_lhs_hint = false} : vector<100x100xf32>, vector<100x256xf32>, vector<100x256xf32> -> vector<100x256xf32>
      %add3A_484 = arith.constant 19 : i32
      %add3A_485 = arith.addi %mul3A_20, %add3A_484 : i32
      %get3A_486 = arith.index_cast %add3A_485 : i32 to index
      %get3A_487 = arith.constant 0 : index
      %get3A_488 = arith.constant 0 : index
      %get3A_489 = vector.load %arg2[%get3A_486, %get3A_487, %get3A_488] : memref<100x100x100xf32, #tpu.memory_space<vmem>>, vector<1x100x100xf32>
      %get3A_490 = vector.shape_cast %get3A_489 : vector<1x100x100xf32> to vector<100x100xf32>
      %reduce_sum3A_491 = arith.constant dense<0.000000e+00> : vector<100xf32>
      %reduce_sum3A_492 = vector.multi_reduction <add>, %get3A_490, %reduce_sum3A_491 [0] : vector<100x100xf32> to vector<100xf32>
      %broadcast_in_dim3A_493 = vector.shape_cast %reduce_sum3A_492 : vector<100xf32> to vector<1x100xf32>
      %max3A_494 = arith.constant 1.000000e+00 : f32
      %max3A_495 = vector.broadcast %max3A_494 : f32 to vector<1x100xf32>
      %max3A_496 = arith.maximumf %broadcast_in_dim3A_493, %max3A_495 : vector<1x100xf32>
      %div3A_497 = arith.constant 1.000000e+00 : f32
      %div3A_498 = vector.broadcast %div3A_497 : f32 to vector<1x100xf32>
      %div3A_499 = arith.divf %div3A_498, %max3A_496 : vector<1x100xf32>
      %mul3A_500 = vector.broadcast %div3A_499 : vector<1x100xf32> to vector<100x100xf32>
      %mul3A_501 = arith.mulf %get3A_490, %mul3A_500 : vector<100x100xf32>
      %slice3A_502 = vector.extract_strided_slice %add3A_88 {offsets = [1900, 0], sizes = [100, 256], strides = [1, 1]} : vector<2000x256xf32> to vector<100x256xf32>
      %dot_general3A_503 = arith.constant dense<0.000000e+00> : vector<100x256xf32>
      %dot_general3A_504 = tpu.matmul %mul3A_501, %slice3A_502, %dot_general3A_503 {dimension_numbers = #tpu.dot_dimension_numbers<[0], [0], [1], [1], [0, 1, 1, 1], [], []>, transpose_lhs_hint = false} : vector<100x100xf32>, vector<100x256xf32>, vector<100x256xf32> -> vector<100x256xf32>
      %concatenate3A = tpu.concatenate %dot_general3A_105, %dot_general3A_126, %dot_general3A_147, %dot_general3A_168, %dot_general3A_189, %dot_general3A_210, %dot_general3A_231, %dot_general3A_252, %dot_general3A_273, %dot_general3A_294, %dot_general3A_315, %dot_general3A_336, %dot_general3A_357, %dot_general3A_378, %dot_general3A_399, %dot_general3A_420, %dot_general3A_441, %dot_general3A_462, %dot_general3A_483, %dot_general3A_504 in 0 : vector<100x256xf32>, vector<100x256xf32>, vector<100x256xf32>, vector<100x256xf32>, vector<100x256xf32>, vector<100x256xf32>, vector<100x256xf32>, vector<100x256xf32>, vector<100x256xf32>, vector<100x256xf32>, vector<100x256xf32>, vector<100x256xf32>, vector<100x256xf32>, vector<100x256xf32>, vector<100x256xf32>, vector<100x256xf32>, vector<100x256xf32>, vector<100x256xf32>, vector<100x256xf32>, vector<100x256xf32> -> vector<2000x256xf32>
      %get3A_505 = arith.constant 0 : index
      %get3A_506 = arith.constant 0 : index
      %get3A_507 = vector.load %arg6[%get3A_505, %get3A_506] : memref<256x256xf32, #tpu.memory_space<vmem>>, vector<256x256xf32>
      %dot_general3A_508 = arith.constant dense<0.000000e+00> : vector<2000x256xf32>
      %dot_general3A_509 = tpu.matmul %add3A_88, %get3A_507, %dot_general3A_508 {dimension_numbers = #tpu.dot_dimension_numbers<[1], [0], [0], [1], [0, 0, 1, 1], [], []>, transpose_lhs_hint = false} : vector<2000x256xf32>, vector<256x256xf32>, vector<2000x256xf32> -> vector<2000x256xf32>
      %get3A_510 = arith.constant 0 : index
      %get3A_511 = arith.constant 0 : index
      %get3A_512 = vector.load %arg9[%get3A_510, %get3A_511] : memref<256x256xf32, #tpu.memory_space<vmem>>, vector<256x256xf32>
      %dot_general3A_513 = arith.constant dense<0.000000e+00> : vector<2000x256xf32>
      %dot_general3A_514 = tpu.matmul %concatenate3A, %get3A_512, %dot_general3A_513 {dimension_numbers = #tpu.dot_dimension_numbers<[1], [0], [0], [1], [0, 0, 1, 1], [], []>, transpose_lhs_hint = false} : vector<2000x256xf32>, vector<256x256xf32>, vector<2000x256xf32> -> vector<2000x256xf32>
      %add3A_515 = arith.addf %dot_general3A_509, %dot_general3A_514 : vector<2000x256xf32>
      %get3A_516 = arith.constant 0 : index
      %get3A_517 = arith.constant 0 : index
      %get3A_518 = vector.load %arg12[%get3A_516, %get3A_517] : memref<1x256xf32, #tpu.memory_space<vmem>>, vector<1x256xf32>
      %add3A_519 = vector.broadcast %get3A_518 : vector<1x256xf32> to vector<2000x256xf32>
      %add3A_520 = arith.addf %add3A_515, %add3A_519 : vector<2000x256xf32>
      %swap3A = arith.index_cast %mul3A_18 : i32 to index
      %swap3A_521 = arith.constant 0 : index
      %swap3A_522 = vector.load %arg29[%swap3A, %swap3A_521] : memref<10000x256xf32, #tpu.memory_space<vmem>>, vector<2000x256xf32>
      tpu.vector_store %arg29[%swap3A, %swap3A_521], %add3A_88 {strides = array<i32>} : memref<10000x256xf32, #tpu.memory_space<vmem>>, vector<2000x256xf32>,
      %swap3A_523 = arith.index_cast %mul3A_18 : i32 to index
      %swap3A_524 = arith.constant 0 : index
      %swap3A_525 = vector.load %arg30[%swap3A_523, %swap3A_524] : memref<10000x256xf32, #tpu.memory_space<vmem>>, vector<2000x256xf32>
      tpu.vector_store %arg30[%swap3A_523, %swap3A_524], %add3A_520 {strides = array<i32>} : memref<10000x256xf32, #tpu.memory_space<vmem>>, vector<2000x256xf32>,
      %get3A_526 = arith.constant 0 : index
      %get3A_527 = arith.constant 0 : index
      %get3A_528 = vector.load %arg31[%get3A_526, %get3A_527] : memref<2x256xf32, #tpu.memory_space<vmem>>, vector<1x256xf32>
      %reduce_sum3A_529 = arith.constant dense<0.000000e+00> : vector<256xf32>
      %reduce_sum3A_530 = vector.multi_reduction <add>, %add3A_520, %reduce_sum3A_529 [0] : vector<2000x256xf32> to vector<256xf32>
      %broadcast_in_dim3A_531 = vector.shape_cast %reduce_sum3A_530 : vector<256xf32> to vector<1x256xf32>
      %add3A_532 = arith.addf %get3A_528, %broadcast_in_dim3A_531 : vector<1x256xf32>
      %swap3A_533 = arith.constant 0 : index
      %swap3A_534 = arith.constant 0 : index
      %swap3A_535 = vector.load %arg31[%swap3A_533, %swap3A_534] : memref<2x256xf32, #tpu.memory_space<vmem>>, vector<1x256xf32>
      tpu.vector_store %arg31[%swap3A_533, %swap3A_534], %add3A_532 {strides = array<i32>} : memref<2x256xf32, #tpu.memory_space<vmem>>, vector<1x256xf32>,
      %get3A_536 = arith.constant 1 : index
      %get3A_537 = arith.constant 0 : index
      %get3A_538 = vector.load %arg31[%get3A_536, %get3A_537] : memref<2x256xf32, #tpu.memory_space<vmem>>, vector<1x256xf32>
      %mul3A_539 = arith.mulf %add3A_520, %add3A_520 : vector<2000x256xf32>
      %reduce_sum3A_540 = arith.constant dense<0.000000e+00> : vector<256xf32>
      %reduce_sum3A_541 = vector.multi_reduction <add>, %mul3A_539, %reduce_sum3A_540 [0] : vector<2000x256xf32> to vector<256xf32>
      %broadcast_in_dim3A_542 = vector.shape_cast %reduce_sum3A_541 : vector<256xf32> to vector<1x256xf32>
      %add3A_543 = arith.addf %get3A_538, %broadcast_in_dim3A_542 : vector<1x256xf32>
      %swap3A_544 = arith.constant 1 : index
      %swap3A_545 = arith.constant 0 : index
      %swap3A_546 = vector.load %arg31[%swap3A_544, %swap3A_545] : memref<2x256xf32, #tpu.memory_space<vmem>>, vector<1x256xf32>
      tpu.vector_store %arg31[%swap3A_544, %swap3A_545], %add3A_543 {strides = array<i32>} : memref<2x256xf32, #tpu.memory_space<vmem>>, vector<1x256xf32>,
    } else {
    }
    %eq3A_42 = arith.constant 2 : i32
    %eq3A_43 = arith.cmpi eq, %select_n3A, %eq3A_42 : i32
    %convert_element_type3A_44 = arith.extui %eq3A_43 : i1 to i32
    %cond3A_45 = arith.constant 0 : i32
    %cond3A_46 = arith.cmpi ne, %convert_element_type3A_44, %cond3A_45 : i32
    scf.if %cond3A_46 {
      %get3A = arith.constant 0 : index
      %get3A_52 = arith.constant 0 : index
      %get3A_53 = vector.load %arg32[%get3A, %get3A_52] : memref<2x256xf32, #tpu.memory_space<vmem>>, vector<1x256xf32>
      %mul3A_54 = arith.constant 9.99999974E-5 : f32
      %mul3A_55 = vector.broadcast %mul3A_54 : f32 to vector<1x256xf32>
      %mul3A_56 = arith.mulf %get3A_53, %mul3A_55 : vector<1x256xf32>
      %get3A_57 = arith.constant 1 : index
      %get3A_58 = arith.constant 0 : index
      %get3A_59 = vector.load %arg32[%get3A_57, %get3A_58] : memref<2x256xf32, #tpu.memory_space<vmem>>, vector<1x256xf32>
      %mul3A_60 = arith.constant 9.99999974E-5 : f32
      %mul3A_61 = vector.broadcast %mul3A_60 : f32 to vector<1x256xf32>
      %mul3A_62 = arith.mulf %get3A_59, %mul3A_61 : vector<1x256xf32>
      %mul3A_63 = arith.mulf %mul3A_56, %mul3A_56 : vector<1x256xf32>
      %sub3A_64 = arith.subf %mul3A_62, %mul3A_63 : vector<1x256xf32>
      %add3A = arith.constant 9.99999974E-6 : f32
      %add3A_65 = vector.broadcast %add3A : f32 to vector<1x256xf32>
      %add3A_66 = arith.addf %sub3A_64, %add3A_65 : vector<1x256xf32>
      %rsqrt3A = math.rsqrt %add3A_66 : vector<1x256xf32>
      %get3A_67 = arith.constant 0 : index
      %get3A_68 = arith.constant 0 : index
      %get3A_69 = vector.load %arg15[%get3A_67, %get3A_68] : memref<1x256xf32, #tpu.memory_space<vmem>>, vector<1x256xf32>
      %mul3A_70 = arith.mulf %rsqrt3A, %get3A_69 : vector<1x256xf32>
      %get3A_71 = arith.index_cast %mul3A_18 : i32 to index
      %get3A_72 = arith.constant 0 : index
      %get3A_73 = vector.load %arg30[%get3A_71, %get3A_72] : memref<10000x256xf32, #tpu.memory_space<vmem>>, vector<2000x256xf32>
      %sub3A_74 = vector.broadcast %mul3A_56 : vector<1x256xf32> to vector<2000x256xf32>
      %sub3A_75 = arith.subf %get3A_73, %sub3A_74 : vector<2000x256xf32>
      %mul3A_76 = vector.broadcast %mul3A_70 : vector<1x256xf32> to vector<2000x256xf32>
      %mul3A_77 = arith.mulf %sub3A_75, %mul3A_76 : vector<2000x256xf32>
      %get3A_78 = arith.constant 0 : index
      %get3A_79 = arith.constant 0 : index
      %get3A_80 = vector.load %arg17[%get3A_78, %get3A_79] : memref<1x256xf32, #tpu.memory_space<vmem>>, vector<1x256xf32>
      %add3A_81 = vector.broadcast %get3A_80 : vector<1x256xf32> to vector<2000x256xf32>
      %add3A_82 = arith.addf %mul3A_77, %add3A_81 : vector<2000x256xf32>
      %max3A = arith.constant 0.000000e+00 : f32
      %max3A_83 = vector.broadcast %max3A : f32 to vector<2000x256xf32>
      %max3A_84 = arith.maximumf %add3A_82, %max3A_83 : vector<2000x256xf32>
      %get3A_85 = arith.index_cast %mul3A_18 : i32 to index
      %get3A_86 = arith.constant 0 : index
      %get3A_87 = vector.load %arg29[%get3A_85, %get3A_86] : memref<10000x256xf32, #tpu.memory_space<vmem>>, vector<2000x256xf32>
      %add3A_88 = arith.addf %max3A_84, %get3A_87 : vector<2000x256xf32>
      %add3A_89 = arith.constant 0 : i32
      %add3A_90 = arith.addi %mul3A_20, %add3A_89 : i32
      %get3A_91 = arith.index_cast %add3A_90 : i32 to index
      %get3A_92 = arith.constant 0 : index
      %get3A_93 = arith.constant 0 : index
      %get3A_94 = vector.load %arg2[%get3A_91, %get3A_92, %get3A_93] : memref<100x100x100xf32, #tpu.memory_space<vmem>>, vector<1x100x100xf32>
      %get3A_95 = vector.shape_cast %get3A_94 : vector<1x100x100xf32> to vector<100x100xf32>
      %reduce_sum3A = arith.constant dense<0.000000e+00> : vector<100xf32>
      %reduce_sum3A_96 = vector.multi_reduction <add>, %get3A_95, %reduce_sum3A [0] : vector<100x100xf32> to vector<100xf32>
      %broadcast_in_dim3A = vector.shape_cast %reduce_sum3A_96 : vector<100xf32> to vector<1x100xf32>
      %max3A_97 = arith.constant 1.000000e+00 : f32
      %max3A_98 = vector.broadcast %max3A_97 : f32 to vector<1x100xf32>
      %max3A_99 = arith.maximumf %broadcast_in_dim3A, %max3A_98 : vector<1x100xf32>
      %div3A_100 = arith.constant 1.000000e+00 : f32
      %div3A_101 = vector.broadcast %div3A_100 : f32 to vector<1x100xf32>
      %div3A_102 = arith.divf %div3A_101, %max3A_99 : vector<1x100xf32>
      %mul3A_103 = vector.broadcast %div3A_102 : vector<1x100xf32> to vector<100x100xf32>
      %mul3A_104 = arith.mulf %get3A_95, %mul3A_103 : vector<100x100xf32>
      %slice3A = vector.extract_strided_slice %add3A_88 {offsets = [0, 0], sizes = [100, 256], strides = [1, 1]} : vector<2000x256xf32> to vector<100x256xf32>
      %dot_general3A = arith.constant dense<0.000000e+00> : vector<100x256xf32>
      %dot_general3A_105 = tpu.matmul %mul3A_104, %slice3A, %dot_general3A {dimension_numbers = #tpu.dot_dimension_numbers<[0], [0], [1], [1], [0, 1, 1, 1], [], []>, transpose_lhs_hint = false} : vector<100x100xf32>, vector<100x256xf32>, vector<100x256xf32> -> vector<100x256xf32>
      %add3A_106 = arith.constant 1 : i32
      %add3A_107 = arith.addi %mul3A_20, %add3A_106 : i32
      %get3A_108 = arith.index_cast %add3A_107 : i32 to index
      %get3A_109 = arith.constant 0 : index
      %get3A_110 = arith.constant 0 : index
      %get3A_111 = vector.load %arg2[%get3A_108, %get3A_109, %get3A_110] : memref<100x100x100xf32, #tpu.memory_space<vmem>>, vector<1x100x100xf32>
      %get3A_112 = vector.shape_cast %get3A_111 : vector<1x100x100xf32> to vector<100x100xf32>
      %reduce_sum3A_113 = arith.constant dense<0.000000e+00> : vector<100xf32>
      %reduce_sum3A_114 = vector.multi_reduction <add>, %get3A_112, %reduce_sum3A_113 [0] : vector<100x100xf32> to vector<100xf32>
      %broadcast_in_dim3A_115 = vector.shape_cast %reduce_sum3A_114 : vector<100xf32> to vector<1x100xf32>
      %max3A_116 = arith.constant 1.000000e+00 : f32
      %max3A_117 = vector.broadcast %max3A_116 : f32 to vector<1x100xf32>
      %max3A_118 = arith.maximumf %broadcast_in_dim3A_115, %max3A_117 : vector<1x100xf32>
      %div3A_119 = arith.constant 1.000000e+00 : f32
      %div3A_120 = vector.broadcast %div3A_119 : f32 to vector<1x100xf32>
      %div3A_121 = arith.divf %div3A_120, %max3A_118 : vector<1x100xf32>
      %mul3A_122 = vector.broadcast %div3A_121 : vector<1x100xf32> to vector<100x100xf32>
      %mul3A_123 = arith.mulf %get3A_112, %mul3A_122 : vector<100x100xf32>
      %slice3A_124 = vector.extract_strided_slice %add3A_88 {offsets = [100, 0], sizes = [100, 256], strides = [1, 1]} : vector<2000x256xf32> to vector<100x256xf32>
      %dot_general3A_125 = arith.constant dense<0.000000e+00> : vector<100x256xf32>
      %dot_general3A_126 = tpu.matmul %mul3A_123, %slice3A_124, %dot_general3A_125 {dimension_numbers = #tpu.dot_dimension_numbers<[0], [0], [1], [1], [0, 1, 1, 1], [], []>, transpose_lhs_hint = false} : vector<100x100xf32>, vector<100x256xf32>, vector<100x256xf32> -> vector<100x256xf32>
      %add3A_127 = arith.constant 2 : i32
      %add3A_128 = arith.addi %mul3A_20, %add3A_127 : i32
      %get3A_129 = arith.index_cast %add3A_128 : i32 to index
      %get3A_130 = arith.constant 0 : index
      %get3A_131 = arith.constant 0 : index
      %get3A_132 = vector.load %arg2[%get3A_129, %get3A_130, %get3A_131] : memref<100x100x100xf32, #tpu.memory_space<vmem>>, vector<1x100x100xf32>
      %get3A_133 = vector.shape_cast %get3A_132 : vector<1x100x100xf32> to vector<100x100xf32>
      %reduce_sum3A_134 = arith.constant dense<0.000000e+00> : vector<100xf32>
      %reduce_sum3A_135 = vector.multi_reduction <add>, %get3A_133, %reduce_sum3A_134 [0] : vector<100x100xf32> to vector<100xf32>
      %broadcast_in_dim3A_136 = vector.shape_cast %reduce_sum3A_135 : vector<100xf32> to vector<1x100xf32>
      %max3A_137 = arith.constant 1.000000e+00 : f32
      %max3A_138 = vector.broadcast %max3A_137 : f32 to vector<1x100xf32>
      %max3A_139 = arith.maximumf %broadcast_in_dim3A_136, %max3A_138 : vector<1x100xf32>
      %div3A_140 = arith.constant 1.000000e+00 : f32
      %div3A_141 = vector.broadcast %div3A_140 : f32 to vector<1x100xf32>
      %div3A_142 = arith.divf %div3A_141, %max3A_139 : vector<1x100xf32>
      %mul3A_143 = vector.broadcast %div3A_142 : vector<1x100xf32> to vector<100x100xf32>
      %mul3A_144 = arith.mulf %get3A_133, %mul3A_143 : vector<100x100xf32>
      %slice3A_145 = vector.extract_strided_slice %add3A_88 {offsets = [200, 0], sizes = [100, 256], strides = [1, 1]} : vector<2000x256xf32> to vector<100x256xf32>
      %dot_general3A_146 = arith.constant dense<0.000000e+00> : vector<100x256xf32>
      %dot_general3A_147 = tpu.matmul %mul3A_144, %slice3A_145, %dot_general3A_146 {dimension_numbers = #tpu.dot_dimension_numbers<[0], [0], [1], [1], [0, 1, 1, 1], [], []>, transpose_lhs_hint = false} : vector<100x100xf32>, vector<100x256xf32>, vector<100x256xf32> -> vector<100x256xf32>
      %add3A_148 = arith.constant 3 : i32
      %add3A_149 = arith.addi %mul3A_20, %add3A_148 : i32
      %get3A_150 = arith.index_cast %add3A_149 : i32 to index
      %get3A_151 = arith.constant 0 : index
      %get3A_152 = arith.constant 0 : index
      %get3A_153 = vector.load %arg2[%get3A_150, %get3A_151, %get3A_152] : memref<100x100x100xf32, #tpu.memory_space<vmem>>, vector<1x100x100xf32>
      %get3A_154 = vector.shape_cast %get3A_153 : vector<1x100x100xf32> to vector<100x100xf32>
      %reduce_sum3A_155 = arith.constant dense<0.000000e+00> : vector<100xf32>
      %reduce_sum3A_156 = vector.multi_reduction <add>, %get3A_154, %reduce_sum3A_155 [0] : vector<100x100xf32> to vector<100xf32>
      %broadcast_in_dim3A_157 = vector.shape_cast %reduce_sum3A_156 : vector<100xf32> to vector<1x100xf32>
      %max3A_158 = arith.constant 1.000000e+00 : f32
      %max3A_159 = vector.broadcast %max3A_158 : f32 to vector<1x100xf32>
      %max3A_160 = arith.maximumf %broadcast_in_dim3A_157, %max3A_159 : vector<1x100xf32>
      %div3A_161 = arith.constant 1.000000e+00 : f32
      %div3A_162 = vector.broadcast %div3A_161 : f32 to vector<1x100xf32>
      %div3A_163 = arith.divf %div3A_162, %max3A_160 : vector<1x100xf32>
      %mul3A_164 = vector.broadcast %div3A_163 : vector<1x100xf32> to vector<100x100xf32>
      %mul3A_165 = arith.mulf %get3A_154, %mul3A_164 : vector<100x100xf32>
      %slice3A_166 = vector.extract_strided_slice %add3A_88 {offsets = [300, 0], sizes = [100, 256], strides = [1, 1]} : vector<2000x256xf32> to vector<100x256xf32>
      %dot_general3A_167 = arith.constant dense<0.000000e+00> : vector<100x256xf32>
      %dot_general3A_168 = tpu.matmul %mul3A_165, %slice3A_166, %dot_general3A_167 {dimension_numbers = #tpu.dot_dimension_numbers<[0], [0], [1], [1], [0, 1, 1, 1], [], []>, transpose_lhs_hint = false} : vector<100x100xf32>, vector<100x256xf32>, vector<100x256xf32> -> vector<100x256xf32>
      %add3A_169 = arith.constant 4 : i32
      %add3A_170 = arith.addi %mul3A_20, %add3A_169 : i32
      %get3A_171 = arith.index_cast %add3A_170 : i32 to index
      %get3A_172 = arith.constant 0 : index
      %get3A_173 = arith.constant 0 : index
      %get3A_174 = vector.load %arg2[%get3A_171, %get3A_172, %get3A_173] : memref<100x100x100xf32, #tpu.memory_space<vmem>>, vector<1x100x100xf32>
      %get3A_175 = vector.shape_cast %get3A_174 : vector<1x100x100xf32> to vector<100x100xf32>
      %reduce_sum3A_176 = arith.constant dense<0.000000e+00> : vector<100xf32>
      %reduce_sum3A_177 = vector.multi_reduction <add>, %get3A_175, %reduce_sum3A_176 [0] : vector<100x100xf32> to vector<100xf32>
      %broadcast_in_dim3A_178 = vector.shape_cast %reduce_sum3A_177 : vector<100xf32> to vector<1x100xf32>
      %max3A_179 = arith.constant 1.000000e+00 : f32
      %max3A_180 = vector.broadcast %max3A_179 : f32 to vector<1x100xf32>
      %max3A_181 = arith.maximumf %broadcast_in_dim3A_178, %max3A_180 : vector<1x100xf32>
      %div3A_182 = arith.constant 1.000000e+00 : f32
      %div3A_183 = vector.broadcast %div3A_182 : f32 to vector<1x100xf32>
      %div3A_184 = arith.divf %div3A_183, %max3A_181 : vector<1x100xf32>
      %mul3A_185 = vector.broadcast %div3A_184 : vector<1x100xf32> to vector<100x100xf32>
      %mul3A_186 = arith.mulf %get3A_175, %mul3A_185 : vector<100x100xf32>
      %slice3A_187 = vector.extract_strided_slice %add3A_88 {offsets = [400, 0], sizes = [100, 256], strides = [1, 1]} : vector<2000x256xf32> to vector<100x256xf32>
      %dot_general3A_188 = arith.constant dense<0.000000e+00> : vector<100x256xf32>
      %dot_general3A_189 = tpu.matmul %mul3A_186, %slice3A_187, %dot_general3A_188 {dimension_numbers = #tpu.dot_dimension_numbers<[0], [0], [1], [1], [0, 1, 1, 1], [], []>, transpose_lhs_hint = false} : vector<100x100xf32>, vector<100x256xf32>, vector<100x256xf32> -> vector<100x256xf32>
      %add3A_190 = arith.constant 5 : i32
      %add3A_191 = arith.addi %mul3A_20, %add3A_190 : i32
      %get3A_192 = arith.index_cast %add3A_191 : i32 to index
      %get3A_193 = arith.constant 0 : index
      %get3A_194 = arith.constant 0 : index
      %get3A_195 = vector.load %arg2[%get3A_192, %get3A_193, %get3A_194] : memref<100x100x100xf32, #tpu.memory_space<vmem>>, vector<1x100x100xf32>
      %get3A_196 = vector.shape_cast %get3A_195 : vector<1x100x100xf32> to vector<100x100xf32>
      %reduce_sum3A_197 = arith.constant dense<0.000000e+00> : vector<100xf32>
      %reduce_sum3A_198 = vector.multi_reduction <add>, %get3A_196, %reduce_sum3A_197 [0] : vector<100x100xf32> to vector<100xf32>
      %broadcast_in_dim3A_199 = vector.shape_cast %reduce_sum3A_198 : vector<100xf32> to vector<1x100xf32>
      %max3A_200 = arith.constant 1.000000e+00 : f32
      %max3A_201 = vector.broadcast %max3A_200 : f32 to vector<1x100xf32>
      %max3A_202 = arith.maximumf %broadcast_in_dim3A_199, %max3A_201 : vector<1x100xf32>
      %div3A_203 = arith.constant 1.000000e+00 : f32
      %div3A_204 = vector.broadcast %div3A_203 : f32 to vector<1x100xf32>
      %div3A_205 = arith.divf %div3A_204, %max3A_202 : vector<1x100xf32>
      %mul3A_206 = vector.broadcast %div3A_205 : vector<1x100xf32> to vector<100x100xf32>
      %mul3A_207 = arith.mulf %get3A_196, %mul3A_206 : vector<100x100xf32>
      %slice3A_208 = vector.extract_strided_slice %add3A_88 {offsets = [500, 0], sizes = [100, 256], strides = [1, 1]} : vector<2000x256xf32> to vector<100x256xf32>
      %dot_general3A_209 = arith.constant dense<0.000000e+00> : vector<100x256xf32>
      %dot_general3A_210 = tpu.matmul %mul3A_207, %slice3A_208, %dot_general3A_209 {dimension_numbers = #tpu.dot_dimension_numbers<[0], [0], [1], [1], [0, 1, 1, 1], [], []>, transpose_lhs_hint = false} : vector<100x100xf32>, vector<100x256xf32>, vector<100x256xf32> -> vector<100x256xf32>
      %add3A_211 = arith.constant 6 : i32
      %add3A_212 = arith.addi %mul3A_20, %add3A_211 : i32
      %get3A_213 = arith.index_cast %add3A_212 : i32 to index
      %get3A_214 = arith.constant 0 : index
      %get3A_215 = arith.constant 0 : index
      %get3A_216 = vector.load %arg2[%get3A_213, %get3A_214, %get3A_215] : memref<100x100x100xf32, #tpu.memory_space<vmem>>, vector<1x100x100xf32>
      %get3A_217 = vector.shape_cast %get3A_216 : vector<1x100x100xf32> to vector<100x100xf32>
      %reduce_sum3A_218 = arith.constant dense<0.000000e+00> : vector<100xf32>
      %reduce_sum3A_219 = vector.multi_reduction <add>, %get3A_217, %reduce_sum3A_218 [0] : vector<100x100xf32> to vector<100xf32>
      %broadcast_in_dim3A_220 = vector.shape_cast %reduce_sum3A_219 : vector<100xf32> to vector<1x100xf32>
      %max3A_221 = arith.constant 1.000000e+00 : f32
      %max3A_222 = vector.broadcast %max3A_221 : f32 to vector<1x100xf32>
      %max3A_223 = arith.maximumf %broadcast_in_dim3A_220, %max3A_222 : vector<1x100xf32>
      %div3A_224 = arith.constant 1.000000e+00 : f32
      %div3A_225 = vector.broadcast %div3A_224 : f32 to vector<1x100xf32>
      %div3A_226 = arith.divf %div3A_225, %max3A_223 : vector<1x100xf32>
      %mul3A_227 = vector.broadcast %div3A_226 : vector<1x100xf32> to vector<100x100xf32>
      %mul3A_228 = arith.mulf %get3A_217, %mul3A_227 : vector<100x100xf32>
      %slice3A_229 = vector.extract_strided_slice %add3A_88 {offsets = [600, 0], sizes = [100, 256], strides = [1, 1]} : vector<2000x256xf32> to vector<100x256xf32>
      %dot_general3A_230 = arith.constant dense<0.000000e+00> : vector<100x256xf32>
      %dot_general3A_231 = tpu.matmul %mul3A_228, %slice3A_229, %dot_general3A_230 {dimension_numbers = #tpu.dot_dimension_numbers<[0], [0], [1], [1], [0, 1, 1, 1], [], []>, transpose_lhs_hint = false} : vector<100x100xf32>, vector<100x256xf32>, vector<100x256xf32> -> vector<100x256xf32>
      %add3A_232 = arith.constant 7 : i32
      %add3A_233 = arith.addi %mul3A_20, %add3A_232 : i32
      %get3A_234 = arith.index_cast %add3A_233 : i32 to index
      %get3A_235 = arith.constant 0 : index
      %get3A_236 = arith.constant 0 : index
      %get3A_237 = vector.load %arg2[%get3A_234, %get3A_235, %get3A_236] : memref<100x100x100xf32, #tpu.memory_space<vmem>>, vector<1x100x100xf32>
      %get3A_238 = vector.shape_cast %get3A_237 : vector<1x100x100xf32> to vector<100x100xf32>
      %reduce_sum3A_239 = arith.constant dense<0.000000e+00> : vector<100xf32>
      %reduce_sum3A_240 = vector.multi_reduction <add>, %get3A_238, %reduce_sum3A_239 [0] : vector<100x100xf32> to vector<100xf32>
      %broadcast_in_dim3A_241 = vector.shape_cast %reduce_sum3A_240 : vector<100xf32> to vector<1x100xf32>
      %max3A_242 = arith.constant 1.000000e+00 : f32
      %max3A_243 = vector.broadcast %max3A_242 : f32 to vector<1x100xf32>
      %max3A_244 = arith.maximumf %broadcast_in_dim3A_241, %max3A_243 : vector<1x100xf32>
      %div3A_245 = arith.constant 1.000000e+00 : f32
      %div3A_246 = vector.broadcast %div3A_245 : f32 to vector<1x100xf32>
      %div3A_247 = arith.divf %div3A_246, %max3A_244 : vector<1x100xf32>
      %mul3A_248 = vector.broadcast %div3A_247 : vector<1x100xf32> to vector<100x100xf32>
      %mul3A_249 = arith.mulf %get3A_238, %mul3A_248 : vector<100x100xf32>
      %slice3A_250 = vector.extract_strided_slice %add3A_88 {offsets = [700, 0], sizes = [100, 256], strides = [1, 1]} : vector<2000x256xf32> to vector<100x256xf32>
      %dot_general3A_251 = arith.constant dense<0.000000e+00> : vector<100x256xf32>
      %dot_general3A_252 = tpu.matmul %mul3A_249, %slice3A_250, %dot_general3A_251 {dimension_numbers = #tpu.dot_dimension_numbers<[0], [0], [1], [1], [0, 1, 1, 1], [], []>, transpose_lhs_hint = false} : vector<100x100xf32>, vector<100x256xf32>, vector<100x256xf32> -> vector<100x256xf32>
      %add3A_253 = arith.constant 8 : i32
      %add3A_254 = arith.addi %mul3A_20, %add3A_253 : i32
      %get3A_255 = arith.index_cast %add3A_254 : i32 to index
      %get3A_256 = arith.constant 0 : index
      %get3A_257 = arith.constant 0 : index
      %get3A_258 = vector.load %arg2[%get3A_255, %get3A_256, %get3A_257] : memref<100x100x100xf32, #tpu.memory_space<vmem>>, vector<1x100x100xf32>
      %get3A_259 = vector.shape_cast %get3A_258 : vector<1x100x100xf32> to vector<100x100xf32>
      %reduce_sum3A_260 = arith.constant dense<0.000000e+00> : vector<100xf32>
      %reduce_sum3A_261 = vector.multi_reduction <add>, %get3A_259, %reduce_sum3A_260 [0] : vector<100x100xf32> to vector<100xf32>
      %broadcast_in_dim3A_262 = vector.shape_cast %reduce_sum3A_261 : vector<100xf32> to vector<1x100xf32>
      %max3A_263 = arith.constant 1.000000e+00 : f32
      %max3A_264 = vector.broadcast %max3A_263 : f32 to vector<1x100xf32>
      %max3A_265 = arith.maximumf %broadcast_in_dim3A_262, %max3A_264 : vector<1x100xf32>
      %div3A_266 = arith.constant 1.000000e+00 : f32
      %div3A_267 = vector.broadcast %div3A_266 : f32 to vector<1x100xf32>
      %div3A_268 = arith.divf %div3A_267, %max3A_265 : vector<1x100xf32>
      %mul3A_269 = vector.broadcast %div3A_268 : vector<1x100xf32> to vector<100x100xf32>
      %mul3A_270 = arith.mulf %get3A_259, %mul3A_269 : vector<100x100xf32>
      %slice3A_271 = vector.extract_strided_slice %add3A_88 {offsets = [800, 0], sizes = [100, 256], strides = [1, 1]} : vector<2000x256xf32> to vector<100x256xf32>
      %dot_general3A_272 = arith.constant dense<0.000000e+00> : vector<100x256xf32>
      %dot_general3A_273 = tpu.matmul %mul3A_270, %slice3A_271, %dot_general3A_272 {dimension_numbers = #tpu.dot_dimension_numbers<[0], [0], [1], [1], [0, 1, 1, 1], [], []>, transpose_lhs_hint = false} : vector<100x100xf32>, vector<100x256xf32>, vector<100x256xf32> -> vector<100x256xf32>
      %add3A_274 = arith.constant 9 : i32
      %add3A_275 = arith.addi %mul3A_20, %add3A_274 : i32
      %get3A_276 = arith.index_cast %add3A_275 : i32 to index
      %get3A_277 = arith.constant 0 : index
      %get3A_278 = arith.constant 0 : index
      %get3A_279 = vector.load %arg2[%get3A_276, %get3A_277, %get3A_278] : memref<100x100x100xf32, #tpu.memory_space<vmem>>, vector<1x100x100xf32>
      %get3A_280 = vector.shape_cast %get3A_279 : vector<1x100x100xf32> to vector<100x100xf32>
      %reduce_sum3A_281 = arith.constant dense<0.000000e+00> : vector<100xf32>
      %reduce_sum3A_282 = vector.multi_reduction <add>, %get3A_280, %reduce_sum3A_281 [0] : vector<100x100xf32> to vector<100xf32>
      %broadcast_in_dim3A_283 = vector.shape_cast %reduce_sum3A_282 : vector<100xf32> to vector<1x100xf32>
      %max3A_284 = arith.constant 1.000000e+00 : f32
      %max3A_285 = vector.broadcast %max3A_284 : f32 to vector<1x100xf32>
      %max3A_286 = arith.maximumf %broadcast_in_dim3A_283, %max3A_285 : vector<1x100xf32>
      %div3A_287 = arith.constant 1.000000e+00 : f32
      %div3A_288 = vector.broadcast %div3A_287 : f32 to vector<1x100xf32>
      %div3A_289 = arith.divf %div3A_288, %max3A_286 : vector<1x100xf32>
      %mul3A_290 = vector.broadcast %div3A_289 : vector<1x100xf32> to vector<100x100xf32>
      %mul3A_291 = arith.mulf %get3A_280, %mul3A_290 : vector<100x100xf32>
      %slice3A_292 = vector.extract_strided_slice %add3A_88 {offsets = [900, 0], sizes = [100, 256], strides = [1, 1]} : vector<2000x256xf32> to vector<100x256xf32>
      %dot_general3A_293 = arith.constant dense<0.000000e+00> : vector<100x256xf32>
      %dot_general3A_294 = tpu.matmul %mul3A_291, %slice3A_292, %dot_general3A_293 {dimension_numbers = #tpu.dot_dimension_numbers<[0], [0], [1], [1], [0, 1, 1, 1], [], []>, transpose_lhs_hint = false} : vector<100x100xf32>, vector<100x256xf32>, vector<100x256xf32> -> vector<100x256xf32>
      %add3A_295 = arith.constant 10 : i32
      %add3A_296 = arith.addi %mul3A_20, %add3A_295 : i32
      %get3A_297 = arith.index_cast %add3A_296 : i32 to index
      %get3A_298 = arith.constant 0 : index
      %get3A_299 = arith.constant 0 : index
      %get3A_300 = vector.load %arg2[%get3A_297, %get3A_298, %get3A_299] : memref<100x100x100xf32, #tpu.memory_space<vmem>>, vector<1x100x100xf32>
      %get3A_301 = vector.shape_cast %get3A_300 : vector<1x100x100xf32> to vector<100x100xf32>
      %reduce_sum3A_302 = arith.constant dense<0.000000e+00> : vector<100xf32>
      %reduce_sum3A_303 = vector.multi_reduction <add>, %get3A_301, %reduce_sum3A_302 [0] : vector<100x100xf32> to vector<100xf32>
      %broadcast_in_dim3A_304 = vector.shape_cast %reduce_sum3A_303 : vector<100xf32> to vector<1x100xf32>
      %max3A_305 = arith.constant 1.000000e+00 : f32
      %max3A_306 = vector.broadcast %max3A_305 : f32 to vector<1x100xf32>
      %max3A_307 = arith.maximumf %broadcast_in_dim3A_304, %max3A_306 : vector<1x100xf32>
      %div3A_308 = arith.constant 1.000000e+00 : f32
      %div3A_309 = vector.broadcast %div3A_308 : f32 to vector<1x100xf32>
      %div3A_310 = arith.divf %div3A_309, %max3A_307 : vector<1x100xf32>
      %mul3A_311 = vector.broadcast %div3A_310 : vector<1x100xf32> to vector<100x100xf32>
      %mul3A_312 = arith.mulf %get3A_301, %mul3A_311 : vector<100x100xf32>
      %slice3A_313 = vector.extract_strided_slice %add3A_88 {offsets = [1000, 0], sizes = [100, 256], strides = [1, 1]} : vector<2000x256xf32> to vector<100x256xf32>
      %dot_general3A_314 = arith.constant dense<0.000000e+00> : vector<100x256xf32>
      %dot_general3A_315 = tpu.matmul %mul3A_312, %slice3A_313, %dot_general3A_314 {dimension_numbers = #tpu.dot_dimension_numbers<[0], [0], [1], [1], [0, 1, 1, 1], [], []>, transpose_lhs_hint = false} : vector<100x100xf32>, vector<100x256xf32>, vector<100x256xf32> -> vector<100x256xf32>
      %add3A_316 = arith.constant 11 : i32
      %add3A_317 = arith.addi %mul3A_20, %add3A_316 : i32
      %get3A_318 = arith.index_cast %add3A_317 : i32 to index
      %get3A_319 = arith.constant 0 : index
      %get3A_320 = arith.constant 0 : index
      %get3A_321 = vector.load %arg2[%get3A_318, %get3A_319, %get3A_320] : memref<100x100x100xf32, #tpu.memory_space<vmem>>, vector<1x100x100xf32>
      %get3A_322 = vector.shape_cast %get3A_321 : vector<1x100x100xf32> to vector<100x100xf32>
      %reduce_sum3A_323 = arith.constant dense<0.000000e+00> : vector<100xf32>
      %reduce_sum3A_324 = vector.multi_reduction <add>, %get3A_322, %reduce_sum3A_323 [0] : vector<100x100xf32> to vector<100xf32>
      %broadcast_in_dim3A_325 = vector.shape_cast %reduce_sum3A_324 : vector<100xf32> to vector<1x100xf32>
      %max3A_326 = arith.constant 1.000000e+00 : f32
      %max3A_327 = vector.broadcast %max3A_326 : f32 to vector<1x100xf32>
      %max3A_328 = arith.maximumf %broadcast_in_dim3A_325, %max3A_327 : vector<1x100xf32>
      %div3A_329 = arith.constant 1.000000e+00 : f32
      %div3A_330 = vector.broadcast %div3A_329 : f32 to vector<1x100xf32>
      %div3A_331 = arith.divf %div3A_330, %max3A_328 : vector<1x100xf32>
      %mul3A_332 = vector.broadcast %div3A_331 : vector<1x100xf32> to vector<100x100xf32>
      %mul3A_333 = arith.mulf %get3A_322, %mul3A_332 : vector<100x100xf32>
      %slice3A_334 = vector.extract_strided_slice %add3A_88 {offsets = [1100, 0], sizes = [100, 256], strides = [1, 1]} : vector<2000x256xf32> to vector<100x256xf32>
      %dot_general3A_335 = arith.constant dense<0.000000e+00> : vector<100x256xf32>
      %dot_general3A_336 = tpu.matmul %mul3A_333, %slice3A_334, %dot_general3A_335 {dimension_numbers = #tpu.dot_dimension_numbers<[0], [0], [1], [1], [0, 1, 1, 1], [], []>, transpose_lhs_hint = false} : vector<100x100xf32>, vector<100x256xf32>, vector<100x256xf32> -> vector<100x256xf32>
      %add3A_337 = arith.constant 12 : i32
      %add3A_338 = arith.addi %mul3A_20, %add3A_337 : i32
      %get3A_339 = arith.index_cast %add3A_338 : i32 to index
      %get3A_340 = arith.constant 0 : index
      %get3A_341 = arith.constant 0 : index
      %get3A_342 = vector.load %arg2[%get3A_339, %get3A_340, %get3A_341] : memref<100x100x100xf32, #tpu.memory_space<vmem>>, vector<1x100x100xf32>
      %get3A_343 = vector.shape_cast %get3A_342 : vector<1x100x100xf32> to vector<100x100xf32>
      %reduce_sum3A_344 = arith.constant dense<0.000000e+00> : vector<100xf32>
      %reduce_sum3A_345 = vector.multi_reduction <add>, %get3A_343, %reduce_sum3A_344 [0] : vector<100x100xf32> to vector<100xf32>
      %broadcast_in_dim3A_346 = vector.shape_cast %reduce_sum3A_345 : vector<100xf32> to vector<1x100xf32>
      %max3A_347 = arith.constant 1.000000e+00 : f32
      %max3A_348 = vector.broadcast %max3A_347 : f32 to vector<1x100xf32>
      %max3A_349 = arith.maximumf %broadcast_in_dim3A_346, %max3A_348 : vector<1x100xf32>
      %div3A_350 = arith.constant 1.000000e+00 : f32
      %div3A_351 = vector.broadcast %div3A_350 : f32 to vector<1x100xf32>
      %div3A_352 = arith.divf %div3A_351, %max3A_349 : vector<1x100xf32>
      %mul3A_353 = vector.broadcast %div3A_352 : vector<1x100xf32> to vector<100x100xf32>
      %mul3A_354 = arith.mulf %get3A_343, %mul3A_353 : vector<100x100xf32>
      %slice3A_355 = vector.extract_strided_slice %add3A_88 {offsets = [1200, 0], sizes = [100, 256], strides = [1, 1]} : vector<2000x256xf32> to vector<100x256xf32>
      %dot_general3A_356 = arith.constant dense<0.000000e+00> : vector<100x256xf32>
      %dot_general3A_357 = tpu.matmul %mul3A_354, %slice3A_355, %dot_general3A_356 {dimension_numbers = #tpu.dot_dimension_numbers<[0], [0], [1], [1], [0, 1, 1, 1], [], []>, transpose_lhs_hint = false} : vector<100x100xf32>, vector<100x256xf32>, vector<100x256xf32> -> vector<100x256xf32>
      %add3A_358 = arith.constant 13 : i32
      %add3A_359 = arith.addi %mul3A_20, %add3A_358 : i32
      %get3A_360 = arith.index_cast %add3A_359 : i32 to index
      %get3A_361 = arith.constant 0 : index
      %get3A_362 = arith.constant 0 : index
      %get3A_363 = vector.load %arg2[%get3A_360, %get3A_361, %get3A_362] : memref<100x100x100xf32, #tpu.memory_space<vmem>>, vector<1x100x100xf32>
      %get3A_364 = vector.shape_cast %get3A_363 : vector<1x100x100xf32> to vector<100x100xf32>
      %reduce_sum3A_365 = arith.constant dense<0.000000e+00> : vector<100xf32>
      %reduce_sum3A_366 = vector.multi_reduction <add>, %get3A_364, %reduce_sum3A_365 [0] : vector<100x100xf32> to vector<100xf32>
      %broadcast_in_dim3A_367 = vector.shape_cast %reduce_sum3A_366 : vector<100xf32> to vector<1x100xf32>
      %max3A_368 = arith.constant 1.000000e+00 : f32
      %max3A_369 = vector.broadcast %max3A_368 : f32 to vector<1x100xf32>
      %max3A_370 = arith.maximumf %broadcast_in_dim3A_367, %max3A_369 : vector<1x100xf32>
      %div3A_371 = arith.constant 1.000000e+00 : f32
      %div3A_372 = vector.broadcast %div3A_371 : f32 to vector<1x100xf32>
      %div3A_373 = arith.divf %div3A_372, %max3A_370 : vector<1x100xf32>
      %mul3A_374 = vector.broadcast %div3A_373 : vector<1x100xf32> to vector<100x100xf32>
      %mul3A_375 = arith.mulf %get3A_364, %mul3A_374 : vector<100x100xf32>
      %slice3A_376 = vector.extract_strided_slice %add3A_88 {offsets = [1300, 0], sizes = [100, 256], strides = [1, 1]} : vector<2000x256xf32> to vector<100x256xf32>
      %dot_general3A_377 = arith.constant dense<0.000000e+00> : vector<100x256xf32>
      %dot_general3A_378 = tpu.matmul %mul3A_375, %slice3A_376, %dot_general3A_377 {dimension_numbers = #tpu.dot_dimension_numbers<[0], [0], [1], [1], [0, 1, 1, 1], [], []>, transpose_lhs_hint = false} : vector<100x100xf32>, vector<100x256xf32>, vector<100x256xf32> -> vector<100x256xf32>
      %add3A_379 = arith.constant 14 : i32
      %add3A_380 = arith.addi %mul3A_20, %add3A_379 : i32
      %get3A_381 = arith.index_cast %add3A_380 : i32 to index
      %get3A_382 = arith.constant 0 : index
      %get3A_383 = arith.constant 0 : index
      %get3A_384 = vector.load %arg2[%get3A_381, %get3A_382, %get3A_383] : memref<100x100x100xf32, #tpu.memory_space<vmem>>, vector<1x100x100xf32>
      %get3A_385 = vector.shape_cast %get3A_384 : vector<1x100x100xf32> to vector<100x100xf32>
      %reduce_sum3A_386 = arith.constant dense<0.000000e+00> : vector<100xf32>
      %reduce_sum3A_387 = vector.multi_reduction <add>, %get3A_385, %reduce_sum3A_386 [0] : vector<100x100xf32> to vector<100xf32>
      %broadcast_in_dim3A_388 = vector.shape_cast %reduce_sum3A_387 : vector<100xf32> to vector<1x100xf32>
      %max3A_389 = arith.constant 1.000000e+00 : f32
      %max3A_390 = vector.broadcast %max3A_389 : f32 to vector<1x100xf32>
      %max3A_391 = arith.maximumf %broadcast_in_dim3A_388, %max3A_390 : vector<1x100xf32>
      %div3A_392 = arith.constant 1.000000e+00 : f32
      %div3A_393 = vector.broadcast %div3A_392 : f32 to vector<1x100xf32>
      %div3A_394 = arith.divf %div3A_393, %max3A_391 : vector<1x100xf32>
      %mul3A_395 = vector.broadcast %div3A_394 : vector<1x100xf32> to vector<100x100xf32>
      %mul3A_396 = arith.mulf %get3A_385, %mul3A_395 : vector<100x100xf32>
      %slice3A_397 = vector.extract_strided_slice %add3A_88 {offsets = [1400, 0], sizes = [100, 256], strides = [1, 1]} : vector<2000x256xf32> to vector<100x256xf32>
      %dot_general3A_398 = arith.constant dense<0.000000e+00> : vector<100x256xf32>
      %dot_general3A_399 = tpu.matmul %mul3A_396, %slice3A_397, %dot_general3A_398 {dimension_numbers = #tpu.dot_dimension_numbers<[0], [0], [1], [1], [0, 1, 1, 1], [], []>, transpose_lhs_hint = false} : vector<100x100xf32>, vector<100x256xf32>, vector<100x256xf32> -> vector<100x256xf32>
      %add3A_400 = arith.constant 15 : i32
      %add3A_401 = arith.addi %mul3A_20, %add3A_400 : i32
      %get3A_402 = arith.index_cast %add3A_401 : i32 to index
      %get3A_403 = arith.constant 0 : index
      %get3A_404 = arith.constant 0 : index
      %get3A_405 = vector.load %arg2[%get3A_402, %get3A_403, %get3A_404] : memref<100x100x100xf32, #tpu.memory_space<vmem>>, vector<1x100x100xf32>
      %get3A_406 = vector.shape_cast %get3A_405 : vector<1x100x100xf32> to vector<100x100xf32>
      %reduce_sum3A_407 = arith.constant dense<0.000000e+00> : vector<100xf32>
      %reduce_sum3A_408 = vector.multi_reduction <add>, %get3A_406, %reduce_sum3A_407 [0] : vector<100x100xf32> to vector<100xf32>
      %broadcast_in_dim3A_409 = vector.shape_cast %reduce_sum3A_408 : vector<100xf32> to vector<1x100xf32>
      %max3A_410 = arith.constant 1.000000e+00 : f32
      %max3A_411 = vector.broadcast %max3A_410 : f32 to vector<1x100xf32>
      %max3A_412 = arith.maximumf %broadcast_in_dim3A_409, %max3A_411 : vector<1x100xf32>
      %div3A_413 = arith.constant 1.000000e+00 : f32
      %div3A_414 = vector.broadcast %div3A_413 : f32 to vector<1x100xf32>
      %div3A_415 = arith.divf %div3A_414, %max3A_412 : vector<1x100xf32>
      %mul3A_416 = vector.broadcast %div3A_415 : vector<1x100xf32> to vector<100x100xf32>
      %mul3A_417 = arith.mulf %get3A_406, %mul3A_416 : vector<100x100xf32>
      %slice3A_418 = vector.extract_strided_slice %add3A_88 {offsets = [1500, 0], sizes = [100, 256], strides = [1, 1]} : vector<2000x256xf32> to vector<100x256xf32>
      %dot_general3A_419 = arith.constant dense<0.000000e+00> : vector<100x256xf32>
      %dot_general3A_420 = tpu.matmul %mul3A_417, %slice3A_418, %dot_general3A_419 {dimension_numbers = #tpu.dot_dimension_numbers<[0], [0], [1], [1], [0, 1, 1, 1], [], []>, transpose_lhs_hint = false} : vector<100x100xf32>, vector<100x256xf32>, vector<100x256xf32> -> vector<100x256xf32>
      %add3A_421 = arith.constant 16 : i32
      %add3A_422 = arith.addi %mul3A_20, %add3A_421 : i32
      %get3A_423 = arith.index_cast %add3A_422 : i32 to index
      %get3A_424 = arith.constant 0 : index
      %get3A_425 = arith.constant 0 : index
      %get3A_426 = vector.load %arg2[%get3A_423, %get3A_424, %get3A_425] : memref<100x100x100xf32, #tpu.memory_space<vmem>>, vector<1x100x100xf32>
      %get3A_427 = vector.shape_cast %get3A_426 : vector<1x100x100xf32> to vector<100x100xf32>
      %reduce_sum3A_428 = arith.constant dense<0.000000e+00> : vector<100xf32>
      %reduce_sum3A_429 = vector.multi_reduction <add>, %get3A_427, %reduce_sum3A_428 [0] : vector<100x100xf32> to vector<100xf32>
      %broadcast_in_dim3A_430 = vector.shape_cast %reduce_sum3A_429 : vector<100xf32> to vector<1x100xf32>
      %max3A_431 = arith.constant 1.000000e+00 : f32
      %max3A_432 = vector.broadcast %max3A_431 : f32 to vector<1x100xf32>
      %max3A_433 = arith.maximumf %broadcast_in_dim3A_430, %max3A_432 : vector<1x100xf32>
      %div3A_434 = arith.constant 1.000000e+00 : f32
      %div3A_435 = vector.broadcast %div3A_434 : f32 to vector<1x100xf32>
      %div3A_436 = arith.divf %div3A_435, %max3A_433 : vector<1x100xf32>
      %mul3A_437 = vector.broadcast %div3A_436 : vector<1x100xf32> to vector<100x100xf32>
      %mul3A_438 = arith.mulf %get3A_427, %mul3A_437 : vector<100x100xf32>
      %slice3A_439 = vector.extract_strided_slice %add3A_88 {offsets = [1600, 0], sizes = [100, 256], strides = [1, 1]} : vector<2000x256xf32> to vector<100x256xf32>
      %dot_general3A_440 = arith.constant dense<0.000000e+00> : vector<100x256xf32>
      %dot_general3A_441 = tpu.matmul %mul3A_438, %slice3A_439, %dot_general3A_440 {dimension_numbers = #tpu.dot_dimension_numbers<[0], [0], [1], [1], [0, 1, 1, 1], [], []>, transpose_lhs_hint = false} : vector<100x100xf32>, vector<100x256xf32>, vector<100x256xf32> -> vector<100x256xf32>
      %add3A_442 = arith.constant 17 : i32
      %add3A_443 = arith.addi %mul3A_20, %add3A_442 : i32
      %get3A_444 = arith.index_cast %add3A_443 : i32 to index
      %get3A_445 = arith.constant 0 : index
      %get3A_446 = arith.constant 0 : index
      %get3A_447 = vector.load %arg2[%get3A_444, %get3A_445, %get3A_446] : memref<100x100x100xf32, #tpu.memory_space<vmem>>, vector<1x100x100xf32>
      %get3A_448 = vector.shape_cast %get3A_447 : vector<1x100x100xf32> to vector<100x100xf32>
      %reduce_sum3A_449 = arith.constant dense<0.000000e+00> : vector<100xf32>
      %reduce_sum3A_450 = vector.multi_reduction <add>, %get3A_448, %reduce_sum3A_449 [0] : vector<100x100xf32> to vector<100xf32>
      %broadcast_in_dim3A_451 = vector.shape_cast %reduce_sum3A_450 : vector<100xf32> to vector<1x100xf32>
      %max3A_452 = arith.constant 1.000000e+00 : f32
      %max3A_453 = vector.broadcast %max3A_452 : f32 to vector<1x100xf32>
      %max3A_454 = arith.maximumf %broadcast_in_dim3A_451, %max3A_453 : vector<1x100xf32>
      %div3A_455 = arith.constant 1.000000e+00 : f32
      %div3A_456 = vector.broadcast %div3A_455 : f32 to vector<1x100xf32>
      %div3A_457 = arith.divf %div3A_456, %max3A_454 : vector<1x100xf32>
      %mul3A_458 = vector.broadcast %div3A_457 : vector<1x100xf32> to vector<100x100xf32>
      %mul3A_459 = arith.mulf %get3A_448, %mul3A_458 : vector<100x100xf32>
      %slice3A_460 = vector.extract_strided_slice %add3A_88 {offsets = [1700, 0], sizes = [100, 256], strides = [1, 1]} : vector<2000x256xf32> to vector<100x256xf32>
      %dot_general3A_461 = arith.constant dense<0.000000e+00> : vector<100x256xf32>
      %dot_general3A_462 = tpu.matmul %mul3A_459, %slice3A_460, %dot_general3A_461 {dimension_numbers = #tpu.dot_dimension_numbers<[0], [0], [1], [1], [0, 1, 1, 1], [], []>, transpose_lhs_hint = false} : vector<100x100xf32>, vector<100x256xf32>, vector<100x256xf32> -> vector<100x256xf32>
      %add3A_463 = arith.constant 18 : i32
      %add3A_464 = arith.addi %mul3A_20, %add3A_463 : i32
      %get3A_465 = arith.index_cast %add3A_464 : i32 to index
      %get3A_466 = arith.constant 0 : index
      %get3A_467 = arith.constant 0 : index
      %get3A_468 = vector.load %arg2[%get3A_465, %get3A_466, %get3A_467] : memref<100x100x100xf32, #tpu.memory_space<vmem>>, vector<1x100x100xf32>
      %get3A_469 = vector.shape_cast %get3A_468 : vector<1x100x100xf32> to vector<100x100xf32>
      %reduce_sum3A_470 = arith.constant dense<0.000000e+00> : vector<100xf32>
      %reduce_sum3A_471 = vector.multi_reduction <add>, %get3A_469, %reduce_sum3A_470 [0] : vector<100x100xf32> to vector<100xf32>
      %broadcast_in_dim3A_472 = vector.shape_cast %reduce_sum3A_471 : vector<100xf32> to vector<1x100xf32>
      %max3A_473 = arith.constant 1.000000e+00 : f32
      %max3A_474 = vector.broadcast %max3A_473 : f32 to vector<1x100xf32>
      %max3A_475 = arith.maximumf %broadcast_in_dim3A_472, %max3A_474 : vector<1x100xf32>
      %div3A_476 = arith.constant 1.000000e+00 : f32
      %div3A_477 = vector.broadcast %div3A_476 : f32 to vector<1x100xf32>
      %div3A_478 = arith.divf %div3A_477, %max3A_475 : vector<1x100xf32>
      %mul3A_479 = vector.broadcast %div3A_478 : vector<1x100xf32> to vector<100x100xf32>
      %mul3A_480 = arith.mulf %get3A_469, %mul3A_479 : vector<100x100xf32>
      %slice3A_481 = vector.extract_strided_slice %add3A_88 {offsets = [1800, 0], sizes = [100, 256], strides = [1, 1]} : vector<2000x256xf32> to vector<100x256xf32>
      %dot_general3A_482 = arith.constant dense<0.000000e+00> : vector<100x256xf32>
      %dot_general3A_483 = tpu.matmul %mul3A_480, %slice3A_481, %dot_general3A_482 {dimension_numbers = #tpu.dot_dimension_numbers<[0], [0], [1], [1], [0, 1, 1, 1], [], []>, transpose_lhs_hint = false} : vector<100x100xf32>, vector<100x256xf32>, vector<100x256xf32> -> vector<100x256xf32>
      %add3A_484 = arith.constant 19 : i32
      %add3A_485 = arith.addi %mul3A_20, %add3A_484 : i32
      %get3A_486 = arith.index_cast %add3A_485 : i32 to index
      %get3A_487 = arith.constant 0 : index
      %get3A_488 = arith.constant 0 : index
      %get3A_489 = vector.load %arg2[%get3A_486, %get3A_487, %get3A_488] : memref<100x100x100xf32, #tpu.memory_space<vmem>>, vector<1x100x100xf32>
      %get3A_490 = vector.shape_cast %get3A_489 : vector<1x100x100xf32> to vector<100x100xf32>
      %reduce_sum3A_491 = arith.constant dense<0.000000e+00> : vector<100xf32>
      %reduce_sum3A_492 = vector.multi_reduction <add>, %get3A_490, %reduce_sum3A_491 [0] : vector<100x100xf32> to vector<100xf32>
      %broadcast_in_dim3A_493 = vector.shape_cast %reduce_sum3A_492 : vector<100xf32> to vector<1x100xf32>
      %max3A_494 = arith.constant 1.000000e+00 : f32
      %max3A_495 = vector.broadcast %max3A_494 : f32 to vector<1x100xf32>
      %max3A_496 = arith.maximumf %broadcast_in_dim3A_493, %max3A_495 : vector<1x100xf32>
      %div3A_497 = arith.constant 1.000000e+00 : f32
      %div3A_498 = vector.broadcast %div3A_497 : f32 to vector<1x100xf32>
      %div3A_499 = arith.divf %div3A_498, %max3A_496 : vector<1x100xf32>
      %mul3A_500 = vector.broadcast %div3A_499 : vector<1x100xf32> to vector<100x100xf32>
      %mul3A_501 = arith.mulf %get3A_490, %mul3A_500 : vector<100x100xf32>
      %slice3A_502 = vector.extract_strided_slice %add3A_88 {offsets = [1900, 0], sizes = [100, 256], strides = [1, 1]} : vector<2000x256xf32> to vector<100x256xf32>
      %dot_general3A_503 = arith.constant dense<0.000000e+00> : vector<100x256xf32>
      %dot_general3A_504 = tpu.matmul %mul3A_501, %slice3A_502, %dot_general3A_503 {dimension_numbers = #tpu.dot_dimension_numbers<[0], [0], [1], [1], [0, 1, 1, 1], [], []>, transpose_lhs_hint = false} : vector<100x100xf32>, vector<100x256xf32>, vector<100x256xf32> -> vector<100x256xf32>
      %concatenate3A = tpu.concatenate %dot_general3A_105, %dot_general3A_126, %dot_general3A_147, %dot_general3A_168, %dot_general3A_189, %dot_general3A_210, %dot_general3A_231, %dot_general3A_252, %dot_general3A_273, %dot_general3A_294, %dot_general3A_315, %dot_general3A_336, %dot_general3A_357, %dot_general3A_378, %dot_general3A_399, %dot_general3A_420, %dot_general3A_441, %dot_general3A_462, %dot_general3A_483, %dot_general3A_504 in 0 : vector<100x256xf32>, vector<100x256xf32>, vector<100x256xf32>, vector<100x256xf32>, vector<100x256xf32>, vector<100x256xf32>, vector<100x256xf32>, vector<100x256xf32>, vector<100x256xf32>, vector<100x256xf32>, vector<100x256xf32>, vector<100x256xf32>, vector<100x256xf32>, vector<100x256xf32>, vector<100x256xf32>, vector<100x256xf32>, vector<100x256xf32>, vector<100x256xf32>, vector<100x256xf32>, vector<100x256xf32> -> vector<2000x256xf32>
      %get3A_505 = arith.constant 0 : index
      %get3A_506 = arith.constant 0 : index
      %get3A_507 = vector.load %arg7[%get3A_505, %get3A_506] : memref<256x256xf32, #tpu.memory_space<vmem>>, vector<256x256xf32>
      %dot_general3A_508 = arith.constant dense<0.000000e+00> : vector<2000x256xf32>
      %dot_general3A_509 = tpu.matmul %add3A_88, %get3A_507, %dot_general3A_508 {dimension_numbers = #tpu.dot_dimension_numbers<[1], [0], [0], [1], [0, 0, 1, 1], [], []>, transpose_lhs_hint = false} : vector<2000x256xf32>, vector<256x256xf32>, vector<2000x256xf32> -> vector<2000x256xf32>
      %get3A_510 = arith.constant 0 : index
      %get3A_511 = arith.constant 0 : index
      %get3A_512 = vector.load %arg10[%get3A_510, %get3A_511] : memref<256x256xf32, #tpu.memory_space<vmem>>, vector<256x256xf32>
      %dot_general3A_513 = arith.constant dense<0.000000e+00> : vector<2000x256xf32>
      %dot_general3A_514 = tpu.matmul %concatenate3A, %get3A_512, %dot_general3A_513 {dimension_numbers = #tpu.dot_dimension_numbers<[1], [0], [0], [1], [0, 0, 1, 1], [], []>, transpose_lhs_hint = false} : vector<2000x256xf32>, vector<256x256xf32>, vector<2000x256xf32> -> vector<2000x256xf32>
      %add3A_515 = arith.addf %dot_general3A_509, %dot_general3A_514 : vector<2000x256xf32>
      %get3A_516 = arith.constant 0 : index
      %get3A_517 = arith.constant 0 : index
      %get3A_518 = vector.load %arg13[%get3A_516, %get3A_517] : memref<1x256xf32, #tpu.memory_space<vmem>>, vector<1x256xf32>
      %add3A_519 = vector.broadcast %get3A_518 : vector<1x256xf32> to vector<2000x256xf32>
      %add3A_520 = arith.addf %add3A_515, %add3A_519 : vector<2000x256xf32>
      %add3A_521 = arith.addf %add3A_520, %add3A_88 : vector<2000x256xf32>
      %swap3A = arith.index_cast %mul3A_18 : i32 to index
      %swap3A_522 = arith.constant 0 : index
      %swap3A_523 = vector.load %arg29[%swap3A, %swap3A_522] : memref<10000x256xf32, #tpu.memory_space<vmem>>, vector<2000x256xf32>
      tpu.vector_store %arg29[%swap3A, %swap3A_522], %add3A_521 {strides = array<i32>} : memref<10000x256xf32, #tpu.memory_space<vmem>>, vector<2000x256xf32>,
    } else {
    }
    %eq3A_47 = arith.constant 3 : i32
    %eq3A_48 = arith.cmpi eq, %select_n3A, %eq3A_47 : i32
    %convert_element_type3A_49 = arith.extui %eq3A_48 : i1 to i32
    %cond3A_50 = arith.constant 0 : i32
    %cond3A_51 = arith.cmpi ne, %convert_element_type3A_49, %cond3A_50 : i32
    scf.if %cond3A_51 {
      %get3A = arith.index_cast %mul3A_18 : i32 to index
      %get3A_52 = arith.constant 0 : index
      %get3A_53 = vector.load %arg29[%get3A, %get3A_52] : memref<10000x256xf32, #tpu.memory_space<vmem>>, vector<2000x256xf32>
      %get3A_54 = arith.constant 0 : index
      %get3A_55 = arith.constant 0 : index
      %get3A_56 = vector.load %arg19[%get3A_54, %get3A_55] : memref<256x50xf32, #tpu.memory_space<vmem>>, vector<256x50xf32>
      %dot_general3A = arith.constant dense<0.000000e+00> : vector<2000x50xf32>
      %dot_general3A_57 = tpu.matmul %get3A_53, %get3A_56, %dot_general3A {dimension_numbers = #tpu.dot_dimension_numbers<[1], [0], [0], [1], [0, 0, 1, 1], [], []>, transpose_lhs_hint = false} : vector<2000x256xf32>, vector<256x50xf32>, vector<2000x50xf32> -> vector<2000x50xf32>
      %add3A = arith.constant 0 : i32
      %add3A_58 = arith.addi %mul3A_20, %add3A : i32
      %get3A_59 = arith.index_cast %add3A_58 : i32 to index
      %get3A_60 = arith.constant 0 : index
      %get3A_61 = arith.constant 0 : index
      %get3A_62 = vector.load %arg2[%get3A_59, %get3A_60, %get3A_61] : memref<100x100x100xf32, #tpu.memory_space<vmem>>, vector<1x100x100xf32>
      %get3A_63 = vector.shape_cast %get3A_62 : vector<1x100x100xf32> to vector<100x100xf32>
      %reduce_sum3A = arith.constant dense<0.000000e+00> : vector<100xf32>
      %reduce_sum3A_64 = vector.multi_reduction <add>, %get3A_63, %reduce_sum3A [1] : vector<100x100xf32> to vector<100xf32>
      %broadcast_in_dim3A = vector.shape_cast %reduce_sum3A_64 : vector<100xf32> to vector<100x1xf32>
      %max3A = arith.constant 1.000000e+00 : f32
      %max3A_65 = vector.broadcast %max3A : f32 to vector<100x1xf32>
      %max3A_66 = arith.maximumf %broadcast_in_dim3A, %max3A_65 : vector<100x1xf32>
      %div3A_67 = vector.broadcast %max3A_66 : vector<100x1xf32> to vector<100x100xf32>
      %div3A_68 = arith.divf %get3A_63, %div3A_67 : vector<100x100xf32>
      %slice3A = vector.extract_strided_slice %get3A_53 {offsets = [0, 0], sizes = [100, 256], strides = [1, 1]} : vector<2000x256xf32> to vector<100x256xf32>
      %dot_general3A_69 = arith.constant dense<0.000000e+00> : vector<100x256xf32>
      %dot_general3A_70 = tpu.matmul %div3A_68, %slice3A, %dot_general3A_69 {dimension_numbers = #tpu.dot_dimension_numbers<[1], [0], [0], [1], [0, 0, 1, 1], [], []>, transpose_lhs_hint = false} : vector<100x100xf32>, vector<100x256xf32>, vector<100x256xf32> -> vector<100x256xf32>
      %add3A_71 = arith.constant 1 : i32
      %add3A_72 = arith.addi %mul3A_20, %add3A_71 : i32
      %get3A_73 = arith.index_cast %add3A_72 : i32 to index
      %get3A_74 = arith.constant 0 : index
      %get3A_75 = arith.constant 0 : index
      %get3A_76 = vector.load %arg2[%get3A_73, %get3A_74, %get3A_75] : memref<100x100x100xf32, #tpu.memory_space<vmem>>, vector<1x100x100xf32>
      %get3A_77 = vector.shape_cast %get3A_76 : vector<1x100x100xf32> to vector<100x100xf32>
      %reduce_sum3A_78 = arith.constant dense<0.000000e+00> : vector<100xf32>
      %reduce_sum3A_79 = vector.multi_reduction <add>, %get3A_77, %reduce_sum3A_78 [1] : vector<100x100xf32> to vector<100xf32>
      %broadcast_in_dim3A_80 = vector.shape_cast %reduce_sum3A_79 : vector<100xf32> to vector<100x1xf32>
      %max3A_81 = arith.constant 1.000000e+00 : f32
      %max3A_82 = vector.broadcast %max3A_81 : f32 to vector<100x1xf32>
      %max3A_83 = arith.maximumf %broadcast_in_dim3A_80, %max3A_82 : vector<100x1xf32>
      %div3A_84 = vector.broadcast %max3A_83 : vector<100x1xf32> to vector<100x100xf32>
      %div3A_85 = arith.divf %get3A_77, %div3A_84 : vector<100x100xf32>
      %slice3A_86 = vector.extract_strided_slice %get3A_53 {offsets = [100, 0], sizes = [100, 256], strides = [1, 1]} : vector<2000x256xf32> to vector<100x256xf32>
      %dot_general3A_87 = arith.constant dense<0.000000e+00> : vector<100x256xf32>
      %dot_general3A_88 = tpu.matmul %div3A_85, %slice3A_86, %dot_general3A_87 {dimension_numbers = #tpu.dot_dimension_numbers<[1], [0], [0], [1], [0, 0, 1, 1], [], []>, transpose_lhs_hint = false} : vector<100x100xf32>, vector<100x256xf32>, vector<100x256xf32> -> vector<100x256xf32>
      %add3A_89 = arith.constant 2 : i32
      %add3A_90 = arith.addi %mul3A_20, %add3A_89 : i32
      %get3A_91 = arith.index_cast %add3A_90 : i32 to index
      %get3A_92 = arith.constant 0 : index
      %get3A_93 = arith.constant 0 : index
      %get3A_94 = vector.load %arg2[%get3A_91, %get3A_92, %get3A_93] : memref<100x100x100xf32, #tpu.memory_space<vmem>>, vector<1x100x100xf32>
      %get3A_95 = vector.shape_cast %get3A_94 : vector<1x100x100xf32> to vector<100x100xf32>
      %reduce_sum3A_96 = arith.constant dense<0.000000e+00> : vector<100xf32>
      %reduce_sum3A_97 = vector.multi_reduction <add>, %get3A_95, %reduce_sum3A_96 [1] : vector<100x100xf32> to vector<100xf32>
      %broadcast_in_dim3A_98 = vector.shape_cast %reduce_sum3A_97 : vector<100xf32> to vector<100x1xf32>
      %max3A_99 = arith.constant 1.000000e+00 : f32
      %max3A_100 = vector.broadcast %max3A_99 : f32 to vector<100x1xf32>
      %max3A_101 = arith.maximumf %broadcast_in_dim3A_98, %max3A_100 : vector<100x1xf32>
      %div3A_102 = vector.broadcast %max3A_101 : vector<100x1xf32> to vector<100x100xf32>
      %div3A_103 = arith.divf %get3A_95, %div3A_102 : vector<100x100xf32>
      %slice3A_104 = vector.extract_strided_slice %get3A_53 {offsets = [200, 0], sizes = [100, 256], strides = [1, 1]} : vector<2000x256xf32> to vector<100x256xf32>
      %dot_general3A_105 = arith.constant dense<0.000000e+00> : vector<100x256xf32>
      %dot_general3A_106 = tpu.matmul %div3A_103, %slice3A_104, %dot_general3A_105 {dimension_numbers = #tpu.dot_dimension_numbers<[1], [0], [0], [1], [0, 0, 1, 1], [], []>, transpose_lhs_hint = false} : vector<100x100xf32>, vector<100x256xf32>, vector<100x256xf32> -> vector<100x256xf32>
      %add3A_107 = arith.constant 3 : i32
      %add3A_108 = arith.addi %mul3A_20, %add3A_107 : i32
      %get3A_109 = arith.index_cast %add3A_108 : i32 to index
      %get3A_110 = arith.constant 0 : index
      %get3A_111 = arith.constant 0 : index
      %get3A_112 = vector.load %arg2[%get3A_109, %get3A_110, %get3A_111] : memref<100x100x100xf32, #tpu.memory_space<vmem>>, vector<1x100x100xf32>
      %get3A_113 = vector.shape_cast %get3A_112 : vector<1x100x100xf32> to vector<100x100xf32>
      %reduce_sum3A_114 = arith.constant dense<0.000000e+00> : vector<100xf32>
      %reduce_sum3A_115 = vector.multi_reduction <add>, %get3A_113, %reduce_sum3A_114 [1] : vector<100x100xf32> to vector<100xf32>
      %broadcast_in_dim3A_116 = vector.shape_cast %reduce_sum3A_115 : vector<100xf32> to vector<100x1xf32>
      %max3A_117 = arith.constant 1.000000e+00 : f32
      %max3A_118 = vector.broadcast %max3A_117 : f32 to vector<100x1xf32>
      %max3A_119 = arith.maximumf %broadcast_in_dim3A_116, %max3A_118 : vector<100x1xf32>
      %div3A_120 = vector.broadcast %max3A_119 : vector<100x1xf32> to vector<100x100xf32>
      %div3A_121 = arith.divf %get3A_113, %div3A_120 : vector<100x100xf32>
      %slice3A_122 = vector.extract_strided_slice %get3A_53 {offsets = [300, 0], sizes = [100, 256], strides = [1, 1]} : vector<2000x256xf32> to vector<100x256xf32>
      %dot_general3A_123 = arith.constant dense<0.000000e+00> : vector<100x256xf32>
      %dot_general3A_124 = tpu.matmul %div3A_121, %slice3A_122, %dot_general3A_123 {dimension_numbers = #tpu.dot_dimension_numbers<[1], [0], [0], [1], [0, 0, 1, 1], [], []>, transpose_lhs_hint = false} : vector<100x100xf32>, vector<100x256xf32>, vector<100x256xf32> -> vector<100x256xf32>
      %add3A_125 = arith.constant 4 : i32
      %add3A_126 = arith.addi %mul3A_20, %add3A_125 : i32
      %get3A_127 = arith.index_cast %add3A_126 : i32 to index
      %get3A_128 = arith.constant 0 : index
      %get3A_129 = arith.constant 0 : index
      %get3A_130 = vector.load %arg2[%get3A_127, %get3A_128, %get3A_129] : memref<100x100x100xf32, #tpu.memory_space<vmem>>, vector<1x100x100xf32>
      %get3A_131 = vector.shape_cast %get3A_130 : vector<1x100x100xf32> to vector<100x100xf32>
      %reduce_sum3A_132 = arith.constant dense<0.000000e+00> : vector<100xf32>
      %reduce_sum3A_133 = vector.multi_reduction <add>, %get3A_131, %reduce_sum3A_132 [1] : vector<100x100xf32> to vector<100xf32>
      %broadcast_in_dim3A_134 = vector.shape_cast %reduce_sum3A_133 : vector<100xf32> to vector<100x1xf32>
      %max3A_135 = arith.constant 1.000000e+00 : f32
      %max3A_136 = vector.broadcast %max3A_135 : f32 to vector<100x1xf32>
      %max3A_137 = arith.maximumf %broadcast_in_dim3A_134, %max3A_136 : vector<100x1xf32>
      %div3A_138 = vector.broadcast %max3A_137 : vector<100x1xf32> to vector<100x100xf32>
      %div3A_139 = arith.divf %get3A_131, %div3A_138 : vector<100x100xf32>
      %slice3A_140 = vector.extract_strided_slice %get3A_53 {offsets = [400, 0], sizes = [100, 256], strides = [1, 1]} : vector<2000x256xf32> to vector<100x256xf32>
      %dot_general3A_141 = arith.constant dense<0.000000e+00> : vector<100x256xf32>
      %dot_general3A_142 = tpu.matmul %div3A_139, %slice3A_140, %dot_general3A_141 {dimension_numbers = #tpu.dot_dimension_numbers<[1], [0], [0], [1], [0, 0, 1, 1], [], []>, transpose_lhs_hint = false} : vector<100x100xf32>, vector<100x256xf32>, vector<100x256xf32> -> vector<100x256xf32>
      %add3A_143 = arith.constant 5 : i32
      %add3A_144 = arith.addi %mul3A_20, %add3A_143 : i32
      %get3A_145 = arith.index_cast %add3A_144 : i32 to index
      %get3A_146 = arith.constant 0 : index
      %get3A_147 = arith.constant 0 : index
      %get3A_148 = vector.load %arg2[%get3A_145, %get3A_146, %get3A_147] : memref<100x100x100xf32, #tpu.memory_space<vmem>>, vector<1x100x100xf32>
      %get3A_149 = vector.shape_cast %get3A_148 : vector<1x100x100xf32> to vector<100x100xf32>
      %reduce_sum3A_150 = arith.constant dense<0.000000e+00> : vector<100xf32>
      %reduce_sum3A_151 = vector.multi_reduction <add>, %get3A_149, %reduce_sum3A_150 [1] : vector<100x100xf32> to vector<100xf32>
      %broadcast_in_dim3A_152 = vector.shape_cast %reduce_sum3A_151 : vector<100xf32> to vector<100x1xf32>
      %max3A_153 = arith.constant 1.000000e+00 : f32
      %max3A_154 = vector.broadcast %max3A_153 : f32 to vector<100x1xf32>
      %max3A_155 = arith.maximumf %broadcast_in_dim3A_152, %max3A_154 : vector<100x1xf32>
      %div3A_156 = vector.broadcast %max3A_155 : vector<100x1xf32> to vector<100x100xf32>
      %div3A_157 = arith.divf %get3A_149, %div3A_156 : vector<100x100xf32>
      %slice3A_158 = vector.extract_strided_slice %get3A_53 {offsets = [500, 0], sizes = [100, 256], strides = [1, 1]} : vector<2000x256xf32> to vector<100x256xf32>
      %dot_general3A_159 = arith.constant dense<0.000000e+00> : vector<100x256xf32>
      %dot_general3A_160 = tpu.matmul %div3A_157, %slice3A_158, %dot_general3A_159 {dimension_numbers = #tpu.dot_dimension_numbers<[1], [0], [0], [1], [0, 0, 1, 1], [], []>, transpose_lhs_hint = false} : vector<100x100xf32>, vector<100x256xf32>, vector<100x256xf32> -> vector<100x256xf32>
      %add3A_161 = arith.constant 6 : i32
      %add3A_162 = arith.addi %mul3A_20, %add3A_161 : i32
      %get3A_163 = arith.index_cast %add3A_162 : i32 to index
      %get3A_164 = arith.constant 0 : index
      %get3A_165 = arith.constant 0 : index
      %get3A_166 = vector.load %arg2[%get3A_163, %get3A_164, %get3A_165] : memref<100x100x100xf32, #tpu.memory_space<vmem>>, vector<1x100x100xf32>
      %get3A_167 = vector.shape_cast %get3A_166 : vector<1x100x100xf32> to vector<100x100xf32>
      %reduce_sum3A_168 = arith.constant dense<0.000000e+00> : vector<100xf32>
      %reduce_sum3A_169 = vector.multi_reduction <add>, %get3A_167, %reduce_sum3A_168 [1] : vector<100x100xf32> to vector<100xf32>
      %broadcast_in_dim3A_170 = vector.shape_cast %reduce_sum3A_169 : vector<100xf32> to vector<100x1xf32>
      %max3A_171 = arith.constant 1.000000e+00 : f32
      %max3A_172 = vector.broadcast %max3A_171 : f32 to vector<100x1xf32>
      %max3A_173 = arith.maximumf %broadcast_in_dim3A_170, %max3A_172 : vector<100x1xf32>
      %div3A_174 = vector.broadcast %max3A_173 : vector<100x1xf32> to vector<100x100xf32>
      %div3A_175 = arith.divf %get3A_167, %div3A_174 : vector<100x100xf32>
      %slice3A_176 = vector.extract_strided_slice %get3A_53 {offsets = [600, 0], sizes = [100, 256], strides = [1, 1]} : vector<2000x256xf32> to vector<100x256xf32>
      %dot_general3A_177 = arith.constant dense<0.000000e+00> : vector<100x256xf32>
      %dot_general3A_178 = tpu.matmul %div3A_175, %slice3A_176, %dot_general3A_177 {dimension_numbers = #tpu.dot_dimension_numbers<[1], [0], [0], [1], [0, 0, 1, 1], [], []>, transpose_lhs_hint = false} : vector<100x100xf32>, vector<100x256xf32>, vector<100x256xf32> -> vector<100x256xf32>
      %add3A_179 = arith.constant 7 : i32
      %add3A_180 = arith.addi %mul3A_20, %add3A_179 : i32
      %get3A_181 = arith.index_cast %add3A_180 : i32 to index
      %get3A_182 = arith.constant 0 : index
      %get3A_183 = arith.constant 0 : index
      %get3A_184 = vector.load %arg2[%get3A_181, %get3A_182, %get3A_183] : memref<100x100x100xf32, #tpu.memory_space<vmem>>, vector<1x100x100xf32>
      %get3A_185 = vector.shape_cast %get3A_184 : vector<1x100x100xf32> to vector<100x100xf32>
      %reduce_sum3A_186 = arith.constant dense<0.000000e+00> : vector<100xf32>
      %reduce_sum3A_187 = vector.multi_reduction <add>, %get3A_185, %reduce_sum3A_186 [1] : vector<100x100xf32> to vector<100xf32>
      %broadcast_in_dim3A_188 = vector.shape_cast %reduce_sum3A_187 : vector<100xf32> to vector<100x1xf32>
      %max3A_189 = arith.constant 1.000000e+00 : f32
      %max3A_190 = vector.broadcast %max3A_189 : f32 to vector<100x1xf32>
      %max3A_191 = arith.maximumf %broadcast_in_dim3A_188, %max3A_190 : vector<100x1xf32>
      %div3A_192 = vector.broadcast %max3A_191 : vector<100x1xf32> to vector<100x100xf32>
      %div3A_193 = arith.divf %get3A_185, %div3A_192 : vector<100x100xf32>
      %slice3A_194 = vector.extract_strided_slice %get3A_53 {offsets = [700, 0], sizes = [100, 256], strides = [1, 1]} : vector<2000x256xf32> to vector<100x256xf32>
      %dot_general3A_195 = arith.constant dense<0.000000e+00> : vector<100x256xf32>
      %dot_general3A_196 = tpu.matmul %div3A_193, %slice3A_194, %dot_general3A_195 {dimension_numbers = #tpu.dot_dimension_numbers<[1], [0], [0], [1], [0, 0, 1, 1], [], []>, transpose_lhs_hint = false} : vector<100x100xf32>, vector<100x256xf32>, vector<100x256xf32> -> vector<100x256xf32>
      %add3A_197 = arith.constant 8 : i32
      %add3A_198 = arith.addi %mul3A_20, %add3A_197 : i32
      %get3A_199 = arith.index_cast %add3A_198 : i32 to index
      %get3A_200 = arith.constant 0 : index
      %get3A_201 = arith.constant 0 : index
      %get3A_202 = vector.load %arg2[%get3A_199, %get3A_200, %get3A_201] : memref<100x100x100xf32, #tpu.memory_space<vmem>>, vector<1x100x100xf32>
      %get3A_203 = vector.shape_cast %get3A_202 : vector<1x100x100xf32> to vector<100x100xf32>
      %reduce_sum3A_204 = arith.constant dense<0.000000e+00> : vector<100xf32>
      %reduce_sum3A_205 = vector.multi_reduction <add>, %get3A_203, %reduce_sum3A_204 [1] : vector<100x100xf32> to vector<100xf32>
      %broadcast_in_dim3A_206 = vector.shape_cast %reduce_sum3A_205 : vector<100xf32> to vector<100x1xf32>
      %max3A_207 = arith.constant 1.000000e+00 : f32
      %max3A_208 = vector.broadcast %max3A_207 : f32 to vector<100x1xf32>
      %max3A_209 = arith.maximumf %broadcast_in_dim3A_206, %max3A_208 : vector<100x1xf32>
      %div3A_210 = vector.broadcast %max3A_209 : vector<100x1xf32> to vector<100x100xf32>
      %div3A_211 = arith.divf %get3A_203, %div3A_210 : vector<100x100xf32>
      %slice3A_212 = vector.extract_strided_slice %get3A_53 {offsets = [800, 0], sizes = [100, 256], strides = [1, 1]} : vector<2000x256xf32> to vector<100x256xf32>
      %dot_general3A_213 = arith.constant dense<0.000000e+00> : vector<100x256xf32>
      %dot_general3A_214 = tpu.matmul %div3A_211, %slice3A_212, %dot_general3A_213 {dimension_numbers = #tpu.dot_dimension_numbers<[1], [0], [0], [1], [0, 0, 1, 1], [], []>, transpose_lhs_hint = false} : vector<100x100xf32>, vector<100x256xf32>, vector<100x256xf32> -> vector<100x256xf32>
      %add3A_215 = arith.constant 9 : i32
      %add3A_216 = arith.addi %mul3A_20, %add3A_215 : i32
      %get3A_217 = arith.index_cast %add3A_216 : i32 to index
      %get3A_218 = arith.constant 0 : index
      %get3A_219 = arith.constant 0 : index
      %get3A_220 = vector.load %arg2[%get3A_217, %get3A_218, %get3A_219] : memref<100x100x100xf32, #tpu.memory_space<vmem>>, vector<1x100x100xf32>
      %get3A_221 = vector.shape_cast %get3A_220 : vector<1x100x100xf32> to vector<100x100xf32>
      %reduce_sum3A_222 = arith.constant dense<0.000000e+00> : vector<100xf32>
      %reduce_sum3A_223 = vector.multi_reduction <add>, %get3A_221, %reduce_sum3A_222 [1] : vector<100x100xf32> to vector<100xf32>
      %broadcast_in_dim3A_224 = vector.shape_cast %reduce_sum3A_223 : vector<100xf32> to vector<100x1xf32>
      %max3A_225 = arith.constant 1.000000e+00 : f32
      %max3A_226 = vector.broadcast %max3A_225 : f32 to vector<100x1xf32>
      %max3A_227 = arith.maximumf %broadcast_in_dim3A_224, %max3A_226 : vector<100x1xf32>
      %div3A_228 = vector.broadcast %max3A_227 : vector<100x1xf32> to vector<100x100xf32>
      %div3A_229 = arith.divf %get3A_221, %div3A_228 : vector<100x100xf32>
      %slice3A_230 = vector.extract_strided_slice %get3A_53 {offsets = [900, 0], sizes = [100, 256], strides = [1, 1]} : vector<2000x256xf32> to vector<100x256xf32>
      %dot_general3A_231 = arith.constant dense<0.000000e+00> : vector<100x256xf32>
      %dot_general3A_232 = tpu.matmul %div3A_229, %slice3A_230, %dot_general3A_231 {dimension_numbers = #tpu.dot_dimension_numbers<[1], [0], [0], [1], [0, 0, 1, 1], [], []>, transpose_lhs_hint = false} : vector<100x100xf32>, vector<100x256xf32>, vector<100x256xf32> -> vector<100x256xf32>
      %add3A_233 = arith.constant 10 : i32
      %add3A_234 = arith.addi %mul3A_20, %add3A_233 : i32
      %get3A_235 = arith.index_cast %add3A_234 : i32 to index
      %get3A_236 = arith.constant 0 : index
      %get3A_237 = arith.constant 0 : index
      %get3A_238 = vector.load %arg2[%get3A_235, %get3A_236, %get3A_237] : memref<100x100x100xf32, #tpu.memory_space<vmem>>, vector<1x100x100xf32>
      %get3A_239 = vector.shape_cast %get3A_238 : vector<1x100x100xf32> to vector<100x100xf32>
      %reduce_sum3A_240 = arith.constant dense<0.000000e+00> : vector<100xf32>
      %reduce_sum3A_241 = vector.multi_reduction <add>, %get3A_239, %reduce_sum3A_240 [1] : vector<100x100xf32> to vector<100xf32>
      %broadcast_in_dim3A_242 = vector.shape_cast %reduce_sum3A_241 : vector<100xf32> to vector<100x1xf32>
      %max3A_243 = arith.constant 1.000000e+00 : f32
      %max3A_244 = vector.broadcast %max3A_243 : f32 to vector<100x1xf32>
      %max3A_245 = arith.maximumf %broadcast_in_dim3A_242, %max3A_244 : vector<100x1xf32>
      %div3A_246 = vector.broadcast %max3A_245 : vector<100x1xf32> to vector<100x100xf32>
      %div3A_247 = arith.divf %get3A_239, %div3A_246 : vector<100x100xf32>
      %slice3A_248 = vector.extract_strided_slice %get3A_53 {offsets = [1000, 0], sizes = [100, 256], strides = [1, 1]} : vector<2000x256xf32> to vector<100x256xf32>
      %dot_general3A_249 = arith.constant dense<0.000000e+00> : vector<100x256xf32>
      %dot_general3A_250 = tpu.matmul %div3A_247, %slice3A_248, %dot_general3A_249 {dimension_numbers = #tpu.dot_dimension_numbers<[1], [0], [0], [1], [0, 0, 1, 1], [], []>, transpose_lhs_hint = false} : vector<100x100xf32>, vector<100x256xf32>, vector<100x256xf32> -> vector<100x256xf32>
      %add3A_251 = arith.constant 11 : i32
      %add3A_252 = arith.addi %mul3A_20, %add3A_251 : i32
      %get3A_253 = arith.index_cast %add3A_252 : i32 to index
      %get3A_254 = arith.constant 0 : index
      %get3A_255 = arith.constant 0 : index
      %get3A_256 = vector.load %arg2[%get3A_253, %get3A_254, %get3A_255] : memref<100x100x100xf32, #tpu.memory_space<vmem>>, vector<1x100x100xf32>
      %get3A_257 = vector.shape_cast %get3A_256 : vector<1x100x100xf32> to vector<100x100xf32>
      %reduce_sum3A_258 = arith.constant dense<0.000000e+00> : vector<100xf32>
      %reduce_sum3A_259 = vector.multi_reduction <add>, %get3A_257, %reduce_sum3A_258 [1] : vector<100x100xf32> to vector<100xf32>
      %broadcast_in_dim3A_260 = vector.shape_cast %reduce_sum3A_259 : vector<100xf32> to vector<100x1xf32>
      %max3A_261 = arith.constant 1.000000e+00 : f32
      %max3A_262 = vector.broadcast %max3A_261 : f32 to vector<100x1xf32>
      %max3A_263 = arith.maximumf %broadcast_in_dim3A_260, %max3A_262 : vector<100x1xf32>
      %div3A_264 = vector.broadcast %max3A_263 : vector<100x1xf32> to vector<100x100xf32>
      %div3A_265 = arith.divf %get3A_257, %div3A_264 : vector<100x100xf32>
      %slice3A_266 = vector.extract_strided_slice %get3A_53 {offsets = [1100, 0], sizes = [100, 256], strides = [1, 1]} : vector<2000x256xf32> to vector<100x256xf32>
      %dot_general3A_267 = arith.constant dense<0.000000e+00> : vector<100x256xf32>
      %dot_general3A_268 = tpu.matmul %div3A_265, %slice3A_266, %dot_general3A_267 {dimension_numbers = #tpu.dot_dimension_numbers<[1], [0], [0], [1], [0, 0, 1, 1], [], []>, transpose_lhs_hint = false} : vector<100x100xf32>, vector<100x256xf32>, vector<100x256xf32> -> vector<100x256xf32>
      %add3A_269 = arith.constant 12 : i32
      %add3A_270 = arith.addi %mul3A_20, %add3A_269 : i32
      %get3A_271 = arith.index_cast %add3A_270 : i32 to index
      %get3A_272 = arith.constant 0 : index
      %get3A_273 = arith.constant 0 : index
      %get3A_274 = vector.load %arg2[%get3A_271, %get3A_272, %get3A_273] : memref<100x100x100xf32, #tpu.memory_space<vmem>>, vector<1x100x100xf32>
      %get3A_275 = vector.shape_cast %get3A_274 : vector<1x100x100xf32> to vector<100x100xf32>
      %reduce_sum3A_276 = arith.constant dense<0.000000e+00> : vector<100xf32>
      %reduce_sum3A_277 = vector.multi_reduction <add>, %get3A_275, %reduce_sum3A_276 [1] : vector<100x100xf32> to vector<100xf32>
      %broadcast_in_dim3A_278 = vector.shape_cast %reduce_sum3A_277 : vector<100xf32> to vector<100x1xf32>
      %max3A_279 = arith.constant 1.000000e+00 : f32
      %max3A_280 = vector.broadcast %max3A_279 : f32 to vector<100x1xf32>
      %max3A_281 = arith.maximumf %broadcast_in_dim3A_278, %max3A_280 : vector<100x1xf32>
      %div3A_282 = vector.broadcast %max3A_281 : vector<100x1xf32> to vector<100x100xf32>
      %div3A_283 = arith.divf %get3A_275, %div3A_282 : vector<100x100xf32>
      %slice3A_284 = vector.extract_strided_slice %get3A_53 {offsets = [1200, 0], sizes = [100, 256], strides = [1, 1]} : vector<2000x256xf32> to vector<100x256xf32>
      %dot_general3A_285 = arith.constant dense<0.000000e+00> : vector<100x256xf32>
      %dot_general3A_286 = tpu.matmul %div3A_283, %slice3A_284, %dot_general3A_285 {dimension_numbers = #tpu.dot_dimension_numbers<[1], [0], [0], [1], [0, 0, 1, 1], [], []>, transpose_lhs_hint = false} : vector<100x100xf32>, vector<100x256xf32>, vector<100x256xf32> -> vector<100x256xf32>
      %add3A_287 = arith.constant 13 : i32
      %add3A_288 = arith.addi %mul3A_20, %add3A_287 : i32
      %get3A_289 = arith.index_cast %add3A_288 : i32 to index
      %get3A_290 = arith.constant 0 : index
      %get3A_291 = arith.constant 0 : index
      %get3A_292 = vector.load %arg2[%get3A_289, %get3A_290, %get3A_291] : memref<100x100x100xf32, #tpu.memory_space<vmem>>, vector<1x100x100xf32>
      %get3A_293 = vector.shape_cast %get3A_292 : vector<1x100x100xf32> to vector<100x100xf32>
      %reduce_sum3A_294 = arith.constant dense<0.000000e+00> : vector<100xf32>
      %reduce_sum3A_295 = vector.multi_reduction <add>, %get3A_293, %reduce_sum3A_294 [1] : vector<100x100xf32> to vector<100xf32>
      %broadcast_in_dim3A_296 = vector.shape_cast %reduce_sum3A_295 : vector<100xf32> to vector<100x1xf32>
      %max3A_297 = arith.constant 1.000000e+00 : f32
      %max3A_298 = vector.broadcast %max3A_297 : f32 to vector<100x1xf32>
      %max3A_299 = arith.maximumf %broadcast_in_dim3A_296, %max3A_298 : vector<100x1xf32>
      %div3A_300 = vector.broadcast %max3A_299 : vector<100x1xf32> to vector<100x100xf32>
      %div3A_301 = arith.divf %get3A_293, %div3A_300 : vector<100x100xf32>
      %slice3A_302 = vector.extract_strided_slice %get3A_53 {offsets = [1300, 0], sizes = [100, 256], strides = [1, 1]} : vector<2000x256xf32> to vector<100x256xf32>
      %dot_general3A_303 = arith.constant dense<0.000000e+00> : vector<100x256xf32>
      %dot_general3A_304 = tpu.matmul %div3A_301, %slice3A_302, %dot_general3A_303 {dimension_numbers = #tpu.dot_dimension_numbers<[1], [0], [0], [1], [0, 0, 1, 1], [], []>, transpose_lhs_hint = false} : vector<100x100xf32>, vector<100x256xf32>, vector<100x256xf32> -> vector<100x256xf32>
      %add3A_305 = arith.constant 14 : i32
      %add3A_306 = arith.addi %mul3A_20, %add3A_305 : i32
      %get3A_307 = arith.index_cast %add3A_306 : i32 to index
      %get3A_308 = arith.constant 0 : index
      %get3A_309 = arith.constant 0 : index
      %get3A_310 = vector.load %arg2[%get3A_307, %get3A_308, %get3A_309] : memref<100x100x100xf32, #tpu.memory_space<vmem>>, vector<1x100x100xf32>
      %get3A_311 = vector.shape_cast %get3A_310 : vector<1x100x100xf32> to vector<100x100xf32>
      %reduce_sum3A_312 = arith.constant dense<0.000000e+00> : vector<100xf32>
      %reduce_sum3A_313 = vector.multi_reduction <add>, %get3A_311, %reduce_sum3A_312 [1] : vector<100x100xf32> to vector<100xf32>
      %broadcast_in_dim3A_314 = vector.shape_cast %reduce_sum3A_313 : vector<100xf32> to vector<100x1xf32>
      %max3A_315 = arith.constant 1.000000e+00 : f32
      %max3A_316 = vector.broadcast %max3A_315 : f32 to vector<100x1xf32>
      %max3A_317 = arith.maximumf %broadcast_in_dim3A_314, %max3A_316 : vector<100x1xf32>
      %div3A_318 = vector.broadcast %max3A_317 : vector<100x1xf32> to vector<100x100xf32>
      %div3A_319 = arith.divf %get3A_311, %div3A_318 : vector<100x100xf32>
      %slice3A_320 = vector.extract_strided_slice %get3A_53 {offsets = [1400, 0], sizes = [100, 256], strides = [1, 1]} : vector<2000x256xf32> to vector<100x256xf32>
      %dot_general3A_321 = arith.constant dense<0.000000e+00> : vector<100x256xf32>
      %dot_general3A_322 = tpu.matmul %div3A_319, %slice3A_320, %dot_general3A_321 {dimension_numbers = #tpu.dot_dimension_numbers<[1], [0], [0], [1], [0, 0, 1, 1], [], []>, transpose_lhs_hint = false} : vector<100x100xf32>, vector<100x256xf32>, vector<100x256xf32> -> vector<100x256xf32>
      %add3A_323 = arith.constant 15 : i32
      %add3A_324 = arith.addi %mul3A_20, %add3A_323 : i32
      %get3A_325 = arith.index_cast %add3A_324 : i32 to index
      %get3A_326 = arith.constant 0 : index
      %get3A_327 = arith.constant 0 : index
      %get3A_328 = vector.load %arg2[%get3A_325, %get3A_326, %get3A_327] : memref<100x100x100xf32, #tpu.memory_space<vmem>>, vector<1x100x100xf32>
      %get3A_329 = vector.shape_cast %get3A_328 : vector<1x100x100xf32> to vector<100x100xf32>
      %reduce_sum3A_330 = arith.constant dense<0.000000e+00> : vector<100xf32>
      %reduce_sum3A_331 = vector.multi_reduction <add>, %get3A_329, %reduce_sum3A_330 [1] : vector<100x100xf32> to vector<100xf32>
      %broadcast_in_dim3A_332 = vector.shape_cast %reduce_sum3A_331 : vector<100xf32> to vector<100x1xf32>
      %max3A_333 = arith.constant 1.000000e+00 : f32
      %max3A_334 = vector.broadcast %max3A_333 : f32 to vector<100x1xf32>
      %max3A_335 = arith.maximumf %broadcast_in_dim3A_332, %max3A_334 : vector<100x1xf32>
      %div3A_336 = vector.broadcast %max3A_335 : vector<100x1xf32> to vector<100x100xf32>
      %div3A_337 = arith.divf %get3A_329, %div3A_336 : vector<100x100xf32>
      %slice3A_338 = vector.extract_strided_slice %get3A_53 {offsets = [1500, 0], sizes = [100, 256], strides = [1, 1]} : vector<2000x256xf32> to vector<100x256xf32>
      %dot_general3A_339 = arith.constant dense<0.000000e+00> : vector<100x256xf32>
      %dot_general3A_340 = tpu.matmul %div3A_337, %slice3A_338, %dot_general3A_339 {dimension_numbers = #tpu.dot_dimension_numbers<[1], [0], [0], [1], [0, 0, 1, 1], [], []>, transpose_lhs_hint = false} : vector<100x100xf32>, vector<100x256xf32>, vector<100x256xf32> -> vector<100x256xf32>
      %add3A_341 = arith.constant 16 : i32
      %add3A_342 = arith.addi %mul3A_20, %add3A_341 : i32
      %get3A_343 = arith.index_cast %add3A_342 : i32 to index
      %get3A_344 = arith.constant 0 : index
      %get3A_345 = arith.constant 0 : index
      %get3A_346 = vector.load %arg2[%get3A_343, %get3A_344, %get3A_345] : memref<100x100x100xf32, #tpu.memory_space<vmem>>, vector<1x100x100xf32>
      %get3A_347 = vector.shape_cast %get3A_346 : vector<1x100x100xf32> to vector<100x100xf32>
      %reduce_sum3A_348 = arith.constant dense<0.000000e+00> : vector<100xf32>
      %reduce_sum3A_349 = vector.multi_reduction <add>, %get3A_347, %reduce_sum3A_348 [1] : vector<100x100xf32> to vector<100xf32>
      %broadcast_in_dim3A_350 = vector.shape_cast %reduce_sum3A_349 : vector<100xf32> to vector<100x1xf32>
      %max3A_351 = arith.constant 1.000000e+00 : f32
      %max3A_352 = vector.broadcast %max3A_351 : f32 to vector<100x1xf32>
      %max3A_353 = arith.maximumf %broadcast_in_dim3A_350, %max3A_352 : vector<100x1xf32>
      %div3A_354 = vector.broadcast %max3A_353 : vector<100x1xf32> to vector<100x100xf32>
      %div3A_355 = arith.divf %get3A_347, %div3A_354 : vector<100x100xf32>
      %slice3A_356 = vector.extract_strided_slice %get3A_53 {offsets = [1600, 0], sizes = [100, 256], strides = [1, 1]} : vector<2000x256xf32> to vector<100x256xf32>
      %dot_general3A_357 = arith.constant dense<0.000000e+00> : vector<100x256xf32>
      %dot_general3A_358 = tpu.matmul %div3A_355, %slice3A_356, %dot_general3A_357 {dimension_numbers = #tpu.dot_dimension_numbers<[1], [0], [0], [1], [0, 0, 1, 1], [], []>, transpose_lhs_hint = false} : vector<100x100xf32>, vector<100x256xf32>, vector<100x256xf32> -> vector<100x256xf32>
      %add3A_359 = arith.constant 17 : i32
      %add3A_360 = arith.addi %mul3A_20, %add3A_359 : i32
      %get3A_361 = arith.index_cast %add3A_360 : i32 to index
      %get3A_362 = arith.constant 0 : index
      %get3A_363 = arith.constant 0 : index
      %get3A_364 = vector.load %arg2[%get3A_361, %get3A_362, %get3A_363] : memref<100x100x100xf32, #tpu.memory_space<vmem>>, vector<1x100x100xf32>
      %get3A_365 = vector.shape_cast %get3A_364 : vector<1x100x100xf32> to vector<100x100xf32>
      %reduce_sum3A_366 = arith.constant dense<0.000000e+00> : vector<100xf32>
      %reduce_sum3A_367 = vector.multi_reduction <add>, %get3A_365, %reduce_sum3A_366 [1] : vector<100x100xf32> to vector<100xf32>
      %broadcast_in_dim3A_368 = vector.shape_cast %reduce_sum3A_367 : vector<100xf32> to vector<100x1xf32>
      %max3A_369 = arith.constant 1.000000e+00 : f32
      %max3A_370 = vector.broadcast %max3A_369 : f32 to vector<100x1xf32>
      %max3A_371 = arith.maximumf %broadcast_in_dim3A_368, %max3A_370 : vector<100x1xf32>
      %div3A_372 = vector.broadcast %max3A_371 : vector<100x1xf32> to vector<100x100xf32>
      %div3A_373 = arith.divf %get3A_365, %div3A_372 : vector<100x100xf32>
      %slice3A_374 = vector.extract_strided_slice %get3A_53 {offsets = [1700, 0], sizes = [100, 256], strides = [1, 1]} : vector<2000x256xf32> to vector<100x256xf32>
      %dot_general3A_375 = arith.constant dense<0.000000e+00> : vector<100x256xf32>
      %dot_general3A_376 = tpu.matmul %div3A_373, %slice3A_374, %dot_general3A_375 {dimension_numbers = #tpu.dot_dimension_numbers<[1], [0], [0], [1], [0, 0, 1, 1], [], []>, transpose_lhs_hint = false} : vector<100x100xf32>, vector<100x256xf32>, vector<100x256xf32> -> vector<100x256xf32>
      %add3A_377 = arith.constant 18 : i32
      %add3A_378 = arith.addi %mul3A_20, %add3A_377 : i32
      %get3A_379 = arith.index_cast %add3A_378 : i32 to index
      %get3A_380 = arith.constant 0 : index
      %get3A_381 = arith.constant 0 : index
      %get3A_382 = vector.load %arg2[%get3A_379, %get3A_380, %get3A_381] : memref<100x100x100xf32, #tpu.memory_space<vmem>>, vector<1x100x100xf32>
      %get3A_383 = vector.shape_cast %get3A_382 : vector<1x100x100xf32> to vector<100x100xf32>
      %reduce_sum3A_384 = arith.constant dense<0.000000e+00> : vector<100xf32>
      %reduce_sum3A_385 = vector.multi_reduction <add>, %get3A_383, %reduce_sum3A_384 [1] : vector<100x100xf32> to vector<100xf32>
      %broadcast_in_dim3A_386 = vector.shape_cast %reduce_sum3A_385 : vector<100xf32> to vector<100x1xf32>
      %max3A_387 = arith.constant 1.000000e+00 : f32
      %max3A_388 = vector.broadcast %max3A_387 : f32 to vector<100x1xf32>
      %max3A_389 = arith.maximumf %broadcast_in_dim3A_386, %max3A_388 : vector<100x1xf32>
      %div3A_390 = vector.broadcast %max3A_389 : vector<100x1xf32> to vector<100x100xf32>
      %div3A_391 = arith.divf %get3A_383, %div3A_390 : vector<100x100xf32>
      %slice3A_392 = vector.extract_strided_slice %get3A_53 {offsets = [1800, 0], sizes = [100, 256], strides = [1, 1]} : vector<2000x256xf32> to vector<100x256xf32>
      %dot_general3A_393 = arith.constant dense<0.000000e+00> : vector<100x256xf32>
      %dot_general3A_394 = tpu.matmul %div3A_391, %slice3A_392, %dot_general3A_393 {dimension_numbers = #tpu.dot_dimension_numbers<[1], [0], [0], [1], [0, 0, 1, 1], [], []>, transpose_lhs_hint = false} : vector<100x100xf32>, vector<100x256xf32>, vector<100x256xf32> -> vector<100x256xf32>
      %add3A_395 = arith.constant 19 : i32
      %add3A_396 = arith.addi %mul3A_20, %add3A_395 : i32
      %get3A_397 = arith.index_cast %add3A_396 : i32 to index
      %get3A_398 = arith.constant 0 : index
      %get3A_399 = arith.constant 0 : index
      %get3A_400 = vector.load %arg2[%get3A_397, %get3A_398, %get3A_399] : memref<100x100x100xf32, #tpu.memory_space<vmem>>, vector<1x100x100xf32>
      %get3A_401 = vector.shape_cast %get3A_400 : vector<1x100x100xf32> to vector<100x100xf32>
      %reduce_sum3A_402 = arith.constant dense<0.000000e+00> : vector<100xf32>
      %reduce_sum3A_403 = vector.multi_reduction <add>, %get3A_401, %reduce_sum3A_402 [1] : vector<100x100xf32> to vector<100xf32>
      %broadcast_in_dim3A_404 = vector.shape_cast %reduce_sum3A_403 : vector<100xf32> to vector<100x1xf32>
      %max3A_405 = arith.constant 1.000000e+00 : f32
      %max3A_406 = vector.broadcast %max3A_405 : f32 to vector<100x1xf32>
      %max3A_407 = arith.maximumf %broadcast_in_dim3A_404, %max3A_406 : vector<100x1xf32>
      %div3A_408 = vector.broadcast %max3A_407 : vector<100x1xf32> to vector<100x100xf32>
      %div3A_409 = arith.divf %get3A_401, %div3A_408 : vector<100x100xf32>
      %slice3A_410 = vector.extract_strided_slice %get3A_53 {offsets = [1900, 0], sizes = [100, 256], strides = [1, 1]} : vector<2000x256xf32> to vector<100x256xf32>
      %dot_general3A_411 = arith.constant dense<0.000000e+00> : vector<100x256xf32>
      %dot_general3A_412 = tpu.matmul %div3A_409, %slice3A_410, %dot_general3A_411 {dimension_numbers = #tpu.dot_dimension_numbers<[1], [0], [0], [1], [0, 0, 1, 1], [], []>, transpose_lhs_hint = false} : vector<100x100xf32>, vector<100x256xf32>, vector<100x256xf32> -> vector<100x256xf32>
      %concatenate3A = tpu.concatenate %dot_general3A_70, %dot_general3A_88, %dot_general3A_106, %dot_general3A_124, %dot_general3A_142, %dot_general3A_160, %dot_general3A_178, %dot_general3A_196, %dot_general3A_214, %dot_general3A_232, %dot_general3A_250, %dot_general3A_268, %dot_general3A_286, %dot_general3A_304, %dot_general3A_322, %dot_general3A_340, %dot_general3A_358, %dot_general3A_376, %dot_general3A_394, %dot_general3A_412 in 0 : vector<100x256xf32>, vector<100x256xf32>, vector<100x256xf32>, vector<100x256xf32>, vector<100x256xf32>, vector<100x256xf32>, vector<100x256xf32>, vector<100x256xf32>, vector<100x256xf32>, vector<100x256xf32>, vector<100x256xf32>, vector<100x256xf32>, vector<100x256xf32>, vector<100x256xf32>, vector<100x256xf32>, vector<100x256xf32>, vector<100x256xf32>, vector<100x256xf32>, vector<100x256xf32>, vector<100x256xf32> -> vector<2000x256xf32>
      %get3A_413 = arith.constant 0 : index
      %get3A_414 = arith.constant 0 : index
      %get3A_415 = vector.load %arg18[%get3A_413, %get3A_414] : memref<256x50xf32, #tpu.memory_space<vmem>>, vector<256x50xf32>
      %dot_general3A_416 = arith.constant dense<0.000000e+00> : vector<2000x50xf32>
      %dot_general3A_417 = tpu.matmul %concatenate3A, %get3A_415, %dot_general3A_416 {dimension_numbers = #tpu.dot_dimension_numbers<[1], [0], [0], [1], [0, 0, 1, 1], [], []>, transpose_lhs_hint = false} : vector<2000x256xf32>, vector<256x50xf32>, vector<2000x50xf32> -> vector<2000x50xf32>
      %add3A_418 = arith.addf %dot_general3A_417, %dot_general3A_57 : vector<2000x50xf32>
      %reduce_max3A = arith.constant dense<0xFF800000> : vector<2000xf32>
      %reduce_max3A_419 = vector.multi_reduction <maximumf>, %add3A_418, %reduce_max3A [1] : vector<2000x50xf32> to vector<2000xf32>
      %broadcast_in_dim3A_420 = vector.shape_cast %reduce_max3A_419 : vector<2000xf32> to vector<2000x1xf32>
      %sub3A_421 = vector.broadcast %broadcast_in_dim3A_420 : vector<2000x1xf32> to vector<2000x50xf32>
      %sub3A_422 = arith.subf %add3A_418, %sub3A_421 : vector<2000x50xf32>
      %exp3A = math.exp %sub3A_422 : vector<2000x50xf32>
      %reduce_sum3A_423 = arith.constant dense<0.000000e+00> : vector<2000xf32>
      %reduce_sum3A_424 = vector.multi_reduction <add>, %exp3A, %reduce_sum3A_423 [1] : vector<2000x50xf32> to vector<2000xf32>
      %broadcast_in_dim3A_425 = vector.shape_cast %reduce_sum3A_424 : vector<2000xf32> to vector<2000x1xf32>
      %div3A_426 = vector.broadcast %broadcast_in_dim3A_425 : vector<2000x1xf32> to vector<2000x50xf32>
      %div3A_427 = arith.divf %exp3A, %div3A_426 : vector<2000x50xf32>
      %slice3A_428 = vector.extract_strided_slice %div3A_427 {offsets = [0, 0], sizes = [100, 50], strides = [1, 1]} : vector<2000x50xf32> to vector<100x50xf32>
      %slice3A_429 = vector.extract_strided_slice %get3A_53 {offsets = [0, 0], sizes = [100, 256], strides = [1, 1]} : vector<2000x256xf32> to vector<100x256xf32>
      %add3A_430 = arith.constant 0 : i32
      %add3A_431 = arith.addi %mul3A_20, %add3A_430 : i32
      %get3A_432 = arith.index_cast %add3A_431 : i32 to index
      %get3A_433 = arith.constant 0 : index
      %get3A_434 = arith.constant 0 : index
      %get3A_435 = vector.load %arg2[%get3A_432, %get3A_433, %get3A_434] : memref<100x100x100xf32, #tpu.memory_space<vmem>>, vector<1x100x100xf32>
      %get3A_436 = vector.shape_cast %get3A_435 : vector<1x100x100xf32> to vector<100x100xf32>
      %dot_general3A_437 = arith.constant dense<0.000000e+00> : vector<50x256xf32>
      %dot_general3A_438 = tpu.matmul %slice3A_428, %slice3A_429, %dot_general3A_437 {dimension_numbers = #tpu.dot_dimension_numbers<[0], [0], [1], [1], [0, 1, 1, 1], [], []>, transpose_lhs_hint = false} : vector<100x50xf32>, vector<100x256xf32>, vector<50x256xf32> -> vector<50x256xf32>
      %dot_general3A_439 = arith.constant dense<0.000000e+00> : vector<100x50xf32>
      %dot_general3A_440 = tpu.matmul %get3A_436, %slice3A_428, %dot_general3A_439 {dimension_numbers = #tpu.dot_dimension_numbers<[1], [0], [0], [1], [0, 0, 1, 1], [], []>, transpose_lhs_hint = false} : vector<100x100xf32>, vector<100x50xf32>, vector<100x50xf32> -> vector<100x50xf32>
      %dot_general3A_441 = arith.constant dense<0.000000e+00> : vector<50x50xf32>
      %dot_general3A_442 = tpu.matmul %slice3A_428, %dot_general3A_440, %dot_general3A_441 {dimension_numbers = #tpu.dot_dimension_numbers<[0], [0], [1], [1], [0, 1, 1, 1], [], []>, transpose_lhs_hint = false} : vector<100x50xf32>, vector<100x50xf32>, vector<50x50xf32> -> vector<50x50xf32>
      %reduce_sum3A_443 = arith.constant dense<0.000000e+00> : vector<50xf32>
      %reduce_sum3A_444 = vector.multi_reduction <add>, %dot_general3A_442, %reduce_sum3A_443 [1] : vector<50x50xf32> to vector<50xf32>
      %broadcast_in_dim3A_445 = vector.shape_cast %reduce_sum3A_444 : vector<50xf32> to vector<50x1xf32>
      %max3A_446 = arith.constant 1.000000e+00 : f32
      %max3A_447 = vector.broadcast %max3A_446 : f32 to vector<50x1xf32>
      %max3A_448 = arith.maximumf %broadcast_in_dim3A_445, %max3A_447 : vector<50x1xf32>
      %div3A_449 = vector.broadcast %max3A_448 : vector<50x1xf32> to vector<50x50xf32>
      %div3A_450 = arith.divf %dot_general3A_442, %div3A_449 : vector<50x50xf32>
      %slice3A_451 = vector.extract_strided_slice %div3A_427 {offsets = [100, 0], sizes = [100, 50], strides = [1, 1]} : vector<2000x50xf32> to vector<100x50xf32>
      %slice3A_452 = vector.extract_strided_slice %get3A_53 {offsets = [100, 0], sizes = [100, 256], strides = [1, 1]} : vector<2000x256xf32> to vector<100x256xf32>
      %add3A_453 = arith.constant 1 : i32
      %add3A_454 = arith.addi %mul3A_20, %add3A_453 : i32
      %get3A_455 = arith.index_cast %add3A_454 : i32 to index
      %get3A_456 = arith.constant 0 : index
      %get3A_457 = arith.constant 0 : index
      %get3A_458 = vector.load %arg2[%get3A_455, %get3A_456, %get3A_457] : memref<100x100x100xf32, #tpu.memory_space<vmem>>, vector<1x100x100xf32>
      %get3A_459 = vector.shape_cast %get3A_458 : vector<1x100x100xf32> to vector<100x100xf32>
      %dot_general3A_460 = arith.constant dense<0.000000e+00> : vector<50x256xf32>
      %dot_general3A_461 = tpu.matmul %slice3A_451, %slice3A_452, %dot_general3A_460 {dimension_numbers = #tpu.dot_dimension_numbers<[0], [0], [1], [1], [0, 1, 1, 1], [], []>, transpose_lhs_hint = false} : vector<100x50xf32>, vector<100x256xf32>, vector<50x256xf32> -> vector<50x256xf32>
      %dot_general3A_462 = arith.constant dense<0.000000e+00> : vector<100x50xf32>
      %dot_general3A_463 = tpu.matmul %get3A_459, %slice3A_451, %dot_general3A_462 {dimension_numbers = #tpu.dot_dimension_numbers<[1], [0], [0], [1], [0, 0, 1, 1], [], []>, transpose_lhs_hint = false} : vector<100x100xf32>, vector<100x50xf32>, vector<100x50xf32> -> vector<100x50xf32>
      %dot_general3A_464 = arith.constant dense<0.000000e+00> : vector<50x50xf32>
      %dot_general3A_465 = tpu.matmul %slice3A_451, %dot_general3A_463, %dot_general3A_464 {dimension_numbers = #tpu.dot_dimension_numbers<[0], [0], [1], [1], [0, 1, 1, 1], [], []>, transpose_lhs_hint = false} : vector<100x50xf32>, vector<100x50xf32>, vector<50x50xf32> -> vector<50x50xf32>
      %reduce_sum3A_466 = arith.constant dense<0.000000e+00> : vector<50xf32>
      %reduce_sum3A_467 = vector.multi_reduction <add>, %dot_general3A_465, %reduce_sum3A_466 [1] : vector<50x50xf32> to vector<50xf32>
      %broadcast_in_dim3A_468 = vector.shape_cast %reduce_sum3A_467 : vector<50xf32> to vector<50x1xf32>
      %max3A_469 = arith.constant 1.000000e+00 : f32
      %max3A_470 = vector.broadcast %max3A_469 : f32 to vector<50x1xf32>
      %max3A_471 = arith.maximumf %broadcast_in_dim3A_468, %max3A_470 : vector<50x1xf32>
      %div3A_472 = vector.broadcast %max3A_471 : vector<50x1xf32> to vector<50x50xf32>
      %div3A_473 = arith.divf %dot_general3A_465, %div3A_472 : vector<50x50xf32>
      %slice3A_474 = vector.extract_strided_slice %div3A_427 {offsets = [200, 0], sizes = [100, 50], strides = [1, 1]} : vector<2000x50xf32> to vector<100x50xf32>
      %slice3A_475 = vector.extract_strided_slice %get3A_53 {offsets = [200, 0], sizes = [100, 256], strides = [1, 1]} : vector<2000x256xf32> to vector<100x256xf32>
      %add3A_476 = arith.constant 2 : i32
      %add3A_477 = arith.addi %mul3A_20, %add3A_476 : i32
      %get3A_478 = arith.index_cast %add3A_477 : i32 to index
      %get3A_479 = arith.constant 0 : index
      %get3A_480 = arith.constant 0 : index
      %get3A_481 = vector.load %arg2[%get3A_478, %get3A_479, %get3A_480] : memref<100x100x100xf32, #tpu.memory_space<vmem>>, vector<1x100x100xf32>
      %get3A_482 = vector.shape_cast %get3A_481 : vector<1x100x100xf32> to vector<100x100xf32>
      %dot_general3A_483 = arith.constant dense<0.000000e+00> : vector<50x256xf32>
      %dot_general3A_484 = tpu.matmul %slice3A_474, %slice3A_475, %dot_general3A_483 {dimension_numbers = #tpu.dot_dimension_numbers<[0], [0], [1], [1], [0, 1, 1, 1], [], []>, transpose_lhs_hint = false} : vector<100x50xf32>, vector<100x256xf32>, vector<50x256xf32> -> vector<50x256xf32>
      %dot_general3A_485 = arith.constant dense<0.000000e+00> : vector<100x50xf32>
      %dot_general3A_486 = tpu.matmul %get3A_482, %slice3A_474, %dot_general3A_485 {dimension_numbers = #tpu.dot_dimension_numbers<[1], [0], [0], [1], [0, 0, 1, 1], [], []>, transpose_lhs_hint = false} : vector<100x100xf32>, vector<100x50xf32>, vector<100x50xf32> -> vector<100x50xf32>
      %dot_general3A_487 = arith.constant dense<0.000000e+00> : vector<50x50xf32>
      %dot_general3A_488 = tpu.matmul %slice3A_474, %dot_general3A_486, %dot_general3A_487 {dimension_numbers = #tpu.dot_dimension_numbers<[0], [0], [1], [1], [0, 1, 1, 1], [], []>, transpose_lhs_hint = false} : vector<100x50xf32>, vector<100x50xf32>, vector<50x50xf32> -> vector<50x50xf32>
      %reduce_sum3A_489 = arith.constant dense<0.000000e+00> : vector<50xf32>
      %reduce_sum3A_490 = vector.multi_reduction <add>, %dot_general3A_488, %reduce_sum3A_489 [1] : vector<50x50xf32> to vector<50xf32>
      %broadcast_in_dim3A_491 = vector.shape_cast %reduce_sum3A_490 : vector<50xf32> to vector<50x1xf32>
      %max3A_492 = arith.constant 1.000000e+00 : f32
      %max3A_493 = vector.broadcast %max3A_492 : f32 to vector<50x1xf32>
      %max3A_494 = arith.maximumf %broadcast_in_dim3A_491, %max3A_493 : vector<50x1xf32>
      %div3A_495 = vector.broadcast %max3A_494 : vector<50x1xf32> to vector<50x50xf32>
      %div3A_496 = arith.divf %dot_general3A_488, %div3A_495 : vector<50x50xf32>
      %slice3A_497 = vector.extract_strided_slice %div3A_427 {offsets = [300, 0], sizes = [100, 50], strides = [1, 1]} : vector<2000x50xf32> to vector<100x50xf32>
      %slice3A_498 = vector.extract_strided_slice %get3A_53 {offsets = [300, 0], sizes = [100, 256], strides = [1, 1]} : vector<2000x256xf32> to vector<100x256xf32>
      %add3A_499 = arith.constant 3 : i32
      %add3A_500 = arith.addi %mul3A_20, %add3A_499 : i32
      %get3A_501 = arith.index_cast %add3A_500 : i32 to index
      %get3A_502 = arith.constant 0 : index
      %get3A_503 = arith.constant 0 : index
      %get3A_504 = vector.load %arg2[%get3A_501, %get3A_502, %get3A_503] : memref<100x100x100xf32, #tpu.memory_space<vmem>>, vector<1x100x100xf32>
      %get3A_505 = vector.shape_cast %get3A_504 : vector<1x100x100xf32> to vector<100x100xf32>
      %dot_general3A_506 = arith.constant dense<0.000000e+00> : vector<50x256xf32>
      %dot_general3A_507 = tpu.matmul %slice3A_497, %slice3A_498, %dot_general3A_506 {dimension_numbers = #tpu.dot_dimension_numbers<[0], [0], [1], [1], [0, 1, 1, 1], [], []>, transpose_lhs_hint = false} : vector<100x50xf32>, vector<100x256xf32>, vector<50x256xf32> -> vector<50x256xf32>
      %dot_general3A_508 = arith.constant dense<0.000000e+00> : vector<100x50xf32>
      %dot_general3A_509 = tpu.matmul %get3A_505, %slice3A_497, %dot_general3A_508 {dimension_numbers = #tpu.dot_dimension_numbers<[1], [0], [0], [1], [0, 0, 1, 1], [], []>, transpose_lhs_hint = false} : vector<100x100xf32>, vector<100x50xf32>, vector<100x50xf32> -> vector<100x50xf32>
      %dot_general3A_510 = arith.constant dense<0.000000e+00> : vector<50x50xf32>
      %dot_general3A_511 = tpu.matmul %slice3A_497, %dot_general3A_509, %dot_general3A_510 {dimension_numbers = #tpu.dot_dimension_numbers<[0], [0], [1], [1], [0, 1, 1, 1], [], []>, transpose_lhs_hint = false} : vector<100x50xf32>, vector<100x50xf32>, vector<50x50xf32> -> vector<50x50xf32>
      %reduce_sum3A_512 = arith.constant dense<0.000000e+00> : vector<50xf32>
      %reduce_sum3A_513 = vector.multi_reduction <add>, %dot_general3A_511, %reduce_sum3A_512 [1] : vector<50x50xf32> to vector<50xf32>
      %broadcast_in_dim3A_514 = vector.shape_cast %reduce_sum3A_513 : vector<50xf32> to vector<50x1xf32>
      %max3A_515 = arith.constant 1.000000e+00 : f32
      %max3A_516 = vector.broadcast %max3A_515 : f32 to vector<50x1xf32>
      %max3A_517 = arith.maximumf %broadcast_in_dim3A_514, %max3A_516 : vector<50x1xf32>
      %div3A_518 = vector.broadcast %max3A_517 : vector<50x1xf32> to vector<50x50xf32>
      %div3A_519 = arith.divf %dot_general3A_511, %div3A_518 : vector<50x50xf32>
      %slice3A_520 = vector.extract_strided_slice %div3A_427 {offsets = [400, 0], sizes = [100, 50], strides = [1, 1]} : vector<2000x50xf32> to vector<100x50xf32>
      %slice3A_521 = vector.extract_strided_slice %get3A_53 {offsets = [400, 0], sizes = [100, 256], strides = [1, 1]} : vector<2000x256xf32> to vector<100x256xf32>
      %add3A_522 = arith.constant 4 : i32
      %add3A_523 = arith.addi %mul3A_20, %add3A_522 : i32
      %get3A_524 = arith.index_cast %add3A_523 : i32 to index
      %get3A_525 = arith.constant 0 : index
      %get3A_526 = arith.constant 0 : index
      %get3A_527 = vector.load %arg2[%get3A_524, %get3A_525, %get3A_526] : memref<100x100x100xf32, #tpu.memory_space<vmem>>, vector<1x100x100xf32>
      %get3A_528 = vector.shape_cast %get3A_527 : vector<1x100x100xf32> to vector<100x100xf32>
      %dot_general3A_529 = arith.constant dense<0.000000e+00> : vector<50x256xf32>
      %dot_general3A_530 = tpu.matmul %slice3A_520, %slice3A_521, %dot_general3A_529 {dimension_numbers = #tpu.dot_dimension_numbers<[0], [0], [1], [1], [0, 1, 1, 1], [], []>, transpose_lhs_hint = false} : vector<100x50xf32>, vector<100x256xf32>, vector<50x256xf32> -> vector<50x256xf32>
      %dot_general3A_531 = arith.constant dense<0.000000e+00> : vector<100x50xf32>
      %dot_general3A_532 = tpu.matmul %get3A_528, %slice3A_520, %dot_general3A_531 {dimension_numbers = #tpu.dot_dimension_numbers<[1], [0], [0], [1], [0, 0, 1, 1], [], []>, transpose_lhs_hint = false} : vector<100x100xf32>, vector<100x50xf32>, vector<100x50xf32> -> vector<100x50xf32>
      %dot_general3A_533 = arith.constant dense<0.000000e+00> : vector<50x50xf32>
      %dot_general3A_534 = tpu.matmul %slice3A_520, %dot_general3A_532, %dot_general3A_533 {dimension_numbers = #tpu.dot_dimension_numbers<[0], [0], [1], [1], [0, 1, 1, 1], [], []>, transpose_lhs_hint = false} : vector<100x50xf32>, vector<100x50xf32>, vector<50x50xf32> -> vector<50x50xf32>
      %reduce_sum3A_535 = arith.constant dense<0.000000e+00> : vector<50xf32>
      %reduce_sum3A_536 = vector.multi_reduction <add>, %dot_general3A_534, %reduce_sum3A_535 [1] : vector<50x50xf32> to vector<50xf32>
      %broadcast_in_dim3A_537 = vector.shape_cast %reduce_sum3A_536 : vector<50xf32> to vector<50x1xf32>
      %max3A_538 = arith.constant 1.000000e+00 : f32
      %max3A_539 = vector.broadcast %max3A_538 : f32 to vector<50x1xf32>
      %max3A_540 = arith.maximumf %broadcast_in_dim3A_537, %max3A_539 : vector<50x1xf32>
      %div3A_541 = vector.broadcast %max3A_540 : vector<50x1xf32> to vector<50x50xf32>
      %div3A_542 = arith.divf %dot_general3A_534, %div3A_541 : vector<50x50xf32>
      %slice3A_543 = vector.extract_strided_slice %div3A_427 {offsets = [500, 0], sizes = [100, 50], strides = [1, 1]} : vector<2000x50xf32> to vector<100x50xf32>
      %slice3A_544 = vector.extract_strided_slice %get3A_53 {offsets = [500, 0], sizes = [100, 256], strides = [1, 1]} : vector<2000x256xf32> to vector<100x256xf32>
      %add3A_545 = arith.constant 5 : i32
      %add3A_546 = arith.addi %mul3A_20, %add3A_545 : i32
      %get3A_547 = arith.index_cast %add3A_546 : i32 to index
      %get3A_548 = arith.constant 0 : index
      %get3A_549 = arith.constant 0 : index
      %get3A_550 = vector.load %arg2[%get3A_547, %get3A_548, %get3A_549] : memref<100x100x100xf32, #tpu.memory_space<vmem>>, vector<1x100x100xf32>
      %get3A_551 = vector.shape_cast %get3A_550 : vector<1x100x100xf32> to vector<100x100xf32>
      %dot_general3A_552 = arith.constant dense<0.000000e+00> : vector<50x256xf32>
      %dot_general3A_553 = tpu.matmul %slice3A_543, %slice3A_544, %dot_general3A_552 {dimension_numbers = #tpu.dot_dimension_numbers<[0], [0], [1], [1], [0, 1, 1, 1], [], []>, transpose_lhs_hint = false} : vector<100x50xf32>, vector<100x256xf32>, vector<50x256xf32> -> vector<50x256xf32>
      %dot_general3A_554 = arith.constant dense<0.000000e+00> : vector<100x50xf32>
      %dot_general3A_555 = tpu.matmul %get3A_551, %slice3A_543, %dot_general3A_554 {dimension_numbers = #tpu.dot_dimension_numbers<[1], [0], [0], [1], [0, 0, 1, 1], [], []>, transpose_lhs_hint = false} : vector<100x100xf32>, vector<100x50xf32>, vector<100x50xf32> -> vector<100x50xf32>
      %dot_general3A_556 = arith.constant dense<0.000000e+00> : vector<50x50xf32>
      %dot_general3A_557 = tpu.matmul %slice3A_543, %dot_general3A_555, %dot_general3A_556 {dimension_numbers = #tpu.dot_dimension_numbers<[0], [0], [1], [1], [0, 1, 1, 1], [], []>, transpose_lhs_hint = false} : vector<100x50xf32>, vector<100x50xf32>, vector<50x50xf32> -> vector<50x50xf32>
      %reduce_sum3A_558 = arith.constant dense<0.000000e+00> : vector<50xf32>
      %reduce_sum3A_559 = vector.multi_reduction <add>, %dot_general3A_557, %reduce_sum3A_558 [1] : vector<50x50xf32> to vector<50xf32>
      %broadcast_in_dim3A_560 = vector.shape_cast %reduce_sum3A_559 : vector<50xf32> to vector<50x1xf32>
      %max3A_561 = arith.constant 1.000000e+00 : f32
      %max3A_562 = vector.broadcast %max3A_561 : f32 to vector<50x1xf32>
      %max3A_563 = arith.maximumf %broadcast_in_dim3A_560, %max3A_562 : vector<50x1xf32>
      %div3A_564 = vector.broadcast %max3A_563 : vector<50x1xf32> to vector<50x50xf32>
      %div3A_565 = arith.divf %dot_general3A_557, %div3A_564 : vector<50x50xf32>
      %slice3A_566 = vector.extract_strided_slice %div3A_427 {offsets = [600, 0], sizes = [100, 50], strides = [1, 1]} : vector<2000x50xf32> to vector<100x50xf32>
      %slice3A_567 = vector.extract_strided_slice %get3A_53 {offsets = [600, 0], sizes = [100, 256], strides = [1, 1]} : vector<2000x256xf32> to vector<100x256xf32>
      %add3A_568 = arith.constant 6 : i32
      %add3A_569 = arith.addi %mul3A_20, %add3A_568 : i32
      %get3A_570 = arith.index_cast %add3A_569 : i32 to index
      %get3A_571 = arith.constant 0 : index
      %get3A_572 = arith.constant 0 : index
      %get3A_573 = vector.load %arg2[%get3A_570, %get3A_571, %get3A_572] : memref<100x100x100xf32, #tpu.memory_space<vmem>>, vector<1x100x100xf32>
      %get3A_574 = vector.shape_cast %get3A_573 : vector<1x100x100xf32> to vector<100x100xf32>
      %dot_general3A_575 = arith.constant dense<0.000000e+00> : vector<50x256xf32>
      %dot_general3A_576 = tpu.matmul %slice3A_566, %slice3A_567, %dot_general3A_575 {dimension_numbers = #tpu.dot_dimension_numbers<[0], [0], [1], [1], [0, 1, 1, 1], [], []>, transpose_lhs_hint = false} : vector<100x50xf32>, vector<100x256xf32>, vector<50x256xf32> -> vector<50x256xf32>
      %dot_general3A_577 = arith.constant dense<0.000000e+00> : vector<100x50xf32>
      %dot_general3A_578 = tpu.matmul %get3A_574, %slice3A_566, %dot_general3A_577 {dimension_numbers = #tpu.dot_dimension_numbers<[1], [0], [0], [1], [0, 0, 1, 1], [], []>, transpose_lhs_hint = false} : vector<100x100xf32>, vector<100x50xf32>, vector<100x50xf32> -> vector<100x50xf32>
      %dot_general3A_579 = arith.constant dense<0.000000e+00> : vector<50x50xf32>
      %dot_general3A_580 = tpu.matmul %slice3A_566, %dot_general3A_578, %dot_general3A_579 {dimension_numbers = #tpu.dot_dimension_numbers<[0], [0], [1], [1], [0, 1, 1, 1], [], []>, transpose_lhs_hint = false} : vector<100x50xf32>, vector<100x50xf32>, vector<50x50xf32> -> vector<50x50xf32>
      %reduce_sum3A_581 = arith.constant dense<0.000000e+00> : vector<50xf32>
      %reduce_sum3A_582 = vector.multi_reduction <add>, %dot_general3A_580, %reduce_sum3A_581 [1] : vector<50x50xf32> to vector<50xf32>
      %broadcast_in_dim3A_583 = vector.shape_cast %reduce_sum3A_582 : vector<50xf32> to vector<50x1xf32>
      %max3A_584 = arith.constant 1.000000e+00 : f32
      %max3A_585 = vector.broadcast %max3A_584 : f32 to vector<50x1xf32>
      %max3A_586 = arith.maximumf %broadcast_in_dim3A_583, %max3A_585 : vector<50x1xf32>
      %div3A_587 = vector.broadcast %max3A_586 : vector<50x1xf32> to vector<50x50xf32>
      %div3A_588 = arith.divf %dot_general3A_580, %div3A_587 : vector<50x50xf32>
      %slice3A_589 = vector.extract_strided_slice %div3A_427 {offsets = [700, 0], sizes = [100, 50], strides = [1, 1]} : vector<2000x50xf32> to vector<100x50xf32>
      %slice3A_590 = vector.extract_strided_slice %get3A_53 {offsets = [700, 0], sizes = [100, 256], strides = [1, 1]} : vector<2000x256xf32> to vector<100x256xf32>
      %add3A_591 = arith.constant 7 : i32
      %add3A_592 = arith.addi %mul3A_20, %add3A_591 : i32
      %get3A_593 = arith.index_cast %add3A_592 : i32 to index
      %get3A_594 = arith.constant 0 : index
      %get3A_595 = arith.constant 0 : index
      %get3A_596 = vector.load %arg2[%get3A_593, %get3A_594, %get3A_595] : memref<100x100x100xf32, #tpu.memory_space<vmem>>, vector<1x100x100xf32>
      %get3A_597 = vector.shape_cast %get3A_596 : vector<1x100x100xf32> to vector<100x100xf32>
      %dot_general3A_598 = arith.constant dense<0.000000e+00> : vector<50x256xf32>
      %dot_general3A_599 = tpu.matmul %slice3A_589, %slice3A_590, %dot_general3A_598 {dimension_numbers = #tpu.dot_dimension_numbers<[0], [0], [1], [1], [0, 1, 1, 1], [], []>, transpose_lhs_hint = false} : vector<100x50xf32>, vector<100x256xf32>, vector<50x256xf32> -> vector<50x256xf32>
      %dot_general3A_600 = arith.constant dense<0.000000e+00> : vector<100x50xf32>
      %dot_general3A_601 = tpu.matmul %get3A_597, %slice3A_589, %dot_general3A_600 {dimension_numbers = #tpu.dot_dimension_numbers<[1], [0], [0], [1], [0, 0, 1, 1], [], []>, transpose_lhs_hint = false} : vector<100x100xf32>, vector<100x50xf32>, vector<100x50xf32> -> vector<100x50xf32>
      %dot_general3A_602 = arith.constant dense<0.000000e+00> : vector<50x50xf32>
      %dot_general3A_603 = tpu.matmul %slice3A_589, %dot_general3A_601, %dot_general3A_602 {dimension_numbers = #tpu.dot_dimension_numbers<[0], [0], [1], [1], [0, 1, 1, 1], [], []>, transpose_lhs_hint = false} : vector<100x50xf32>, vector<100x50xf32>, vector<50x50xf32> -> vector<50x50xf32>
      %reduce_sum3A_604 = arith.constant dense<0.000000e+00> : vector<50xf32>
      %reduce_sum3A_605 = vector.multi_reduction <add>, %dot_general3A_603, %reduce_sum3A_604 [1] : vector<50x50xf32> to vector<50xf32>
      %broadcast_in_dim3A_606 = vector.shape_cast %reduce_sum3A_605 : vector<50xf32> to vector<50x1xf32>
      %max3A_607 = arith.constant 1.000000e+00 : f32
      %max3A_608 = vector.broadcast %max3A_607 : f32 to vector<50x1xf32>
      %max3A_609 = arith.maximumf %broadcast_in_dim3A_606, %max3A_608 : vector<50x1xf32>
      %div3A_610 = vector.broadcast %max3A_609 : vector<50x1xf32> to vector<50x50xf32>
      %div3A_611 = arith.divf %dot_general3A_603, %div3A_610 : vector<50x50xf32>
      %slice3A_612 = vector.extract_strided_slice %div3A_427 {offsets = [800, 0], sizes = [100, 50], strides = [1, 1]} : vector<2000x50xf32> to vector<100x50xf32>
      %slice3A_613 = vector.extract_strided_slice %get3A_53 {offsets = [800, 0], sizes = [100, 256], strides = [1, 1]} : vector<2000x256xf32> to vector<100x256xf32>
      %add3A_614 = arith.constant 8 : i32
      %add3A_615 = arith.addi %mul3A_20, %add3A_614 : i32
      %get3A_616 = arith.index_cast %add3A_615 : i32 to index
      %get3A_617 = arith.constant 0 : index
      %get3A_618 = arith.constant 0 : index
      %get3A_619 = vector.load %arg2[%get3A_616, %get3A_617, %get3A_618] : memref<100x100x100xf32, #tpu.memory_space<vmem>>, vector<1x100x100xf32>
      %get3A_620 = vector.shape_cast %get3A_619 : vector<1x100x100xf32> to vector<100x100xf32>
      %dot_general3A_621 = arith.constant dense<0.000000e+00> : vector<50x256xf32>
      %dot_general3A_622 = tpu.matmul %slice3A_612, %slice3A_613, %dot_general3A_621 {dimension_numbers = #tpu.dot_dimension_numbers<[0], [0], [1], [1], [0, 1, 1, 1], [], []>, transpose_lhs_hint = false} : vector<100x50xf32>, vector<100x256xf32>, vector<50x256xf32> -> vector<50x256xf32>
      %dot_general3A_623 = arith.constant dense<0.000000e+00> : vector<100x50xf32>
      %dot_general3A_624 = tpu.matmul %get3A_620, %slice3A_612, %dot_general3A_623 {dimension_numbers = #tpu.dot_dimension_numbers<[1], [0], [0], [1], [0, 0, 1, 1], [], []>, transpose_lhs_hint = false} : vector<100x100xf32>, vector<100x50xf32>, vector<100x50xf32> -> vector<100x50xf32>
      %dot_general3A_625 = arith.constant dense<0.000000e+00> : vector<50x50xf32>
      %dot_general3A_626 = tpu.matmul %slice3A_612, %dot_general3A_624, %dot_general3A_625 {dimension_numbers = #tpu.dot_dimension_numbers<[0], [0], [1], [1], [0, 1, 1, 1], [], []>, transpose_lhs_hint = false} : vector<100x50xf32>, vector<100x50xf32>, vector<50x50xf32> -> vector<50x50xf32>
      %reduce_sum3A_627 = arith.constant dense<0.000000e+00> : vector<50xf32>
      %reduce_sum3A_628 = vector.multi_reduction <add>, %dot_general3A_626, %reduce_sum3A_627 [1] : vector<50x50xf32> to vector<50xf32>
      %broadcast_in_dim3A_629 = vector.shape_cast %reduce_sum3A_628 : vector<50xf32> to vector<50x1xf32>
      %max3A_630 = arith.constant 1.000000e+00 : f32
      %max3A_631 = vector.broadcast %max3A_630 : f32 to vector<50x1xf32>
      %max3A_632 = arith.maximumf %broadcast_in_dim3A_629, %max3A_631 : vector<50x1xf32>
      %div3A_633 = vector.broadcast %max3A_632 : vector<50x1xf32> to vector<50x50xf32>
      %div3A_634 = arith.divf %dot_general3A_626, %div3A_633 : vector<50x50xf32>
      %slice3A_635 = vector.extract_strided_slice %div3A_427 {offsets = [900, 0], sizes = [100, 50], strides = [1, 1]} : vector<2000x50xf32> to vector<100x50xf32>
      %slice3A_636 = vector.extract_strided_slice %get3A_53 {offsets = [900, 0], sizes = [100, 256], strides = [1, 1]} : vector<2000x256xf32> to vector<100x256xf32>
      %add3A_637 = arith.constant 9 : i32
      %add3A_638 = arith.addi %mul3A_20, %add3A_637 : i32
      %get3A_639 = arith.index_cast %add3A_638 : i32 to index
      %get3A_640 = arith.constant 0 : index
      %get3A_641 = arith.constant 0 : index
      %get3A_642 = vector.load %arg2[%get3A_639, %get3A_640, %get3A_641] : memref<100x100x100xf32, #tpu.memory_space<vmem>>, vector<1x100x100xf32>
      %get3A_643 = vector.shape_cast %get3A_642 : vector<1x100x100xf32> to vector<100x100xf32>
      %dot_general3A_644 = arith.constant dense<0.000000e+00> : vector<50x256xf32>
      %dot_general3A_645 = tpu.matmul %slice3A_635, %slice3A_636, %dot_general3A_644 {dimension_numbers = #tpu.dot_dimension_numbers<[0], [0], [1], [1], [0, 1, 1, 1], [], []>, transpose_lhs_hint = false} : vector<100x50xf32>, vector<100x256xf32>, vector<50x256xf32> -> vector<50x256xf32>
      %dot_general3A_646 = arith.constant dense<0.000000e+00> : vector<100x50xf32>
      %dot_general3A_647 = tpu.matmul %get3A_643, %slice3A_635, %dot_general3A_646 {dimension_numbers = #tpu.dot_dimension_numbers<[1], [0], [0], [1], [0, 0, 1, 1], [], []>, transpose_lhs_hint = false} : vector<100x100xf32>, vector<100x50xf32>, vector<100x50xf32> -> vector<100x50xf32>
      %dot_general3A_648 = arith.constant dense<0.000000e+00> : vector<50x50xf32>
      %dot_general3A_649 = tpu.matmul %slice3A_635, %dot_general3A_647, %dot_general3A_648 {dimension_numbers = #tpu.dot_dimension_numbers<[0], [0], [1], [1], [0, 1, 1, 1], [], []>, transpose_lhs_hint = false} : vector<100x50xf32>, vector<100x50xf32>, vector<50x50xf32> -> vector<50x50xf32>
      %reduce_sum3A_650 = arith.constant dense<0.000000e+00> : vector<50xf32>
      %reduce_sum3A_651 = vector.multi_reduction <add>, %dot_general3A_649, %reduce_sum3A_650 [1] : vector<50x50xf32> to vector<50xf32>
      %broadcast_in_dim3A_652 = vector.shape_cast %reduce_sum3A_651 : vector<50xf32> to vector<50x1xf32>
      %max3A_653 = arith.constant 1.000000e+00 : f32
      %max3A_654 = vector.broadcast %max3A_653 : f32 to vector<50x1xf32>
      %max3A_655 = arith.maximumf %broadcast_in_dim3A_652, %max3A_654 : vector<50x1xf32>
      %div3A_656 = vector.broadcast %max3A_655 : vector<50x1xf32> to vector<50x50xf32>
      %div3A_657 = arith.divf %dot_general3A_649, %div3A_656 : vector<50x50xf32>
      %slice3A_658 = vector.extract_strided_slice %div3A_427 {offsets = [1000, 0], sizes = [100, 50], strides = [1, 1]} : vector<2000x50xf32> to vector<100x50xf32>
      %slice3A_659 = vector.extract_strided_slice %get3A_53 {offsets = [1000, 0], sizes = [100, 256], strides = [1, 1]} : vector<2000x256xf32> to vector<100x256xf32>
      %add3A_660 = arith.constant 10 : i32
      %add3A_661 = arith.addi %mul3A_20, %add3A_660 : i32
      %get3A_662 = arith.index_cast %add3A_661 : i32 to index
      %get3A_663 = arith.constant 0 : index
      %get3A_664 = arith.constant 0 : index
      %get3A_665 = vector.load %arg2[%get3A_662, %get3A_663, %get3A_664] : memref<100x100x100xf32, #tpu.memory_space<vmem>>, vector<1x100x100xf32>
      %get3A_666 = vector.shape_cast %get3A_665 : vector<1x100x100xf32> to vector<100x100xf32>
      %dot_general3A_667 = arith.constant dense<0.000000e+00> : vector<50x256xf32>
      %dot_general3A_668 = tpu.matmul %slice3A_658, %slice3A_659, %dot_general3A_667 {dimension_numbers = #tpu.dot_dimension_numbers<[0], [0], [1], [1], [0, 1, 1, 1], [], []>, transpose_lhs_hint = false} : vector<100x50xf32>, vector<100x256xf32>, vector<50x256xf32> -> vector<50x256xf32>
      %dot_general3A_669 = arith.constant dense<0.000000e+00> : vector<100x50xf32>
      %dot_general3A_670 = tpu.matmul %get3A_666, %slice3A_658, %dot_general3A_669 {dimension_numbers = #tpu.dot_dimension_numbers<[1], [0], [0], [1], [0, 0, 1, 1], [], []>, transpose_lhs_hint = false} : vector<100x100xf32>, vector<100x50xf32>, vector<100x50xf32> -> vector<100x50xf32>
      %dot_general3A_671 = arith.constant dense<0.000000e+00> : vector<50x50xf32>
      %dot_general3A_672 = tpu.matmul %slice3A_658, %dot_general3A_670, %dot_general3A_671 {dimension_numbers = #tpu.dot_dimension_numbers<[0], [0], [1], [1], [0, 1, 1, 1], [], []>, transpose_lhs_hint = false} : vector<100x50xf32>, vector<100x50xf32>, vector<50x50xf32> -> vector<50x50xf32>
      %reduce_sum3A_673 = arith.constant dense<0.000000e+00> : vector<50xf32>
      %reduce_sum3A_674 = vector.multi_reduction <add>, %dot_general3A_672, %reduce_sum3A_673 [1] : vector<50x50xf32> to vector<50xf32>
      %broadcast_in_dim3A_675 = vector.shape_cast %reduce_sum3A_674 : vector<50xf32> to vector<50x1xf32>
      %max3A_676 = arith.constant 1.000000e+00 : f32
      %max3A_677 = vector.broadcast %max3A_676 : f32 to vector<50x1xf32>
      %max3A_678 = arith.maximumf %broadcast_in_dim3A_675, %max3A_677 : vector<50x1xf32>
      %div3A_679 = vector.broadcast %max3A_678 : vector<50x1xf32> to vector<50x50xf32>
      %div3A_680 = arith.divf %dot_general3A_672, %div3A_679 : vector<50x50xf32>
      %slice3A_681 = vector.extract_strided_slice %div3A_427 {offsets = [1100, 0], sizes = [100, 50], strides = [1, 1]} : vector<2000x50xf32> to vector<100x50xf32>
      %slice3A_682 = vector.extract_strided_slice %get3A_53 {offsets = [1100, 0], sizes = [100, 256], strides = [1, 1]} : vector<2000x256xf32> to vector<100x256xf32>
      %add3A_683 = arith.constant 11 : i32
      %add3A_684 = arith.addi %mul3A_20, %add3A_683 : i32
      %get3A_685 = arith.index_cast %add3A_684 : i32 to index
      %get3A_686 = arith.constant 0 : index
      %get3A_687 = arith.constant 0 : index
      %get3A_688 = vector.load %arg2[%get3A_685, %get3A_686, %get3A_687] : memref<100x100x100xf32, #tpu.memory_space<vmem>>, vector<1x100x100xf32>
      %get3A_689 = vector.shape_cast %get3A_688 : vector<1x100x100xf32> to vector<100x100xf32>
      %dot_general3A_690 = arith.constant dense<0.000000e+00> : vector<50x256xf32>
      %dot_general3A_691 = tpu.matmul %slice3A_681, %slice3A_682, %dot_general3A_690 {dimension_numbers = #tpu.dot_dimension_numbers<[0], [0], [1], [1], [0, 1, 1, 1], [], []>, transpose_lhs_hint = false} : vector<100x50xf32>, vector<100x256xf32>, vector<50x256xf32> -> vector<50x256xf32>
      %dot_general3A_692 = arith.constant dense<0.000000e+00> : vector<100x50xf32>
      %dot_general3A_693 = tpu.matmul %get3A_689, %slice3A_681, %dot_general3A_692 {dimension_numbers = #tpu.dot_dimension_numbers<[1], [0], [0], [1], [0, 0, 1, 1], [], []>, transpose_lhs_hint = false} : vector<100x100xf32>, vector<100x50xf32>, vector<100x50xf32> -> vector<100x50xf32>
      %dot_general3A_694 = arith.constant dense<0.000000e+00> : vector<50x50xf32>
      %dot_general3A_695 = tpu.matmul %slice3A_681, %dot_general3A_693, %dot_general3A_694 {dimension_numbers = #tpu.dot_dimension_numbers<[0], [0], [1], [1], [0, 1, 1, 1], [], []>, transpose_lhs_hint = false} : vector<100x50xf32>, vector<100x50xf32>, vector<50x50xf32> -> vector<50x50xf32>
      %reduce_sum3A_696 = arith.constant dense<0.000000e+00> : vector<50xf32>
      %reduce_sum3A_697 = vector.multi_reduction <add>, %dot_general3A_695, %reduce_sum3A_696 [1] : vector<50x50xf32> to vector<50xf32>
      %broadcast_in_dim3A_698 = vector.shape_cast %reduce_sum3A_697 : vector<50xf32> to vector<50x1xf32>
      %max3A_699 = arith.constant 1.000000e+00 : f32
      %max3A_700 = vector.broadcast %max3A_699 : f32 to vector<50x1xf32>
      %max3A_701 = arith.maximumf %broadcast_in_dim3A_698, %max3A_700 : vector<50x1xf32>
      %div3A_702 = vector.broadcast %max3A_701 : vector<50x1xf32> to vector<50x50xf32>
      %div3A_703 = arith.divf %dot_general3A_695, %div3A_702 : vector<50x50xf32>
      %slice3A_704 = vector.extract_strided_slice %div3A_427 {offsets = [1200, 0], sizes = [100, 50], strides = [1, 1]} : vector<2000x50xf32> to vector<100x50xf32>
      %slice3A_705 = vector.extract_strided_slice %get3A_53 {offsets = [1200, 0], sizes = [100, 256], strides = [1, 1]} : vector<2000x256xf32> to vector<100x256xf32>
      %add3A_706 = arith.constant 12 : i32
      %add3A_707 = arith.addi %mul3A_20, %add3A_706 : i32
      %get3A_708 = arith.index_cast %add3A_707 : i32 to index
      %get3A_709 = arith.constant 0 : index
      %get3A_710 = arith.constant 0 : index
      %get3A_711 = vector.load %arg2[%get3A_708, %get3A_709, %get3A_710] : memref<100x100x100xf32, #tpu.memory_space<vmem>>, vector<1x100x100xf32>
      %get3A_712 = vector.shape_cast %get3A_711 : vector<1x100x100xf32> to vector<100x100xf32>
      %dot_general3A_713 = arith.constant dense<0.000000e+00> : vector<50x256xf32>
      %dot_general3A_714 = tpu.matmul %slice3A_704, %slice3A_705, %dot_general3A_713 {dimension_numbers = #tpu.dot_dimension_numbers<[0], [0], [1], [1], [0, 1, 1, 1], [], []>, transpose_lhs_hint = false} : vector<100x50xf32>, vector<100x256xf32>, vector<50x256xf32> -> vector<50x256xf32>
      %dot_general3A_715 = arith.constant dense<0.000000e+00> : vector<100x50xf32>
      %dot_general3A_716 = tpu.matmul %get3A_712, %slice3A_704, %dot_general3A_715 {dimension_numbers = #tpu.dot_dimension_numbers<[1], [0], [0], [1], [0, 0, 1, 1], [], []>, transpose_lhs_hint = false} : vector<100x100xf32>, vector<100x50xf32>, vector<100x50xf32> -> vector<100x50xf32>
      %dot_general3A_717 = arith.constant dense<0.000000e+00> : vector<50x50xf32>
      %dot_general3A_718 = tpu.matmul %slice3A_704, %dot_general3A_716, %dot_general3A_717 {dimension_numbers = #tpu.dot_dimension_numbers<[0], [0], [1], [1], [0, 1, 1, 1], [], []>, transpose_lhs_hint = false} : vector<100x50xf32>, vector<100x50xf32>, vector<50x50xf32> -> vector<50x50xf32>
      %reduce_sum3A_719 = arith.constant dense<0.000000e+00> : vector<50xf32>
      %reduce_sum3A_720 = vector.multi_reduction <add>, %dot_general3A_718, %reduce_sum3A_719 [1] : vector<50x50xf32> to vector<50xf32>
      %broadcast_in_dim3A_721 = vector.shape_cast %reduce_sum3A_720 : vector<50xf32> to vector<50x1xf32>
      %max3A_722 = arith.constant 1.000000e+00 : f32
      %max3A_723 = vector.broadcast %max3A_722 : f32 to vector<50x1xf32>
      %max3A_724 = arith.maximumf %broadcast_in_dim3A_721, %max3A_723 : vector<50x1xf32>
      %div3A_725 = vector.broadcast %max3A_724 : vector<50x1xf32> to vector<50x50xf32>
      %div3A_726 = arith.divf %dot_general3A_718, %div3A_725 : vector<50x50xf32>
      %slice3A_727 = vector.extract_strided_slice %div3A_427 {offsets = [1300, 0], sizes = [100, 50], strides = [1, 1]} : vector<2000x50xf32> to vector<100x50xf32>
      %slice3A_728 = vector.extract_strided_slice %get3A_53 {offsets = [1300, 0], sizes = [100, 256], strides = [1, 1]} : vector<2000x256xf32> to vector<100x256xf32>
      %add3A_729 = arith.constant 13 : i32
      %add3A_730 = arith.addi %mul3A_20, %add3A_729 : i32
      %get3A_731 = arith.index_cast %add3A_730 : i32 to index
      %get3A_732 = arith.constant 0 : index
      %get3A_733 = arith.constant 0 : index
      %get3A_734 = vector.load %arg2[%get3A_731, %get3A_732, %get3A_733] : memref<100x100x100xf32, #tpu.memory_space<vmem>>, vector<1x100x100xf32>
      %get3A_735 = vector.shape_cast %get3A_734 : vector<1x100x100xf32> to vector<100x100xf32>
      %dot_general3A_736 = arith.constant dense<0.000000e+00> : vector<50x256xf32>
      %dot_general3A_737 = tpu.matmul %slice3A_727, %slice3A_728, %dot_general3A_736 {dimension_numbers = #tpu.dot_dimension_numbers<[0], [0], [1], [1], [0, 1, 1, 1], [], []>, transpose_lhs_hint = false} : vector<100x50xf32>, vector<100x256xf32>, vector<50x256xf32> -> vector<50x256xf32>
      %dot_general3A_738 = arith.constant dense<0.000000e+00> : vector<100x50xf32>
      %dot_general3A_739 = tpu.matmul %get3A_735, %slice3A_727, %dot_general3A_738 {dimension_numbers = #tpu.dot_dimension_numbers<[1], [0], [0], [1], [0, 0, 1, 1], [], []>, transpose_lhs_hint = false} : vector<100x100xf32>, vector<100x50xf32>, vector<100x50xf32> -> vector<100x50xf32>
      %dot_general3A_740 = arith.constant dense<0.000000e+00> : vector<50x50xf32>
      %dot_general3A_741 = tpu.matmul %slice3A_727, %dot_general3A_739, %dot_general3A_740 {dimension_numbers = #tpu.dot_dimension_numbers<[0], [0], [1], [1], [0, 1, 1, 1], [], []>, transpose_lhs_hint = false} : vector<100x50xf32>, vector<100x50xf32>, vector<50x50xf32> -> vector<50x50xf32>
      %reduce_sum3A_742 = arith.constant dense<0.000000e+00> : vector<50xf32>
      %reduce_sum3A_743 = vector.multi_reduction <add>, %dot_general3A_741, %reduce_sum3A_742 [1] : vector<50x50xf32> to vector<50xf32>
      %broadcast_in_dim3A_744 = vector.shape_cast %reduce_sum3A_743 : vector<50xf32> to vector<50x1xf32>
      %max3A_745 = arith.constant 1.000000e+00 : f32
      %max3A_746 = vector.broadcast %max3A_745 : f32 to vector<50x1xf32>
      %max3A_747 = arith.maximumf %broadcast_in_dim3A_744, %max3A_746 : vector<50x1xf32>
      %div3A_748 = vector.broadcast %max3A_747 : vector<50x1xf32> to vector<50x50xf32>
      %div3A_749 = arith.divf %dot_general3A_741, %div3A_748 : vector<50x50xf32>
      %slice3A_750 = vector.extract_strided_slice %div3A_427 {offsets = [1400, 0], sizes = [100, 50], strides = [1, 1]} : vector<2000x50xf32> to vector<100x50xf32>
      %slice3A_751 = vector.extract_strided_slice %get3A_53 {offsets = [1400, 0], sizes = [100, 256], strides = [1, 1]} : vector<2000x256xf32> to vector<100x256xf32>
      %add3A_752 = arith.constant 14 : i32
      %add3A_753 = arith.addi %mul3A_20, %add3A_752 : i32
      %get3A_754 = arith.index_cast %add3A_753 : i32 to index
      %get3A_755 = arith.constant 0 : index
      %get3A_756 = arith.constant 0 : index
      %get3A_757 = vector.load %arg2[%get3A_754, %get3A_755, %get3A_756] : memref<100x100x100xf32, #tpu.memory_space<vmem>>, vector<1x100x100xf32>
      %get3A_758 = vector.shape_cast %get3A_757 : vector<1x100x100xf32> to vector<100x100xf32>
      %dot_general3A_759 = arith.constant dense<0.000000e+00> : vector<50x256xf32>
      %dot_general3A_760 = tpu.matmul %slice3A_750, %slice3A_751, %dot_general3A_759 {dimension_numbers = #tpu.dot_dimension_numbers<[0], [0], [1], [1], [0, 1, 1, 1], [], []>, transpose_lhs_hint = false} : vector<100x50xf32>, vector<100x256xf32>, vector<50x256xf32> -> vector<50x256xf32>
      %dot_general3A_761 = arith.constant dense<0.000000e+00> : vector<100x50xf32>
      %dot_general3A_762 = tpu.matmul %get3A_758, %slice3A_750, %dot_general3A_761 {dimension_numbers = #tpu.dot_dimension_numbers<[1], [0], [0], [1], [0, 0, 1, 1], [], []>, transpose_lhs_hint = false} : vector<100x100xf32>, vector<100x50xf32>, vector<100x50xf32> -> vector<100x50xf32>
      %dot_general3A_763 = arith.constant dense<0.000000e+00> : vector<50x50xf32>
      %dot_general3A_764 = tpu.matmul %slice3A_750, %dot_general3A_762, %dot_general3A_763 {dimension_numbers = #tpu.dot_dimension_numbers<[0], [0], [1], [1], [0, 1, 1, 1], [], []>, transpose_lhs_hint = false} : vector<100x50xf32>, vector<100x50xf32>, vector<50x50xf32> -> vector<50x50xf32>
      %reduce_sum3A_765 = arith.constant dense<0.000000e+00> : vector<50xf32>
      %reduce_sum3A_766 = vector.multi_reduction <add>, %dot_general3A_764, %reduce_sum3A_765 [1] : vector<50x50xf32> to vector<50xf32>
      %broadcast_in_dim3A_767 = vector.shape_cast %reduce_sum3A_766 : vector<50xf32> to vector<50x1xf32>
      %max3A_768 = arith.constant 1.000000e+00 : f32
      %max3A_769 = vector.broadcast %max3A_768 : f32 to vector<50x1xf32>
      %max3A_770 = arith.maximumf %broadcast_in_dim3A_767, %max3A_769 : vector<50x1xf32>
      %div3A_771 = vector.broadcast %max3A_770 : vector<50x1xf32> to vector<50x50xf32>
      %div3A_772 = arith.divf %dot_general3A_764, %div3A_771 : vector<50x50xf32>
      %slice3A_773 = vector.extract_strided_slice %div3A_427 {offsets = [1500, 0], sizes = [100, 50], strides = [1, 1]} : vector<2000x50xf32> to vector<100x50xf32>
      %slice3A_774 = vector.extract_strided_slice %get3A_53 {offsets = [1500, 0], sizes = [100, 256], strides = [1, 1]} : vector<2000x256xf32> to vector<100x256xf32>
      %add3A_775 = arith.constant 15 : i32
      %add3A_776 = arith.addi %mul3A_20, %add3A_775 : i32
      %get3A_777 = arith.index_cast %add3A_776 : i32 to index
      %get3A_778 = arith.constant 0 : index
      %get3A_779 = arith.constant 0 : index
      %get3A_780 = vector.load %arg2[%get3A_777, %get3A_778, %get3A_779] : memref<100x100x100xf32, #tpu.memory_space<vmem>>, vector<1x100x100xf32>
      %get3A_781 = vector.shape_cast %get3A_780 : vector<1x100x100xf32> to vector<100x100xf32>
      %dot_general3A_782 = arith.constant dense<0.000000e+00> : vector<50x256xf32>
      %dot_general3A_783 = tpu.matmul %slice3A_773, %slice3A_774, %dot_general3A_782 {dimension_numbers = #tpu.dot_dimension_numbers<[0], [0], [1], [1], [0, 1, 1, 1], [], []>, transpose_lhs_hint = false} : vector<100x50xf32>, vector<100x256xf32>, vector<50x256xf32> -> vector<50x256xf32>
      %dot_general3A_784 = arith.constant dense<0.000000e+00> : vector<100x50xf32>
      %dot_general3A_785 = tpu.matmul %get3A_781, %slice3A_773, %dot_general3A_784 {dimension_numbers = #tpu.dot_dimension_numbers<[1], [0], [0], [1], [0, 0, 1, 1], [], []>, transpose_lhs_hint = false} : vector<100x100xf32>, vector<100x50xf32>, vector<100x50xf32> -> vector<100x50xf32>
      %dot_general3A_786 = arith.constant dense<0.000000e+00> : vector<50x50xf32>
      %dot_general3A_787 = tpu.matmul %slice3A_773, %dot_general3A_785, %dot_general3A_786 {dimension_numbers = #tpu.dot_dimension_numbers<[0], [0], [1], [1], [0, 1, 1, 1], [], []>, transpose_lhs_hint = false} : vector<100x50xf32>, vector<100x50xf32>, vector<50x50xf32> -> vector<50x50xf32>
      %reduce_sum3A_788 = arith.constant dense<0.000000e+00> : vector<50xf32>
      %reduce_sum3A_789 = vector.multi_reduction <add>, %dot_general3A_787, %reduce_sum3A_788 [1] : vector<50x50xf32> to vector<50xf32>
      %broadcast_in_dim3A_790 = vector.shape_cast %reduce_sum3A_789 : vector<50xf32> to vector<50x1xf32>
      %max3A_791 = arith.constant 1.000000e+00 : f32
      %max3A_792 = vector.broadcast %max3A_791 : f32 to vector<50x1xf32>
      %max3A_793 = arith.maximumf %broadcast_in_dim3A_790, %max3A_792 : vector<50x1xf32>
      %div3A_794 = vector.broadcast %max3A_793 : vector<50x1xf32> to vector<50x50xf32>
      %div3A_795 = arith.divf %dot_general3A_787, %div3A_794 : vector<50x50xf32>
      %slice3A_796 = vector.extract_strided_slice %div3A_427 {offsets = [1600, 0], sizes = [100, 50], strides = [1, 1]} : vector<2000x50xf32> to vector<100x50xf32>
      %slice3A_797 = vector.extract_strided_slice %get3A_53 {offsets = [1600, 0], sizes = [100, 256], strides = [1, 1]} : vector<2000x256xf32> to vector<100x256xf32>
      %add3A_798 = arith.constant 16 : i32
      %add3A_799 = arith.addi %mul3A_20, %add3A_798 : i32
      %get3A_800 = arith.index_cast %add3A_799 : i32 to index
      %get3A_801 = arith.constant 0 : index
      %get3A_802 = arith.constant 0 : index
      %get3A_803 = vector.load %arg2[%get3A_800, %get3A_801, %get3A_802] : memref<100x100x100xf32, #tpu.memory_space<vmem>>, vector<1x100x100xf32>
      %get3A_804 = vector.shape_cast %get3A_803 : vector<1x100x100xf32> to vector<100x100xf32>
      %dot_general3A_805 = arith.constant dense<0.000000e+00> : vector<50x256xf32>
      %dot_general3A_806 = tpu.matmul %slice3A_796, %slice3A_797, %dot_general3A_805 {dimension_numbers = #tpu.dot_dimension_numbers<[0], [0], [1], [1], [0, 1, 1, 1], [], []>, transpose_lhs_hint = false} : vector<100x50xf32>, vector<100x256xf32>, vector<50x256xf32> -> vector<50x256xf32>
      %dot_general3A_807 = arith.constant dense<0.000000e+00> : vector<100x50xf32>
      %dot_general3A_808 = tpu.matmul %get3A_804, %slice3A_796, %dot_general3A_807 {dimension_numbers = #tpu.dot_dimension_numbers<[1], [0], [0], [1], [0, 0, 1, 1], [], []>, transpose_lhs_hint = false} : vector<100x100xf32>, vector<100x50xf32>, vector<100x50xf32> -> vector<100x50xf32>
      %dot_general3A_809 = arith.constant dense<0.000000e+00> : vector<50x50xf32>
      %dot_general3A_810 = tpu.matmul %slice3A_796, %dot_general3A_808, %dot_general3A_809 {dimension_numbers = #tpu.dot_dimension_numbers<[0], [0], [1], [1], [0, 1, 1, 1], [], []>, transpose_lhs_hint = false} : vector<100x50xf32>, vector<100x50xf32>, vector<50x50xf32> -> vector<50x50xf32>
      %reduce_sum3A_811 = arith.constant dense<0.000000e+00> : vector<50xf32>
      %reduce_sum3A_812 = vector.multi_reduction <add>, %dot_general3A_810, %reduce_sum3A_811 [1] : vector<50x50xf32> to vector<50xf32>
      %broadcast_in_dim3A_813 = vector.shape_cast %reduce_sum3A_812 : vector<50xf32> to vector<50x1xf32>
      %max3A_814 = arith.constant 1.000000e+00 : f32
      %max3A_815 = vector.broadcast %max3A_814 : f32 to vector<50x1xf32>
      %max3A_816 = arith.maximumf %broadcast_in_dim3A_813, %max3A_815 : vector<50x1xf32>
      %div3A_817 = vector.broadcast %max3A_816 : vector<50x1xf32> to vector<50x50xf32>
      %div3A_818 = arith.divf %dot_general3A_810, %div3A_817 : vector<50x50xf32>
      %slice3A_819 = vector.extract_strided_slice %div3A_427 {offsets = [1700, 0], sizes = [100, 50], strides = [1, 1]} : vector<2000x50xf32> to vector<100x50xf32>
      %slice3A_820 = vector.extract_strided_slice %get3A_53 {offsets = [1700, 0], sizes = [100, 256], strides = [1, 1]} : vector<2000x256xf32> to vector<100x256xf32>
      %add3A_821 = arith.constant 17 : i32
      %add3A_822 = arith.addi %mul3A_20, %add3A_821 : i32
      %get3A_823 = arith.index_cast %add3A_822 : i32 to index
      %get3A_824 = arith.constant 0 : index
      %get3A_825 = arith.constant 0 : index
      %get3A_826 = vector.load %arg2[%get3A_823, %get3A_824, %get3A_825] : memref<100x100x100xf32, #tpu.memory_space<vmem>>, vector<1x100x100xf32>
      %get3A_827 = vector.shape_cast %get3A_826 : vector<1x100x100xf32> to vector<100x100xf32>
      %dot_general3A_828 = arith.constant dense<0.000000e+00> : vector<50x256xf32>
      %dot_general3A_829 = tpu.matmul %slice3A_819, %slice3A_820, %dot_general3A_828 {dimension_numbers = #tpu.dot_dimension_numbers<[0], [0], [1], [1], [0, 1, 1, 1], [], []>, transpose_lhs_hint = false} : vector<100x50xf32>, vector<100x256xf32>, vector<50x256xf32> -> vector<50x256xf32>
      %dot_general3A_830 = arith.constant dense<0.000000e+00> : vector<100x50xf32>
      %dot_general3A_831 = tpu.matmul %get3A_827, %slice3A_819, %dot_general3A_830 {dimension_numbers = #tpu.dot_dimension_numbers<[1], [0], [0], [1], [0, 0, 1, 1], [], []>, transpose_lhs_hint = false} : vector<100x100xf32>, vector<100x50xf32>, vector<100x50xf32> -> vector<100x50xf32>
      %dot_general3A_832 = arith.constant dense<0.000000e+00> : vector<50x50xf32>
      %dot_general3A_833 = tpu.matmul %slice3A_819, %dot_general3A_831, %dot_general3A_832 {dimension_numbers = #tpu.dot_dimension_numbers<[0], [0], [1], [1], [0, 1, 1, 1], [], []>, transpose_lhs_hint = false} : vector<100x50xf32>, vector<100x50xf32>, vector<50x50xf32> -> vector<50x50xf32>
      %reduce_sum3A_834 = arith.constant dense<0.000000e+00> : vector<50xf32>
      %reduce_sum3A_835 = vector.multi_reduction <add>, %dot_general3A_833, %reduce_sum3A_834 [1] : vector<50x50xf32> to vector<50xf32>
      %broadcast_in_dim3A_836 = vector.shape_cast %reduce_sum3A_835 : vector<50xf32> to vector<50x1xf32>
      %max3A_837 = arith.constant 1.000000e+00 : f32
      %max3A_838 = vector.broadcast %max3A_837 : f32 to vector<50x1xf32>
      %max3A_839 = arith.maximumf %broadcast_in_dim3A_836, %max3A_838 : vector<50x1xf32>
      %div3A_840 = vector.broadcast %max3A_839 : vector<50x1xf32> to vector<50x50xf32>
      %div3A_841 = arith.divf %dot_general3A_833, %div3A_840 : vector<50x50xf32>
      %slice3A_842 = vector.extract_strided_slice %div3A_427 {offsets = [1800, 0], sizes = [100, 50], strides = [1, 1]} : vector<2000x50xf32> to vector<100x50xf32>
      %slice3A_843 = vector.extract_strided_slice %get3A_53 {offsets = [1800, 0], sizes = [100, 256], strides = [1, 1]} : vector<2000x256xf32> to vector<100x256xf32>
      %add3A_844 = arith.constant 18 : i32
      %add3A_845 = arith.addi %mul3A_20, %add3A_844 : i32
      %get3A_846 = arith.index_cast %add3A_845 : i32 to index
      %get3A_847 = arith.constant 0 : index
      %get3A_848 = arith.constant 0 : index
      %get3A_849 = vector.load %arg2[%get3A_846, %get3A_847, %get3A_848] : memref<100x100x100xf32, #tpu.memory_space<vmem>>, vector<1x100x100xf32>
      %get3A_850 = vector.shape_cast %get3A_849 : vector<1x100x100xf32> to vector<100x100xf32>
      %dot_general3A_851 = arith.constant dense<0.000000e+00> : vector<50x256xf32>
      %dot_general3A_852 = tpu.matmul %slice3A_842, %slice3A_843, %dot_general3A_851 {dimension_numbers = #tpu.dot_dimension_numbers<[0], [0], [1], [1], [0, 1, 1, 1], [], []>, transpose_lhs_hint = false} : vector<100x50xf32>, vector<100x256xf32>, vector<50x256xf32> -> vector<50x256xf32>
      %dot_general3A_853 = arith.constant dense<0.000000e+00> : vector<100x50xf32>
      %dot_general3A_854 = tpu.matmul %get3A_850, %slice3A_842, %dot_general3A_853 {dimension_numbers = #tpu.dot_dimension_numbers<[1], [0], [0], [1], [0, 0, 1, 1], [], []>, transpose_lhs_hint = false} : vector<100x100xf32>, vector<100x50xf32>, vector<100x50xf32> -> vector<100x50xf32>
      %dot_general3A_855 = arith.constant dense<0.000000e+00> : vector<50x50xf32>
      %dot_general3A_856 = tpu.matmul %slice3A_842, %dot_general3A_854, %dot_general3A_855 {dimension_numbers = #tpu.dot_dimension_numbers<[0], [0], [1], [1], [0, 1, 1, 1], [], []>, transpose_lhs_hint = false} : vector<100x50xf32>, vector<100x50xf32>, vector<50x50xf32> -> vector<50x50xf32>
      %reduce_sum3A_857 = arith.constant dense<0.000000e+00> : vector<50xf32>
      %reduce_sum3A_858 = vector.multi_reduction <add>, %dot_general3A_856, %reduce_sum3A_857 [1] : vector<50x50xf32> to vector<50xf32>
      %broadcast_in_dim3A_859 = vector.shape_cast %reduce_sum3A_858 : vector<50xf32> to vector<50x1xf32>
      %max3A_860 = arith.constant 1.000000e+00 : f32
      %max3A_861 = vector.broadcast %max3A_860 : f32 to vector<50x1xf32>
      %max3A_862 = arith.maximumf %broadcast_in_dim3A_859, %max3A_861 : vector<50x1xf32>
      %div3A_863 = vector.broadcast %max3A_862 : vector<50x1xf32> to vector<50x50xf32>
      %div3A_864 = arith.divf %dot_general3A_856, %div3A_863 : vector<50x50xf32>
      %slice3A_865 = vector.extract_strided_slice %div3A_427 {offsets = [1900, 0], sizes = [100, 50], strides = [1, 1]} : vector<2000x50xf32> to vector<100x50xf32>
      %slice3A_866 = vector.extract_strided_slice %get3A_53 {offsets = [1900, 0], sizes = [100, 256], strides = [1, 1]} : vector<2000x256xf32> to vector<100x256xf32>
      %add3A_867 = arith.constant 19 : i32
      %add3A_868 = arith.addi %mul3A_20, %add3A_867 : i32
      %get3A_869 = arith.index_cast %add3A_868 : i32 to index
      %get3A_870 = arith.constant 0 : index
      %get3A_871 = arith.constant 0 : index
      %get3A_872 = vector.load %arg2[%get3A_869, %get3A_870, %get3A_871] : memref<100x100x100xf32, #tpu.memory_space<vmem>>, vector<1x100x100xf32>
      %get3A_873 = vector.shape_cast %get3A_872 : vector<1x100x100xf32> to vector<100x100xf32>
      %dot_general3A_874 = arith.constant dense<0.000000e+00> : vector<50x256xf32>
      %dot_general3A_875 = tpu.matmul %slice3A_865, %slice3A_866, %dot_general3A_874 {dimension_numbers = #tpu.dot_dimension_numbers<[0], [0], [1], [1], [0, 1, 1, 1], [], []>, transpose_lhs_hint = false} : vector<100x50xf32>, vector<100x256xf32>, vector<50x256xf32> -> vector<50x256xf32>
      %dot_general3A_876 = arith.constant dense<0.000000e+00> : vector<100x50xf32>
      %dot_general3A_877 = tpu.matmul %get3A_873, %slice3A_865, %dot_general3A_876 {dimension_numbers = #tpu.dot_dimension_numbers<[1], [0], [0], [1], [0, 0, 1, 1], [], []>, transpose_lhs_hint = false} : vector<100x100xf32>, vector<100x50xf32>, vector<100x50xf32> -> vector<100x50xf32>
      %dot_general3A_878 = arith.constant dense<0.000000e+00> : vector<50x50xf32>
      %dot_general3A_879 = tpu.matmul %slice3A_865, %dot_general3A_877, %dot_general3A_878 {dimension_numbers = #tpu.dot_dimension_numbers<[0], [0], [1], [1], [0, 1, 1, 1], [], []>, transpose_lhs_hint = false} : vector<100x50xf32>, vector<100x50xf32>, vector<50x50xf32> -> vector<50x50xf32>
      %reduce_sum3A_880 = arith.constant dense<0.000000e+00> : vector<50xf32>
      %reduce_sum3A_881 = vector.multi_reduction <add>, %dot_general3A_879, %reduce_sum3A_880 [1] : vector<50x50xf32> to vector<50xf32>
      %broadcast_in_dim3A_882 = vector.shape_cast %reduce_sum3A_881 : vector<50xf32> to vector<50x1xf32>
      %max3A_883 = arith.constant 1.000000e+00 : f32
      %max3A_884 = vector.broadcast %max3A_883 : f32 to vector<50x1xf32>
      %max3A_885 = arith.maximumf %broadcast_in_dim3A_882, %max3A_884 : vector<50x1xf32>
      %div3A_886 = vector.broadcast %max3A_885 : vector<50x1xf32> to vector<50x50xf32>
      %div3A_887 = arith.divf %dot_general3A_879, %div3A_886 : vector<50x50xf32>
      %concatenate3A_888 = tpu.concatenate %dot_general3A_438, %dot_general3A_461, %dot_general3A_484, %dot_general3A_507, %dot_general3A_530, %dot_general3A_553, %dot_general3A_576, %dot_general3A_599, %dot_general3A_622, %dot_general3A_645, %dot_general3A_668, %dot_general3A_691, %dot_general3A_714, %dot_general3A_737, %dot_general3A_760, %dot_general3A_783, %dot_general3A_806, %dot_general3A_829, %dot_general3A_852, %dot_general3A_875 in 0 : vector<50x256xf32>, vector<50x256xf32>, vector<50x256xf32>, vector<50x256xf32>, vector<50x256xf32>, vector<50x256xf32>, vector<50x256xf32>, vector<50x256xf32>, vector<50x256xf32>, vector<50x256xf32>, vector<50x256xf32>, vector<50x256xf32>, vector<50x256xf32>, vector<50x256xf32>, vector<50x256xf32>, vector<50x256xf32>, vector<50x256xf32>, vector<50x256xf32>, vector<50x256xf32>, vector<50x256xf32> -> vector<1000x256xf32>
      %get3A_889 = arith.constant 0 : index
      %get3A_890 = arith.constant 0 : index
      %get3A_891 = vector.load %arg23[%get3A_889, %get3A_890] : memref<256x256xf32, #tpu.memory_space<vmem>>, vector<256x256xf32>
      %dot_general3A_892 = arith.constant dense<0.000000e+00> : vector<1000x256xf32>
      %dot_general3A_893 = tpu.matmul %concatenate3A_888, %get3A_891, %dot_general3A_892 {dimension_numbers = #tpu.dot_dimension_numbers<[1], [0], [0], [1], [0, 0, 1, 1], [], []>, transpose_lhs_hint = false} : vector<1000x256xf32>, vector<256x256xf32>, vector<1000x256xf32> -> vector<1000x256xf32>
      %get3A_894 = arith.constant 0 : index
      %get3A_895 = arith.constant 0 : index
      %get3A_896 = vector.load %arg20[%get3A_894, %get3A_895] : memref<256x256xf32, #tpu.memory_space<vmem>>, vector<256x256xf32>
      %dot_general3A_897 = arith.constant dense<0.000000e+00> : vector<1000x256xf32>
      %dot_general3A_898 = tpu.matmul %concatenate3A_888, %get3A_896, %dot_general3A_897 {dimension_numbers = #tpu.dot_dimension_numbers<[1], [0], [0], [1], [0, 0, 1, 1], [], []>, transpose_lhs_hint = false} : vector<1000x256xf32>, vector<256x256xf32>, vector<1000x256xf32> -> vector<1000x256xf32>
      %slice3A_899 = vector.extract_strided_slice %dot_general3A_893 {offsets = [0, 0], sizes = [50, 256], strides = [1, 1]} : vector<1000x256xf32> to vector<50x256xf32>
      %dot_general3A_900 = arith.constant dense<0.000000e+00> : vector<50x256xf32>
      %dot_general3A_901 = tpu.matmul %div3A_450, %slice3A_899, %dot_general3A_900 {dimension_numbers = #tpu.dot_dimension_numbers<[1], [0], [0], [1], [0, 0, 1, 1], [], []>, transpose_lhs_hint = false} : vector<50x50xf32>, vector<50x256xf32>, vector<50x256xf32> -> vector<50x256xf32>
      %slice3A_902 = vector.extract_strided_slice %dot_general3A_898 {offsets = [0, 0], sizes = [50, 256], strides = [1, 1]} : vector<1000x256xf32> to vector<50x256xf32>
      %add3A_903 = arith.addf %dot_general3A_901, %slice3A_902 : vector<50x256xf32>
      %slice3A_904 = vector.extract_strided_slice %dot_general3A_893 {offsets = [50, 0], sizes = [50, 256], strides = [1, 1]} : vector<1000x256xf32> to vector<50x256xf32>
      %dot_general3A_905 = arith.constant dense<0.000000e+00> : vector<50x256xf32>
      %dot_general3A_906 = tpu.matmul %div3A_473, %slice3A_904, %dot_general3A_905 {dimension_numbers = #tpu.dot_dimension_numbers<[1], [0], [0], [1], [0, 0, 1, 1], [], []>, transpose_lhs_hint = false} : vector<50x50xf32>, vector<50x256xf32>, vector<50x256xf32> -> vector<50x256xf32>
      %slice3A_907 = vector.extract_strided_slice %dot_general3A_898 {offsets = [50, 0], sizes = [50, 256], strides = [1, 1]} : vector<1000x256xf32> to vector<50x256xf32>
      %add3A_908 = arith.addf %dot_general3A_906, %slice3A_907 : vector<50x256xf32>
      %slice3A_909 = vector.extract_strided_slice %dot_general3A_893 {offsets = [100, 0], sizes = [50, 256], strides = [1, 1]} : vector<1000x256xf32> to vector<50x256xf32>
      %dot_general3A_910 = arith.constant dense<0.000000e+00> : vector<50x256xf32>
      %dot_general3A_911 = tpu.matmul %div3A_496, %slice3A_909, %dot_general3A_910 {dimension_numbers = #tpu.dot_dimension_numbers<[1], [0], [0], [1], [0, 0, 1, 1], [], []>, transpose_lhs_hint = false} : vector<50x50xf32>, vector<50x256xf32>, vector<50x256xf32> -> vector<50x256xf32>
      %slice3A_912 = vector.extract_strided_slice %dot_general3A_898 {offsets = [100, 0], sizes = [50, 256], strides = [1, 1]} : vector<1000x256xf32> to vector<50x256xf32>
      %add3A_913 = arith.addf %dot_general3A_911, %slice3A_912 : vector<50x256xf32>
      %slice3A_914 = vector.extract_strided_slice %dot_general3A_893 {offsets = [150, 0], sizes = [50, 256], strides = [1, 1]} : vector<1000x256xf32> to vector<50x256xf32>
      %dot_general3A_915 = arith.constant dense<0.000000e+00> : vector<50x256xf32>
      %dot_general3A_916 = tpu.matmul %div3A_519, %slice3A_914, %dot_general3A_915 {dimension_numbers = #tpu.dot_dimension_numbers<[1], [0], [0], [1], [0, 0, 1, 1], [], []>, transpose_lhs_hint = false} : vector<50x50xf32>, vector<50x256xf32>, vector<50x256xf32> -> vector<50x256xf32>
      %slice3A_917 = vector.extract_strided_slice %dot_general3A_898 {offsets = [150, 0], sizes = [50, 256], strides = [1, 1]} : vector<1000x256xf32> to vector<50x256xf32>
      %add3A_918 = arith.addf %dot_general3A_916, %slice3A_917 : vector<50x256xf32>
      %slice3A_919 = vector.extract_strided_slice %dot_general3A_893 {offsets = [200, 0], sizes = [50, 256], strides = [1, 1]} : vector<1000x256xf32> to vector<50x256xf32>
      %dot_general3A_920 = arith.constant dense<0.000000e+00> : vector<50x256xf32>
      %dot_general3A_921 = tpu.matmul %div3A_542, %slice3A_919, %dot_general3A_920 {dimension_numbers = #tpu.dot_dimension_numbers<[1], [0], [0], [1], [0, 0, 1, 1], [], []>, transpose_lhs_hint = false} : vector<50x50xf32>, vector<50x256xf32>, vector<50x256xf32> -> vector<50x256xf32>
      %slice3A_922 = vector.extract_strided_slice %dot_general3A_898 {offsets = [200, 0], sizes = [50, 256], strides = [1, 1]} : vector<1000x256xf32> to vector<50x256xf32>
      %add3A_923 = arith.addf %dot_general3A_921, %slice3A_922 : vector<50x256xf32>
      %slice3A_924 = vector.extract_strided_slice %dot_general3A_893 {offsets = [250, 0], sizes = [50, 256], strides = [1, 1]} : vector<1000x256xf32> to vector<50x256xf32>
      %dot_general3A_925 = arith.constant dense<0.000000e+00> : vector<50x256xf32>
      %dot_general3A_926 = tpu.matmul %div3A_565, %slice3A_924, %dot_general3A_925 {dimension_numbers = #tpu.dot_dimension_numbers<[1], [0], [0], [1], [0, 0, 1, 1], [], []>, transpose_lhs_hint = false} : vector<50x50xf32>, vector<50x256xf32>, vector<50x256xf32> -> vector<50x256xf32>
      %slice3A_927 = vector.extract_strided_slice %dot_general3A_898 {offsets = [250, 0], sizes = [50, 256], strides = [1, 1]} : vector<1000x256xf32> to vector<50x256xf32>
      %add3A_928 = arith.addf %dot_general3A_926, %slice3A_927 : vector<50x256xf32>
      %slice3A_929 = vector.extract_strided_slice %dot_general3A_893 {offsets = [300, 0], sizes = [50, 256], strides = [1, 1]} : vector<1000x256xf32> to vector<50x256xf32>
      %dot_general3A_930 = arith.constant dense<0.000000e+00> : vector<50x256xf32>
      %dot_general3A_931 = tpu.matmul %div3A_588, %slice3A_929, %dot_general3A_930 {dimension_numbers = #tpu.dot_dimension_numbers<[1], [0], [0], [1], [0, 0, 1, 1], [], []>, transpose_lhs_hint = false} : vector<50x50xf32>, vector<50x256xf32>, vector<50x256xf32> -> vector<50x256xf32>
      %slice3A_932 = vector.extract_strided_slice %dot_general3A_898 {offsets = [300, 0], sizes = [50, 256], strides = [1, 1]} : vector<1000x256xf32> to vector<50x256xf32>
      %add3A_933 = arith.addf %dot_general3A_931, %slice3A_932 : vector<50x256xf32>
      %slice3A_934 = vector.extract_strided_slice %dot_general3A_893 {offsets = [350, 0], sizes = [50, 256], strides = [1, 1]} : vector<1000x256xf32> to vector<50x256xf32>
      %dot_general3A_935 = arith.constant dense<0.000000e+00> : vector<50x256xf32>
      %dot_general3A_936 = tpu.matmul %div3A_611, %slice3A_934, %dot_general3A_935 {dimension_numbers = #tpu.dot_dimension_numbers<[1], [0], [0], [1], [0, 0, 1, 1], [], []>, transpose_lhs_hint = false} : vector<50x50xf32>, vector<50x256xf32>, vector<50x256xf32> -> vector<50x256xf32>
      %slice3A_937 = vector.extract_strided_slice %dot_general3A_898 {offsets = [350, 0], sizes = [50, 256], strides = [1, 1]} : vector<1000x256xf32> to vector<50x256xf32>
      %add3A_938 = arith.addf %dot_general3A_936, %slice3A_937 : vector<50x256xf32>
      %slice3A_939 = vector.extract_strided_slice %dot_general3A_893 {offsets = [400, 0], sizes = [50, 256], strides = [1, 1]} : vector<1000x256xf32> to vector<50x256xf32>
      %dot_general3A_940 = arith.constant dense<0.000000e+00> : vector<50x256xf32>
      %dot_general3A_941 = tpu.matmul %div3A_634, %slice3A_939, %dot_general3A_940 {dimension_numbers = #tpu.dot_dimension_numbers<[1], [0], [0], [1], [0, 0, 1, 1], [], []>, transpose_lhs_hint = false} : vector<50x50xf32>, vector<50x256xf32>, vector<50x256xf32> -> vector<50x256xf32>
      %slice3A_942 = vector.extract_strided_slice %dot_general3A_898 {offsets = [400, 0], sizes = [50, 256], strides = [1, 1]} : vector<1000x256xf32> to vector<50x256xf32>
      %add3A_943 = arith.addf %dot_general3A_941, %slice3A_942 : vector<50x256xf32>
      %slice3A_944 = vector.extract_strided_slice %dot_general3A_893 {offsets = [450, 0], sizes = [50, 256], strides = [1, 1]} : vector<1000x256xf32> to vector<50x256xf32>
      %dot_general3A_945 = arith.constant dense<0.000000e+00> : vector<50x256xf32>
      %dot_general3A_946 = tpu.matmul %div3A_657, %slice3A_944, %dot_general3A_945 {dimension_numbers = #tpu.dot_dimension_numbers<[1], [0], [0], [1], [0, 0, 1, 1], [], []>, transpose_lhs_hint = false} : vector<50x50xf32>, vector<50x256xf32>, vector<50x256xf32> -> vector<50x256xf32>
      %slice3A_947 = vector.extract_strided_slice %dot_general3A_898 {offsets = [450, 0], sizes = [50, 256], strides = [1, 1]} : vector<1000x256xf32> to vector<50x256xf32>
      %add3A_948 = arith.addf %dot_general3A_946, %slice3A_947 : vector<50x256xf32>
      %slice3A_949 = vector.extract_strided_slice %dot_general3A_893 {offsets = [500, 0], sizes = [50, 256], strides = [1, 1]} : vector<1000x256xf32> to vector<50x256xf32>
      %dot_general3A_950 = arith.constant dense<0.000000e+00> : vector<50x256xf32>
      %dot_general3A_951 = tpu.matmul %div3A_680, %slice3A_949, %dot_general3A_950 {dimension_numbers = #tpu.dot_dimension_numbers<[1], [0], [0], [1], [0, 0, 1, 1], [], []>, transpose_lhs_hint = false} : vector<50x50xf32>, vector<50x256xf32>, vector<50x256xf32> -> vector<50x256xf32>
      %slice3A_952 = vector.extract_strided_slice %dot_general3A_898 {offsets = [500, 0], sizes = [50, 256], strides = [1, 1]} : vector<1000x256xf32> to vector<50x256xf32>
      %add3A_953 = arith.addf %dot_general3A_951, %slice3A_952 : vector<50x256xf32>
      %slice3A_954 = vector.extract_strided_slice %dot_general3A_893 {offsets = [550, 0], sizes = [50, 256], strides = [1, 1]} : vector<1000x256xf32> to vector<50x256xf32>
      %dot_general3A_955 = arith.constant dense<0.000000e+00> : vector<50x256xf32>
      %dot_general3A_956 = tpu.matmul %div3A_703, %slice3A_954, %dot_general3A_955 {dimension_numbers = #tpu.dot_dimension_numbers<[1], [0], [0], [1], [0, 0, 1, 1], [], []>, transpose_lhs_hint = false} : vector<50x50xf32>, vector<50x256xf32>, vector<50x256xf32> -> vector<50x256xf32>
      %slice3A_957 = vector.extract_strided_slice %dot_general3A_898 {offsets = [550, 0], sizes = [50, 256], strides = [1, 1]} : vector<1000x256xf32> to vector<50x256xf32>
      %add3A_958 = arith.addf %dot_general3A_956, %slice3A_957 : vector<50x256xf32>
      %slice3A_959 = vector.extract_strided_slice %dot_general3A_893 {offsets = [600, 0], sizes = [50, 256], strides = [1, 1]} : vector<1000x256xf32> to vector<50x256xf32>
      %dot_general3A_960 = arith.constant dense<0.000000e+00> : vector<50x256xf32>
      %dot_general3A_961 = tpu.matmul %div3A_726, %slice3A_959, %dot_general3A_960 {dimension_numbers = #tpu.dot_dimension_numbers<[1], [0], [0], [1], [0, 0, 1, 1], [], []>, transpose_lhs_hint = false} : vector<50x50xf32>, vector<50x256xf32>, vector<50x256xf32> -> vector<50x256xf32>
      %slice3A_962 = vector.extract_strided_slice %dot_general3A_898 {offsets = [600, 0], sizes = [50, 256], strides = [1, 1]} : vector<1000x256xf32> to vector<50x256xf32>
      %add3A_963 = arith.addf %dot_general3A_961, %slice3A_962 : vector<50x256xf32>
      %slice3A_964 = vector.extract_strided_slice %dot_general3A_893 {offsets = [650, 0], sizes = [50, 256], strides = [1, 1]} : vector<1000x256xf32> to vector<50x256xf32>
      %dot_general3A_965 = arith.constant dense<0.000000e+00> : vector<50x256xf32>
      %dot_general3A_966 = tpu.matmul %div3A_749, %slice3A_964, %dot_general3A_965 {dimension_numbers = #tpu.dot_dimension_numbers<[1], [0], [0], [1], [0, 0, 1, 1], [], []>, transpose_lhs_hint = false} : vector<50x50xf32>, vector<50x256xf32>, vector<50x256xf32> -> vector<50x256xf32>
      %slice3A_967 = vector.extract_strided_slice %dot_general3A_898 {offsets = [650, 0], sizes = [50, 256], strides = [1, 1]} : vector<1000x256xf32> to vector<50x256xf32>
      %add3A_968 = arith.addf %dot_general3A_966, %slice3A_967 : vector<50x256xf32>
      %slice3A_969 = vector.extract_strided_slice %dot_general3A_893 {offsets = [700, 0], sizes = [50, 256], strides = [1, 1]} : vector<1000x256xf32> to vector<50x256xf32>
      %dot_general3A_970 = arith.constant dense<0.000000e+00> : vector<50x256xf32>
      %dot_general3A_971 = tpu.matmul %div3A_772, %slice3A_969, %dot_general3A_970 {dimension_numbers = #tpu.dot_dimension_numbers<[1], [0], [0], [1], [0, 0, 1, 1], [], []>, transpose_lhs_hint = false} : vector<50x50xf32>, vector<50x256xf32>, vector<50x256xf32> -> vector<50x256xf32>
      %slice3A_972 = vector.extract_strided_slice %dot_general3A_898 {offsets = [700, 0], sizes = [50, 256], strides = [1, 1]} : vector<1000x256xf32> to vector<50x256xf32>
      %add3A_973 = arith.addf %dot_general3A_971, %slice3A_972 : vector<50x256xf32>
      %slice3A_974 = vector.extract_strided_slice %dot_general3A_893 {offsets = [750, 0], sizes = [50, 256], strides = [1, 1]} : vector<1000x256xf32> to vector<50x256xf32>
      %dot_general3A_975 = arith.constant dense<0.000000e+00> : vector<50x256xf32>
      %dot_general3A_976 = tpu.matmul %div3A_795, %slice3A_974, %dot_general3A_975 {dimension_numbers = #tpu.dot_dimension_numbers<[1], [0], [0], [1], [0, 0, 1, 1], [], []>, transpose_lhs_hint = false} : vector<50x50xf32>, vector<50x256xf32>, vector<50x256xf32> -> vector<50x256xf32>
      %slice3A_977 = vector.extract_strided_slice %dot_general3A_898 {offsets = [750, 0], sizes = [50, 256], strides = [1, 1]} : vector<1000x256xf32> to vector<50x256xf32>
      %add3A_978 = arith.addf %dot_general3A_976, %slice3A_977 : vector<50x256xf32>
      %slice3A_979 = vector.extract_strided_slice %dot_general3A_893 {offsets = [800, 0], sizes = [50, 256], strides = [1, 1]} : vector<1000x256xf32> to vector<50x256xf32>
      %dot_general3A_980 = arith.constant dense<0.000000e+00> : vector<50x256xf32>
      %dot_general3A_981 = tpu.matmul %div3A_818, %slice3A_979, %dot_general3A_980 {dimension_numbers = #tpu.dot_dimension_numbers<[1], [0], [0], [1], [0, 0, 1, 1], [], []>, transpose_lhs_hint = false} : vector<50x50xf32>, vector<50x256xf32>, vector<50x256xf32> -> vector<50x256xf32>
      %slice3A_982 = vector.extract_strided_slice %dot_general3A_898 {offsets = [800, 0], sizes = [50, 256], strides = [1, 1]} : vector<1000x256xf32> to vector<50x256xf32>
      %add3A_983 = arith.addf %dot_general3A_981, %slice3A_982 : vector<50x256xf32>
      %slice3A_984 = vector.extract_strided_slice %dot_general3A_893 {offsets = [850, 0], sizes = [50, 256], strides = [1, 1]} : vector<1000x256xf32> to vector<50x256xf32>
      %dot_general3A_985 = arith.constant dense<0.000000e+00> : vector<50x256xf32>
      %dot_general3A_986 = tpu.matmul %div3A_841, %slice3A_984, %dot_general3A_985 {dimension_numbers = #tpu.dot_dimension_numbers<[1], [0], [0], [1], [0, 0, 1, 1], [], []>, transpose_lhs_hint = false} : vector<50x50xf32>, vector<50x256xf32>, vector<50x256xf32> -> vector<50x256xf32>
      %slice3A_987 = vector.extract_strided_slice %dot_general3A_898 {offsets = [850, 0], sizes = [50, 256], strides = [1, 1]} : vector<1000x256xf32> to vector<50x256xf32>
      %add3A_988 = arith.addf %dot_general3A_986, %slice3A_987 : vector<50x256xf32>
      %slice3A_989 = vector.extract_strided_slice %dot_general3A_893 {offsets = [900, 0], sizes = [50, 256], strides = [1, 1]} : vector<1000x256xf32> to vector<50x256xf32>
      %dot_general3A_990 = arith.constant dense<0.000000e+00> : vector<50x256xf32>
      %dot_general3A_991 = tpu.matmul %div3A_864, %slice3A_989, %dot_general3A_990 {dimension_numbers = #tpu.dot_dimension_numbers<[1], [0], [0], [1], [0, 0, 1, 1], [], []>, transpose_lhs_hint = false} : vector<50x50xf32>, vector<50x256xf32>, vector<50x256xf32> -> vector<50x256xf32>
      %slice3A_992 = vector.extract_strided_slice %dot_general3A_898 {offsets = [900, 0], sizes = [50, 256], strides = [1, 1]} : vector<1000x256xf32> to vector<50x256xf32>
      %add3A_993 = arith.addf %dot_general3A_991, %slice3A_992 : vector<50x256xf32>
      %slice3A_994 = vector.extract_strided_slice %dot_general3A_893 {offsets = [950, 0], sizes = [50, 256], strides = [1, 1]} : vector<1000x256xf32> to vector<50x256xf32>
      %dot_general3A_995 = arith.constant dense<0.000000e+00> : vector<50x256xf32>
      %dot_general3A_996 = tpu.matmul %div3A_887, %slice3A_994, %dot_general3A_995 {dimension_numbers = #tpu.dot_dimension_numbers<[1], [0], [0], [1], [0, 0, 1, 1], [], []>, transpose_lhs_hint = false} : vector<50x50xf32>, vector<50x256xf32>, vector<50x256xf32> -> vector<50x256xf32>
      %slice3A_997 = vector.extract_strided_slice %dot_general3A_898 {offsets = [950, 0], sizes = [50, 256], strides = [1, 1]} : vector<1000x256xf32> to vector<50x256xf32>
      %add3A_998 = arith.addf %dot_general3A_996, %slice3A_997 : vector<50x256xf32>
      %concatenate3A_999 = tpu.concatenate %add3A_903, %add3A_908, %add3A_913, %add3A_918, %add3A_923, %add3A_928, %add3A_933, %add3A_938, %add3A_943, %add3A_948, %add3A_953, %add3A_958, %add3A_963, %add3A_968, %add3A_973, %add3A_978, %add3A_983, %add3A_988, %add3A_993, %add3A_998 in 0 : vector<50x256xf32>, vector<50x256xf32>, vector<50x256xf32>, vector<50x256xf32>, vector<50x256xf32>, vector<50x256xf32>, vector<50x256xf32>, vector<50x256xf32>, vector<50x256xf32>, vector<50x256xf32>, vector<50x256xf32>, vector<50x256xf32>, vector<50x256xf32>, vector<50x256xf32>, vector<50x256xf32>, vector<50x256xf32>, vector<50x256xf32>, vector<50x256xf32>, vector<50x256xf32>, vector<50x256xf32> -> vector<1000x256xf32>
      %max3A_1000 = arith.constant 0.000000e+00 : f32
      %max3A_1001 = vector.broadcast %max3A_1000 : f32 to vector<1000x256xf32>
      %max3A_1002 = arith.maximumf %concatenate3A_999, %max3A_1001 : vector<1000x256xf32>
      %add3A_1003 = arith.addf %max3A_1002, %concatenate3A_888 : vector<1000x256xf32>
      %get3A_1004 = arith.constant 0 : index
      %get3A_1005 = arith.constant 0 : index
      %get3A_1006 = vector.load %arg24[%get3A_1004, %get3A_1005] : memref<256x256xf32, #tpu.memory_space<vmem>>, vector<256x256xf32>
      %dot_general3A_1007 = arith.constant dense<0.000000e+00> : vector<1000x256xf32>
      %dot_general3A_1008 = tpu.matmul %add3A_1003, %get3A_1006, %dot_general3A_1007 {dimension_numbers = #tpu.dot_dimension_numbers<[1], [0], [0], [1], [0, 0, 1, 1], [], []>, transpose_lhs_hint = false} : vector<1000x256xf32>, vector<256x256xf32>, vector<1000x256xf32> -> vector<1000x256xf32>
      %get3A_1009 = arith.constant 0 : index
      %get3A_1010 = arith.constant 0 : index
      %get3A_1011 = vector.load %arg21[%get3A_1009, %get3A_1010] : memref<256x256xf32, #tpu.memory_space<vmem>>, vector<256x256xf32>
      %dot_general3A_1012 = arith.constant dense<0.000000e+00> : vector<1000x256xf32>
      %dot_general3A_1013 = tpu.matmul %add3A_1003, %get3A_1011, %dot_general3A_1012 {dimension_numbers = #tpu.dot_dimension_numbers<[1], [0], [0], [1], [0, 0, 1, 1], [], []>, transpose_lhs_hint = false} : vector<1000x256xf32>, vector<256x256xf32>, vector<1000x256xf32> -> vector<1000x256xf32>
      %slice3A_1014 = vector.extract_strided_slice %dot_general3A_1008 {offsets = [0, 0], sizes = [50, 256], strides = [1, 1]} : vector<1000x256xf32> to vector<50x256xf32>
      %dot_general3A_1015 = arith.constant dense<0.000000e+00> : vector<50x256xf32>
      %dot_general3A_1016 = tpu.matmul %div3A_450, %slice3A_1014, %dot_general3A_1015 {dimension_numbers = #tpu.dot_dimension_numbers<[1], [0], [0], [1], [0, 0, 1, 1], [], []>, transpose_lhs_hint = false} : vector<50x50xf32>, vector<50x256xf32>, vector<50x256xf32> -> vector<50x256xf32>
      %slice3A_1017 = vector.extract_strided_slice %dot_general3A_1013 {offsets = [0, 0], sizes = [50, 256], strides = [1, 1]} : vector<1000x256xf32> to vector<50x256xf32>
      %add3A_1018 = arith.addf %dot_general3A_1016, %slice3A_1017 : vector<50x256xf32>
      %slice3A_1019 = vector.extract_strided_slice %dot_general3A_1008 {offsets = [50, 0], sizes = [50, 256], strides = [1, 1]} : vector<1000x256xf32> to vector<50x256xf32>
      %dot_general3A_1020 = arith.constant dense<0.000000e+00> : vector<50x256xf32>
      %dot_general3A_1021 = tpu.matmul %div3A_473, %slice3A_1019, %dot_general3A_1020 {dimension_numbers = #tpu.dot_dimension_numbers<[1], [0], [0], [1], [0, 0, 1, 1], [], []>, transpose_lhs_hint = false} : vector<50x50xf32>, vector<50x256xf32>, vector<50x256xf32> -> vector<50x256xf32>
      %slice3A_1022 = vector.extract_strided_slice %dot_general3A_1013 {offsets = [50, 0], sizes = [50, 256], strides = [1, 1]} : vector<1000x256xf32> to vector<50x256xf32>
      %add3A_1023 = arith.addf %dot_general3A_1021, %slice3A_1022 : vector<50x256xf32>
      %slice3A_1024 = vector.extract_strided_slice %dot_general3A_1008 {offsets = [100, 0], sizes = [50, 256], strides = [1, 1]} : vector<1000x256xf32> to vector<50x256xf32>
      %dot_general3A_1025 = arith.constant dense<0.000000e+00> : vector<50x256xf32>
      %dot_general3A_1026 = tpu.matmul %div3A_496, %slice3A_1024, %dot_general3A_1025 {dimension_numbers = #tpu.dot_dimension_numbers<[1], [0], [0], [1], [0, 0, 1, 1], [], []>, transpose_lhs_hint = false} : vector<50x50xf32>, vector<50x256xf32>, vector<50x256xf32> -> vector<50x256xf32>
      %slice3A_1027 = vector.extract_strided_slice %dot_general3A_1013 {offsets = [100, 0], sizes = [50, 256], strides = [1, 1]} : vector<1000x256xf32> to vector<50x256xf32>
      %add3A_1028 = arith.addf %dot_general3A_1026, %slice3A_1027 : vector<50x256xf32>
      %slice3A_1029 = vector.extract_strided_slice %dot_general3A_1008 {offsets = [150, 0], sizes = [50, 256], strides = [1, 1]} : vector<1000x256xf32> to vector<50x256xf32>
      %dot_general3A_1030 = arith.constant dense<0.000000e+00> : vector<50x256xf32>
      %dot_general3A_1031 = tpu.matmul %div3A_519, %slice3A_1029, %dot_general3A_1030 {dimension_numbers = #tpu.dot_dimension_numbers<[1], [0], [0], [1], [0, 0, 1, 1], [], []>, transpose_lhs_hint = false} : vector<50x50xf32>, vector<50x256xf32>, vector<50x256xf32> -> vector<50x256xf32>
      %slice3A_1032 = vector.extract_strided_slice %dot_general3A_1013 {offsets = [150, 0], sizes = [50, 256], strides = [1, 1]} : vector<1000x256xf32> to vector<50x256xf32>
      %add3A_1033 = arith.addf %dot_general3A_1031, %slice3A_1032 : vector<50x256xf32>
      %slice3A_1034 = vector.extract_strided_slice %dot_general3A_1008 {offsets = [200, 0], sizes = [50, 256], strides = [1, 1]} : vector<1000x256xf32> to vector<50x256xf32>
      %dot_general3A_1035 = arith.constant dense<0.000000e+00> : vector<50x256xf32>
      %dot_general3A_1036 = tpu.matmul %div3A_542, %slice3A_1034, %dot_general3A_1035 {dimension_numbers = #tpu.dot_dimension_numbers<[1], [0], [0], [1], [0, 0, 1, 1], [], []>, transpose_lhs_hint = false} : vector<50x50xf32>, vector<50x256xf32>, vector<50x256xf32> -> vector<50x256xf32>
      %slice3A_1037 = vector.extract_strided_slice %dot_general3A_1013 {offsets = [200, 0], sizes = [50, 256], strides = [1, 1]} : vector<1000x256xf32> to vector<50x256xf32>
      %add3A_1038 = arith.addf %dot_general3A_1036, %slice3A_1037 : vector<50x256xf32>
      %slice3A_1039 = vector.extract_strided_slice %dot_general3A_1008 {offsets = [250, 0], sizes = [50, 256], strides = [1, 1]} : vector<1000x256xf32> to vector<50x256xf32>
      %dot_general3A_1040 = arith.constant dense<0.000000e+00> : vector<50x256xf32>
      %dot_general3A_1041 = tpu.matmul %div3A_565, %slice3A_1039, %dot_general3A_1040 {dimension_numbers = #tpu.dot_dimension_numbers<[1], [0], [0], [1], [0, 0, 1, 1], [], []>, transpose_lhs_hint = false} : vector<50x50xf32>, vector<50x256xf32>, vector<50x256xf32> -> vector<50x256xf32>
      %slice3A_1042 = vector.extract_strided_slice %dot_general3A_1013 {offsets = [250, 0], sizes = [50, 256], strides = [1, 1]} : vector<1000x256xf32> to vector<50x256xf32>
      %add3A_1043 = arith.addf %dot_general3A_1041, %slice3A_1042 : vector<50x256xf32>
      %slice3A_1044 = vector.extract_strided_slice %dot_general3A_1008 {offsets = [300, 0], sizes = [50, 256], strides = [1, 1]} : vector<1000x256xf32> to vector<50x256xf32>
      %dot_general3A_1045 = arith.constant dense<0.000000e+00> : vector<50x256xf32>
      %dot_general3A_1046 = tpu.matmul %div3A_588, %slice3A_1044, %dot_general3A_1045 {dimension_numbers = #tpu.dot_dimension_numbers<[1], [0], [0], [1], [0, 0, 1, 1], [], []>, transpose_lhs_hint = false} : vector<50x50xf32>, vector<50x256xf32>, vector<50x256xf32> -> vector<50x256xf32>
      %slice3A_1047 = vector.extract_strided_slice %dot_general3A_1013 {offsets = [300, 0], sizes = [50, 256], strides = [1, 1]} : vector<1000x256xf32> to vector<50x256xf32>
      %add3A_1048 = arith.addf %dot_general3A_1046, %slice3A_1047 : vector<50x256xf32>
      %slice3A_1049 = vector.extract_strided_slice %dot_general3A_1008 {offsets = [350, 0], sizes = [50, 256], strides = [1, 1]} : vector<1000x256xf32> to vector<50x256xf32>
      %dot_general3A_1050 = arith.constant dense<0.000000e+00> : vector<50x256xf32>
      %dot_general3A_1051 = tpu.matmul %div3A_611, %slice3A_1049, %dot_general3A_1050 {dimension_numbers = #tpu.dot_dimension_numbers<[1], [0], [0], [1], [0, 0, 1, 1], [], []>, transpose_lhs_hint = false} : vector<50x50xf32>, vector<50x256xf32>, vector<50x256xf32> -> vector<50x256xf32>
      %slice3A_1052 = vector.extract_strided_slice %dot_general3A_1013 {offsets = [350, 0], sizes = [50, 256], strides = [1, 1]} : vector<1000x256xf32> to vector<50x256xf32>
      %add3A_1053 = arith.addf %dot_general3A_1051, %slice3A_1052 : vector<50x256xf32>
      %slice3A_1054 = vector.extract_strided_slice %dot_general3A_1008 {offsets = [400, 0], sizes = [50, 256], strides = [1, 1]} : vector<1000x256xf32> to vector<50x256xf32>
      %dot_general3A_1055 = arith.constant dense<0.000000e+00> : vector<50x256xf32>
      %dot_general3A_1056 = tpu.matmul %div3A_634, %slice3A_1054, %dot_general3A_1055 {dimension_numbers = #tpu.dot_dimension_numbers<[1], [0], [0], [1], [0, 0, 1, 1], [], []>, transpose_lhs_hint = false} : vector<50x50xf32>, vector<50x256xf32>, vector<50x256xf32> -> vector<50x256xf32>
      %slice3A_1057 = vector.extract_strided_slice %dot_general3A_1013 {offsets = [400, 0], sizes = [50, 256], strides = [1, 1]} : vector<1000x256xf32> to vector<50x256xf32>
      %add3A_1058 = arith.addf %dot_general3A_1056, %slice3A_1057 : vector<50x256xf32>
      %slice3A_1059 = vector.extract_strided_slice %dot_general3A_1008 {offsets = [450, 0], sizes = [50, 256], strides = [1, 1]} : vector<1000x256xf32> to vector<50x256xf32>
      %dot_general3A_1060 = arith.constant dense<0.000000e+00> : vector<50x256xf32>
      %dot_general3A_1061 = tpu.matmul %div3A_657, %slice3A_1059, %dot_general3A_1060 {dimension_numbers = #tpu.dot_dimension_numbers<[1], [0], [0], [1], [0, 0, 1, 1], [], []>, transpose_lhs_hint = false} : vector<50x50xf32>, vector<50x256xf32>, vector<50x256xf32> -> vector<50x256xf32>
      %slice3A_1062 = vector.extract_strided_slice %dot_general3A_1013 {offsets = [450, 0], sizes = [50, 256], strides = [1, 1]} : vector<1000x256xf32> to vector<50x256xf32>
      %add3A_1063 = arith.addf %dot_general3A_1061, %slice3A_1062 : vector<50x256xf32>
      %slice3A_1064 = vector.extract_strided_slice %dot_general3A_1008 {offsets = [500, 0], sizes = [50, 256], strides = [1, 1]} : vector<1000x256xf32> to vector<50x256xf32>
      %dot_general3A_1065 = arith.constant dense<0.000000e+00> : vector<50x256xf32>
      %dot_general3A_1066 = tpu.matmul %div3A_680, %slice3A_1064, %dot_general3A_1065 {dimension_numbers = #tpu.dot_dimension_numbers<[1], [0], [0], [1], [0, 0, 1, 1], [], []>, transpose_lhs_hint = false} : vector<50x50xf32>, vector<50x256xf32>, vector<50x256xf32> -> vector<50x256xf32>
      %slice3A_1067 = vector.extract_strided_slice %dot_general3A_1013 {offsets = [500, 0], sizes = [50, 256], strides = [1, 1]} : vector<1000x256xf32> to vector<50x256xf32>
      %add3A_1068 = arith.addf %dot_general3A_1066, %slice3A_1067 : vector<50x256xf32>
      %slice3A_1069 = vector.extract_strided_slice %dot_general3A_1008 {offsets = [550, 0], sizes = [50, 256], strides = [1, 1]} : vector<1000x256xf32> to vector<50x256xf32>
      %dot_general3A_1070 = arith.constant dense<0.000000e+00> : vector<50x256xf32>
      %dot_general3A_1071 = tpu.matmul %div3A_703, %slice3A_1069, %dot_general3A_1070 {dimension_numbers = #tpu.dot_dimension_numbers<[1], [0], [0], [1], [0, 0, 1, 1], [], []>, transpose_lhs_hint = false} : vector<50x50xf32>, vector<50x256xf32>, vector<50x256xf32> -> vector<50x256xf32>
      %slice3A_1072 = vector.extract_strided_slice %dot_general3A_1013 {offsets = [550, 0], sizes = [50, 256], strides = [1, 1]} : vector<1000x256xf32> to vector<50x256xf32>
      %add3A_1073 = arith.addf %dot_general3A_1071, %slice3A_1072 : vector<50x256xf32>
      %slice3A_1074 = vector.extract_strided_slice %dot_general3A_1008 {offsets = [600, 0], sizes = [50, 256], strides = [1, 1]} : vector<1000x256xf32> to vector<50x256xf32>
      %dot_general3A_1075 = arith.constant dense<0.000000e+00> : vector<50x256xf32>
      %dot_general3A_1076 = tpu.matmul %div3A_726, %slice3A_1074, %dot_general3A_1075 {dimension_numbers = #tpu.dot_dimension_numbers<[1], [0], [0], [1], [0, 0, 1, 1], [], []>, transpose_lhs_hint = false} : vector<50x50xf32>, vector<50x256xf32>, vector<50x256xf32> -> vector<50x256xf32>
      %slice3A_1077 = vector.extract_strided_slice %dot_general3A_1013 {offsets = [600, 0], sizes = [50, 256], strides = [1, 1]} : vector<1000x256xf32> to vector<50x256xf32>
      %add3A_1078 = arith.addf %dot_general3A_1076, %slice3A_1077 : vector<50x256xf32>
      %slice3A_1079 = vector.extract_strided_slice %dot_general3A_1008 {offsets = [650, 0], sizes = [50, 256], strides = [1, 1]} : vector<1000x256xf32> to vector<50x256xf32>
      %dot_general3A_1080 = arith.constant dense<0.000000e+00> : vector<50x256xf32>
      %dot_general3A_1081 = tpu.matmul %div3A_749, %slice3A_1079, %dot_general3A_1080 {dimension_numbers = #tpu.dot_dimension_numbers<[1], [0], [0], [1], [0, 0, 1, 1], [], []>, transpose_lhs_hint = false} : vector<50x50xf32>, vector<50x256xf32>, vector<50x256xf32> -> vector<50x256xf32>
      %slice3A_1082 = vector.extract_strided_slice %dot_general3A_1013 {offsets = [650, 0], sizes = [50, 256], strides = [1, 1]} : vector<1000x256xf32> to vector<50x256xf32>
      %add3A_1083 = arith.addf %dot_general3A_1081, %slice3A_1082 : vector<50x256xf32>
      %slice3A_1084 = vector.extract_strided_slice %dot_general3A_1008 {offsets = [700, 0], sizes = [50, 256], strides = [1, 1]} : vector<1000x256xf32> to vector<50x256xf32>
      %dot_general3A_1085 = arith.constant dense<0.000000e+00> : vector<50x256xf32>
      %dot_general3A_1086 = tpu.matmul %div3A_772, %slice3A_1084, %dot_general3A_1085 {dimension_numbers = #tpu.dot_dimension_numbers<[1], [0], [0], [1], [0, 0, 1, 1], [], []>, transpose_lhs_hint = false} : vector<50x50xf32>, vector<50x256xf32>, vector<50x256xf32> -> vector<50x256xf32>
      %slice3A_1087 = vector.extract_strided_slice %dot_general3A_1013 {offsets = [700, 0], sizes = [50, 256], strides = [1, 1]} : vector<1000x256xf32> to vector<50x256xf32>
      %add3A_1088 = arith.addf %dot_general3A_1086, %slice3A_1087 : vector<50x256xf32>
      %slice3A_1089 = vector.extract_strided_slice %dot_general3A_1008 {offsets = [750, 0], sizes = [50, 256], strides = [1, 1]} : vector<1000x256xf32> to vector<50x256xf32>
      %dot_general3A_1090 = arith.constant dense<0.000000e+00> : vector<50x256xf32>
      %dot_general3A_1091 = tpu.matmul %div3A_795, %slice3A_1089, %dot_general3A_1090 {dimension_numbers = #tpu.dot_dimension_numbers<[1], [0], [0], [1], [0, 0, 1, 1], [], []>, transpose_lhs_hint = false} : vector<50x50xf32>, vector<50x256xf32>, vector<50x256xf32> -> vector<50x256xf32>
      %slice3A_1092 = vector.extract_strided_slice %dot_general3A_1013 {offsets = [750, 0], sizes = [50, 256], strides = [1, 1]} : vector<1000x256xf32> to vector<50x256xf32>
      %add3A_1093 = arith.addf %dot_general3A_1091, %slice3A_1092 : vector<50x256xf32>
      %slice3A_1094 = vector.extract_strided_slice %dot_general3A_1008 {offsets = [800, 0], sizes = [50, 256], strides = [1, 1]} : vector<1000x256xf32> to vector<50x256xf32>
      %dot_general3A_1095 = arith.constant dense<0.000000e+00> : vector<50x256xf32>
      %dot_general3A_1096 = tpu.matmul %div3A_818, %slice3A_1094, %dot_general3A_1095 {dimension_numbers = #tpu.dot_dimension_numbers<[1], [0], [0], [1], [0, 0, 1, 1], [], []>, transpose_lhs_hint = false} : vector<50x50xf32>, vector<50x256xf32>, vector<50x256xf32> -> vector<50x256xf32>
      %slice3A_1097 = vector.extract_strided_slice %dot_general3A_1013 {offsets = [800, 0], sizes = [50, 256], strides = [1, 1]} : vector<1000x256xf32> to vector<50x256xf32>
      %add3A_1098 = arith.addf %dot_general3A_1096, %slice3A_1097 : vector<50x256xf32>
      %slice3A_1099 = vector.extract_strided_slice %dot_general3A_1008 {offsets = [850, 0], sizes = [50, 256], strides = [1, 1]} : vector<1000x256xf32> to vector<50x256xf32>
      %dot_general3A_1100 = arith.constant dense<0.000000e+00> : vector<50x256xf32>
      %dot_general3A_1101 = tpu.matmul %div3A_841, %slice3A_1099, %dot_general3A_1100 {dimension_numbers = #tpu.dot_dimension_numbers<[1], [0], [0], [1], [0, 0, 1, 1], [], []>, transpose_lhs_hint = false} : vector<50x50xf32>, vector<50x256xf32>, vector<50x256xf32> -> vector<50x256xf32>
      %slice3A_1102 = vector.extract_strided_slice %dot_general3A_1013 {offsets = [850, 0], sizes = [50, 256], strides = [1, 1]} : vector<1000x256xf32> to vector<50x256xf32>
      %add3A_1103 = arith.addf %dot_general3A_1101, %slice3A_1102 : vector<50x256xf32>
      %slice3A_1104 = vector.extract_strided_slice %dot_general3A_1008 {offsets = [900, 0], sizes = [50, 256], strides = [1, 1]} : vector<1000x256xf32> to vector<50x256xf32>
      %dot_general3A_1105 = arith.constant dense<0.000000e+00> : vector<50x256xf32>
      %dot_general3A_1106 = tpu.matmul %div3A_864, %slice3A_1104, %dot_general3A_1105 {dimension_numbers = #tpu.dot_dimension_numbers<[1], [0], [0], [1], [0, 0, 1, 1], [], []>, transpose_lhs_hint = false} : vector<50x50xf32>, vector<50x256xf32>, vector<50x256xf32> -> vector<50x256xf32>
      %slice3A_1107 = vector.extract_strided_slice %dot_general3A_1013 {offsets = [900, 0], sizes = [50, 256], strides = [1, 1]} : vector<1000x256xf32> to vector<50x256xf32>
      %add3A_1108 = arith.addf %dot_general3A_1106, %slice3A_1107 : vector<50x256xf32>
      %slice3A_1109 = vector.extract_strided_slice %dot_general3A_1008 {offsets = [950, 0], sizes = [50, 256], strides = [1, 1]} : vector<1000x256xf32> to vector<50x256xf32>
      %dot_general3A_1110 = arith.constant dense<0.000000e+00> : vector<50x256xf32>
      %dot_general3A_1111 = tpu.matmul %div3A_887, %slice3A_1109, %dot_general3A_1110 {dimension_numbers = #tpu.dot_dimension_numbers<[1], [0], [0], [1], [0, 0, 1, 1], [], []>, transpose_lhs_hint = false} : vector<50x50xf32>, vector<50x256xf32>, vector<50x256xf32> -> vector<50x256xf32>
      %slice3A_1112 = vector.extract_strided_slice %dot_general3A_1013 {offsets = [950, 0], sizes = [50, 256], strides = [1, 1]} : vector<1000x256xf32> to vector<50x256xf32>
      %add3A_1113 = arith.addf %dot_general3A_1111, %slice3A_1112 : vector<50x256xf32>
      %concatenate3A_1114 = tpu.concatenate %add3A_1018, %add3A_1023, %add3A_1028, %add3A_1033, %add3A_1038, %add3A_1043, %add3A_1048, %add3A_1053, %add3A_1058, %add3A_1063, %add3A_1068, %add3A_1073, %add3A_1078, %add3A_1083, %add3A_1088, %add3A_1093, %add3A_1098, %add3A_1103, %add3A_1108, %add3A_1113 in 0 : vector<50x256xf32>, vector<50x256xf32>, vector<50x256xf32>, vector<50x256xf32>, vector<50x256xf32>, vector<50x256xf32>, vector<50x256xf32>, vector<50x256xf32>, vector<50x256xf32>, vector<50x256xf32>, vector<50x256xf32>, vector<50x256xf32>, vector<50x256xf32>, vector<50x256xf32>, vector<50x256xf32>, vector<50x256xf32>, vector<50x256xf32>, vector<50x256xf32>, vector<50x256xf32>, vector<50x256xf32> -> vector<1000x256xf32>
      %max3A_1115 = arith.constant 0.000000e+00 : f32
      %max3A_1116 = vector.broadcast %max3A_1115 : f32 to vector<1000x256xf32>
      %max3A_1117 = arith.maximumf %concatenate3A_1114, %max3A_1116 : vector<1000x256xf32>
      %add3A_1118 = arith.addf %max3A_1117, %add3A_1003 : vector<1000x256xf32>
      %get3A_1119 = arith.constant 0 : index
      %get3A_1120 = arith.constant 0 : index
      %get3A_1121 = vector.load %arg25[%get3A_1119, %get3A_1120] : memref<256x256xf32, #tpu.memory_space<vmem>>, vector<256x256xf32>
      %dot_general3A_1122 = arith.constant dense<0.000000e+00> : vector<1000x256xf32>
      %dot_general3A_1123 = tpu.matmul %add3A_1118, %get3A_1121, %dot_general3A_1122 {dimension_numbers = #tpu.dot_dimension_numbers<[1], [0], [0], [1], [0, 0, 1, 1], [], []>, transpose_lhs_hint = false} : vector<1000x256xf32>, vector<256x256xf32>, vector<1000x256xf32> -> vector<1000x256xf32>
      %get3A_1124 = arith.constant 0 : index
      %get3A_1125 = arith.constant 0 : index
      %get3A_1126 = vector.load %arg22[%get3A_1124, %get3A_1125] : memref<256x256xf32, #tpu.memory_space<vmem>>, vector<256x256xf32>
      %dot_general3A_1127 = arith.constant dense<0.000000e+00> : vector<1000x256xf32>
      %dot_general3A_1128 = tpu.matmul %add3A_1118, %get3A_1126, %dot_general3A_1127 {dimension_numbers = #tpu.dot_dimension_numbers<[1], [0], [0], [1], [0, 0, 1, 1], [], []>, transpose_lhs_hint = false} : vector<1000x256xf32>, vector<256x256xf32>, vector<1000x256xf32> -> vector<1000x256xf32>
      %slice3A_1129 = vector.extract_strided_slice %dot_general3A_1123 {offsets = [0, 0], sizes = [50, 256], strides = [1, 1]} : vector<1000x256xf32> to vector<50x256xf32>
      %dot_general3A_1130 = arith.constant dense<0.000000e+00> : vector<50x256xf32>
      %dot_general3A_1131 = tpu.matmul %div3A_450, %slice3A_1129, %dot_general3A_1130 {dimension_numbers = #tpu.dot_dimension_numbers<[1], [0], [0], [1], [0, 0, 1, 1], [], []>, transpose_lhs_hint = false} : vector<50x50xf32>, vector<50x256xf32>, vector<50x256xf32> -> vector<50x256xf32>
      %slice3A_1132 = vector.extract_strided_slice %dot_general3A_1128 {offsets = [0, 0], sizes = [50, 256], strides = [1, 1]} : vector<1000x256xf32> to vector<50x256xf32>
      %add3A_1133 = arith.addf %dot_general3A_1131, %slice3A_1132 : vector<50x256xf32>
      %slice3A_1134 = vector.extract_strided_slice %dot_general3A_1123 {offsets = [50, 0], sizes = [50, 256], strides = [1, 1]} : vector<1000x256xf32> to vector<50x256xf32>
      %dot_general3A_1135 = arith.constant dense<0.000000e+00> : vector<50x256xf32>
      %dot_general3A_1136 = tpu.matmul %div3A_473, %slice3A_1134, %dot_general3A_1135 {dimension_numbers = #tpu.dot_dimension_numbers<[1], [0], [0], [1], [0, 0, 1, 1], [], []>, transpose_lhs_hint = false} : vector<50x50xf32>, vector<50x256xf32>, vector<50x256xf32> -> vector<50x256xf32>
      %slice3A_1137 = vector.extract_strided_slice %dot_general3A_1128 {offsets = [50, 0], sizes = [50, 256], strides = [1, 1]} : vector<1000x256xf32> to vector<50x256xf32>
      %add3A_1138 = arith.addf %dot_general3A_1136, %slice3A_1137 : vector<50x256xf32>
      %slice3A_1139 = vector.extract_strided_slice %dot_general3A_1123 {offsets = [100, 0], sizes = [50, 256], strides = [1, 1]} : vector<1000x256xf32> to vector<50x256xf32>
      %dot_general3A_1140 = arith.constant dense<0.000000e+00> : vector<50x256xf32>
      %dot_general3A_1141 = tpu.matmul %div3A_496, %slice3A_1139, %dot_general3A_1140 {dimension_numbers = #tpu.dot_dimension_numbers<[1], [0], [0], [1], [0, 0, 1, 1], [], []>, transpose_lhs_hint = false} : vector<50x50xf32>, vector<50x256xf32>, vector<50x256xf32> -> vector<50x256xf32>
      %slice3A_1142 = vector.extract_strided_slice %dot_general3A_1128 {offsets = [100, 0], sizes = [50, 256], strides = [1, 1]} : vector<1000x256xf32> to vector<50x256xf32>
      %add3A_1143 = arith.addf %dot_general3A_1141, %slice3A_1142 : vector<50x256xf32>
      %slice3A_1144 = vector.extract_strided_slice %dot_general3A_1123 {offsets = [150, 0], sizes = [50, 256], strides = [1, 1]} : vector<1000x256xf32> to vector<50x256xf32>
      %dot_general3A_1145 = arith.constant dense<0.000000e+00> : vector<50x256xf32>
      %dot_general3A_1146 = tpu.matmul %div3A_519, %slice3A_1144, %dot_general3A_1145 {dimension_numbers = #tpu.dot_dimension_numbers<[1], [0], [0], [1], [0, 0, 1, 1], [], []>, transpose_lhs_hint = false} : vector<50x50xf32>, vector<50x256xf32>, vector<50x256xf32> -> vector<50x256xf32>
      %slice3A_1147 = vector.extract_strided_slice %dot_general3A_1128 {offsets = [150, 0], sizes = [50, 256], strides = [1, 1]} : vector<1000x256xf32> to vector<50x256xf32>
      %add3A_1148 = arith.addf %dot_general3A_1146, %slice3A_1147 : vector<50x256xf32>
      %slice3A_1149 = vector.extract_strided_slice %dot_general3A_1123 {offsets = [200, 0], sizes = [50, 256], strides = [1, 1]} : vector<1000x256xf32> to vector<50x256xf32>
      %dot_general3A_1150 = arith.constant dense<0.000000e+00> : vector<50x256xf32>
      %dot_general3A_1151 = tpu.matmul %div3A_542, %slice3A_1149, %dot_general3A_1150 {dimension_numbers = #tpu.dot_dimension_numbers<[1], [0], [0], [1], [0, 0, 1, 1], [], []>, transpose_lhs_hint = false} : vector<50x50xf32>, vector<50x256xf32>, vector<50x256xf32> -> vector<50x256xf32>
      %slice3A_1152 = vector.extract_strided_slice %dot_general3A_1128 {offsets = [200, 0], sizes = [50, 256], strides = [1, 1]} : vector<1000x256xf32> to vector<50x256xf32>
      %add3A_1153 = arith.addf %dot_general3A_1151, %slice3A_1152 : vector<50x256xf32>
      %slice3A_1154 = vector.extract_strided_slice %dot_general3A_1123 {offsets = [250, 0], sizes = [50, 256], strides = [1, 1]} : vector<1000x256xf32> to vector<50x256xf32>
      %dot_general3A_1155 = arith.constant dense<0.000000e+00> : vector<50x256xf32>
      %dot_general3A_1156 = tpu.matmul %div3A_565, %slice3A_1154, %dot_general3A_1155 {dimension_numbers = #tpu.dot_dimension_numbers<[1], [0], [0], [1], [0, 0, 1, 1], [], []>, transpose_lhs_hint = false} : vector<50x50xf32>, vector<50x256xf32>, vector<50x256xf32> -> vector<50x256xf32>
      %slice3A_1157 = vector.extract_strided_slice %dot_general3A_1128 {offsets = [250, 0], sizes = [50, 256], strides = [1, 1]} : vector<1000x256xf32> to vector<50x256xf32>
      %add3A_1158 = arith.addf %dot_general3A_1156, %slice3A_1157 : vector<50x256xf32>
      %slice3A_1159 = vector.extract_strided_slice %dot_general3A_1123 {offsets = [300, 0], sizes = [50, 256], strides = [1, 1]} : vector<1000x256xf32> to vector<50x256xf32>
      %dot_general3A_1160 = arith.constant dense<0.000000e+00> : vector<50x256xf32>
      %dot_general3A_1161 = tpu.matmul %div3A_588, %slice3A_1159, %dot_general3A_1160 {dimension_numbers = #tpu.dot_dimension_numbers<[1], [0], [0], [1], [0, 0, 1, 1], [], []>, transpose_lhs_hint = false} : vector<50x50xf32>, vector<50x256xf32>, vector<50x256xf32> -> vector<50x256xf32>
      %slice3A_1162 = vector.extract_strided_slice %dot_general3A_1128 {offsets = [300, 0], sizes = [50, 256], strides = [1, 1]} : vector<1000x256xf32> to vector<50x256xf32>
      %add3A_1163 = arith.addf %dot_general3A_1161, %slice3A_1162 : vector<50x256xf32>
      %slice3A_1164 = vector.extract_strided_slice %dot_general3A_1123 {offsets = [350, 0], sizes = [50, 256], strides = [1, 1]} : vector<1000x256xf32> to vector<50x256xf32>
      %dot_general3A_1165 = arith.constant dense<0.000000e+00> : vector<50x256xf32>
      %dot_general3A_1166 = tpu.matmul %div3A_611, %slice3A_1164, %dot_general3A_1165 {dimension_numbers = #tpu.dot_dimension_numbers<[1], [0], [0], [1], [0, 0, 1, 1], [], []>, transpose_lhs_hint = false} : vector<50x50xf32>, vector<50x256xf32>, vector<50x256xf32> -> vector<50x256xf32>
      %slice3A_1167 = vector.extract_strided_slice %dot_general3A_1128 {offsets = [350, 0], sizes = [50, 256], strides = [1, 1]} : vector<1000x256xf32> to vector<50x256xf32>
      %add3A_1168 = arith.addf %dot_general3A_1166, %slice3A_1167 : vector<50x256xf32>
      %slice3A_1169 = vector.extract_strided_slice %dot_general3A_1123 {offsets = [400, 0], sizes = [50, 256], strides = [1, 1]} : vector<1000x256xf32> to vector<50x256xf32>
      %dot_general3A_1170 = arith.constant dense<0.000000e+00> : vector<50x256xf32>
      %dot_general3A_1171 = tpu.matmul %div3A_634, %slice3A_1169, %dot_general3A_1170 {dimension_numbers = #tpu.dot_dimension_numbers<[1], [0], [0], [1], [0, 0, 1, 1], [], []>, transpose_lhs_hint = false} : vector<50x50xf32>, vector<50x256xf32>, vector<50x256xf32> -> vector<50x256xf32>
      %slice3A_1172 = vector.extract_strided_slice %dot_general3A_1128 {offsets = [400, 0], sizes = [50, 256], strides = [1, 1]} : vector<1000x256xf32> to vector<50x256xf32>
      %add3A_1173 = arith.addf %dot_general3A_1171, %slice3A_1172 : vector<50x256xf32>
      %slice3A_1174 = vector.extract_strided_slice %dot_general3A_1123 {offsets = [450, 0], sizes = [50, 256], strides = [1, 1]} : vector<1000x256xf32> to vector<50x256xf32>
      %dot_general3A_1175 = arith.constant dense<0.000000e+00> : vector<50x256xf32>
      %dot_general3A_1176 = tpu.matmul %div3A_657, %slice3A_1174, %dot_general3A_1175 {dimension_numbers = #tpu.dot_dimension_numbers<[1], [0], [0], [1], [0, 0, 1, 1], [], []>, transpose_lhs_hint = false} : vector<50x50xf32>, vector<50x256xf32>, vector<50x256xf32> -> vector<50x256xf32>
      %slice3A_1177 = vector.extract_strided_slice %dot_general3A_1128 {offsets = [450, 0], sizes = [50, 256], strides = [1, 1]} : vector<1000x256xf32> to vector<50x256xf32>
      %add3A_1178 = arith.addf %dot_general3A_1176, %slice3A_1177 : vector<50x256xf32>
      %slice3A_1179 = vector.extract_strided_slice %dot_general3A_1123 {offsets = [500, 0], sizes = [50, 256], strides = [1, 1]} : vector<1000x256xf32> to vector<50x256xf32>
      %dot_general3A_1180 = arith.constant dense<0.000000e+00> : vector<50x256xf32>
      %dot_general3A_1181 = tpu.matmul %div3A_680, %slice3A_1179, %dot_general3A_1180 {dimension_numbers = #tpu.dot_dimension_numbers<[1], [0], [0], [1], [0, 0, 1, 1], [], []>, transpose_lhs_hint = false} : vector<50x50xf32>, vector<50x256xf32>, vector<50x256xf32> -> vector<50x256xf32>
      %slice3A_1182 = vector.extract_strided_slice %dot_general3A_1128 {offsets = [500, 0], sizes = [50, 256], strides = [1, 1]} : vector<1000x256xf32> to vector<50x256xf32>
      %add3A_1183 = arith.addf %dot_general3A_1181, %slice3A_1182 : vector<50x256xf32>
      %slice3A_1184 = vector.extract_strided_slice %dot_general3A_1123 {offsets = [550, 0], sizes = [50, 256], strides = [1, 1]} : vector<1000x256xf32> to vector<50x256xf32>
      %dot_general3A_1185 = arith.constant dense<0.000000e+00> : vector<50x256xf32>
      %dot_general3A_1186 = tpu.matmul %div3A_703, %slice3A_1184, %dot_general3A_1185 {dimension_numbers = #tpu.dot_dimension_numbers<[1], [0], [0], [1], [0, 0, 1, 1], [], []>, transpose_lhs_hint = false} : vector<50x50xf32>, vector<50x256xf32>, vector<50x256xf32> -> vector<50x256xf32>
      %slice3A_1187 = vector.extract_strided_slice %dot_general3A_1128 {offsets = [550, 0], sizes = [50, 256], strides = [1, 1]} : vector<1000x256xf32> to vector<50x256xf32>
      %add3A_1188 = arith.addf %dot_general3A_1186, %slice3A_1187 : vector<50x256xf32>
      %slice3A_1189 = vector.extract_strided_slice %dot_general3A_1123 {offsets = [600, 0], sizes = [50, 256], strides = [1, 1]} : vector<1000x256xf32> to vector<50x256xf32>
      %dot_general3A_1190 = arith.constant dense<0.000000e+00> : vector<50x256xf32>
      %dot_general3A_1191 = tpu.matmul %div3A_726, %slice3A_1189, %dot_general3A_1190 {dimension_numbers = #tpu.dot_dimension_numbers<[1], [0], [0], [1], [0, 0, 1, 1], [], []>, transpose_lhs_hint = false} : vector<50x50xf32>, vector<50x256xf32>, vector<50x256xf32> -> vector<50x256xf32>
      %slice3A_1192 = vector.extract_strided_slice %dot_general3A_1128 {offsets = [600, 0], sizes = [50, 256], strides = [1, 1]} : vector<1000x256xf32> to vector<50x256xf32>
      %add3A_1193 = arith.addf %dot_general3A_1191, %slice3A_1192 : vector<50x256xf32>
      %slice3A_1194 = vector.extract_strided_slice %dot_general3A_1123 {offsets = [650, 0], sizes = [50, 256], strides = [1, 1]} : vector<1000x256xf32> to vector<50x256xf32>
      %dot_general3A_1195 = arith.constant dense<0.000000e+00> : vector<50x256xf32>
      %dot_general3A_1196 = tpu.matmul %div3A_749, %slice3A_1194, %dot_general3A_1195 {dimension_numbers = #tpu.dot_dimension_numbers<[1], [0], [0], [1], [0, 0, 1, 1], [], []>, transpose_lhs_hint = false} : vector<50x50xf32>, vector<50x256xf32>, vector<50x256xf32> -> vector<50x256xf32>
      %slice3A_1197 = vector.extract_strided_slice %dot_general3A_1128 {offsets = [650, 0], sizes = [50, 256], strides = [1, 1]} : vector<1000x256xf32> to vector<50x256xf32>
      %add3A_1198 = arith.addf %dot_general3A_1196, %slice3A_1197 : vector<50x256xf32>
      %slice3A_1199 = vector.extract_strided_slice %dot_general3A_1123 {offsets = [700, 0], sizes = [50, 256], strides = [1, 1]} : vector<1000x256xf32> to vector<50x256xf32>
      %dot_general3A_1200 = arith.constant dense<0.000000e+00> : vector<50x256xf32>
      %dot_general3A_1201 = tpu.matmul %div3A_772, %slice3A_1199, %dot_general3A_1200 {dimension_numbers = #tpu.dot_dimension_numbers<[1], [0], [0], [1], [0, 0, 1, 1], [], []>, transpose_lhs_hint = false} : vector<50x50xf32>, vector<50x256xf32>, vector<50x256xf32> -> vector<50x256xf32>
      %slice3A_1202 = vector.extract_strided_slice %dot_general3A_1128 {offsets = [700, 0], sizes = [50, 256], strides = [1, 1]} : vector<1000x256xf32> to vector<50x256xf32>
      %add3A_1203 = arith.addf %dot_general3A_1201, %slice3A_1202 : vector<50x256xf32>
      %slice3A_1204 = vector.extract_strided_slice %dot_general3A_1123 {offsets = [750, 0], sizes = [50, 256], strides = [1, 1]} : vector<1000x256xf32> to vector<50x256xf32>
      %dot_general3A_1205 = arith.constant dense<0.000000e+00> : vector<50x256xf32>
      %dot_general3A_1206 = tpu.matmul %div3A_795, %slice3A_1204, %dot_general3A_1205 {dimension_numbers = #tpu.dot_dimension_numbers<[1], [0], [0], [1], [0, 0, 1, 1], [], []>, transpose_lhs_hint = false} : vector<50x50xf32>, vector<50x256xf32>, vector<50x256xf32> -> vector<50x256xf32>
      %slice3A_1207 = vector.extract_strided_slice %dot_general3A_1128 {offsets = [750, 0], sizes = [50, 256], strides = [1, 1]} : vector<1000x256xf32> to vector<50x256xf32>
      %add3A_1208 = arith.addf %dot_general3A_1206, %slice3A_1207 : vector<50x256xf32>
      %slice3A_1209 = vector.extract_strided_slice %dot_general3A_1123 {offsets = [800, 0], sizes = [50, 256], strides = [1, 1]} : vector<1000x256xf32> to vector<50x256xf32>
      %dot_general3A_1210 = arith.constant dense<0.000000e+00> : vector<50x256xf32>
      %dot_general3A_1211 = tpu.matmul %div3A_818, %slice3A_1209, %dot_general3A_1210 {dimension_numbers = #tpu.dot_dimension_numbers<[1], [0], [0], [1], [0, 0, 1, 1], [], []>, transpose_lhs_hint = false} : vector<50x50xf32>, vector<50x256xf32>, vector<50x256xf32> -> vector<50x256xf32>
      %slice3A_1212 = vector.extract_strided_slice %dot_general3A_1128 {offsets = [800, 0], sizes = [50, 256], strides = [1, 1]} : vector<1000x256xf32> to vector<50x256xf32>
      %add3A_1213 = arith.addf %dot_general3A_1211, %slice3A_1212 : vector<50x256xf32>
      %slice3A_1214 = vector.extract_strided_slice %dot_general3A_1123 {offsets = [850, 0], sizes = [50, 256], strides = [1, 1]} : vector<1000x256xf32> to vector<50x256xf32>
      %dot_general3A_1215 = arith.constant dense<0.000000e+00> : vector<50x256xf32>
      %dot_general3A_1216 = tpu.matmul %div3A_841, %slice3A_1214, %dot_general3A_1215 {dimension_numbers = #tpu.dot_dimension_numbers<[1], [0], [0], [1], [0, 0, 1, 1], [], []>, transpose_lhs_hint = false} : vector<50x50xf32>, vector<50x256xf32>, vector<50x256xf32> -> vector<50x256xf32>
      %slice3A_1217 = vector.extract_strided_slice %dot_general3A_1128 {offsets = [850, 0], sizes = [50, 256], strides = [1, 1]} : vector<1000x256xf32> to vector<50x256xf32>
      %add3A_1218 = arith.addf %dot_general3A_1216, %slice3A_1217 : vector<50x256xf32>
      %slice3A_1219 = vector.extract_strided_slice %dot_general3A_1123 {offsets = [900, 0], sizes = [50, 256], strides = [1, 1]} : vector<1000x256xf32> to vector<50x256xf32>
      %dot_general3A_1220 = arith.constant dense<0.000000e+00> : vector<50x256xf32>
      %dot_general3A_1221 = tpu.matmul %div3A_864, %slice3A_1219, %dot_general3A_1220 {dimension_numbers = #tpu.dot_dimension_numbers<[1], [0], [0], [1], [0, 0, 1, 1], [], []>, transpose_lhs_hint = false} : vector<50x50xf32>, vector<50x256xf32>, vector<50x256xf32> -> vector<50x256xf32>
      %slice3A_1222 = vector.extract_strided_slice %dot_general3A_1128 {offsets = [900, 0], sizes = [50, 256], strides = [1, 1]} : vector<1000x256xf32> to vector<50x256xf32>
      %add3A_1223 = arith.addf %dot_general3A_1221, %slice3A_1222 : vector<50x256xf32>
      %slice3A_1224 = vector.extract_strided_slice %dot_general3A_1123 {offsets = [950, 0], sizes = [50, 256], strides = [1, 1]} : vector<1000x256xf32> to vector<50x256xf32>
      %dot_general3A_1225 = arith.constant dense<0.000000e+00> : vector<50x256xf32>
      %dot_general3A_1226 = tpu.matmul %div3A_887, %slice3A_1224, %dot_general3A_1225 {dimension_numbers = #tpu.dot_dimension_numbers<[1], [0], [0], [1], [0, 0, 1, 1], [], []>, transpose_lhs_hint = false} : vector<50x50xf32>, vector<50x256xf32>, vector<50x256xf32> -> vector<50x256xf32>
      %slice3A_1227 = vector.extract_strided_slice %dot_general3A_1128 {offsets = [950, 0], sizes = [50, 256], strides = [1, 1]} : vector<1000x256xf32> to vector<50x256xf32>
      %add3A_1228 = arith.addf %dot_general3A_1226, %slice3A_1227 : vector<50x256xf32>
      %concatenate3A_1229 = tpu.concatenate %add3A_1133, %add3A_1138, %add3A_1143, %add3A_1148, %add3A_1153, %add3A_1158, %add3A_1163, %add3A_1168, %add3A_1173, %add3A_1178, %add3A_1183, %add3A_1188, %add3A_1193, %add3A_1198, %add3A_1203, %add3A_1208, %add3A_1213, %add3A_1218, %add3A_1223, %add3A_1228 in 0 : vector<50x256xf32>, vector<50x256xf32>, vector<50x256xf32>, vector<50x256xf32>, vector<50x256xf32>, vector<50x256xf32>, vector<50x256xf32>, vector<50x256xf32>, vector<50x256xf32>, vector<50x256xf32>, vector<50x256xf32>, vector<50x256xf32>, vector<50x256xf32>, vector<50x256xf32>, vector<50x256xf32>, vector<50x256xf32>, vector<50x256xf32>, vector<50x256xf32>, vector<50x256xf32>, vector<50x256xf32> -> vector<1000x256xf32>
      %add3A_1230 = arith.addf %concatenate3A_1229, %add3A_1118 : vector<1000x256xf32>
      %reshape3A = vector.shape_cast %add3A_1230 : vector<1000x256xf32> to vector<20x50x256xf32>
      %reduce_sum3A_1231 = arith.constant dense<0.000000e+00> : vector<20x256xf32>
      %reduce_sum3A_1232 = vector.multi_reduction <add>, %reshape3A, %reduce_sum3A_1231 [1] : vector<20x50x256xf32> to vector<20x256xf32>
      %get3A_1233 = arith.constant 0 : index
      %get3A_1234 = arith.constant 0 : index
      %get3A_1235 = vector.load %arg26[%get3A_1233, %get3A_1234] : memref<256x2xf32, #tpu.memory_space<vmem>>, vector<256x2xf32>
      %dot_general3A_1236 = arith.constant dense<0.000000e+00> : vector<20x2xf32>
      %dot_general3A_1237 = tpu.matmul %reduce_sum3A_1232, %get3A_1235, %dot_general3A_1236 {dimension_numbers = #tpu.dot_dimension_numbers<[1], [0], [0], [1], [0, 0, 1, 1], [], []>, transpose_lhs_hint = false} : vector<20x256xf32>, vector<256x2xf32>, vector<20x2xf32> -> vector<20x2xf32>
      %get3A_1238 = arith.constant 0 : index
      %get3A_1239 = arith.constant 0 : index
      %get3A_1240 = vector.load %arg27[%get3A_1238, %get3A_1239] : memref<1x2xf32, #tpu.memory_space<vmem>>, vector<1x2xf32>
      %add3A_1241 = vector.broadcast %get3A_1240 : vector<1x2xf32> to vector<20x2xf32>
      %add3A_1242 = arith.addf %dot_general3A_1237, %add3A_1241 : vector<20x2xf32>
      %mul3A_1243 = arith.constant 20 : i32
      %mul3A_1244 = arith.muli %rem3A_17, %mul3A_1243 : i32
      %swap3A = arith.index_cast %mul3A_1244 : i32 to index
      %swap3A_1245 = arith.constant 0 : index
      %swap3A_1246 = vector.load %arg28[%swap3A, %swap3A_1245] : memref<100x2xf32, #tpu.memory_space<vmem>>, vector<20x2xf32>
      tpu.vector_store %arg28[%swap3A, %swap3A_1245], %add3A_1242 {strides = array<i32>} : memref<100x2xf32, #tpu.memory_space<vmem>>, vector<20x2xf32>,
    } else {
    }
    return
  }
  func.func @transform_0(%arg0: i32) -> (i32, i32) {
    %c0_i32 = arith.constant 0 : i32
    %c0_i32_0 = arith.constant 0 : i32
    %c0_i32_1 = arith.constant 0 : i32
    return %c0_i32, %c0_i32_0 : i32, i32
  }
  func.func @transform_1(%arg0: i32) -> (i32, i32, i32) {
    %c0_i32 = arith.constant 0 : i32
    %c0_i32_0 = arith.constant 0 : i32
    %c0_i32_1 = arith.constant 0 : i32
    %c0_i32_2 = arith.constant 0 : i32
    return %c0_i32, %c0_i32_0, %c0_i32_1 : i32, i32, i32
  }
  func.func @transform_2(%arg0: i32) -> (i32, i32) {
    %c0_i32 = arith.constant 0 : i32
    %c0_i32_0 = arith.constant 0 : i32
    %c0_i32_1 = arith.constant 0 : i32
    return %c0_i32, %c0_i32_0 : i32, i32
  }
  func.func @transform_3(%arg0: i32) -> (i32, i32) {
    %c0_i32 = arith.constant 0 : i32
    %c0_i32_0 = arith.constant 0 : i32
    %c0_i32_1 = arith.constant 0 : i32
    return %c0_i32, %c0_i32_0 : i32, i32
  }
  func.func @transform_4(%arg0: i32) -> (i32, i32) {
    %c0_i32 = arith.constant 0 : i32
    %c0_i32_0 = arith.constant 0 : i32
    %c0_i32_1 = arith.constant 0 : i32
    return %c0_i32, %c0_i32_0 : i32, i32
  }
  func.func @transform_5(%arg0: i32) -> (i32, i32) {
    %c0_i32 = arith.constant 0 : i32
    %c0_i32_0 = arith.constant 0 : i32
    %c0_i32_1 = arith.constant 0 : i32
    return %c0_i32, %c0_i32_0 : i32, i32
  }
  func.func @transform_6(%arg0: i32) -> (i32, i32) {
    %c0_i32 = arith.constant 0 : i32
    %c0_i32_0 = arith.constant 0 : i32
    %c0_i32_1 = arith.constant 0 : i32
    return %c0_i32, %c0_i32_0 : i32, i32
  }
  func.func @transform_7(%arg0: i32) -> (i32, i32) {
    %c0_i32 = arith.constant 0 : i32
    %c0_i32_0 = arith.constant 0 : i32
    %c0_i32_1 = arith.constant 0 : i32
    return %c0_i32, %c0_i32_0 : i32, i32
  }
  func.func @transform_8(%arg0: i32) -> (i32, i32) {
    %c0_i32 = arith.constant 0 : i32
    %c0_i32_0 = arith.constant 0 : i32
    %c0_i32_1 = arith.constant 0 : i32
    return %c0_i32, %c0_i32_0 : i32, i32
  }
  func.func @transform_9(%arg0: i32) -> (i32, i32) {
    %c0_i32 = arith.constant 0 : i32
    %c0_i32_0 = arith.constant 0 : i32
    %c0_i32_1 = arith.constant 0 : i32
    return %c0_i32, %c0_i32_0 : i32, i32
  }
  func.func @transform_10(%arg0: i32) -> (i32, i32) {
    %c0_i32 = arith.constant 0 : i32
    %c0_i32_0 = arith.constant 0 : i32
    %c0_i32_1 = arith.constant 0 : i32
    return %c0_i32, %c0_i32_0 : i32, i32
  }
  func.func @transform_11(%arg0: i32) -> (i32, i32) {
    %c0_i32 = arith.constant 0 : i32
    %c0_i32_0 = arith.constant 0 : i32
    %c0_i32_1 = arith.constant 0 : i32
    return %c0_i32, %c0_i32_0 : i32, i32
  }
  func.func @transform_12(%arg0: i32) -> (i32, i32) {
    %c0_i32 = arith.constant 0 : i32
    %c0_i32_0 = arith.constant 0 : i32
    %c0_i32_1 = arith.constant 0 : i32
    return %c0_i32, %c0_i32_0 : i32, i32
  }
  func.func @transform_13(%arg0: i32) -> (i32, i32) {
    %c0_i32 = arith.constant 0 : i32
    %c0_i32_0 = arith.constant 0 : i32
    %c0_i32_1 = arith.constant 0 : i32
    return %c0_i32, %c0_i32_0 : i32, i32
  }
  func.func @transform_14(%arg0: i32) -> (i32, i32) {
    %c0_i32 = arith.constant 0 : i32
    %c0_i32_0 = arith.constant 0 : i32
    %c0_i32_1 = arith.constant 0 : i32
    return %c0_i32, %c0_i32_0 : i32, i32
  }
  func.func @transform_15(%arg0: i32) -> (i32, i32) {
    %c0_i32 = arith.constant 0 : i32
    %c0_i32_0 = arith.constant 0 : i32
    %c0_i32_1 = arith.constant 0 : i32
    return %c0_i32, %c0_i32_0 : i32, i32
  }
  func.func @transform_16(%arg0: i32) -> (i32, i32) {
    %c0_i32 = arith.constant 0 : i32
    %c0_i32_0 = arith.constant 0 : i32
    %c0_i32_1 = arith.constant 0 : i32
    return %c0_i32, %c0_i32_0 : i32, i32
  }
  func.func @transform_17(%arg0: i32) -> (i32, i32) {
    %c0_i32 = arith.constant 0 : i32
    %c0_i32_0 = arith.constant 0 : i32
    %c0_i32_1 = arith.constant 0 : i32
    return %c0_i32, %c0_i32_0 : i32, i32
  }
  func.func @transform_18(%arg0: i32) -> (i32, i32) {
    %c0_i32 = arith.constant 0 : i32
    %c0_i32_0 = arith.constant 0 : i32
    %c0_i32_1 = arith.constant 0 : i32
    return %c0_i32, %c0_i32_0 : i32, i32
  }
  func.func @transform_19(%arg0: i32) -> (i32, i32) {
    %c0_i32 = arith.constant 0 : i32
    %c0_i32_0 = arith.constant 0 : i32
    %c0_i32_1 = arith.constant 0 : i32
    return %c0_i32, %c0_i32_0 : i32, i32
  }
  func.func @transform_20(%arg0: i32) -> (i32, i32) {
    %c0_i32 = arith.constant 0 : i32
    %c0_i32_0 = arith.constant 0 : i32
    %c0_i32_1 = arith.constant 0 : i32
    return %c0_i32, %c0_i32_0 : i32, i32
  }
  func.func @transform_21(%arg0: i32) -> (i32, i32) {
    %c0_i32 = arith.constant 0 : i32
    %c0_i32_0 = arith.constant 0 : i32
    %c0_i32_1 = arith.constant 0 : i32
    return %c0_i32, %c0_i32_0 : i32, i32
  }
  func.func @transform_22(%arg0: i32) -> (i32, i32) {
    %c0_i32 = arith.constant 0 : i32
    %c0_i32_0 = arith.constant 0 : i32
    %c0_i32_1 = arith.constant 0 : i32
    return %c0_i32, %c0_i32_0 : i32, i32
  }
  func.func @transform_23(%arg0: i32) -> (i32, i32) {
    %c0_i32 = arith.constant 0 : i32
    %c0_i32_0 = arith.constant 0 : i32
    %c0_i32_1 = arith.constant 0 : i32
    return %c0_i32, %c0_i32_0 : i32, i32
  }
  func.func @transform_24(%arg0: i32) -> (i32, i32) {
    %c0_i32 = arith.constant 0 : i32
    %c0_i32_0 = arith.constant 0 : i32
    %c0_i32_1 = arith.constant 0 : i32
    return %c0_i32, %c0_i32_0 : i32, i32
  }
  func.func @transform_25(%arg0: i32) -> (i32, i32) {
    %c0_i32 = arith.constant 0 : i32
    %c0_i32_0 = arith.constant 0 : i32
    %c0_i32_1 = arith.constant 0 : i32
    return %c0_i32, %c0_i32_0 : i32, i32
  }
  func.func @transform_26(%arg0: i32) -> (i32, i32) {
    %c0_i32 = arith.constant 0 : i32
    %c0_i32_0 = arith.constant 0 : i32
    %c0_i32_1 = arith.constant 0 : i32
    return %c0_i32, %c0_i32_0 : i32, i32
  }
  func.func @transform_27(%arg0: i32) -> (i32, i32) {
    %c0_i32 = arith.constant 0 : i32
    %c0_i32_0 = arith.constant 0 : i32
    %c0_i32_1 = arith.constant 0 : i32
    return %c0_i32, %c0_i32_0 : i32, i32
  }
}

</mosaic_0001>

<sc_bundles>
// kernel: kernel.4.cloned.1.call-start
scs
__scs_entry_jumppad:
0x0: {  	(pc) =	sbr.rel $0x88, $3  }
0x1: {  	(tag) =	ssettag $0x0;
	lr =	simm.s32 $0x1  }
0x2: {  	[smem:$0x3F86] =	sst lr;
	_ =	strace $0xD0000000  }
0x3: {  	_ = 	snop  }
0x4: {  	_ = 	snop  }
0x5: {  	_ = 	snop  }
0x6: {  	_ = 	snop  }
0x7: {  	_ = 	snop  }
__scs_overlays_trampoline_lowered:
0x8: {  	[smem:$0x3F95] =	sst s0  }
0x9: {  	[smem:$0x3F96] =	sst s1  }
0xa: {  	[smem:$0x3F97] =	sst s2  }
0xb: {  	[smem:$0x3F98] =	sst s3  }
0xc: {  	[smem:$0x3F99] =	sst s4  }
0xd: {  	[smem:$0x3F9A] =	sst s5  }
0xe: {  	[smem:$0x3F9B] =	sst s6  }
0xf: {  	[smem:$0x3F9C] =	sst s7  }
0x10: {  	[smem:$0x3F9D] =	sst s8  }
0x11: {  	[smem:$0x3F9E] =	sst s9;
	s0 =	simm.s32 @!p0 $0x0  }
0x12: {  	s1 =	sld [smem:$0x3F84];
	s0 =	simm.s32 @p0 $0x1  }
0x13: {  	[smem:$0x3F9F] =	sst s0;
	s0 =	simm.s32 @!p1 $0x0  }
0x14: {  	s2 =	sld [smem:$0x3F83];
	s0 =	simm.s32 @p1 $0x1  }
0x15: {  	[smem:$0x3FA0] =	sst s0;
	s0 =	simm.s32 @!p2 $0x0  }
0x16: {  	s3 =	sld [smem:$0x3FDB];
	s0 =	simm.s32 @p2 $0x1  }
0x17: {  	s4 =	simm.s32 $0x1BF5;
	[smem:$0x3FA2] =	sst s0  }
0x18: {  	s0 =	sld [smem:$0x3F85];
	_ =	swait.ge [sflag:s4], $0x0  }
0x19: {  	s7 =	sld [smem:$0x3F86]  }
0x1a: {  	s8 =	sadd.s32 $0xFFFFE003, lr  }
0x1b: {  	s9 =	sadd.s32 $0xFFFFFEF7, lr;
	s5 =	simm.s32 $0xFFFFFFFF;
	p2 =	slt.u32 s8, $0xFFFFF086  }
0x1c: {  	p1 =	slt.u32 s9, $0xF7A;
	s5 =	simm.s32 @!p2 $0x0  }
0x1d: {  	s5 =	simm.s32 @p1 $0x1;
	p0 =	seq.s32 s7, s2  }
0x1e: {  	s7 =	smul.u32 @!p0 $0xF7A, s2;
	p2 =	seq.s32 @!p0 s5, $0x0  }
0x1f: {  	s9 =	smul.u32 $0xF7A, s1;
	s8 =	simm.s32 @!p0 $0x1BF5;
	p2 =	por !p2, p0  }
0x20: {  	[sflag:s8] =	ssyncset.s32 @!p0 $0xFFFFF086;
	s6 =	sadd.s32 @!p0 s3, s7;
	s7 =	simm.s32 @!p0 $0x108  }
0x21: {  	s3 =	sadd.s32 s3, s9;
	s6 =	sadd.s32 @!p0 $0x88, s6;
	s7 =	simm.s32 @p2 $0x1082  }
0x22: {  	[simem:s7], [sflag:s8] =	dma.local @!p0 [hbm:s6], $0xF7A  }
0x23: {  	s9 =	sor.u32 $0xD0000000, s2;
	s6 =	simm.s32 $0x108;
	_ =	swait.ge @!p0 [sflag:s8], $0x0  }
0x24: {  	s3 =	sadd.s32 $0x88, s3;
	s6 =	simm.s32 @!p1 $0x1082;
	[sflag:s4] =	ssyncset.s32 $0xFFFFF086  }
0x25: {  	[simem:s6], [sflag:s4] =	dma.local [hbm:s3], $0xF7A  }
0x26: {  	[smem:$0x3F86] =	sst s1;
	(tag) =	ssettag s2;
	_ =	strace s9  }
0x27: {  	s1 =	sld [smem:$0x3F96]  }
0x28: {  	s2 =	sld [smem:$0x3F97]  }
0x29: {  	s4 =	sld [smem:$0x3F99]  }
0x2a: {  	p0 =	seq.s32 s5, $0x0;
	s5 =	sld [smem:$0x3F9A]  }
0x2b: {  	s6 =	sld [smem:$0x3F9B]  }
0x2c: {  	s7 =	sld [smem:$0x3F9C]  }
0x2d: {  	s3 =	simm.s32 $0x108;
	s8 =	sld [smem:$0x3F9D]  }
0x2e: {  	s3 =	simm.s32 @!p0 $0x1082;
	s9 =	sld [smem:$0x3F9E]  }
0x2f: {  	lr =	sadd.s32 s0, s3;
	s0 =	sld [smem:$0x3F95]  }
0x30: {  	s3 =	sld [smem:$0x3F98]  }
0x31: {  	[smem:$0x3FA1] =	sst s10  }
0x32: {  	s10 =	sld [smem:$0x3F9F];
	_ =	sdelay $0x3  }
0x33: {  	p0 =	seq.s32 s10, $0x1;
	s10 =	sld [smem:$0x3FA1];
	_ =	sdelay $0x3  }
0x34: {  	[smem:$0x3FA1] =	sst s10  }
0x35: {  	s10 =	sld [smem:$0x3FA0];
	_ =	sdelay $0x3  }
0x36: {  	p1 =	seq.s32 s10, $0x1;
	s10 =	sld [smem:$0x3FA1];
	_ =	sdelay $0x3  }
0x37: {  	[smem:$0x3FA1] =	sst s10  }
0x38: {  	s10 =	sld [smem:$0x3FA2]  }
0x39: {  	_ = 	snop;
	(pc) =	sbr.ind lr, $3  }
0x3a: {  	_ = 	snop  }
0x3b: {  	_ = 	snop  }
0x3c: {  	p2 =	seq.s32 s10, $0x1;
	s10 =	sld [smem:$0x3FA1]  }
0x3d: {  	_ =	shalt  }
0x3e: {  	_ =	shalt  }
0x3f: {  	_ =	shalt  }
0x40: {  	_ =	shalt  }
0x41: {  	_ =	shalt  }
0x42: {  	_ =	shalt  }
0x43: {  	_ =	shalt  }
0x44: {  	_ =	shalt  }
0x45: {  	_ =	shalt  }
0x46: {  	_ =	shalt  }
0x47: {  	_ =	shalt  }
0x48: {  	_ =	shalt  }
0x49: {  	_ =	shalt  }
0x4a: {  	_ =	shalt  }
0x4b: {  	_ =	shalt  }
0x4c: {  	_ =	shalt  }
0x4d: {  	_ =	shalt  }
0x4e: {  	_ =	shalt  }
0x4f: {  	_ =	shalt  }
0x50: {  	_ =	shalt  }
0x51: {  	_ =	shalt  }
0x52: {  	_ =	shalt  }
0x53: {  	_ =	shalt  }
0x54: {  	_ =	shalt  }
0x55: {  	_ =	shalt  }
0x56: {  	_ =	shalt  }
0x57: {  	_ =	shalt  }
0x58: {  	_ =	shalt  }
0x59: {  	_ =	shalt  }
0x5a: {  	_ =	shalt  }
0x5b: {  	_ =	shalt  }
0x5c: {  	_ =	shalt  }
0x5d: {  	_ =	shalt  }
0x5e: {  	_ =	shalt  }
0x5f: {  	_ =	shalt  }
0x60: {  	_ =	shalt  }
0x61: {  	_ =	shalt  }
0x62: {  	_ =	shalt  }
0x63: {  	_ =	shalt  }
0x64: {  	_ =	shalt  }
0x65: {  	_ =	shalt  }
0x66: {  	_ =	shalt  }
0x67: {  	_ =	shalt  }
0x68: {  	_ =	shalt  }
0x69: {  	_ =	shalt  }
0x6a: {  	_ =	shalt  }
0x6b: {  	_ =	shalt  }
0x6c: {  	_ =	shalt  }
0x6d: {  	_ =	shalt  }
0x6e: {  	_ =	shalt  }
0x6f: {  	_ =	shalt  }
0x70: {  	_ =	shalt  }
0x71: {  	_ =	shalt  }
0x72: {  	_ =	shalt  }
0x73: {  	_ =	shalt  }
0x74: {  	_ =	shalt  }
0x75: {  	_ =	shalt  }
0x76: {  	_ =	shalt  }
0x77: {  	_ =	shalt  }
0x78: {  	_ =	shalt  }
0x79: {  	_ =	shalt  }
0x7a: {  	_ =	shalt  }
0x7b: {  	_ =	shalt  }
0x7c: {  	_ =	shalt  }
0x7d: {  	_ =	shalt  }
0x7e: {  	_ =	shalt  }
0x7f: {  	_ =	shalt  }
0x80: {  	_ =	shalt  }
0x81: {  	_ =	shalt  }
0x82: {  	_ =	shalt  }
0x83: {  	_ =	shalt  }
0x84: {  	_ =	shalt  }
0x85: {  	_ =	shalt  }
0x86: {  	_ =	shalt  }
0x87: {  	_ =	shalt  }
.Lfunc_end0:
.L_simem_size_0:
called_computation_lowered:
.L_overlay_start_0:
0x88: {  	s2 =	sld [smem:$0x3FD9]  }
0x89: {  	s3 =	sld [smem:$0x3FFE];
	_ =	sdelay $0x1  }
0x8a: {  	s1 =	srdreg.scid  }
0x8b: {  	s0 =	sand.u32 $0x1, s1  }
0x8c: {  	s16 =	sshll.u32 s0, $0xA;
	s2 =	sadd.s32 s3, s2  }
0x8d: {  	s2 =	sadd.s32 s2, s16  }
0x8e: {  	[smem:$0x3FAD] =	sst s2  }
0x8f: {  	_ = 	snop  }
0x90: {  	(tm) =	ssettm $0x1  }
0x91: {  	s17 =	sld [smem:$0x3FFB];
	_ =	sdelay $0x3  }
0x92: {  	_ =	strace s17  }
0x93: {  	s2 =	sld [smem:$0x3FFC];
	_ =	sdelay $0x3  }
0x94: {  	_ =	strace s2  }
0x95: {  	s2 =	sld [smem:$0x3FFD];
	_ =	sdelay $0x3  }
0x96: {  	_ =	strace s2  }
0x97: {  	_ =	strace $0x8FFFFFFF  }
0x98: {  	s18 =	sld [smem:$0x3FDB];
	_ =	sdelay $0x1  }
0x99: {  	s19 =	simm.s32 $_scs_section_size  }
0x9a: {  	s4 =	simm.s32 $_size__tile_overlayer_lowered;
	s5 =	simm.s32 $_tile_overlayer_lowered  }
0x9b: {  	s22 =	simm.s32 $0x1BFF;
	s21 =	sshll.u32 s5, $0x1;
	s2 =	sadd.s32 s19, s18  }
0x9c: {  	s6 =	simm.s32 $0x0;
	s20 =	sshll.u32 s4, $0x1;
	s4 =	sadd.s32 s21, s2  }
0x9d: {  	[timem:s6], [sflag:s22] =	dma.local [hbm:s4], s20  }
0x9e: {  	_ =	swait.ge [sflag:s22], s20  }
0x9f: {  	s3 =	ssub.s32 $0x0, s20;
	[sflag:s22] =	ssyncset.done $0x0  }
0xa0: {  	[sflag:s22] =	ssyncadd.s32 s3;
	_ =	sdelay $0x1  }
0xa1: {  	s23 =	simm.s32 $0x1B8B  }
0xa2: {  	_ =	swait.ge [sflag:s23], $0x1  }
0xa3: {  	[sflag:s23] =	ssyncset.done $0x0  }
0xa4: {  	s25 =	simm.s32 $0x1B8E;
	s24 =	sld [smem:$0x3FFE];
	[sflag:s23] =	ssyncadd.s32 $0xFFFFFFFF  }
0xa5: {  	s26 =	simm.s32 $execute0_lowered;
	[smem:$0x3FD2] =	sst s25  }
0xa6: {  	s4 =	sshll.u32 s26, $0x1;
	_ =	strace $0x80000046;
	[dreg:$0x1] =	wrdreg $0xFFFFFFFF  }
0xa7: {  	s28 =	simm.s32 $_size_execute0_lowered;
	s2 =	sadd.s32 s2, s4;
	[dreg:$0x0] =	wrdreg $0x0  }
0xa8: {  	s4 =	sshll.u32 s28, $0x1;
	[dreg:$0x2] =	wrdreg s2  }
0xa9: {  	[dreg:$0x3] =	wrdreg s4  }
0xaa: {  	[dreg:$0x4] =	wrdreg $0xC0  }
0xab: {  	_ =	task [dreg:s6], $0x5FFFF  }
0xac: {  	[dreg:$0x1] =	wrdreg $0xFFFFFFFF  }
0xad: {  	[dreg:$0x0] =	wrdreg $0x60  }
0xae: {  	[dreg:$0x2] =	wrdreg s24  }
0xaf: {  	[dreg:$0x3] =	wrdreg $0xCA800  }
0xb0: {  	[dreg:$0x4] =	wrdreg $0x9  }
0xb1: {  	_ =	task.clear_ibuf [dreg:s6], $0x5FFFF;
	_ =	strace $0x90000046  }
0xb2: {  	s29 =	simm.s32 $0x9;
	_ =	strace $0x80000048  }
0xb3: {  	_ =	swait.ge [sflag:s29], $0x1  }
0xb4: {  	[sflag:s29] =	ssyncadd.s32 $0xFFFFFFFF  }
0xb5: {  	_ =	strace $0x90000048  }
0xb6: {  	_ =	sfence  }
0xb7: {  	s30 =	sld [smem:$0x0];
	_ =	sdelay $0x2  }
0xb8: {  	s31 =	sshll.u32 s1, $0xD;
	s1 =	sshrl.u32 s1, $0x2  }
0xb9: {  	s3 =	sand.u32 $0x4000, s31;
	s1 =	sadd.s32 s1, s30  }
0xba: {  	s0 =	sor.u32 s3, s0;
	s1 =	sshll.u32 s1, $0x11  }
0xbb: {  	s0 =	sor.u32 s1, s0  }
0xbc: {  	s0 =	sadd.s32 $0x8F2B, s0  }
0xbd: {  	[sflag:s0] =	ssyncadd.remote.s32 $0x1  }
0xbe: {  	_ =	sfence.sel $0xFFFF  }
0xbf: {  	[dreg:$0x0] =	wrdreg $0xFFFFFFFF;
	(pc) =	sbr.abs _section_cstart, $3  }
0xc0: {  	[dreg:$0x1] =	wrdreg $0xFFFFFFFF  }
0xc1: {  	_ =	task.clear_ibuf [dreg:s6], $0x2FFFF;
	_ =	strace $0x9FFFFFFF  }
0xc2: {  	(tm) =	ssettm $0x7FFFFFFF  }
0xc3: {  	_ =	shalt  }
tec
execute0_lowered:
.L_overlay_start_1:
0x0: {  	(tag) =	ssettag $0x1  }
0x1: {  	s1 =	rddreg [dreg:$0x0]  }
0x2: {  	s0 =	srdreg.scid;
	s2 =	stileid.u32  }
0x3: {  	s7 =	rddreg [dreg:$0x1];
	s4 =	smul.u32 $0x1388, s2  }
0x4: {  	s5 =	simm.s32 $0x0;
	s0 =	sand.u32 $0x1, s0;
	s28 =	smul.u32 $0x7A10, s2  }
0x5: {  	[smem:$0x7FF] =	sst s5;
	p0 =	sne.s32 s2, $0x0;
	s3 =	smul.u32 $0x13880, s0  }
0x6: {  	_ =	strace $0x80000047;
	s26 =	ssub.s32 $0x2, s0;
	s0 =	smul.u32 $0x7A120, s0  }
0x7: {  	v4 =	vlaneseq.u32;
	v3 =	vimm.s32 $0xECA86420;
	s6 =	sshrl.u32 s26, $0x1;
	s8 =	sadd.s32 s28, s7;
	s7 =	sadd.s32 $0x7A100, s7  }
0x8: {  	v1 =	vimm.f32 $0.0e+00;
	vm0 =	vcmask $0xB08;
	vm1 =	vcmask $0x1310;
	s3 =	sadd.s32 s4, s3;
	s4 =	ssub.s32 s26, s6;
	s5 =	sadd.s32 s28, s0  }
0x9: {  	vm2 =	vcmask $0x1B18;
	vm3 =	vcmask $0x300;
	vm4 =	vcmask $0x2320;
	s29 =	sshrl.u32 s0, $0x3;
	[dreg:$0xe] =	wrdreg s8;
	s3 =	sshrl.u32 s3, $0x3  }
0xa: {  	vm5 =	vcmask $0x2B28;
	vm6 =	vcmask $0x3330;
	vm7 =	vcmask $0x3B38;
	[dreg:$0xf] =	wrdreg s7;
	s31 =	smax.u32 s4, $0x1;
	s3 =	sadd.s32 s3, s1  }
0xb: {  	vm8 =	vmmov $0xff;
	vm12 =	vcmask $0x1714;
	vm10 =	vcmask $0x1F1C;
	s5 =	sshrl.u32 s5, $0x3;
	[dreg:$0x14] =	wrdreg s31;
	s9 =	sadd.s32 $0x8A00, s3  }
0xc: {  	vm13 =	vcmask $0x2724;
	vm14 =	vcmask $0x2F2C;
	vm15 =	vcmask $0x3734;
	s1 =	sadd.s32 $0xDA00, s1;
	s3 =	sadd.s32 $0x3A00, s3;
	[dreg:$0x10] =	wrdreg s9  }
0xd: {  	v2 =	vmul.u32 $0xFFFFFFFF, v4;
	v3 =	vunpack.c.l.s4.s8 v3;
	v0 =	vmov s0;
	s6 =	sadd.s32 s1, s29;
	s1 =	sadd.s32 s1, s5;
	[dreg:$0x11] =	wrdreg s3  }
0xe: {  	vm11 =	vcmask $0xF0C;
	v4 =	vmul.u32 $0x2, v4;
	s2 =	simm.s32 $0x0;
	v0 =	vsub.s32 $0x0, v0;
	[dreg:$0x12] =	wrdreg s1;
	s30 =	sadd.s32 $0xF420, s6  }
0xf: {  	v2 =	vadd.s32 $0x1388, v2;
	v3 =	vunpack.c.0.s8.s32 v3;
	s4 =	simm.s32 $0x5000;
	v0 =	vbroadcast v0, $0x0;
	s5 =	simm.s32 $0x2;
	[dreg:$0x13] =	wrdreg s30  }
.LBB2_1:
0x10: {  	[dreg:$0x15] =	wrdreg s2;
	s0 =	simm.s32 $0x40;
	s1 =	simm.s32 $0x0  }
.LBB2_2:
0x11: {  	p1 =	sne.s32 s0, $0x1E800;
	[tilespmem:s1+$0x5000] =	vst v1;
	s1 =	smov.u32 s0;
	s0 =	sadd.s32 $0x40, s0  }
.Ltmp0:
0x12: {  	(pc) =	sbr.rel @p1 .LBB2_2-.Ltmp0, $2  }
0x13: {  	_ =	sdelay $0x2  }
0x14: {  	s1 =	sshra.s32 s1, $0x2  }
0x15: {  	[tilespmem:s1+$0x5000] =	vst v1  }
0x16: {  	[spmem:s8] =	stream.linear.scatter [tilespmem:s4], [sflag:$0x2], $0x7A10, $0x38;
	[tilespmem:$0x14498] =	vst v63  }
0x17: {  	_ =	swait.ge [sflag:s5], $0x7A10  }
0x18: {  	[sflag:s5] =	ssyncset.done $0x0  }
0x19: {  	s0 =	simm.s32 @!p0 $0x5000;
	[sflag:s5] =	ssyncadd.s32 $0xFFFF85F0  }
0x1a: {  	[spmem:s7] =	stream.linear.scatter @!p0 [tilespmem:s0], [sflag:$0x2], $0x20, $0x38;
	[tilespmem:$0x14498] =	vst v63  }
0x1b: {  	s0 =	simm.s32 @!p0 $0x2  }
0x1c: {  	_ =	swait.ge @!p0 [sflag:s0], $0x20  }
0x1d: {  	[sflag:s0] =	ssyncset.done @!p0 $0x0  }
0x1e: {  	s3 =	simm.s32 $0x0;
	s2 =	rddreg [dreg:$0x10];
	[sflag:s0] =	ssyncadd.s32 @!p0 $0xFFFFFFE0  }
0x1f: {  	[tilespmem:s3], [sflag:$0x2] =	stream.linear.gather [hbm4b:s2+s3], $0x1388, $0x38;
	[tilespmem:$0x14498] =	vst v63  }
0x20: {  	s2 =	simm.s32 $0x0;
	_ =	swait.ge [sflag:s5], $0x1388  }
0x21: {  	[dreg:$0x3] =	wrdreg s2;
	[sflag:s5] =	ssyncset.done $0x0  }
0x22: {  	s4 =	simm.s32 $0x1400;
	s6 =	rddreg [dreg:$0x11];
	[sflag:s5] =	ssyncadd.s32 $0xFFFFEC78  }
0x23: {  	[tilespmem:s4], [sflag:$0x2] =	stream.linear.gather [hbm4b:s6+s3], $0x1388, $0x38;
	[tilespmem:$0x14498] =	vst v63  }
0x24: {  	_ =	swait.ge [sflag:s5], $0x1388  }
0x25: {  	[sflag:s5] =	ssyncset.done $0x0  }
0x26: {  	[sflag:s5] =	ssyncadd.s32 $0xFFFFEC78  }
0x27: {  	v5 =	vld [tilespmem:s4+$0x0];
	_ =	sdelay $0x4  }
0x28: {  	(v2sf) =	vpush v5, $0x0  }
0x29: {  	(v2sf) =	vpush v5, $0x7;
	_ =	sdelay $0x2  }
0x2a: {  	(v2sf) =	vpush v5, $0x1  }
0x2b: {  	(v2sf) =	vpush v5, $0x2;
	_ =	sdelay $0x1  }
0x2c: {  	(v2sf) =	vpush v5, $0x8;
	_ =	sdelay $0x1  }
0x2d: {  	(v2sf) =	vpush v5, $0x3  }
0x2e: {  	(v2sf) =	vpush v5, $0x4;
	_ =	sdelay $0x1  }
0x2f: {  	(v2sf) =	vpush v5, $0xC  }
0x30: {  	(v2sf) =	vpush v5, $0xD;
	_ =	sdelay $0x1  }
0x31: {  	(v2sf) =	vpush v5, $0x9;
	s7 =	spop (v2sf)  }
0x32: {  	(v2sf) =	vpush v5, $0xE;
	s21 =	spop (v2sf);
	s2 =	smulhi.u32 $0x51EB851F, s7  }
0x33: {  	s0 =	sshra.s32 s7, $0x1F;
	s1 =	smulhi.u32 $0x51EB851F, s21  }
0x34: {  	(v2sf) =	vpush v5, $0xA;
	s23 =	sshra.s32 s21, $0x1F;
	s0 =	smul.u32 $0x51EB851F, s0  }
0x35: {  	(v2sf) =	vpush v5, $0xB;
	s22 =	spop (v2sf);
	s4 =	smul.u32 $0x51EB851F, s23  }
0x36: {  	s24 =	spop (v2sf);
	s10 =	smulhi.u32 $0x51EB851F, s22  }
0x37: {  	s3 =	sshra.s32 s22, $0x1F;
	s12 =	smulhi.u32 $0x51EB851F, s24  }
0x38: {  	(v2sf) =	vpush v5, $0xF;
	s6 =	spop (v2sf);
	s3 =	smul.u32 $0x51EB851F, s3  }
0x39: {  	s5 =	sshra.s32 s24, $0x1F;
	s25 =	smulhi.u32 $0x51EB851F, s6  }
0x3a: {  	s6 =	sshra.s32 s6, $0x1F;
	s26 =	spop (v2sf);
	s5 =	smul.u32 $0x51EB851F, s5  }
0x3b: {  	(v2sf) =	vpush v5, $0x5;
	s19 =	sadd.s32 s4, s1;
	s6 =	smul.u32 $0x51EB851F, s6;
	s9 =	spop (v2sf)  }
0x3c: {  	s18 =	sshra.s32 s26, $0x1F;
	s8 =	smulhi.u32 $0x51EB851F, s26;
	[dreg:$0x5] =	wrdreg s19  }
0x3d: {  	(v2sf) =	vpush v5, $0x6;
	s11 =	sshra.s32 s9, $0x1F;
	s13 =	spop (v2sf);
	s18 =	smul.u32 $0x51EB851F, s18  }
0x3e: {  	s28 =	smul.u32 $0x51EB851F, s11;
	s14 =	spop (v2sf);
	s6 =	sadd.s32 s6, s25  }
0x3f: {  	s25 =	sshra.s32 s13, $0x1F;
	s26 =	sadd.s32 s18, s8;
	s18 =	smulhi.u32 $0x51EB851F, s9  }
0x40: {  	s15 =	spop (v2sf);
	s25 =	smul.u32 $0x51EB851F, s25  }
0x41: {  	s3 =	sadd.s32 s3, s10;
	s16 =	spop (v2sf);
	s20 =	smulhi.u32 $0x51EB851F, s15  }
0x42: {  	s8 =	sshra.s32 s3, $0x5;
	s17 =	smulhi.u32 $0x51EB851F, s16;
	s11 =	sshra.s32 s16, $0x1F  }
0x43: {  	s21 =	spop (v2sf);
	s28 =	sadd.s32 s28, s18;
	s1 =	smul.u32 $0x51EB851F, s11  }
0x44: {  	s18 =	sshrl.u32 s6, $0x1F;
	s22 =	spop (v2sf);
	s10 =	smulhi.u32 $0x51EB851F, s21  }
0x45: {  	s11 =	sadd.s32 s5, s12;
	s23 =	smulhi.u32 $0x51EB851F, s22;
	s16 =	sshra.s32 s22, $0x1F  }
0x46: {  	s22 =	sshra.s32 s14, $0x1F;
	s1 =	sadd.s32 s1, s17;
	s17 =	sshra.s32 s21, $0x1F  }
0x47: {  	s21 =	sshra.s32 s6, $0x5;
	s6 =	smulhi.u32 $0x51EB851F, s14;
	s24 =	spop (v2sf)  }
0x48: {  	s14 =	sshrl.u32 s11, $0x1F;
	[dreg:$0x9] =	wrdreg s1;
	s1 =	smul.u32 $0x51EB851F, s16  }
0x49: {  	s16 =	sshra.s32 s15, $0x1F;
	s17 =	smul.u32 $0x51EB851F, s17;
	v6 =	vmov s21;
	s21 =	simm.s32 $0x0  }
0x4a: {  	s30 =	smulhi.u32 $0x51EB851F, s24;
	s4 =	spop (v2sf);
	s5 =	sshra.s32 s24, $0x1F  }
0x4b: {  	s24 =	smul.u32 $0x51EB851F, s16;
	s16 =	sadd.s32 s0, s2;
	[dreg:$0x4] =	wrdreg s21  }
0x4c: {  	s31 =	smulhi.u32 $0x51EB851F, s4;
	s12 =	spop (v2sf);
	s7 =	sshra.s32 s4, $0x1F  }
0x4d: {  	s0 =	sadd.s32 s1, s23;
	s1 =	sshra.s32 s11, $0x5;
	s4 =	sshra.s32 s11, $0x1F  }
0x4e: {  	s23 =	simm.s32 $0x3C00;
	s11 =	sshra.s32 s19, $0x1F;
	s19 =	simm.s32 $0x2810  }
0x4f: {  	v7 =	vmov s18;
	s18 =	sshra.s32 s16, $0x1F;
	s29 =	smulhi.u32 $0x51EB851F, s12;
	s2 =	sadd.s32 s24, s20  }
0x50: {  	s24 =	smulhi.u32 $0x51EB851F, s13;
	s9 =	sshra.s32 s12, $0x1F;
	s12 =	sshrl.u32 s3, $0x1F  }
0x51: {  	s13 =	sshra.s32 s3, $0x1F;
	s3 =	smul.u32 $0x51EB851F, s22;
	s22 =	simm.s32 $0x2800  }
0x52: {  	s20 =	simm.s32 $0x10;
	[dreg:$0x8] =	wrdreg s19;
	s19 =	sshra.s32 s16, $0x5  }
0x53: {  	v8 =	vmov s11;
	s11 =	sshrl.u32 s26, $0x1F;
	s15 =	sadd.s32 s25, s24;
	s25 =	simm.s32 $0x1410  }
0x54: {  	vm9 =	vcmask $0x704;
	v8 =	vsel vm3, s19, v8;
	s24 =	simm.s32 $0x10;
	[dreg:$0x6] =	wrdreg s25;
	s25 =	simm.s32 $0x3C10  }
.LBB2_4:
0x55: {  	s5 =	smul.u32 $0x51EB851F, s5;
	s19 =	sshrl.u32 s16, $0x1F  }
0x56: {  	s21 =	sshra.s32 s15, $0x5;
	s10 =	sadd.s32 s17, s10;
	v8 =	vsel vm9, s18, v8;
	s18 =	sshrl.u32 s15, $0x1F;
	v9 =	vmov s19  }
0x57: {  	s17 =	sshrl.u32 s0, $0x1F;
	s7 =	smul.u32 $0x51EB851F, s7;
	v10 =	vmov s21;
	v8 =	vsel vm0, s8, v8;
	s19 =	sshrl.u32 s2, $0x1F;
	v11 =	vmov s18  }
0x58: {  	s9 =	smul.u32 $0x51EB851F, s9;
	s2 =	sshra.s32 s2, $0x5;
	s21 =	sshrl.u32 s10, $0x1F;
	v9 =	vnsel vm3, $0x0, v9;
	v8 =	vsel vm11, s13, v8;
	v7 =	vsel vm0, s19, v7  }
0x59: {  	s18 =	sshra.s32 s26, $0x5;
	s8 =	sshra.s32 s28, $0x5;
	s10 =	sshra.s32 s10, $0x5;
	v6 =	vsel vm0, s2, v6;
	v9 =	vsel vm0, s12, v9;
	v8 =	vsel vm1, s1, v8  }
0x5a: {  	s5 =	sadd.s32 s5, s30;
	s7 =	sadd.s32 s7, s31;
	s13 =	rddreg [dreg:$0x9];
	v7 =	vsel vm1, s21, v7;
	v9 =	vsel vm1, s14, v9;
	v8 =	vsel vm12, s4, v8  }
0x5b: {  	s19 =	sshrl.u32 s28, $0x1F;
	s21 =	sshra.s32 s26, $0x1F;
	v6 =	vsel vm1, s10, v6;
	s14 =	sadd.s32 s3, s6;
	v9 =	vsel vm2, s11, v9;
	v8 =	vsel vm2, s18, v8  }
0x5c: {  	s12 =	sshra.s32 s13, $0x5;
	v7 =	vsel vm2, s17, v7;
	s26 =	sshra.s32 s14, $0x5;
	s1 =	sshrl.u32 s14, $0x1F;
	v9 =	vsel vm4, s19, v9;
	v8 =	vsel vm10, s21, v8  }
0x5d: {  	s13 =	sshrl.u32 s13, $0x1F;
	s11 =	sshra.s32 s28, $0x1F;
	s14 =	sshra.s32 s0, $0x5;
	v10 =	vsel vm0, s26, v10;
	v11 =	vsel vm0, s1, v11;
	v8 =	vsel vm4, s8, v8  }
0x5e: {  	s9 =	sadd.s32 s9, s29;
	s15 =	sshra.s32 s7, $0x5;
	v6 =	vsel vm2, s14, v6;
	s19 =	sshrl.u32 s7, $0x1F;
	v11 =	vsel vm1, s13, v11;
	v8 =	vsel vm13, s11, v8  }
0x5f: {  	s17 =	sshrl.u32 s5, $0x1F;
	s18 =	sshra.s32 s7, $0x1F;
	s26 =	sshrl.u32 s9, $0x1F;
	v10 =	vsel vm1, s12, v10;
	v9 =	vsel vm5, s19, v9;
	v8 =	vsel vm5, s15, v8  }
0x60: {  	s6 =	sshra.s32 s5, $0x5;
	s3 =	rddreg [dreg:$0x5];
	s21 =	sshra.s32 s9, $0x5;
	v11 =	vsel vm2, s17, v11;
	v9 =	vsel vm6, s26, v9;
	v8 =	vsel vm14, s18, v8  }
0x61: {  	s2 =	sshra.s32 s9, $0x1F;
	s4 =	sshrl.u32 s3, $0x1F;
	v10 =	vsel vm2, s6, v10;
	v7 =	vcombine.low v7, v11;
	v8 =	vsel vm6, s21, v8  }
0x62: {  	s5 =	sshra.s32 s3, $0x5;
	s6 =	rddreg [dreg:$0x3];
	v9 =	vsel vm7, s4, v9;
	v6 =	vcombine.low v6, v10;
	v8 =	vsel vm15, s2, v8  }
0x63: {  	v10 =	vld [tilespmem:s6+$0x0];
	v9 =	vperm.xlane v9, v4;
	v7 =	vperm.xlane v7, v3;
	v8 =	vsel vm7, s5, v8  }
0x64: {  	v6 =	vperm.xlane v6, v3;
	v8 =	vperm.xlane v8, v4;
	_ =	sdelay $0x1  }
0x65: {  	v7 =	vsel vm8, v9, v7;
	v6 =	vsel vm8, v8, v6  }
0x66: {  	v6 =	vadd.s32 v7, v6  }
0x67: {  	v7 =	vmul.u32 $0x64, v10;
	v6 =	vmul.u32 $0x64, v6  }
0x68: {  	s8 =	rddreg [dreg:$0x4]  }
0x69: {  	v8 =	vmov s8;
	v5 =	vsub.s32 v5, v6;
	v6 =	vadd.s32 v0, v7  }
0x6a: {  	vm9 =	vlt.u32 v8, v2;
	v5 =	vadd.s32 v5, v6  }
0x6b: {  	v5 =	vnsel vm9, $0x0, v5  }
0x6c: {  	[dreg:$0x7] =	wrdreg s25;
	v6 =	vsel vm9, $0x3F800000, v1;
	[tilespmem:s22+$0x0] =	vst v5  }
0x6d: {  	s11 =	smov.u32 s25;
	s25 =	rddreg [dreg:$0x6];
	[tilespmem:s23+$0x0] =	vst v6  }
0x6e: {  	v5 =	vld [tilespmem:s25+$0x0];
	_ =	sdelay $0x4  }
0x6f: {  	(v2sf) =	vpush v5, $0x0  }
0x70: {  	(v2sf) =	vpush v5, $0x7;
	_ =	sdelay $0x2  }
0x71: {  	(v2sf) =	vpush v5, $0x1  }
0x72: {  	(v2sf) =	vpush v5, $0x2;
	_ =	sdelay $0x1  }
0x73: {  	(v2sf) =	vpush v5, $0x8;
	_ =	sdelay $0x1  }
0x74: {  	(v2sf) =	vpush v5, $0x3;
	_ =	sdelay $0x1  }
0x75: {  	s16 =	smov.u32 s20;
	(v2sf) =	vpush v5, $0x4  }
0x76: {  	s9 =	smov.u32 s16;
	(v2sf) =	vpush v5, $0xC  }
0x77: {  	[dreg:$0x4] =	wrdreg s9;
	(v2sf) =	vpush v5, $0xD  }
0x78: {  	p1 =	sne.s32 s20, $0x13F0;
	s7 =	smov.u32 s24;
	s12 =	rddreg [dreg:$0x8];
	(v2sf) =	vpush v5, $0x9  }
0x79: {  	s20 =	sadd.s32 $0x10, s20;
	[dreg:$0x3] =	wrdreg s7;
	s13 =	spop (v2sf)  }
0x7a: {  	s10 =	smov.u32 s12;
	(v2sf) =	vpush v5, $0xE;
	s14 =	smulhi.u32 $0x51EB851F, s13;
	s15 =	spop (v2sf)  }
0x7b: {  	[dreg:$0xa] =	wrdreg s10;
	(v2sf) =	vpush v5, $0xA;
	s2 =	sshra.s32 s13, $0x1F;
	s3 =	smulhi.u32 $0x51EB851F, s15  }
0x7c: {  	[dreg:$0xb] =	wrdreg s11;
	(v2sf) =	vpush v5, $0xB;
	s16 =	sshra.s32 s15, $0x1F;
	s2 =	smul.u32 $0x51EB851F, s2  }
0x7d: {  	s24 =	sadd.s32 $0x10, s24;
	s17 =	spop (v2sf);
	s1 =	smul.u32 $0x51EB851F, s16  }
0x7e: {  	s12 =	sadd.s32 $0x10, s12;
	s19 =	spop (v2sf);
	s23 =	smulhi.u32 $0x51EB851F, s17  }
0x7f: {  	[dreg:$0x8] =	wrdreg s12;
	s18 =	sshra.s32 s17, $0x1F;
	s7 =	smulhi.u32 $0x51EB851F, s19  }
0x80: {  	s25 =	sadd.s32 $0x10, s25;
	(v2sf) =	vpush v5, $0xF;
	s22 =	spop (v2sf);
	s5 =	smul.u32 $0x51EB851F, s18  }
0x81: {  	[dreg:$0xc] =	wrdreg s14;
	s21 =	sshra.s32 s19, $0x1F;
	s9 =	smulhi.u32 $0x51EB851F, s22  }
0x82: {  	s6 =	sshra.s32 s22, $0x1F;
	s10 =	spop (v2sf);
	s8 =	smul.u32 $0x51EB851F, s21  }
0x83: {  	s13 =	sadd.s32 s1, s3;
	s14 =	smul.u32 $0x51EB851F, s6;
	s16 =	sshra.s32 s10, $0x1F  }
0x84: {  	s6 =	spop (v2sf);
	[dreg:$0x5] =	wrdreg s13;
	s17 =	sshra.s32 s13, $0x1F  }
0x85: {  	s11 =	sadd.s32 s5, s23;
	s10 =	smulhi.u32 $0x51EB851F, s10;
	s3 =	spop (v2sf)  }
0x86: {  	(v2sf) =	vpush v5, $0x5;
	s26 =	sshra.s32 s6, $0x1F;
	s6 =	smulhi.u32 $0x51EB851F, s6;
	s1 =	spop (v2sf)  }
0x87: {  	s13 =	smul.u32 $0x51EB851F, s26;
	s15 =	sshra.s32 s1, $0x1F;
	s18 =	spop (v2sf)  }
0x88: {  	s9 =	sadd.s32 s14, s9;
	[dreg:$0xd] =	wrdreg s15;
	s0 =	smulhi.u32 $0x51EB851F, s18  }
0x89: {  	s22 =	spop (v2sf);
	s15 =	sadd.s32 s8, s7;
	s8 =	smul.u32 $0x51EB851F, s16  }
0x8a: {  	(v2sf) =	vpush v5, $0x6;
	s21 =	sshra.s32 s18, $0x1F;
	s19 =	smulhi.u32 $0x51EB851F, s22;
	s28 =	spop (v2sf)  }
0x8b: {  	v8 =	vmov s17;
	s17 =	sshra.s32 s9, $0x5;
	s21 =	smul.u32 $0x51EB851F, s21;
	s23 =	spop (v2sf)  }
0x8c: {  	v6 =	vmov s17;
	s17 =	rddreg [dreg:$0x7];
	s7 =	sshra.s32 s22, $0x1F;
	s22 =	smulhi.u32 $0x51EB851F, s23  }
0x8d: {  	s18 =	sshra.s32 s28, $0x1F;
	s16 =	sshra.s32 s23, $0x1F;
	s23 =	smul.u32 $0x51EB851F, s7  }
0x8e: {  	[dreg:$0x6] =	wrdreg s25;
	s25 =	sadd.s32 $0x10, s17;
	s17 =	smul.u32 $0x51EB851F, s18  }
0x8f: {  	s12 =	sshrl.u32 s11, $0x1F;
	s18 =	smulhi.u32 $0x51EB851F, s3;
	s26 =	spop (v2sf)  }
0x90: {  	s4 =	sshra.s32 s3, $0x1F;
	s30 =	smulhi.u32 $0x51EB851F, s26;
	s5 =	sshra.s32 s26, $0x1F  }
0x91: {  	s26 =	sadd.s32 s8, s10;
	s10 =	sadd.s32 s23, s19;
	s23 =	smul.u32 $0x51EB851F, s16  }
0x92: {  	s8 =	sshra.s32 s11, $0x5;
	[dreg:$0x9] =	wrdreg s10;
	s10 =	smulhi.u32 $0x51EB851F, s28  }
0x93: {  	s19 =	sshrl.u32 s9, $0x1F;
	s28 =	sadd.s32 s13, s6;
	s6 =	smulhi.u32 $0x51EB851F, s1  }
0x94: {  	v7 =	vmov s19;
	s13 =	rddreg [dreg:$0xc];
	s19 =	smul.u32 $0x51EB851F, s4;
	s1 =	sshra.s32 s15, $0x5  }
0x95: {  	s4 =	sshra.s32 s15, $0x1F;
	s14 =	spop (v2sf);
	s16 =	sadd.s32 s2, s13  }
0x96: {  	s2 =	sadd.s32 s21, s0;
	s13 =	sshra.s32 s11, $0x1F;
	s21 =	rddreg [dreg:$0xd]  }
.Ltmp1:
0x97: {  	s0 =	sadd.s32 s23, s22;
	s23 =	rddreg [dreg:$0xb];
	(pc) =	sbr.rel @p1 .LBB2_4-.Ltmp1, $4  }
0x98: {  	s11 =	sshrl.u32 s26, $0x1F;
	s22 =	rddreg [dreg:$0xa];
	s31 =	smulhi.u32 $0x51EB851F, s14  }
0x99: {  	s7 =	sshra.s32 s14, $0x1F;
	s14 =	spop (v2sf);
	s3 =	smul.u32 $0x51EB851F, s21  }
0x9a: {  	s29 =	smulhi.u32 $0x51EB851F, s14;
	s9 =	sshra.s32 s14, $0x1F;
	s14 =	sshra.s32 s16, $0x5  }
0x9b: {  	vm9 =	vcmask $0x704;
	v8 =	vsel vm3, s14, v8;
	s14 =	sshrl.u32 s15, $0x1F;
	s15 =	sadd.s32 s19, s18;
	s18 =	sshra.s32 s16, $0x1F  }
0x9c: {  	v8 =	vsel vm9, s18, v8;
	s5 =	smul.u32 $0x51EB851F, s5;
	s16 =	sshrl.u32 s16, $0x1F;
	s10 =	sadd.s32 s17, s10  }
0x9d: {  	s18 =	sshra.s32 s15, $0x5;
	s19 =	sshrl.u32 s15, $0x1F;
	s20 =	sshrl.u32 s2, $0x1F;
	v9 =	vmov s16;
	v8 =	vsel vm0, s8, v8  }
0x9e: {  	s7 =	smul.u32 $0x51EB851F, s7;
	s3 =	sadd.s32 s3, s6;
	s6 =	sshra.s32 s2, $0x5;
	v10 =	vmov s18;
	v7 =	vsel vm0, s20, v7;
	v11 =	vmov s19  }
0x9f: {  	s9 =	smul.u32 $0x51EB851F, s9;
	s24 =	sshra.s32 s26, $0x5;
	s21 =	sshrl.u32 s10, $0x1F;
	v6 =	vsel vm0, s6, v6;
	v8 =	vsel vm11, s13, v8;
	v9 =	vnsel vm3, $0x0, v9  }
0xa0: {  	s25 =	sshrl.u32 s0, $0x1F;
	s5 =	sadd.s32 s5, s30;
	v7 =	vsel vm1, s21, v7;
	s30 =	sshra.s32 s3, $0x5;
	v9 =	vsel vm0, s12, v9;
	v8 =	vsel vm1, s1, v8  }
0xa1: {  	s26 =	sshra.s32 s26, $0x1F;
	s7 =	sadd.s32 s7, s31;
	s3 =	sshrl.u32 s3, $0x1F;
	v7 =	vsel vm2, s25, v7;
	v10 =	vsel vm0, s30, v10;
	v8 =	vsel vm12, s4, v8  }
0xa2: {  	s1 =	sadd.s32 s9, s29;
	s9 =	sshra.s32 s10, $0x5;
	v11 =	vsel vm0, s3, v11;
	s10 =	rddreg [dreg:$0x9];
	v9 =	vsel vm1, s14, v9;
	v8 =	vsel vm2, s24, v8  }
0xa3: {  	s31 =	sshra.s32 s28, $0x5;
	s13 =	sshra.s32 s0, $0x5;
	v6 =	vsel vm1, s9, v6;
	s16 =	sshra.s32 s10, $0x5;
	v9 =	vsel vm2, s11, v9;
	v8 =	vsel vm10, s26, v8  }
0xa4: {  	s8 =	sshra.s32 s28, $0x1F;
	s29 =	sshrl.u32 s28, $0x1F;
	s11 =	sshrl.u32 s10, $0x1F;
	v6 =	vsel vm2, s13, v6;
	v10 =	vsel vm1, s16, v10;
	v8 =	vsel vm4, s31, v8  }
0xa5: {  	s12 =	sshra.s32 s7, $0x5;
	s19 =	sshra.s32 s5, $0x5;
	s14 =	sshrl.u32 s5, $0x1F;
	v9 =	vsel vm4, s29, v9;
	v11 =	vsel vm1, s11, v11;
	v8 =	vsel vm13, s8, v8  }
0xa6: {  	s15 =	sshra.s32 s7, $0x1F;
	s17 =	sshrl.u32 s7, $0x1F;
	v10 =	vsel vm2, s19, v10;
	v11 =	vsel vm2, s14, v11;
	v8 =	vsel vm5, s12, v8  }
0xa7: {  	s18 =	sshra.s32 s1, $0x5;
	s21 =	sshrl.u32 s1, $0x1F;
	s24 =	rddreg [dreg:$0x5];
	v9 =	vsel vm5, s17, v9;
	v6 =	vcombine.low v6, v10;
	v8 =	vsel vm14, s15, v8  }
0xa8: {  	s20 =	sshra.s32 s1, $0x1F;
	s26 =	sshrl.u32 s24, $0x1F;
	v7 =	vcombine.low v7, v11;
	v9 =	vsel vm6, s21, v9;
	v8 =	vsel vm6, s18, v8  }
0xa9: {  	s28 =	rddreg [dreg:$0x3];
	s25 =	sshra.s32 s24, $0x5;
	v9 =	vsel vm7, s26, v9;
	v8 =	vsel vm15, s20, v8  }
0xaa: {  	v62 =	vld [tilespmem:s28+$0x0];
	v6 =	vperm.xlane v6, v3;
	v7 =	vperm.xlane v7, v3;
	v8 =	vsel vm7, s25, v8  }
0xab: {  	v9 =	vperm.xlane v9, v4;
	v8 =	vperm.xlane v8, v4;
	_ =	sdelay $0x1  }
0xac: {  	v7 =	vsel vm8, v9, v7;
	v6 =	vsel vm8, v8, v6  }
0xad: {  	v6 =	vadd.s32 v7, v6  }
0xae: {  	v7 =	vmul.u32 $0x64, v62;
	v6 =	vmul.u32 $0x64, v6  }
0xaf: {  	s29 =	rddreg [dreg:$0x4]  }
0xb0: {  	v63 =	vmov s29;
	v5 =	vsub.s32 v5, v6;
	v6 =	vadd.s32 v0, v7  }
0xb1: {  	vm9 =	vlt.u32 v63, v2;
	v5 =	vadd.s32 v5, v6  }
0xb2: {  	v5 =	vnsel vm9, $0x0, v5  }
0xb3: {  	v6 =	vsel vm9, $0x3F800000, v1;
	[tilespmem:s22+$0x0] =	vst v5  }
0xb4: {  	[tilespmem:s23+$0x0] =	vst v6  }
0xb5: {  	s30 =	simm.s32 $0x2800;
	[bflag:$0x0] =	sbarrier.arrive $0xFFFF  }
0xb6: {  	s1 =	simm.s32 $0x80;
	s31 =	simm.s32 $0x3C00;
	s0 =	rddreg [dreg:$0x1]  }
0xb7: {  	[spmem:s0] =	stream.indirect.scatter.add.f32 [tilespmem:s31], [sflag:$0x1], $0x1, s30, s1, $0xb8;
	[tilespmem:$0x14498] =	vst v63  }
0xb8: {  	s3 =	simm.s32 $0x2880;
	s4 =	simm.s32 $0x3C80  }
0xb9: {  	[spmem:s0] =	stream.indirect.scatter.add.f32 [tilespmem:s4], [sflag:$0x1], $0x1, s3, s1, $0xb8;
	[tilespmem:$0x14498] =	vst v63  }
0xba: {  	s6 =	simm.s32 $0x3D00;
	s5 =	simm.s32 $0x2900  }
0xbb: {  	[spmem:s0] =	stream.indirect.scatter.add.f32 [tilespmem:s6], [sflag:$0x1], $0x1, s5, s1, $0xb8;
	[tilespmem:$0x14498] =	vst v63  }
0xbc: {  	s7 =	simm.s32 $0x2980;
	s8 =	simm.s32 $0x3D80  }
0xbd: {  	[spmem:s0] =	stream.indirect.scatter.add.f32 [tilespmem:s8], [sflag:$0x1], $0x1, s7, s1, $0xb8;
	[tilespmem:$0x14498] =	vst v63  }
0xbe: {  	s9 =	simm.s32 $0x2A00;
	s10 =	simm.s32 $0x3E00  }
0xbf: {  	[spmem:s0] =	stream.indirect.scatter.add.f32 [tilespmem:s10], [sflag:$0x1], $0x1, s9, s1, $0xb8;
	[tilespmem:$0x14498] =	vst v63  }
0xc0: {  	s11 =	simm.s32 $0x2A80;
	s12 =	simm.s32 $0x3E80  }
0xc1: {  	[spmem:s0] =	stream.indirect.scatter.add.f32 [tilespmem:s12], [sflag:$0x1], $0x1, s11, s1, $0xb8;
	[tilespmem:$0x14498] =	vst v63  }
0xc2: {  	s13 =	simm.s32 $0x2B00;
	s14 =	simm.s32 $0x3F00  }
0xc3: {  	[spmem:s0] =	stream.indirect.scatter.add.f32 [tilespmem:s14], [sflag:$0x1], $0x1, s13, s1, $0xb8;
	[tilespmem:$0x14498] =	vst v63  }
0xc4: {  	s16 =	simm.s32 $0x3F80;
	s15 =	simm.s32 $0x2B80  }
0xc5: {  	[spmem:s0] =	stream.indirect.scatter.add.f32 [tilespmem:s16], [sflag:$0x1], $0x1, s15, s1, $0xb8;
	[tilespmem:$0x14498] =	vst v63  }
0xc6: {  	s17 =	simm.s32 $0x2C00;
	s18 =	simm.s32 $0x4000  }
0xc7: {  	[spmem:s0] =	stream.indirect.scatter.add.f32 [tilespmem:s18], [sflag:$0x1], $0x1, s17, s1, $0xb8;
	[tilespmem:$0x14498] =	vst v63  }
0xc8: {  	s19 =	simm.s32 $0x2C80;
	s20 =	simm.s32 $0x4080  }
0xc9: {  	[spmem:s0] =	stream.indirect.scatter.add.f32 [tilespmem:s20], [sflag:$0x1], $0x1, s19, s1, $0xb8;
	[tilespmem:$0x14498] =	vst v63  }
0xca: {  	s21 =	simm.s32 $0x2D00;
	s22 =	simm.s32 $0x4100  }
0xcb: {  	[spmem:s0] =	stream.indirect.scatter.add.f32 [tilespmem:s22], [sflag:$0x1], $0x1, s21, s1, $0xb8;
	[tilespmem:$0x14498] =	vst v63  }
0xcc: {  	s24 =	simm.s32 $0x4180;
	s23 =	simm.s32 $0x2D80  }
0xcd: {  	[spmem:s0] =	stream.indirect.scatter.add.f32 [tilespmem:s24], [sflag:$0x1], $0x1, s23, s1, $0xb8;
	[tilespmem:$0x14498] =	vst v63  }
0xce: {  	s26 =	simm.s32 $0x4200;
	s25 =	simm.s32 $0x2E00  }
0xcf: {  	[spmem:s0] =	stream.indirect.scatter.add.f32 [tilespmem:s26], [sflag:$0x1], $0x1, s25, s1, $0xb8;
	[tilespmem:$0x14498] =	vst v63  }
0xd0: {  	s28 =	simm.s32 $0x2E80;
	s29 =	simm.s32 $0x4280  }
0xd1: {  	[spmem:s0] =	stream.indirect.scatter.add.f32 [tilespmem:s29], [sflag:$0x1], $0x1, s28, s1, $0xb8;
	[tilespmem:$0x14498] =	vst v63  }
0xd2: {  	s30 =	simm.s32 $0x2F00;
	s31 =	simm.s32 $0x4300  }
0xd3: {  	[spmem:s0] =	stream.indirect.scatter.add.f32 [tilespmem:s31], [sflag:$0x1], $0x1, s30, s1, $0xb8;
	[tilespmem:$0x14498] =	vst v63  }
0xd4: {  	s3 =	simm.s32 $0x2F80;
	s4 =	simm.s32 $0x4380  }
0xd5: {  	[spmem:s0] =	stream.indirect.scatter.add.f32 [tilespmem:s4], [sflag:$0x1], $0x1, s3, s1, $0xb8;
	[tilespmem:$0x14498] =	vst v63  }
0xd6: {  	s5 =	simm.s32 $0x3000;
	s6 =	simm.s32 $0x4400  }
0xd7: {  	[spmem:s0] =	stream.indirect.scatter.add.f32 [tilespmem:s6], [sflag:$0x1], $0x1, s5, s1, $0xb8;
	[tilespmem:$0x14498] =	vst v63  }
0xd8: {  	s7 =	simm.s32 $0x3080;
	s8 =	simm.s32 $0x4480  }
0xd9: {  	[spmem:s0] =	stream.indirect.scatter.add.f32 [tilespmem:s8], [sflag:$0x1], $0x1, s7, s1, $0xb8;
	[tilespmem:$0x14498] =	vst v63  }
0xda: {  	s9 =	simm.s32 $0x3100;
	s10 =	simm.s32 $0x4500  }
0xdb: {  	[spmem:s0] =	stream.indirect.scatter.add.f32 [tilespmem:s10], [sflag:$0x1], $0x1, s9, s1, $0xb8;
	[tilespmem:$0x14498] =	vst v63  }
0xdc: {  	s11 =	simm.s32 $0x3180;
	s12 =	simm.s32 $0x4580  }
0xdd: {  	[spmem:s0] =	stream.indirect.scatter.add.f32 [tilespmem:s12], [sflag:$0x1], $0x1, s11, s1, $0xb8;
	[tilespmem:$0x14498] =	vst v63  }
0xde: {  	s13 =	simm.s32 $0x3200;
	s14 =	simm.s32 $0x4600  }
0xdf: {  	[spmem:s0] =	stream.indirect.scatter.add.f32 [tilespmem:s14], [sflag:$0x1], $0x1, s13, s1, $0xb8;
	[tilespmem:$0x14498] =	vst v63  }
0xe0: {  	s15 =	simm.s32 $0x3280;
	s16 =	simm.s32 $0x4680  }
0xe1: {  	[spmem:s0] =	stream.indirect.scatter.add.f32 [tilespmem:s16], [sflag:$0x1], $0x1, s15, s1, $0xb8;
	[tilespmem:$0x14498] =	vst v63  }
0xe2: {  	s17 =	simm.s32 $0x3300;
	s18 =	simm.s32 $0x4700  }
0xe3: {  	[spmem:s0] =	stream.indirect.scatter.add.f32 [tilespmem:s18], [sflag:$0x1], $0x1, s17, s1, $0xb8;
	[tilespmem:$0x14498] =	vst v63  }
0xe4: {  	s19 =	simm.s32 $0x3380;
	s20 =	simm.s32 $0x4780  }
0xe5: {  	[spmem:s0] =	stream.indirect.scatter.add.f32 [tilespmem:s20], [sflag:$0x1], $0x1, s19, s1, $0xb8;
	[tilespmem:$0x14498] =	vst v63  }
0xe6: {  	s21 =	simm.s32 $0x3400;
	s22 =	simm.s32 $0x4800  }
0xe7: {  	[spmem:s0] =	stream.indirect.scatter.add.f32 [tilespmem:s22], [sflag:$0x1], $0x1, s21, s1, $0xb8;
	[tilespmem:$0x14498] =	vst v63  }
0xe8: {  	s23 =	simm.s32 $0x3480;
	s24 =	simm.s32 $0x4880  }
0xe9: {  	[spmem:s0] =	stream.indirect.scatter.add.f32 [tilespmem:s24], [sflag:$0x1], $0x1, s23, s1, $0xb8;
	[tilespmem:$0x14498] =	vst v63  }
0xea: {  	s25 =	simm.s32 $0x3500;
	s26 =	simm.s32 $0x4900  }
0xeb: {  	[spmem:s0] =	stream.indirect.scatter.add.f32 [tilespmem:s26], [sflag:$0x1], $0x1, s25, s1, $0xb8;
	[tilespmem:$0x14498] =	vst v63  }
0xec: {  	s28 =	simm.s32 $0x3580;
	s29 =	simm.s32 $0x4980  }
0xed: {  	[spmem:s0] =	stream.indirect.scatter.add.f32 [tilespmem:s29], [sflag:$0x1], $0x1, s28, s1, $0xb8;
	[tilespmem:$0x14498] =	vst v63  }
0xee: {  	s30 =	simm.s32 $0x3600;
	s31 =	simm.s32 $0x4A00  }
0xef: {  	[spmem:s0] =	stream.indirect.scatter.add.f32 [tilespmem:s31], [sflag:$0x1], $0x1, s30, s1, $0xb8;
	[tilespmem:$0x14498] =	vst v63  }
0xf0: {  	s4 =	simm.s32 $0x3680;
	s5 =	simm.s32 $0x4A80  }
0xf1: {  	[spmem:s0] =	stream.indirect.scatter.add.f32 [tilespmem:s5], [sflag:$0x1], $0x1, s4, s1, $0xb8;
	[tilespmem:$0x14498] =	vst v63  }
0xf2: {  	s6 =	simm.s32 $0x3700;
	s7 =	simm.s32 $0x4B00  }
0xf3: {  	[spmem:s0] =	stream.indirect.scatter.add.f32 [tilespmem:s7], [sflag:$0x1], $0x1, s6, s1, $0xb8;
	[tilespmem:$0x14498] =	vst v63  }
0xf4: {  	s8 =	simm.s32 $0x3780;
	s9 =	simm.s32 $0x4B80  }
0xf5: {  	[spmem:s0] =	stream.indirect.scatter.add.f32 [tilespmem:s9], [sflag:$0x1], $0x1, s8, s1, $0xb8;
	[tilespmem:$0x14498] =	vst v63  }
0xf6: {  	s10 =	simm.s32 $0x3800;
	s11 =	simm.s32 $0x4C00  }
0xf7: {  	[spmem:s0] =	stream.indirect.scatter.add.f32 [tilespmem:s11], [sflag:$0x1], $0x1, s10, s1, $0xb8;
	[tilespmem:$0x14498] =	vst v63  }
0xf8: {  	s12 =	simm.s32 $0x3880;
	s13 =	simm.s32 $0x4C80  }
0xf9: {  	[spmem:s0] =	stream.indirect.scatter.add.f32 [tilespmem:s13], [sflag:$0x1], $0x1, s12, s1, $0xb8;
	[tilespmem:$0x14498] =	vst v63  }
0xfa: {  	s14 =	simm.s32 $0x3900;
	s15 =	simm.s32 $0x4D00  }
0xfb: {  	[spmem:s0] =	stream.indirect.scatter.add.f32 [tilespmem:s15], [sflag:$0x1], $0x1, s14, s1, $0xb8;
	[tilespmem:$0x14498] =	vst v63  }
0xfc: {  	s16 =	simm.s32 $0x3980;
	s17 =	simm.s32 $0x4D80  }
0xfd: {  	[spmem:s0] =	stream.indirect.scatter.add.f32 [tilespmem:s17], [sflag:$0x1], $0x1, s16, s1, $0xb8;
	[tilespmem:$0x14498] =	vst v63  }
0xfe: {  	s18 =	simm.s32 $0x3A00;
	s19 =	simm.s32 $0x4E00  }
0xff: {  	[spmem:s0] =	stream.indirect.scatter.add.f32 [tilespmem:s19], [sflag:$0x1], $0x1, s18, s1, $0xb8;
	[tilespmem:$0x14498] =	vst v63  }
0x100: {  	s20 =	simm.s32 $0x3A80;
	s21 =	simm.s32 $0x4E80  }
0x101: {  	[spmem:s0] =	stream.indirect.scatter.add.f32 [tilespmem:s21], [sflag:$0x1], $0x1, s20, s1, $0xb8;
	[tilespmem:$0x14498] =	vst v63  }
0x102: {  	s22 =	simm.s32 $0x3B00;
	s23 =	simm.s32 $0x4F00  }
0x103: {  	[spmem:s0] =	stream.indirect.scatter.add.f32 [tilespmem:s23], [sflag:$0x1], $0x1, s22, s1, $0xb8;
	[tilespmem:$0x14498] =	vst v63  }
0x104: {  	s24 =	simm.s32 $0x3B80;
	s25 =	simm.s32 $0x4F80;
	s26 =	simm.s32 $0x1  }
0x105: {  	[spmem:s0] =	stream.indirect.scatter.add.f32 [tilespmem:s25], [sflag:$0x1], $0x1, s24, s1, $0xb8;
	[tilespmem:$0x14498] =	vst v63  }
0x106: {  	_ =	swait.ge [sflag:s26], $0x80  }
0x107: {  	[sflag:s26] =	ssyncset.done $0x0  }
0x108: {  	[sflag:s26] =	ssyncadd.s32 $0xFFFFFF80  }
0x109: {  	_ =	swait.ge [sflag:s26], $0x80  }
0x10a: {  	[sflag:s26] =	ssyncset.done $0x0  }
0x10b: {  	[sflag:s26] =	ssyncadd.s32 $0xFFFFFF80  }
0x10c: {  	_ =	swait.ge [sflag:s26], $0x80  }
0x10d: {  	[sflag:s26] =	ssyncset.done $0x0  }
0x10e: {  	[sflag:s26] =	ssyncadd.s32 $0xFFFFFF80  }
0x10f: {  	_ =	swait.ge [sflag:s26], $0x80  }
0x110: {  	[sflag:s26] =	ssyncset.done $0x0  }
0x111: {  	[sflag:s26] =	ssyncadd.s32 $0xFFFFFF80  }
0x112: {  	_ =	swait.ge [sflag:s26], $0x80  }
0x113: {  	[sflag:s26] =	ssyncset.done $0x0  }
0x114: {  	[sflag:s26] =	ssyncadd.s32 $0xFFFFFF80  }
0x115: {  	_ =	swait.ge [sflag:s26], $0x80  }
0x116: {  	[sflag:s26] =	ssyncset.done $0x0  }
0x117: {  	[sflag:s26] =	ssyncadd.s32 $0xFFFFFF80  }
0x118: {  	_ =	swait.ge [sflag:s26], $0x80  }
0x119: {  	[sflag:s26] =	ssyncset.done $0x0  }
0x11a: {  	[sflag:s26] =	ssyncadd.s32 $0xFFFFFF80  }
0x11b: {  	_ =	swait.ge [sflag:s26], $0x80  }
0x11c: {  	[sflag:s26] =	ssyncset.done $0x0  }
0x11d: {  	[sflag:s26] =	ssyncadd.s32 $0xFFFFFF80  }
0x11e: {  	_ =	swait.ge [sflag:s26], $0x80  }
0x11f: {  	[sflag:s26] =	ssyncset.done $0x0  }
0x120: {  	[sflag:s26] =	ssyncadd.s32 $0xFFFFFF80  }
0x121: {  	_ =	swait.ge [sflag:s26], $0x80  }
0x122: {  	[sflag:s26] =	ssyncset.done $0x0  }
0x123: {  	[sflag:s26] =	ssyncadd.s32 $0xFFFFFF80  }
0x124: {  	_ =	swait.ge [sflag:s26], $0x80  }
0x125: {  	[sflag:s26] =	ssyncset.done $0x0  }
0x126: {  	[sflag:s26] =	ssyncadd.s32 $0xFFFFFF80  }
0x127: {  	_ =	swait.ge [sflag:s26], $0x80  }
0x128: {  	[sflag:s26] =	ssyncset.done $0x0  }
0x129: {  	[sflag:s26] =	ssyncadd.s32 $0xFFFFFF80  }
0x12a: {  	_ =	swait.ge [sflag:s26], $0x80  }
0x12b: {  	[sflag:s26] =	ssyncset.done $0x0  }
0x12c: {  	[sflag:s26] =	ssyncadd.s32 $0xFFFFFF80  }
0x12d: {  	_ =	swait.ge [sflag:s26], $0x80  }
0x12e: {  	[sflag:s26] =	ssyncset.done $0x0  }
0x12f: {  	[sflag:s26] =	ssyncadd.s32 $0xFFFFFF80  }
0x130: {  	_ =	swait.ge [sflag:s26], $0x80  }
0x131: {  	[sflag:s26] =	ssyncset.done $0x0  }
0x132: {  	[sflag:s26] =	ssyncadd.s32 $0xFFFFFF80  }
0x133: {  	_ =	swait.ge [sflag:s26], $0x80  }
0x134: {  	[sflag:s26] =	ssyncset.done $0x0  }
0x135: {  	[sflag:s26] =	ssyncadd.s32 $0xFFFFFF80  }
0x136: {  	_ =	swait.ge [sflag:s26], $0x80  }
0x137: {  	[sflag:s26] =	ssyncset.done $0x0  }
0x138: {  	[sflag:s26] =	ssyncadd.s32 $0xFFFFFF80  }
0x139: {  	_ =	swait.ge [sflag:s26], $0x80  }
0x13a: {  	[sflag:s26] =	ssyncset.done $0x0  }
0x13b: {  	[sflag:s26] =	ssyncadd.s32 $0xFFFFFF80  }
0x13c: {  	_ =	swait.ge [sflag:s26], $0x80  }
0x13d: {  	[sflag:s26] =	ssyncset.done $0x0  }
0x13e: {  	[sflag:s26] =	ssyncadd.s32 $0xFFFFFF80  }
0x13f: {  	_ =	swait.ge [sflag:s26], $0x80  }
0x140: {  	[sflag:s26] =	ssyncset.done $0x0  }
0x141: {  	[sflag:s26] =	ssyncadd.s32 $0xFFFFFF80  }
0x142: {  	_ =	swait.ge [sflag:s26], $0x80  }
0x143: {  	[sflag:s26] =	ssyncset.done $0x0  }
0x144: {  	[sflag:s26] =	ssyncadd.s32 $0xFFFFFF80  }
0x145: {  	_ =	swait.ge [sflag:s26], $0x80  }
0x146: {  	[sflag:s26] =	ssyncset.done $0x0  }
0x147: {  	[sflag:s26] =	ssyncadd.s32 $0xFFFFFF80  }
0x148: {  	_ =	swait.ge [sflag:s26], $0x80  }
0x149: {  	[sflag:s26] =	ssyncset.done $0x0  }
0x14a: {  	[sflag:s26] =	ssyncadd.s32 $0xFFFFFF80  }
0x14b: {  	_ =	swait.ge [sflag:s26], $0x80  }
0x14c: {  	[sflag:s26] =	ssyncset.done $0x0  }
0x14d: {  	[sflag:s26] =	ssyncadd.s32 $0xFFFFFF80  }
0x14e: {  	_ =	swait.ge [sflag:s26], $0x80  }
0x14f: {  	[sflag:s26] =	ssyncset.done $0x0  }
0x150: {  	[sflag:s26] =	ssyncadd.s32 $0xFFFFFF80  }
0x151: {  	_ =	swait.ge [sflag:s26], $0x80  }
0x152: {  	[sflag:s26] =	ssyncset.done $0x0  }
0x153: {  	[sflag:s26] =	ssyncadd.s32 $0xFFFFFF80  }
0x154: {  	_ =	swait.ge [sflag:s26], $0x80  }
0x155: {  	[sflag:s26] =	ssyncset.done $0x0  }
0x156: {  	[sflag:s26] =	ssyncadd.s32 $0xFFFFFF80  }
0x157: {  	_ =	swait.ge [sflag:s26], $0x80  }
0x158: {  	[sflag:s26] =	ssyncset.done $0x0  }
0x159: {  	[sflag:s26] =	ssyncadd.s32 $0xFFFFFF80  }
0x15a: {  	_ =	swait.ge [sflag:s26], $0x80  }
0x15b: {  	[sflag:s26] =	ssyncset.done $0x0  }
0x15c: {  	[sflag:s26] =	ssyncadd.s32 $0xFFFFFF80  }
0x15d: {  	_ =	swait.ge [sflag:s26], $0x80  }
0x15e: {  	[sflag:s26] =	ssyncset.done $0x0  }
0x15f: {  	[sflag:s26] =	ssyncadd.s32 $0xFFFFFF80  }
0x160: {  	_ =	swait.ge [sflag:s26], $0x80  }
0x161: {  	[sflag:s26] =	ssyncset.done $0x0  }
0x162: {  	[sflag:s26] =	ssyncadd.s32 $0xFFFFFF80  }
0x163: {  	_ =	swait.ge [sflag:s26], $0x80  }
0x164: {  	[sflag:s26] =	ssyncset.done $0x0  }
0x165: {  	[sflag:s26] =	ssyncadd.s32 $0xFFFFFF80  }
0x166: {  	_ =	swait.ge [sflag:s26], $0x80  }
0x167: {  	[sflag:s26] =	ssyncset.done $0x0  }
0x168: {  	[sflag:s26] =	ssyncadd.s32 $0xFFFFFF80  }
0x169: {  	_ =	swait.ge [sflag:s26], $0x80  }
0x16a: {  	[sflag:s26] =	ssyncset.done $0x0  }
0x16b: {  	[sflag:s26] =	ssyncadd.s32 $0xFFFFFF80  }
0x16c: {  	_ =	swait.ge [sflag:s26], $0x80  }
0x16d: {  	[sflag:s26] =	ssyncset.done $0x0  }
0x16e: {  	[sflag:s26] =	ssyncadd.s32 $0xFFFFFF80  }
0x16f: {  	_ =	swait.ge [sflag:s26], $0x80  }
0x170: {  	[sflag:s26] =	ssyncset.done $0x0  }
0x171: {  	[sflag:s26] =	ssyncadd.s32 $0xFFFFFF80  }
0x172: {  	_ =	swait.ge [sflag:s26], $0x80  }
0x173: {  	[sflag:s26] =	ssyncset.done $0x0  }
0x174: {  	[sflag:s26] =	ssyncadd.s32 $0xFFFFFF80  }
0x175: {  	_ =	swait.ge [sflag:s26], $0x80  }
0x176: {  	[sflag:s26] =	ssyncset.done $0x0  }
0x177: {  	[sflag:s26] =	ssyncadd.s32 $0xFFFFFF80  }
0x178: {  	_ =	swait.ge [sflag:s26], $0x80  }
0x179: {  	[sflag:s26] =	ssyncset.done $0x0  }
0x17a: {  	[sflag:s26] =	ssyncadd.s32 $0xFFFFFF80  }
0x17b: {  	_ =	swait.ge [sflag:s26], $0x80  }
0x17c: {  	[sflag:s26] =	ssyncset.done $0x0  }
0x17d: {  	[sflag:s26] =	ssyncadd.s32 $0xFFFFFF80  }
0x17e: {  	[bflag:$0x0] =	sbarrier.arrive $0xFFFF  }
0x17f: {  	s4 =	simm.s32 $0x5000;
	s5 =	simm.s32 $0x2;
	s8 =	rddreg [dreg:$0xe]  }
0x180: {  	[tilespmem:s4], [sflag:$0x2] =	stream.linear.gather [spmem:s8], $0x7A10, $0x38;
	[tilespmem:$0x14498] =	vst v63  }
0x181: {  	_ =	swait.ge [sflag:s5], $0x7A10  }
0x182: {  	[sflag:s5] =	ssyncset.done $0x0  }
0x183: {  	s28 =	simm.s32 $0x0;
	s29 =	rddreg [dreg:$0x12];
	[sflag:s5] =	ssyncadd.s32 $0xFFFF85F0  }
0x184: {  	[hbm4b:s29+s28] =	stream.linear.scatter [tilespmem:s4], [sflag:$0x2], $0x7A10, $0x38;
	[tilespmem:$0x14498] =	vst v63  }
0x185: {  	_ =	swait.ge [sflag:s5], $0x7A10  }
0x186: {  	s0 =	simm.s32 @!p0 $0x5000;
	[sflag:s5] =	ssyncset.done $0x0  }
0x187: {  	s1 =	simm.s32 @!p0 $0x2;
	s7 =	rddreg [dreg:$0xf];
	[sflag:s5] =	ssyncadd.s32 $0xFFFF85F0  }
0x188: {  	[tilespmem:s0], [sflag:$0x2] =	stream.linear.gather @!p0 [spmem:s7], $0x20, $0x38;
	[tilespmem:$0x14498] =	vst v63  }
0x189: {  	_ =	swait.ge @!p0 [sflag:s1], $0x20  }
0x18a: {  	[sflag:s1] =	ssyncset.done @!p0 $0x0  }
0x18b: {  	s2 =	simm.s32 @!p0 $0x0;
	s3 =	rddreg [dreg:$0x13];
	[sflag:s1] =	ssyncadd.s32 @!p0 $0xFFFFFFE0  }
0x18c: {  	[hbm4b:s3+s2] =	stream.linear.scatter @!p0 [tilespmem:s0], [sflag:$0x2], $0x20, $0x38;
	[tilespmem:$0x14498] =	vst v63  }
0x18d: {  	_ =	swait.ge @!p0 [sflag:s1], $0x20  }
0x18e: {  	s30 =	rddreg [dreg:$0x15]  }
0x18f: {  	s31 =	rddreg [dreg:$0x14];
	s2 =	sadd.s32 $0x1, s30  }
0x190: {  	p1 =	sne.s32 s2, s31  }
.Ltmp2:
0x191: {  	_ = 	snop;
	(pc) =	sbr.rel @p1 .LBB2_1-.Ltmp2, $3  }
0x192: {  	_ =	sdelay $0x1  }
0x193: {  	[sflag:s1] =	ssyncset.done @!p0 $0x0  }
0x194: {  	[sflag:s1] =	ssyncadd.s32 @!p0 $0xFFFFFFE0  }
0x195: {  	_ =	sfence.sel $0x180000  }
0x196: {  	[bflag:$0x0] =	sbarrier.arrive $0xFFFF  }
0x197: {  	_ =	strace $0x90000047  }
0x198: {  	[bflag:$0x2] =	sbarrier.arrive $0xFFFF  }
0x199: {  	s0 =	rddreg [dreg:$0x2]  }
0x19a: {  	s0 =	sadd.s32 @!p0 $0x100000, s0  }
0x19b: {  	[sflag:s0] =	ssyncadd.tile.s32 @!p0 $0x1;
	_ =	shalt  }
.Lfunc_end2:
_tile_overlayer_lowered:
.L_overlay_start_2:
0x19c: {  	(tag) =	ssettag $0x2  }
0x19d: {  	s0 =	rddreg [dreg:$0x0];
	s2 =	stileid.u32  }
0x19e: {  	s1 =	rddreg [dreg:$0x1];
	p0 =	sne.s32 s2, $0x0  }
0x19f: {  	s3 =	rddreg [dreg:$0x2];
	[bflag:$0x3] =	sbarrier.arrive $0xFFFF;
	s2 =	simm.s32 @!p0 $0x1C02  }
0x1a0: {  	[timem:s3], [sflag:s2] =	dma.local @!p0 [hbm:s0], s1  }
0x1a1: {  	s0 =	simm.s32 @!p0 $0x2  }
0x1a2: {  	_ =	swait.ge @!p0 [sflag:s0], s1  }
0x1a3: {  	s1 =	ssub.s32 @!p0 $0x0, s1;
	[sflag:s0] =	ssyncset.done @!p0 $0x0  }
0x1a4: {  	[sflag:s0] =	ssyncadd.s32 @!p0 s1  }
0x1a5: {  	[bflag:$0x3] =	sbarrier.arrive $0xFFFF  }
0x1a6: {  	_ =	shalt  }

</sc_bundles>
